<compile_context>
chip_gen: v7x
topology: tpu7x:2x2x1
jax: 0.10.2.dev20260603
libtpu: 0.0.44.dev20260713+nightly
codegen_flags: <defaults>
</compile_context>

<pallas_src>
import jax
import jax.numpy as jnp
from jax import lax
from jax.experimental import pallas as pl
from jax.experimental.pallas import tpu as pltpu
from jax.experimental.pallas import tpu_sc as plsc

QN, DN, TK = 16, 64, 8
KN = 1_000_000
BKP = 4096
NB1 = 245
SP = NB1 * BKP
NEG = float("-inf")

NR = 16
RNG = SP // NR
CHP = RNG // 10
NPIECE = 10
GRP = 14
NGRP = CHP // (16 * GRP)


def _stage1_body(q_ref, kt_ref, s_ref, aux_ref):
    i = pl.program_id(0)
    q = q_ref[...]
    kt = kt_ref[...]
    s = lax.dot_general(q, kt, (((1,), (0,)), ((), ())),
                        preferred_element_type=jnp.float32)
    col = lax.broadcasted_iota(jnp.int32, (QN, BKP), 1) + i * BKP
    s_ref[...] = jnp.where(col < KN, s, NEG)

    ks = jnp.sum(kt * kt, axis=0, keepdims=True)
    cid2 = lax.broadcasted_iota(jnp.int32, (1, BKP), 1) + i * BKP
    ks = jnp.where(cid2 < KN, ks, -1.0)
    bcol = jnp.broadcast_to(jnp.reshape(jnp.max(ks), (1, 1)), (QN, 1))

    @pl.when(i == 0)
    def _():
        qsq = jnp.sum(q * q, axis=1, keepdims=True)
        aux_ref[...] = jnp.concatenate(
            [qsq, bcol] + [jnp.zeros((QN, 1), jnp.float32)] * 14, axis=1)

    @pl.when(i != 0)
    def _():
        aux_ref[:, 1:2] = jnp.maximum(aux_ref[:, 1:2], bcol)

    @pl.when(i == NB1 - 1)
    def _():
        aux_ref[:, 0:1] = aux_ref[:, 0:1] + aux_ref[:, 1:2]


def _stage1(queries, keyst):
    return pl.pallas_call(
        _stage1_body,
        grid=(NB1,),
        in_specs=[
            pl.BlockSpec((QN, DN), lambda i: (0, 0)),
            pl.BlockSpec((DN, BKP), lambda i: (0, i)),
        ],
        out_specs=[
            pl.BlockSpec((QN, BKP), lambda i: (0, i)),
            pl.BlockSpec((QN, 16), lambda i: (0, 0)),
        ],
        out_shape=[
            jax.ShapeDtypeStruct((QN, SP), jnp.float32),
            jax.ShapeDtypeStruct((QN, 16), jnp.float32),
        ],
    )(queries, keyst)


def _merge_row(runv, runi, qr, newv, newi):
    sv, si = plsc.sort_key_val(newv, newi, descending=True)
    nrv = lax.rev(sv, (0,))
    nri = lax.rev(si, (0,))
    rv = runv[qr, :]
    ri = runi[qr, :]
    m = rv >= nrv
    cv = jnp.where(m, rv, nrv)
    ci = jnp.where(m, ri, nri)
    mv, mi = plsc.sort_key_val(cv, ci, descending=True)
    runv[qr, :] = mv
    runi[qr, :] = mi


def _thresh(runv, qr):
    full = jnp.full((16,), qr, jnp.int32)
    return plsc.load_gather(runv, [full, jnp.full((16,), 8, jnp.int32)])


def _stage2_body(s_hbm, cv_hbm, ci_hbm, buf, runv, runi):
    g = lax.axis_index("c")
    r = lax.axis_index("s")
    lanes = lax.iota(jnp.int32, 16)
    for qr in range(8):
        runv[qr, :] = jnp.full((16,), NEG, jnp.float32)
        runi[qr, :] = jnp.zeros((16,), jnp.int32)
    lo = r * RNG

    def piece(p, _):
        pltpu.sync_copy(
            s_hbm.at[pl.ds(g * 8, 8), pl.ds(lo + p * CHP, CHP)], buf)

        def group(gi, _):
            base = gi * (16 * GRP)
            for qr in range(8):
                th = _thresh(runv, qr)
                hit = None
                for c in range(GRP):
                    v = buf[qr, pl.ds(base + c * 16, 16)]
                    m = v > th
                    hit = m if hit is None else jnp.logical_or(hit, m)

                @pl.when(jnp.any(hit))
                def _(qr=qr, base=base, p=p):
                    def rescan(c2, _):
                        v2 = buf[qr, pl.ds(base + c2 * 16, 16)]
                        th2 = _thresh(runv, qr)

                        @pl.when(jnp.any(v2 > th2))
                        def _():
                            gidx = lo + p * CHP + base + c2 * 16 + lanes
                            _merge_row(runv, runi, qr, v2, gidx)

                        return 0

                    lax.fori_loop(0, GRP, rescan, 0)

            return 0

        lax.fori_loop(0, NGRP, group, 0)
        return 0

    lax.fori_loop(0, NPIECE, piece, 0)

    for qr in range(8):
        q = g * 8 + qr
        pltpu.sync_copy(runv.at[qr], cv_hbm.at[q, pl.ds(r * 16, 16)])
        pltpu.sync_copy(runi.at[qr], ci_hbm.at[q, pl.ds(r * 16, 16)])


def _stage3_body(cv_hbm, ci_hbm, aux_hbm, sc_hbm, dip_hbm, it_hbm,
                 bufv, bufi, auxv, runv, runi, rowf, rowd, rowi):
    cid = lax.axis_index("c")
    sid = lax.axis_index("s")

    @pl.when(sid < 8)
    def _():
        q = sid * 2 + cid
        pltpu.sync_copy(cv_hbm, bufv)
        pltpu.sync_copy(ci_hbm, bufi)
        pltpu.sync_copy(aux_hbm, auxv)
        runv[0, :] = jnp.full((16,), NEG, jnp.float32)
        runi[0, :] = jnp.zeros((16,), jnp.int32)
        lanes = lax.iota(jnp.int32, 16)
        qv = jnp.full((16,), q, jnp.int32)
        for rr in range(NR):
            rrv = jnp.full((16,), rr * 16, jnp.int32) + lanes
            v = plsc.load_gather(bufv, [qv, rrv])
            ii = plsc.load_gather(bufi, [qv, rrv])
            _merge_row(runv, runi, 0, v, ii)

        c_spl = plsc.load_gather(auxv, [qv, jnp.zeros((16,), jnp.int32)])
        mns_spl = plsc.load_gather(auxv, [qv, jnp.ones((16,), jnp.int32)])
        rv = runv[0, :]
        dl2 = c_spl - 2.0 * rv
        rowd[...] = (c_spl - dl2) * 0.5 / mns_spl
        rowf[...] = rv / mns_spl
        rowi[...] = runi[0, :]
        pltpu.sync_copy(rowf, sc_hbm.at[q])
        pltpu.sync_copy(rowd, dip_hbm.at[q])
        pltpu.sync_copy(rowi, it_hbm.at[q])


def _stage2(scores):
    mesh = plsc.VectorSubcoreMesh(core_axis_name="c", subcore_axis_name="s")
    f = pl.kernel(
        _stage2_body,
        out_type=[
            jax.ShapeDtypeStruct((QN, NR * 16), jnp.float32),
            jax.ShapeDtypeStruct((QN, NR * 16), jnp.int32),
        ],
        mesh=mesh,
        compiler_params=pltpu.CompilerParams(needs_layout_passes=False),
        scratch_types=[
            pltpu.VMEM((8, CHP), jnp.float32),
            pltpu.VMEM((8, 16), jnp.float32),
            pltpu.VMEM((8, 16), jnp.int32),
        ],
    )
    return f(scores)


def _stage3(cv, ci, aux):
    mesh = plsc.VectorSubcoreMesh(core_axis_name="c", subcore_axis_name="s")
    f = pl.kernel(
        _stage3_body,
        out_type=[
            jax.ShapeDtypeStruct((QN, 16), jnp.float32),
            jax.ShapeDtypeStruct((QN, 16), jnp.float32),
            jax.ShapeDtypeStruct((QN, 16), jnp.int32),
        ],
        mesh=mesh,
        compiler_params=pltpu.CompilerParams(needs_layout_passes=False),
        scratch_types=[
            pltpu.VMEM((QN, NR * 16), jnp.float32),
            pltpu.VMEM((QN, NR * 16), jnp.int32),
            pltpu.VMEM((QN, 16), jnp.float32),
            pltpu.VMEM((1, 16), jnp.float32),
            pltpu.VMEM((1, 16), jnp.int32),
            pltpu.VMEM((16,), jnp.float32),
            pltpu.VMEM((16,), jnp.float32),
            pltpu.VMEM((16,), jnp.int32),
        ],
    )
    return f(cv, ci, aux)


def kernel(queries, keys):
    scores, aux = _stage1(queries, keys.T)
    cv, ci = _stage2(scores)
    sc, dip, it = _stage3(cv, ci, aux)
    return sc[:, :TK], dip[:, :TK + 1], it[:, :TK]

# --- scband reference (transcript-rebuilt; emitter-appended) ---
"""Pipeline reference for scband-retriever-41008347742288 (READ-ONLY COPY).

The authoritative reference and input builder live on the scoring server;
editing this copy changes nothing except your own understanding.
"""

import jax, jax.numpy as jnp
import numpy as np

Q, K, D, TOPK = 16, 1000000, 64, 8

def setup_inputs(seed: int = 0) -> dict:
    key = jax.random.key(seed)
    kq, kk = jax.random.split(key)
    queries = jax.random.normal(kq, (Q, D), dtype=jnp.float32)
    keys = jax.random.normal(kk, (K, D), dtype=jnp.float32)
    return {"queries": queries, "keys": keys}

def reference(queries, keys):
    # Faithful core of Retriever.work: MIPS search via max-norm augmentation
    # (augment_query appends 0; index vectors append sqrt(max_norm^2 - ||k||^2)),
    # so augmented L2 distance = ||q||^2 + max_norm^2 - 2 q.k.
    key_sq = jnp.sum(keys * keys, axis=-1)
    max_norm_sq = jnp.max(key_sq)
    q_sq = jnp.sum(queries * queries, axis=-1, keepdims=True)  # [Q,1]
    ip = queries @ keys.T  # [Q, K]
    d_l2 = q_sq + max_norm_sq - 2.0 * ip  # augmented L2 distances
    # search topk+1 nearest (smallest L2) as in self.mips.search(vecsq, topk+1)
    neg_vals, I = jax.lax.top_k(-d_l2, TOPK + 1)
    Dl2 = -neg_vals
    # l2_to_ip(D, vecsq, max_norm) / max_norm^2
    D_ip = (q_sq + max_norm_sq - Dl2) * 0.5 / max_norm_sq  # [Q, TOPK+1]
    # keep topk candidates, gather their stored feature vectors (mem_feat)
    I_top = I[:, :TOPK]  # [Q, TOPK]
    mem_feats = jnp.take(keys, I_top, axis=0)  # [Q, TOPK, D]
    # all_mem_scores = sum(src_feat * mem_feat) / max_norm^2
    all_mem_scores = jnp.sum(queries[:, None, :] * mem_feats, axis=-1) / max_norm_sq
    return all_mem_scores, D_ip, I_top

if __name__ == "__main__":
    import jax
    _d = setup_inputs()
    print(jax.jit(kernel)(*tuple(_d.values())))

</pallas_src>

<mosaic_0001>
#map = affine_map<(d0, d1) -> (0, 0)>
module attributes {stable_mosaic.version = 14 : i64} {
  func.func @_stage2_body(%arg0: i32, %arg1: i32, %arg2: memref<16x1003520xf32, #tpu.memory_space<hbm>>, %arg3: memref<16x256xf32, #tpu.memory_space<hbm>>, %arg4: memref<16x256xi32, #tpu.memory_space<hbm>>, %arg5: memref<8x6272xf32, #tpu.memory_space<vmem>>, %arg6: memref<8x16xf32, #tpu.memory_space<vmem>>, %arg7: memref<8x16xi32, #tpu.memory_space<vmem>>) attributes {dimension_semantics = [#tpu.dimension_semantics<core_parallel>, #tpu.dimension_semantics<subcore_parallel>], iteration_bounds = array<i64: 2, 16>, scalar_prefetch = 0 : i64, scratch_operands = 3 : i64, tpu.core_type = #tpu.core_type<sc_vector_subcore>, window_params = [{transform_indices = #map}, {transform_indices = #map}, {transform_indices = #map}]} {
    %iota3A = tpu.iota {dimensions = array<i32: 0>} : vector<16xi32>
    %broadcast_in_dim3A = arith.constant 0xFF800000 : f32
    %broadcast_in_dim3A_0 = vector.broadcast %broadcast_in_dim3A : f32 to vector<16xf32>
    %swap3A = arith.constant 0 : i32
    %swap3A_1 = arith.index_cast %swap3A : i32 to index
    %swap3A_2 = arith.constant 0 : index
    %swap3A_3 = tpu.vector_load %arg6[%swap3A_1, %swap3A_2] {strides = array<i32>} : memref<8x16xf32, #tpu.memory_space<vmem>>, vector<16xf32>,
    tpu.vector_store %arg6[%swap3A_1, %swap3A_2], %broadcast_in_dim3A_0 {strides = array<i32>} : memref<8x16xf32, #tpu.memory_space<vmem>>, vector<16xf32>,
    %broadcast_in_dim3A_4 = arith.constant 0 : i32
    %broadcast_in_dim3A_5 = vector.broadcast %broadcast_in_dim3A_4 : i32 to vector<16xi32>
    %swap3A_6 = arith.constant 0 : i32
    %swap3A_7 = arith.index_cast %swap3A_6 : i32 to index
    %swap3A_8 = arith.constant 0 : index
    %swap3A_9 = tpu.vector_load %arg7[%swap3A_7, %swap3A_8] {strides = array<i32>} : memref<8x16xi32, #tpu.memory_space<vmem>>, vector<16xi32>,
    tpu.vector_store %arg7[%swap3A_7, %swap3A_8], %broadcast_in_dim3A_5 {strides = array<i32>} : memref<8x16xi32, #tpu.memory_space<vmem>>, vector<16xi32>,
    %broadcast_in_dim3A_10 = arith.constant 0xFF800000 : f32
    %broadcast_in_dim3A_11 = vector.broadcast %broadcast_in_dim3A_10 : f32 to vector<16xf32>
    %swap3A_12 = arith.constant 1 : i32
    %swap3A_13 = arith.index_cast %swap3A_12 : i32 to index
    %swap3A_14 = arith.constant 0 : index
    %swap3A_15 = tpu.vector_load %arg6[%swap3A_13, %swap3A_14] {strides = array<i32>} : memref<8x16xf32, #tpu.memory_space<vmem>>, vector<16xf32>,
    tpu.vector_store %arg6[%swap3A_13, %swap3A_14], %broadcast_in_dim3A_11 {strides = array<i32>} : memref<8x16xf32, #tpu.memory_space<vmem>>, vector<16xf32>,
    %broadcast_in_dim3A_16 = arith.constant 0 : i32
    %broadcast_in_dim3A_17 = vector.broadcast %broadcast_in_dim3A_16 : i32 to vector<16xi32>
    %swap3A_18 = arith.constant 1 : i32
    %swap3A_19 = arith.index_cast %swap3A_18 : i32 to index
    %swap3A_20 = arith.constant 0 : index
    %swap3A_21 = tpu.vector_load %arg7[%swap3A_19, %swap3A_20] {strides = array<i32>} : memref<8x16xi32, #tpu.memory_space<vmem>>, vector<16xi32>,
    tpu.vector_store %arg7[%swap3A_19, %swap3A_20], %broadcast_in_dim3A_17 {strides = array<i32>} : memref<8x16xi32, #tpu.memory_space<vmem>>, vector<16xi32>,
    %broadcast_in_dim3A_22 = arith.constant 0xFF800000 : f32
    %broadcast_in_dim3A_23 = vector.broadcast %broadcast_in_dim3A_22 : f32 to vector<16xf32>
    %swap3A_24 = arith.constant 2 : i32
    %swap3A_25 = arith.index_cast %swap3A_24 : i32 to index
    %swap3A_26 = arith.constant 0 : index
    %swap3A_27 = tpu.vector_load %arg6[%swap3A_25, %swap3A_26] {strides = array<i32>} : memref<8x16xf32, #tpu.memory_space<vmem>>, vector<16xf32>,
    tpu.vector_store %arg6[%swap3A_25, %swap3A_26], %broadcast_in_dim3A_23 {strides = array<i32>} : memref<8x16xf32, #tpu.memory_space<vmem>>, vector<16xf32>,
    %broadcast_in_dim3A_28 = arith.constant 0 : i32
    %broadcast_in_dim3A_29 = vector.broadcast %broadcast_in_dim3A_28 : i32 to vector<16xi32>
    %swap3A_30 = arith.constant 2 : i32
    %swap3A_31 = arith.index_cast %swap3A_30 : i32 to index
    %swap3A_32 = arith.constant 0 : index
    %swap3A_33 = tpu.vector_load %arg7[%swap3A_31, %swap3A_32] {strides = array<i32>} : memref<8x16xi32, #tpu.memory_space<vmem>>, vector<16xi32>,
    tpu.vector_store %arg7[%swap3A_31, %swap3A_32], %broadcast_in_dim3A_29 {strides = array<i32>} : memref<8x16xi32, #tpu.memory_space<vmem>>, vector<16xi32>,
    %broadcast_in_dim3A_34 = arith.constant 0xFF800000 : f32
    %broadcast_in_dim3A_35 = vector.broadcast %broadcast_in_dim3A_34 : f32 to vector<16xf32>
    %swap3A_36 = arith.constant 3 : i32
    %swap3A_37 = arith.index_cast %swap3A_36 : i32 to index
    %swap3A_38 = arith.constant 0 : index
    %swap3A_39 = tpu.vector_load %arg6[%swap3A_37, %swap3A_38] {strides = array<i32>} : memref<8x16xf32, #tpu.memory_space<vmem>>, vector<16xf32>,
    tpu.vector_store %arg6[%swap3A_37, %swap3A_38], %broadcast_in_dim3A_35 {strides = array<i32>} : memref<8x16xf32, #tpu.memory_space<vmem>>, vector<16xf32>,
    %broadcast_in_dim3A_40 = arith.constant 0 : i32
    %broadcast_in_dim3A_41 = vector.broadcast %broadcast_in_dim3A_40 : i32 to vector<16xi32>
    %swap3A_42 = arith.constant 3 : i32
    %swap3A_43 = arith.index_cast %swap3A_42 : i32 to index
    %swap3A_44 = arith.constant 0 : index
    %swap3A_45 = tpu.vector_load %arg7[%swap3A_43, %swap3A_44] {strides = array<i32>} : memref<8x16xi32, #tpu.memory_space<vmem>>, vector<16xi32>,
    tpu.vector_store %arg7[%swap3A_43, %swap3A_44], %broadcast_in_dim3A_41 {strides = array<i32>} : memref<8x16xi32, #tpu.memory_space<vmem>>, vector<16xi32>,
    %broadcast_in_dim3A_46 = arith.constant 0xFF800000 : f32
    %broadcast_in_dim3A_47 = vector.broadcast %broadcast_in_dim3A_46 : f32 to vector<16xf32>
    %swap3A_48 = arith.constant 4 : i32
    %swap3A_49 = arith.index_cast %swap3A_48 : i32 to index
    %swap3A_50 = arith.constant 0 : index
    %swap3A_51 = tpu.vector_load %arg6[%swap3A_49, %swap3A_50] {strides = array<i32>} : memref<8x16xf32, #tpu.memory_space<vmem>>, vector<16xf32>,
    tpu.vector_store %arg6[%swap3A_49, %swap3A_50], %broadcast_in_dim3A_47 {strides = array<i32>} : memref<8x16xf32, #tpu.memory_space<vmem>>, vector<16xf32>,
    %broadcast_in_dim3A_52 = arith.constant 0 : i32
    %broadcast_in_dim3A_53 = vector.broadcast %broadcast_in_dim3A_52 : i32 to vector<16xi32>
    %swap3A_54 = arith.constant 4 : i32
    %swap3A_55 = arith.index_cast %swap3A_54 : i32 to index
    %swap3A_56 = arith.constant 0 : index
    %swap3A_57 = tpu.vector_load %arg7[%swap3A_55, %swap3A_56] {strides = array<i32>} : memref<8x16xi32, #tpu.memory_space<vmem>>, vector<16xi32>,
    tpu.vector_store %arg7[%swap3A_55, %swap3A_56], %broadcast_in_dim3A_53 {strides = array<i32>} : memref<8x16xi32, #tpu.memory_space<vmem>>, vector<16xi32>,
    %broadcast_in_dim3A_58 = arith.constant 0xFF800000 : f32
    %broadcast_in_dim3A_59 = vector.broadcast %broadcast_in_dim3A_58 : f32 to vector<16xf32>
    %swap3A_60 = arith.constant 5 : i32
    %swap3A_61 = arith.index_cast %swap3A_60 : i32 to index
    %swap3A_62 = arith.constant 0 : index
    %swap3A_63 = tpu.vector_load %arg6[%swap3A_61, %swap3A_62] {strides = array<i32>} : memref<8x16xf32, #tpu.memory_space<vmem>>, vector<16xf32>,
    tpu.vector_store %arg6[%swap3A_61, %swap3A_62], %broadcast_in_dim3A_59 {strides = array<i32>} : memref<8x16xf32, #tpu.memory_space<vmem>>, vector<16xf32>,
    %broadcast_in_dim3A_64 = arith.constant 0 : i32
    %broadcast_in_dim3A_65 = vector.broadcast %broadcast_in_dim3A_64 : i32 to vector<16xi32>
    %swap3A_66 = arith.constant 5 : i32
    %swap3A_67 = arith.index_cast %swap3A_66 : i32 to index
    %swap3A_68 = arith.constant 0 : index
    %swap3A_69 = tpu.vector_load %arg7[%swap3A_67, %swap3A_68] {strides = array<i32>} : memref<8x16xi32, #tpu.memory_space<vmem>>, vector<16xi32>,
    tpu.vector_store %arg7[%swap3A_67, %swap3A_68], %broadcast_in_dim3A_65 {strides = array<i32>} : memref<8x16xi32, #tpu.memory_space<vmem>>, vector<16xi32>,
    %broadcast_in_dim3A_70 = arith.constant 0xFF800000 : f32
    %broadcast_in_dim3A_71 = vector.broadcast %broadcast_in_dim3A_70 : f32 to vector<16xf32>
    %swap3A_72 = arith.constant 6 : i32
    %swap3A_73 = arith.index_cast %swap3A_72 : i32 to index
    %swap3A_74 = arith.constant 0 : index
    %swap3A_75 = tpu.vector_load %arg6[%swap3A_73, %swap3A_74] {strides = array<i32>} : memref<8x16xf32, #tpu.memory_space<vmem>>, vector<16xf32>,
    tpu.vector_store %arg6[%swap3A_73, %swap3A_74], %broadcast_in_dim3A_71 {strides = array<i32>} : memref<8x16xf32, #tpu.memory_space<vmem>>, vector<16xf32>,
    %broadcast_in_dim3A_76 = arith.constant 0 : i32
    %broadcast_in_dim3A_77 = vector.broadcast %broadcast_in_dim3A_76 : i32 to vector<16xi32>
    %swap3A_78 = arith.constant 6 : i32
    %swap3A_79 = arith.index_cast %swap3A_78 : i32 to index
    %swap3A_80 = arith.constant 0 : index
    %swap3A_81 = tpu.vector_load %arg7[%swap3A_79, %swap3A_80] {strides = array<i32>} : memref<8x16xi32, #tpu.memory_space<vmem>>, vector<16xi32>,
    tpu.vector_store %arg7[%swap3A_79, %swap3A_80], %broadcast_in_dim3A_77 {strides = array<i32>} : memref<8x16xi32, #tpu.memory_space<vmem>>, vector<16xi32>,
    %broadcast_in_dim3A_82 = arith.constant 0xFF800000 : f32
    %broadcast_in_dim3A_83 = vector.broadcast %broadcast_in_dim3A_82 : f32 to vector<16xf32>
    %swap3A_84 = arith.constant 7 : i32
    %swap3A_85 = arith.index_cast %swap3A_84 : i32 to index
    %swap3A_86 = arith.constant 0 : index
    %swap3A_87 = tpu.vector_load %arg6[%swap3A_85, %swap3A_86] {strides = array<i32>} : memref<8x16xf32, #tpu.memory_space<vmem>>, vector<16xf32>,
    tpu.vector_store %arg6[%swap3A_85, %swap3A_86], %broadcast_in_dim3A_83 {strides = array<i32>} : memref<8x16xf32, #tpu.memory_space<vmem>>, vector<16xf32>,
    %broadcast_in_dim3A_88 = arith.constant 0 : i32
    %broadcast_in_dim3A_89 = vector.broadcast %broadcast_in_dim3A_88 : i32 to vector<16xi32>
    %swap3A_90 = arith.constant 7 : i32
    %swap3A_91 = arith.index_cast %swap3A_90 : i32 to index
    %swap3A_92 = arith.constant 0 : index
    %swap3A_93 = tpu.vector_load %arg7[%swap3A_91, %swap3A_92] {strides = array<i32>} : memref<8x16xi32, #tpu.memory_space<vmem>>, vector<16xi32>,
    tpu.vector_store %arg7[%swap3A_91, %swap3A_92], %broadcast_in_dim3A_89 {strides = array<i32>} : memref<8x16xi32, #tpu.memory_space<vmem>>, vector<16xi32>,
    %mul3A = arith.constant 62720 : i32
    %mul3A_94 = arith.muli %arg1, %mul3A : i32
    %scan3A = arith.constant 0 : i32
    %scan3A_95 = arith.constant 0 : i32
    %scan3A_96 = arith.constant 10 : i32
    %scan3A_97 = arith.addi %scan3A_95, %scan3A_96 : i32
    %scan3A_98 = arith.constant 1 : i32
    %scan3A_99 = scf.for %scan3A_179 = %scan3A_95 to %scan3A_97 step %scan3A_98 iter_args(%scan3A_180 = %scan3A) -> (i32)  : i32 {
      %mul3A_181 = arith.constant 8 : i32
      %mul3A_182 = arith.muli %arg0, %mul3A_181 : i32
      %mul3A_183 = arith.constant 6272 : i32
      %mul3A_184 = arith.muli %scan3A_179, %mul3A_183 : i32
      %add3A_185 = arith.addi %mul3A_94, %mul3A_184 : i32
      "tpu.region"() ({
        %run_scoped3A_194 = tpu.sem_alloc : memref<!tpu.dma_semaphore, #tpu.memory_space<semaphore_mem>>
        %dma_start3A = tpu.memref_slice %arg2[%mul3A_182, %add3A_185] : memref<16x1003520xf32, #tpu.memory_space<hbm>> -> memref<8x6272xf32, #tpu.memory_space<hbm>>
        %dma_start3A_195 = tpu.memref_slice %arg2[%mul3A_182, %add3A_185] : memref<16x1003520xf32, #tpu.memory_space<hbm>> -> memref<8x6272xf32, #tpu.memory_space<hbm>>
        tpu.enqueue_dma source(%dma_start3A_195 : memref<8x6272xf32, #tpu.memory_space<hbm>>) target(%arg5 : memref<8x6272xf32, #tpu.memory_space<vmem>>) target_semaphore(%run_scoped3A_194 : memref<!tpu.dma_semaphore, #tpu.memory_space<semaphore_mem>>)
        %dma_wait3A = tpu.memref_slice %arg2[%mul3A_182, %add3A_185] : memref<16x1003520xf32, #tpu.memory_space<hbm>> -> memref<8x6272xf32, #tpu.memory_space<hbm>>
        %dma_wait3A_196 = tpu.memref_slice %arg2[%mul3A_182, %add3A_185] : memref<16x1003520xf32, #tpu.memory_space<hbm>> -> memref<8x6272xf32, #tpu.memory_space<hbm>>
        tpu.wait_dma2 semaphore(%run_scoped3A_194 : memref<!tpu.dma_semaphore, #tpu.memory_space<semaphore_mem>>) src(%dma_wait3A_196 : memref<8x6272xf32, #tpu.memory_space<hbm>>) dst(%arg5 : memref<8x6272xf32, #tpu.memory_space<vmem>>)
        tpu.yield
      }) : () -> ()
      %scan3A_186 = arith.constant 0 : i32
      %scan3A_187 = arith.constant 0 : i32
      %scan3A_188 = arith.constant 28 : i32
      %scan3A_189 = arith.addi %scan3A_187, %scan3A_188 : i32
      %scan3A_190 = arith.constant 1 : i32
      %scan3A_191 = scf.for %scan3A_194 = %scan3A_187 to %scan3A_189 step %scan3A_190 iter_args(%scan3A_195 = %scan3A_186) -> (i32)  : i32 {
        %mul3A_196 = arith.constant 224 : i32
        %mul3A_197 = arith.muli %scan3A_194, %mul3A_196 : i32
        %broadcast_in_dim3A_198 = arith.constant 0 : i32
        %broadcast_in_dim3A_199 = vector.broadcast %broadcast_in_dim3A_198 : i32 to vector<16xi32>
        %broadcast_in_dim3A_200 = arith.constant 8 : i32
        %broadcast_in_dim3A_201 = vector.broadcast %broadcast_in_dim3A_200 : i32 to vector<16xi32>
        %gather3A = tpu.vector_load_idx %arg6[%broadcast_in_dim3A_199, %broadcast_in_dim3A_201] : memref<8x16xf32, #tpu.memory_space<vmem>>[vector<16xi32>, vector<16xi32>], vector<16xf32>,
        %add3A_202 = arith.constant 0 : i32
        %add3A_203 = arith.addi %mul3A_197, %add3A_202 : i32
        %get3A = arith.constant 0 : i32
        %get3A_204 = arith.index_cast %get3A : i32 to index
        %get3A_205 = arith.index_cast %add3A_203 : i32 to index
        %get3A_206 = tpu.vector_load %arg5[%get3A_204, %get3A_205] {strides = array<i32>} : memref<8x6272xf32, #tpu.memory_space<vmem>>, vector<16xf32>,
        %gt3A = arith.cmpf ogt, %get3A_206, %gather3A : vector<16xf32>
        %add3A_207 = arith.constant 16 : i32
        %add3A_208 = arith.addi %mul3A_197, %add3A_207 : i32
        %get3A_209 = arith.constant 0 : i32
        %get3A_210 = arith.index_cast %get3A_209 : i32 to index
        %get3A_211 = arith.index_cast %add3A_208 : i32 to index
        %get3A_212 = tpu.vector_load %arg5[%get3A_210, %get3A_211] {strides = array<i32>} : memref<8x6272xf32, #tpu.memory_space<vmem>>, vector<16xf32>,
        %gt3A_213 = arith.cmpf ogt, %get3A_212, %gather3A : vector<16xf32>
        %or3A = arith.ori %gt3A, %gt3A_213 : vector<16xi1>
        %add3A_214 = arith.constant 32 : i32
        %add3A_215 = arith.addi %mul3A_197, %add3A_214 : i32
        %get3A_216 = arith.constant 0 : i32
        %get3A_217 = arith.index_cast %get3A_216 : i32 to index
        %get3A_218 = arith.index_cast %add3A_215 : i32 to index
        %get3A_219 = tpu.vector_load %arg5[%get3A_217, %get3A_218] {strides = array<i32>} : memref<8x6272xf32, #tpu.memory_space<vmem>>, vector<16xf32>,
        %gt3A_220 = arith.cmpf ogt, %get3A_219, %gather3A : vector<16xf32>
        %or3A_221 = arith.ori %or3A, %gt3A_220 : vector<16xi1>
        %add3A_222 = arith.constant 48 : i32
        %add3A_223 = arith.addi %mul3A_197, %add3A_222 : i32
        %get3A_224 = arith.constant 0 : i32
        %get3A_225 = arith.index_cast %get3A_224 : i32 to index
        %get3A_226 = arith.index_cast %add3A_223 : i32 to index
        %get3A_227 = tpu.vector_load %arg5[%get3A_225, %get3A_226] {strides = array<i32>} : memref<8x6272xf32, #tpu.memory_space<vmem>>, vector<16xf32>,
        %gt3A_228 = arith.cmpf ogt, %get3A_227, %gather3A : vector<16xf32>
        %or3A_229 = arith.ori %or3A_221, %gt3A_228 : vector<16xi1>
        %add3A_230 = arith.constant 64 : i32
        %add3A_231 = arith.addi %mul3A_197, %add3A_230 : i32
        %get3A_232 = arith.constant 0 : i32
        %get3A_233 = arith.index_cast %get3A_232 : i32 to index
        %get3A_234 = arith.index_cast %add3A_231 : i32 to index
        %get3A_235 = tpu.vector_load %arg5[%get3A_233, %get3A_234] {strides = array<i32>} : memref<8x6272xf32, #tpu.memory_space<vmem>>, vector<16xf32>,
        %gt3A_236 = arith.cmpf ogt, %get3A_235, %gather3A : vector<16xf32>
        %or3A_237 = arith.ori %or3A_229, %gt3A_236 : vector<16xi1>
        %add3A_238 = arith.constant 80 : i32
        %add3A_239 = arith.addi %mul3A_197, %add3A_238 : i32
        %get3A_240 = arith.constant 0 : i32
        %get3A_241 = arith.index_cast %get3A_240 : i32 to index
        %get3A_242 = arith.index_cast %add3A_239 : i32 to index
        %get3A_243 = tpu.vector_load %arg5[%get3A_241, %get3A_242] {strides = array<i32>} : memref<8x6272xf32, #tpu.memory_space<vmem>>, vector<16xf32>,
        %gt3A_244 = arith.cmpf ogt, %get3A_243, %gather3A : vector<16xf32>
        %or3A_245 = arith.ori %or3A_237, %gt3A_244 : vector<16xi1>
        %add3A_246 = arith.constant 96 : i32
        %add3A_247 = arith.addi %mul3A_197, %add3A_246 : i32
        %get3A_248 = arith.constant 0 : i32
        %get3A_249 = arith.index_cast %get3A_248 : i32 to index
        %get3A_250 = arith.index_cast %add3A_247 : i32 to index
        %get3A_251 = tpu.vector_load %arg5[%get3A_249, %get3A_250] {strides = array<i32>} : memref<8x6272xf32, #tpu.memory_space<vmem>>, vector<16xf32>,
        %gt3A_252 = arith.cmpf ogt, %get3A_251, %gather3A : vector<16xf32>
        %or3A_253 = arith.ori %or3A_245, %gt3A_252 : vector<16xi1>
        %add3A_254 = arith.constant 112 : i32
        %add3A_255 = arith.addi %mul3A_197, %add3A_254 : i32
        %get3A_256 = arith.constant 0 : i32
        %get3A_257 = arith.index_cast %get3A_256 : i32 to index
        %get3A_258 = arith.index_cast %add3A_255 : i32 to index
        %get3A_259 = tpu.vector_load %arg5[%get3A_257, %get3A_258] {strides = array<i32>} : memref<8x6272xf32, #tpu.memory_space<vmem>>, vector<16xf32>,
        %gt3A_260 = arith.cmpf ogt, %get3A_259, %gather3A : vector<16xf32>
        %or3A_261 = arith.ori %or3A_253, %gt3A_260 : vector<16xi1>
        %add3A_262 = arith.constant 128 : i32
        %add3A_263 = arith.addi %mul3A_197, %add3A_262 : i32
        %get3A_264 = arith.constant 0 : i32
        %get3A_265 = arith.index_cast %get3A_264 : i32 to index
        %get3A_266 = arith.index_cast %add3A_263 : i32 to index
        %get3A_267 = tpu.vector_load %arg5[%get3A_265, %get3A_266] {strides = array<i32>} : memref<8x6272xf32, #tpu.memory_space<vmem>>, vector<16xf32>,
        %gt3A_268 = arith.cmpf ogt, %get3A_267, %gather3A : vector<16xf32>
        %or3A_269 = arith.ori %or3A_261, %gt3A_268 : vector<16xi1>
        %add3A_270 = arith.constant 144 : i32
        %add3A_271 = arith.addi %mul3A_197, %add3A_270 : i32
        %get3A_272 = arith.constant 0 : i32
        %get3A_273 = arith.index_cast %get3A_272 : i32 to index
        %get3A_274 = arith.index_cast %add3A_271 : i32 to index
        %get3A_275 = tpu.vector_load %arg5[%get3A_273, %get3A_274] {strides = array<i32>} : memref<8x6272xf32, #tpu.memory_space<vmem>>, vector<16xf32>,
        %gt3A_276 = arith.cmpf ogt, %get3A_275, %gather3A : vector<16xf32>
        %or3A_277 = arith.ori %or3A_269, %gt3A_276 : vector<16xi1>
        %add3A_278 = arith.constant 160 : i32
        %add3A_279 = arith.addi %mul3A_197, %add3A_278 : i32
        %get3A_280 = arith.constant 0 : i32
        %get3A_281 = arith.index_cast %get3A_280 : i32 to index
        %get3A_282 = arith.index_cast %add3A_279 : i32 to index
        %get3A_283 = tpu.vector_load %arg5[%get3A_281, %get3A_282] {strides = array<i32>} : memref<8x6272xf32, #tpu.memory_space<vmem>>, vector<16xf32>,
        %gt3A_284 = arith.cmpf ogt, %get3A_283, %gather3A : vector<16xf32>
        %or3A_285 = arith.ori %or3A_277, %gt3A_284 : vector<16xi1>
        %add3A_286 = arith.constant 176 : i32
        %add3A_287 = arith.addi %mul3A_197, %add3A_286 : i32
        %get3A_288 = arith.constant 0 : i32
        %get3A_289 = arith.index_cast %get3A_288 : i32 to index
        %get3A_290 = arith.index_cast %add3A_287 : i32 to index
        %get3A_291 = tpu.vector_load %arg5[%get3A_289, %get3A_290] {strides = array<i32>} : memref<8x6272xf32, #tpu.memory_space<vmem>>, vector<16xf32>,
        %gt3A_292 = arith.cmpf ogt, %get3A_291, %gather3A : vector<16xf32>
        %or3A_293 = arith.ori %or3A_285, %gt3A_292 : vector<16xi1>
        %add3A_294 = arith.constant 192 : i32
        %add3A_295 = arith.addi %mul3A_197, %add3A_294 : i32
        %get3A_296 = arith.constant 0 : i32
        %get3A_297 = arith.index_cast %get3A_296 : i32 to index
        %get3A_298 = arith.index_cast %add3A_295 : i32 to index
        %get3A_299 = tpu.vector_load %arg5[%get3A_297, %get3A_298] {strides = array<i32>} : memref<8x6272xf32, #tpu.memory_space<vmem>>, vector<16xf32>,
        %gt3A_300 = arith.cmpf ogt, %get3A_299, %gather3A : vector<16xf32>
        %or3A_301 = arith.ori %or3A_293, %gt3A_300 : vector<16xi1>
        %add3A_302 = arith.constant 208 : i32
        %add3A_303 = arith.addi %mul3A_197, %add3A_302 : i32
        %get3A_304 = arith.constant 0 : i32
        %get3A_305 = arith.index_cast %get3A_304 : i32 to index
        %get3A_306 = arith.index_cast %add3A_303 : i32 to index
        %get3A_307 = tpu.vector_load %arg5[%get3A_305, %get3A_306] {strides = array<i32>} : memref<8x6272xf32, #tpu.memory_space<vmem>>, vector<16xf32>,
        %gt3A_308 = arith.cmpf ogt, %get3A_307, %gather3A : vector<16xf32>
        %or3A_309 = arith.ori %or3A_301, %gt3A_308 : vector<16xi1>
        %reduce_or3A = arith.constant 1.000000e+00 : f32
        %reduce_or3A_310 = arith.constant 0.000000e+00 : f32
        %reduce_or3A_311 = vector.broadcast %reduce_or3A : f32 to vector<16xf32>
        %reduce_or3A_312 = vector.broadcast %reduce_or3A_310 : f32 to vector<16xf32>
        %reduce_or3A_313 = arith.select %or3A_309, %reduce_or3A_311, %reduce_or3A_312 : vector<16xi1>, vector<16xf32>
        %reduce_or3A_314 = arith.constant true
        %reduce_or3A_315 = vector.broadcast %reduce_or3A_314 : i1 to vector<16xi1>
        %reduce_or3A_316 = tpu.scan <max>, %reduce_or3A_313 masked %reduce_or3A_315 : vector<16xf32>, vector<16xi1> -> vector<16xf32>
        %reduce_or3A_317 = vector.extract %reduce_or3A_316[15] : f32 from vector<16xf32>
        %reduce_or3A_318 = arith.constant 0.000000e+00 : f32
        %reduce_or3A_319 = arith.cmpf ogt, %reduce_or3A_317, %reduce_or3A_318 : f32
        %convert_element_type3A = arith.extui %reduce_or3A_319 : i1 to i32
        %cond3A = arith.constant 0 : i32
        %cond3A_320 = arith.cmpi ne, %convert_element_type3A, %cond3A : i32
        scf.if %cond3A_320 {
          %scan3A_1232 = arith.constant 0 : i32
          %scan3A_1233 = arith.constant 0 : i32
          %scan3A_1234 = arith.constant 14 : i32
          %scan3A_1235 = arith.addi %scan3A_1233, %scan3A_1234 : i32
          %scan3A_1236 = arith.constant 1 : i32
          %scan3A_1237 = scf.for %scan3A_1239 = %scan3A_1233 to %scan3A_1235 step %scan3A_1236 iter_args(%scan3A_1240 = %scan3A_1232) -> (i32)  : i32 {
            %mul3A_1241 = arith.constant 16 : i32
            %mul3A_1242 = arith.muli %scan3A_1239, %mul3A_1241 : i32
            %add3A_1243 = arith.addi %mul3A_197, %mul3A_1242 : i32
            %get3A_1244 = arith.constant 0 : i32
            %get3A_1245 = arith.index_cast %get3A_1244 : i32 to index
            %get3A_1246 = arith.index_cast %add3A_1243 : i32 to index
            %get3A_1247 = tpu.vector_load %arg5[%get3A_1245, %get3A_1246] {strides = array<i32>} : memref<8x6272xf32, #tpu.memory_space<vmem>>, vector<16xf32>,
            %broadcast_in_dim3A_1248 = arith.constant 0 : i32
            %broadcast_in_dim3A_1249 = vector.broadcast %broadcast_in_dim3A_1248 : i32 to vector<16xi32>
            %broadcast_in_dim3A_1250 = arith.constant 8 : i32
            %broadcast_in_dim3A_1251 = vector.broadcast %broadcast_in_dim3A_1250 : i32 to vector<16xi32>
            %gather3A_1252 = tpu.vector_load_idx %arg6[%broadcast_in_dim3A_1249, %broadcast_in_dim3A_1251] : memref<8x16xf32, #tpu.memory_space<vmem>>[vector<16xi32>, vector<16xi32>], vector<16xf32>,
            %gt3A_1253 = arith.cmpf ogt, %get3A_1247, %gather3A_1252 : vector<16xf32>
            %reduce_or3A_1254 = arith.constant 1.000000e+00 : f32
            %reduce_or3A_1255 = arith.constant 0.000000e+00 : f32
            %reduce_or3A_1256 = vector.broadcast %reduce_or3A_1254 : f32 to vector<16xf32>
            %reduce_or3A_1257 = vector.broadcast %reduce_or3A_1255 : f32 to vector<16xf32>
            %reduce_or3A_1258 = arith.select %gt3A_1253, %reduce_or3A_1256, %reduce_or3A_1257 : vector<16xi1>, vector<16xf32>
            %reduce_or3A_1259 = arith.constant true
            %reduce_or3A_1260 = vector.broadcast %reduce_or3A_1259 : i1 to vector<16xi1>
            %reduce_or3A_1261 = tpu.scan <max>, %reduce_or3A_1258 masked %reduce_or3A_1260 : vector<16xf32>, vector<16xi1> -> vector<16xf32>
            %reduce_or3A_1262 = vector.extract %reduce_or3A_1261[15] : f32 from vector<16xf32>
            %reduce_or3A_1263 = arith.constant 0.000000e+00 : f32
            %reduce_or3A_1264 = arith.cmpf ogt, %reduce_or3A_1262, %reduce_or3A_1263 : f32
            %convert_element_type3A_1265 = arith.extui %reduce_or3A_1264 : i1 to i32
            %cond3A_1266 = arith.constant 0 : i32
            %cond3A_1267 = arith.cmpi ne, %convert_element_type3A_1265, %cond3A_1266 : i32
            scf.if %cond3A_1267 {
              %mul3A_1269 = arith.constant 6272 : i32
              %mul3A_1270 = arith.muli %scan3A_179, %mul3A_1269 : i32
              %add3A_1271 = arith.addi %mul3A_94, %mul3A_1270 : i32
              %add3A_1272 = arith.addi %add3A_1271, %mul3A_197 : i32
              %mul3A_1273 = arith.constant 16 : i32
              %mul3A_1274 = arith.muli %scan3A_1239, %mul3A_1273 : i32
              %add3A_1275 = arith.addi %add3A_1272, %mul3A_1274 : i32
              %add3A_1276 = vector.broadcast %add3A_1275 : i32 to vector<16xi32>
              %add3A_1277 = arith.addi %add3A_1276, %iota3A : vector<16xi32>
              %masked_sort3A = arith.constant dense<true> : vector<16xi1>
              %masked_sort3A_1278, %masked_sort3A_1279, %masked_sort3A_1280 = tpu.sort %get3A_1247, %add3A_1277 masked %masked_sort3A {descending = true} : (vector<16xf32>, vector<16xi32>, vector<16xi1>) -> (vector<16xi1>, vector<16xf32>, vector<16xi32>)
              %rev3A = arith.constant 15 : i32
              %rev3A_1281 = vector.broadcast %rev3A : i32 to vector<16xi32>
              %rev3A_1282 = tpu.iota {dimensions = array<i32: 0>} : vector<16xi32>
              %rev3A_1283 = arith.subi %rev3A_1281, %rev3A_1282 : vector<16xi32>
              %rev3A_1284 = tpu.dynamic_gather %masked_sort3A_1279[%rev3A_1283] in [0] : vector<16xf32>, vector<16xi32> -> vector<16xf32>
              %rev3A_1285 = arith.constant 15 : i32
              %rev3A_1286 = vector.broadcast %rev3A_1285 : i32 to vector<16xi32>
              %rev3A_1287 = tpu.iota {dimensions = array<i32: 0>} : vector<16xi32>
              %rev3A_1288 = arith.subi %rev3A_1286, %rev3A_1287 : vector<16xi32>
              %rev3A_1289 = tpu.dynamic_gather %masked_sort3A_1280[%rev3A_1288] in [0] : vector<16xi32>, vector<16xi32> -> vector<16xi32>
              %get3A_1290 = arith.constant 0 : i32
              %get3A_1291 = arith.index_cast %get3A_1290 : i32 to index
              %get3A_1292 = arith.constant 0 : index
              %get3A_1293 = tpu.vector_load %arg6[%get3A_1291, %get3A_1292] {strides = array<i32>} : memref<8x16xf32, #tpu.memory_space<vmem>>, vector<16xf32>,
              %get3A_1294 = arith.constant 0 : i32
              %get3A_1295 = arith.index_cast %get3A_1294 : i32 to index
              %get3A_1296 = arith.constant 0 : index
              %get3A_1297 = tpu.vector_load %arg7[%get3A_1295, %get3A_1296] {strides = array<i32>} : memref<8x16xi32, #tpu.memory_space<vmem>>, vector<16xi32>,
              %ge3A = arith.cmpf oge, %get3A_1293, %rev3A_1284 : vector<16xf32>
              %select_n3A = arith.select %ge3A, %get3A_1293, %rev3A_1284 : vector<16xi1>, vector<16xf32>
              %select_n3A_1298 = arith.select %ge3A, %get3A_1297, %rev3A_1289 : vector<16xi1>, vector<16xi32>
              %masked_sort3A_1299 = arith.constant dense<true> : vector<16xi1>
              %masked_sort3A_1300, %masked_sort3A_1301, %masked_sort3A_1302 = tpu.sort %select_n3A, %select_n3A_1298 masked %masked_sort3A_1299 {descending = true} : (vector<16xf32>, vector<16xi32>, vector<16xi1>) -> (vector<16xi1>, vector<16xf32>, vector<16xi32>)
              %swap3A_1303 = arith.constant 0 : i32
              %swap3A_1304 = arith.index_cast %swap3A_1303 : i32 to index
              %swap3A_1305 = arith.constant 0 : index
              %swap3A_1306 = tpu.vector_load %arg6[%swap3A_1304, %swap3A_1305] {strides = array<i32>} : memref<8x16xf32, #tpu.memory_space<vmem>>, vector<16xf32>,
              tpu.vector_store %arg6[%swap3A_1304, %swap3A_1305], %masked_sort3A_1301 {strides = array<i32>} : memref<8x16xf32, #tpu.memory_space<vmem>>, vector<16xf32>,
              %swap3A_1307 = arith.constant 0 : i32
              %swap3A_1308 = arith.index_cast %swap3A_1307 : i32 to index
              %swap3A_1309 = arith.constant 0 : index
              %swap3A_1310 = tpu.vector_load %arg7[%swap3A_1308, %swap3A_1309] {strides = array<i32>} : memref<8x16xi32, #tpu.memory_space<vmem>>, vector<16xi32>,
              tpu.vector_store %arg7[%swap3A_1308, %swap3A_1309], %masked_sort3A_1302 {strides = array<i32>} : memref<8x16xi32, #tpu.memory_space<vmem>>, vector<16xi32>,
            } else {
            }
            %scan3A_1268 = arith.constant 0 : i32
            scf.yield %scan3A_1268 : i32
          }
          %scan3A_1238 = arith.constant 14 : i32
        } else {
        }
        %broadcast_in_dim3A_321 = arith.constant 1 : i32
        %broadcast_in_dim3A_322 = vector.broadcast %broadcast_in_dim3A_321 : i32 to vector<16xi32>
        %broadcast_in_dim3A_323 = arith.constant 8 : i32
        %broadcast_in_dim3A_324 = vector.broadcast %broadcast_in_dim3A_323 : i32 to vector<16xi32>
        %gather3A_325 = tpu.vector_load_idx %arg6[%broadcast_in_dim3A_322, %broadcast_in_dim3A_324] : memref<8x16xf32, #tpu.memory_space<vmem>>[vector<16xi32>, vector<16xi32>], vector<16xf32>,
        %add3A_326 = arith.constant 0 : i32
        %add3A_327 = arith.addi %mul3A_197, %add3A_326 : i32
        %get3A_328 = arith.constant 1 : i32
        %get3A_329 = arith.index_cast %get3A_328 : i32 to index
        %get3A_330 = arith.index_cast %add3A_327 : i32 to index
        %get3A_331 = tpu.vector_load %arg5[%get3A_329, %get3A_330] {strides = array<i32>} : memref<8x6272xf32, #tpu.memory_space<vmem>>, vector<16xf32>,
        %gt3A_332 = arith.cmpf ogt, %get3A_331, %gather3A_325 : vector<16xf32>
        %add3A_333 = arith.constant 16 : i32
        %add3A_334 = arith.addi %mul3A_197, %add3A_333 : i32
        %get3A_335 = arith.constant 1 : i32
        %get3A_336 = arith.index_cast %get3A_335 : i32 to index
        %get3A_337 = arith.index_cast %add3A_334 : i32 to index
        %get3A_338 = tpu.vector_load %arg5[%get3A_336, %get3A_337] {strides = array<i32>} : memref<8x6272xf32, #tpu.memory_space<vmem>>, vector<16xf32>,
        %gt3A_339 = arith.cmpf ogt, %get3A_338, %gather3A_325 : vector<16xf32>
        %or3A_340 = arith.ori %gt3A_332, %gt3A_339 : vector<16xi1>
        %add3A_341 = arith.constant 32 : i32
        %add3A_342 = arith.addi %mul3A_197, %add3A_341 : i32
        %get3A_343 = arith.constant 1 : i32
        %get3A_344 = arith.index_cast %get3A_343 : i32 to index
        %get3A_345 = arith.index_cast %add3A_342 : i32 to index
        %get3A_346 = tpu.vector_load %arg5[%get3A_344, %get3A_345] {strides = array<i32>} : memref<8x6272xf32, #tpu.memory_space<vmem>>, vector<16xf32>,
        %gt3A_347 = arith.cmpf ogt, %get3A_346, %gather3A_325 : vector<16xf32>
        %or3A_348 = arith.ori %or3A_340, %gt3A_347 : vector<16xi1>
        %add3A_349 = arith.constant 48 : i32
        %add3A_350 = arith.addi %mul3A_197, %add3A_349 : i32
        %get3A_351 = arith.constant 1 : i32
        %get3A_352 = arith.index_cast %get3A_351 : i32 to index
        %get3A_353 = arith.index_cast %add3A_350 : i32 to index
        %get3A_354 = tpu.vector_load %arg5[%get3A_352, %get3A_353] {strides = array<i32>} : memref<8x6272xf32, #tpu.memory_space<vmem>>, vector<16xf32>,
        %gt3A_355 = arith.cmpf ogt, %get3A_354, %gather3A_325 : vector<16xf32>
        %or3A_356 = arith.ori %or3A_348, %gt3A_355 : vector<16xi1>
        %add3A_357 = arith.constant 64 : i32
        %add3A_358 = arith.addi %mul3A_197, %add3A_357 : i32
        %get3A_359 = arith.constant 1 : i32
        %get3A_360 = arith.index_cast %get3A_359 : i32 to index
        %get3A_361 = arith.index_cast %add3A_358 : i32 to index
        %get3A_362 = tpu.vector_load %arg5[%get3A_360, %get3A_361] {strides = array<i32>} : memref<8x6272xf32, #tpu.memory_space<vmem>>, vector<16xf32>,
        %gt3A_363 = arith.cmpf ogt, %get3A_362, %gather3A_325 : vector<16xf32>
        %or3A_364 = arith.ori %or3A_356, %gt3A_363 : vector<16xi1>
        %add3A_365 = arith.constant 80 : i32
        %add3A_366 = arith.addi %mul3A_197, %add3A_365 : i32
        %get3A_367 = arith.constant 1 : i32
        %get3A_368 = arith.index_cast %get3A_367 : i32 to index
        %get3A_369 = arith.index_cast %add3A_366 : i32 to index
        %get3A_370 = tpu.vector_load %arg5[%get3A_368, %get3A_369] {strides = array<i32>} : memref<8x6272xf32, #tpu.memory_space<vmem>>, vector<16xf32>,
        %gt3A_371 = arith.cmpf ogt, %get3A_370, %gather3A_325 : vector<16xf32>
        %or3A_372 = arith.ori %or3A_364, %gt3A_371 : vector<16xi1>
        %add3A_373 = arith.constant 96 : i32
        %add3A_374 = arith.addi %mul3A_197, %add3A_373 : i32
        %get3A_375 = arith.constant 1 : i32
        %get3A_376 = arith.index_cast %get3A_375 : i32 to index
        %get3A_377 = arith.index_cast %add3A_374 : i32 to index
        %get3A_378 = tpu.vector_load %arg5[%get3A_376, %get3A_377] {strides = array<i32>} : memref<8x6272xf32, #tpu.memory_space<vmem>>, vector<16xf32>,
        %gt3A_379 = arith.cmpf ogt, %get3A_378, %gather3A_325 : vector<16xf32>
        %or3A_380 = arith.ori %or3A_372, %gt3A_379 : vector<16xi1>
        %add3A_381 = arith.constant 112 : i32
        %add3A_382 = arith.addi %mul3A_197, %add3A_381 : i32
        %get3A_383 = arith.constant 1 : i32
        %get3A_384 = arith.index_cast %get3A_383 : i32 to index
        %get3A_385 = arith.index_cast %add3A_382 : i32 to index
        %get3A_386 = tpu.vector_load %arg5[%get3A_384, %get3A_385] {strides = array<i32>} : memref<8x6272xf32, #tpu.memory_space<vmem>>, vector<16xf32>,
        %gt3A_387 = arith.cmpf ogt, %get3A_386, %gather3A_325 : vector<16xf32>
        %or3A_388 = arith.ori %or3A_380, %gt3A_387 : vector<16xi1>
        %add3A_389 = arith.constant 128 : i32
        %add3A_390 = arith.addi %mul3A_197, %add3A_389 : i32
        %get3A_391 = arith.constant 1 : i32
        %get3A_392 = arith.index_cast %get3A_391 : i32 to index
        %get3A_393 = arith.index_cast %add3A_390 : i32 to index
        %get3A_394 = tpu.vector_load %arg5[%get3A_392, %get3A_393] {strides = array<i32>} : memref<8x6272xf32, #tpu.memory_space<vmem>>, vector<16xf32>,
        %gt3A_395 = arith.cmpf ogt, %get3A_394, %gather3A_325 : vector<16xf32>
        %or3A_396 = arith.ori %or3A_388, %gt3A_395 : vector<16xi1>
        %add3A_397 = arith.constant 144 : i32
        %add3A_398 = arith.addi %mul3A_197, %add3A_397 : i32
        %get3A_399 = arith.constant 1 : i32
        %get3A_400 = arith.index_cast %get3A_399 : i32 to index
        %get3A_401 = arith.index_cast %add3A_398 : i32 to index
        %get3A_402 = tpu.vector_load %arg5[%get3A_400, %get3A_401] {strides = array<i32>} : memref<8x6272xf32, #tpu.memory_space<vmem>>, vector<16xf32>,
        %gt3A_403 = arith.cmpf ogt, %get3A_402, %gather3A_325 : vector<16xf32>
        %or3A_404 = arith.ori %or3A_396, %gt3A_403 : vector<16xi1>
        %add3A_405 = arith.constant 160 : i32
        %add3A_406 = arith.addi %mul3A_197, %add3A_405 : i32
        %get3A_407 = arith.constant 1 : i32
        %get3A_408 = arith.index_cast %get3A_407 : i32 to index
        %get3A_409 = arith.index_cast %add3A_406 : i32 to index
        %get3A_410 = tpu.vector_load %arg5[%get3A_408, %get3A_409] {strides = array<i32>} : memref<8x6272xf32, #tpu.memory_space<vmem>>, vector<16xf32>,
        %gt3A_411 = arith.cmpf ogt, %get3A_410, %gather3A_325 : vector<16xf32>
        %or3A_412 = arith.ori %or3A_404, %gt3A_411 : vector<16xi1>
        %add3A_413 = arith.constant 176 : i32
        %add3A_414 = arith.addi %mul3A_197, %add3A_413 : i32
        %get3A_415 = arith.constant 1 : i32
        %get3A_416 = arith.index_cast %get3A_415 : i32 to index
        %get3A_417 = arith.index_cast %add3A_414 : i32 to index
        %get3A_418 = tpu.vector_load %arg5[%get3A_416, %get3A_417] {strides = array<i32>} : memref<8x6272xf32, #tpu.memory_space<vmem>>, vector<16xf32>,
        %gt3A_419 = arith.cmpf ogt, %get3A_418, %gather3A_325 : vector<16xf32>
        %or3A_420 = arith.ori %or3A_412, %gt3A_419 : vector<16xi1>
        %add3A_421 = arith.constant 192 : i32
        %add3A_422 = arith.addi %mul3A_197, %add3A_421 : i32
        %get3A_423 = arith.constant 1 : i32
        %get3A_424 = arith.index_cast %get3A_423 : i32 to index
        %get3A_425 = arith.index_cast %add3A_422 : i32 to index
        %get3A_426 = tpu.vector_load %arg5[%get3A_424, %get3A_425] {strides = array<i32>} : memref<8x6272xf32, #tpu.memory_space<vmem>>, vector<16xf32>,
        %gt3A_427 = arith.cmpf ogt, %get3A_426, %gather3A_325 : vector<16xf32>
        %or3A_428 = arith.ori %or3A_420, %gt3A_427 : vector<16xi1>
        %add3A_429 = arith.constant 208 : i32
        %add3A_430 = arith.addi %mul3A_197, %add3A_429 : i32
        %get3A_431 = arith.constant 1 : i32
        %get3A_432 = arith.index_cast %get3A_431 : i32 to index
        %get3A_433 = arith.index_cast %add3A_430 : i32 to index
        %get3A_434 = tpu.vector_load %arg5[%get3A_432, %get3A_433] {strides = array<i32>} : memref<8x6272xf32, #tpu.memory_space<vmem>>, vector<16xf32>,
        %gt3A_435 = arith.cmpf ogt, %get3A_434, %gather3A_325 : vector<16xf32>
        %or3A_436 = arith.ori %or3A_428, %gt3A_435 : vector<16xi1>
        %reduce_or3A_437 = arith.constant 1.000000e+00 : f32
        %reduce_or3A_438 = arith.constant 0.000000e+00 : f32
        %reduce_or3A_439 = vector.broadcast %reduce_or3A_437 : f32 to vector<16xf32>
        %reduce_or3A_440 = vector.broadcast %reduce_or3A_438 : f32 to vector<16xf32>
        %reduce_or3A_441 = arith.select %or3A_436, %reduce_or3A_439, %reduce_or3A_440 : vector<16xi1>, vector<16xf32>
        %reduce_or3A_442 = arith.constant true
        %reduce_or3A_443 = vector.broadcast %reduce_or3A_442 : i1 to vector<16xi1>
        %reduce_or3A_444 = tpu.scan <max>, %reduce_or3A_441 masked %reduce_or3A_443 : vector<16xf32>, vector<16xi1> -> vector<16xf32>
        %reduce_or3A_445 = vector.extract %reduce_or3A_444[15] : f32 from vector<16xf32>
        %reduce_or3A_446 = arith.constant 0.000000e+00 : f32
        %reduce_or3A_447 = arith.cmpf ogt, %reduce_or3A_445, %reduce_or3A_446 : f32
        %convert_element_type3A_448 = arith.extui %reduce_or3A_447 : i1 to i32
        %cond3A_449 = arith.constant 0 : i32
        %cond3A_450 = arith.cmpi ne, %convert_element_type3A_448, %cond3A_449 : i32
        scf.if %cond3A_450 {
          %scan3A_1232 = arith.constant 0 : i32
          %scan3A_1233 = arith.constant 0 : i32
          %scan3A_1234 = arith.constant 14 : i32
          %scan3A_1235 = arith.addi %scan3A_1233, %scan3A_1234 : i32
          %scan3A_1236 = arith.constant 1 : i32
          %scan3A_1237 = scf.for %scan3A_1239 = %scan3A_1233 to %scan3A_1235 step %scan3A_1236 iter_args(%scan3A_1240 = %scan3A_1232) -> (i32)  : i32 {
            %mul3A_1241 = arith.constant 16 : i32
            %mul3A_1242 = arith.muli %scan3A_1239, %mul3A_1241 : i32
            %add3A_1243 = arith.addi %mul3A_197, %mul3A_1242 : i32
            %get3A_1244 = arith.constant 1 : i32
            %get3A_1245 = arith.index_cast %get3A_1244 : i32 to index
            %get3A_1246 = arith.index_cast %add3A_1243 : i32 to index
            %get3A_1247 = tpu.vector_load %arg5[%get3A_1245, %get3A_1246] {strides = array<i32>} : memref<8x6272xf32, #tpu.memory_space<vmem>>, vector<16xf32>,
            %broadcast_in_dim3A_1248 = arith.constant 1 : i32
            %broadcast_in_dim3A_1249 = vector.broadcast %broadcast_in_dim3A_1248 : i32 to vector<16xi32>
            %broadcast_in_dim3A_1250 = arith.constant 8 : i32
            %broadcast_in_dim3A_1251 = vector.broadcast %broadcast_in_dim3A_1250 : i32 to vector<16xi32>
            %gather3A_1252 = tpu.vector_load_idx %arg6[%broadcast_in_dim3A_1249, %broadcast_in_dim3A_1251] : memref<8x16xf32, #tpu.memory_space<vmem>>[vector<16xi32>, vector<16xi32>], vector<16xf32>,
            %gt3A_1253 = arith.cmpf ogt, %get3A_1247, %gather3A_1252 : vector<16xf32>
            %reduce_or3A_1254 = arith.constant 1.000000e+00 : f32
            %reduce_or3A_1255 = arith.constant 0.000000e+00 : f32
            %reduce_or3A_1256 = vector.broadcast %reduce_or3A_1254 : f32 to vector<16xf32>
            %reduce_or3A_1257 = vector.broadcast %reduce_or3A_1255 : f32 to vector<16xf32>
            %reduce_or3A_1258 = arith.select %gt3A_1253, %reduce_or3A_1256, %reduce_or3A_1257 : vector<16xi1>, vector<16xf32>
            %reduce_or3A_1259 = arith.constant true
            %reduce_or3A_1260 = vector.broadcast %reduce_or3A_1259 : i1 to vector<16xi1>
            %reduce_or3A_1261 = tpu.scan <max>, %reduce_or3A_1258 masked %reduce_or3A_1260 : vector<16xf32>, vector<16xi1> -> vector<16xf32>
            %reduce_or3A_1262 = vector.extract %reduce_or3A_1261[15] : f32 from vector<16xf32>
            %reduce_or3A_1263 = arith.constant 0.000000e+00 : f32
            %reduce_or3A_1264 = arith.cmpf ogt, %reduce_or3A_1262, %reduce_or3A_1263 : f32
            %convert_element_type3A_1265 = arith.extui %reduce_or3A_1264 : i1 to i32
            %cond3A_1266 = arith.constant 0 : i32
            %cond3A_1267 = arith.cmpi ne, %convert_element_type3A_1265, %cond3A_1266 : i32
            scf.if %cond3A_1267 {
              %mul3A_1269 = arith.constant 6272 : i32
              %mul3A_1270 = arith.muli %scan3A_179, %mul3A_1269 : i32
              %add3A_1271 = arith.addi %mul3A_94, %mul3A_1270 : i32
              %add3A_1272 = arith.addi %add3A_1271, %mul3A_197 : i32
              %mul3A_1273 = arith.constant 16 : i32
              %mul3A_1274 = arith.muli %scan3A_1239, %mul3A_1273 : i32
              %add3A_1275 = arith.addi %add3A_1272, %mul3A_1274 : i32
              %add3A_1276 = vector.broadcast %add3A_1275 : i32 to vector<16xi32>
              %add3A_1277 = arith.addi %add3A_1276, %iota3A : vector<16xi32>
              %masked_sort3A = arith.constant dense<true> : vector<16xi1>
              %masked_sort3A_1278, %masked_sort3A_1279, %masked_sort3A_1280 = tpu.sort %get3A_1247, %add3A_1277 masked %masked_sort3A {descending = true} : (vector<16xf32>, vector<16xi32>, vector<16xi1>) -> (vector<16xi1>, vector<16xf32>, vector<16xi32>)
              %rev3A = arith.constant 15 : i32
              %rev3A_1281 = vector.broadcast %rev3A : i32 to vector<16xi32>
              %rev3A_1282 = tpu.iota {dimensions = array<i32: 0>} : vector<16xi32>
              %rev3A_1283 = arith.subi %rev3A_1281, %rev3A_1282 : vector<16xi32>
              %rev3A_1284 = tpu.dynamic_gather %masked_sort3A_1279[%rev3A_1283] in [0] : vector<16xf32>, vector<16xi32> -> vector<16xf32>
              %rev3A_1285 = arith.constant 15 : i32
              %rev3A_1286 = vector.broadcast %rev3A_1285 : i32 to vector<16xi32>
              %rev3A_1287 = tpu.iota {dimensions = array<i32: 0>} : vector<16xi32>
              %rev3A_1288 = arith.subi %rev3A_1286, %rev3A_1287 : vector<16xi32>
              %rev3A_1289 = tpu.dynamic_gather %masked_sort3A_1280[%rev3A_1288] in [0] : vector<16xi32>, vector<16xi32> -> vector<16xi32>
              %get3A_1290 = arith.constant 1 : i32
              %get3A_1291 = arith.index_cast %get3A_1290 : i32 to index
              %get3A_1292 = arith.constant 0 : index
              %get3A_1293 = tpu.vector_load %arg6[%get3A_1291, %get3A_1292] {strides = array<i32>} : memref<8x16xf32, #tpu.memory_space<vmem>>, vector<16xf32>,
              %get3A_1294 = arith.constant 1 : i32
              %get3A_1295 = arith.index_cast %get3A_1294 : i32 to index
              %get3A_1296 = arith.constant 0 : index
              %get3A_1297 = tpu.vector_load %arg7[%get3A_1295, %get3A_1296] {strides = array<i32>} : memref<8x16xi32, #tpu.memory_space<vmem>>, vector<16xi32>,
              %ge3A = arith.cmpf oge, %get3A_1293, %rev3A_1284 : vector<16xf32>
              %select_n3A = arith.select %ge3A, %get3A_1293, %rev3A_1284 : vector<16xi1>, vector<16xf32>
              %select_n3A_1298 = arith.select %ge3A, %get3A_1297, %rev3A_1289 : vector<16xi1>, vector<16xi32>
              %masked_sort3A_1299 = arith.constant dense<true> : vector<16xi1>
              %masked_sort3A_1300, %masked_sort3A_1301, %masked_sort3A_1302 = tpu.sort %select_n3A, %select_n3A_1298 masked %masked_sort3A_1299 {descending = true} : (vector<16xf32>, vector<16xi32>, vector<16xi1>) -> (vector<16xi1>, vector<16xf32>, vector<16xi32>)
              %swap3A_1303 = arith.constant 1 : i32
              %swap3A_1304 = arith.index_cast %swap3A_1303 : i32 to index
              %swap3A_1305 = arith.constant 0 : index
              %swap3A_1306 = tpu.vector_load %arg6[%swap3A_1304, %swap3A_1305] {strides = array<i32>} : memref<8x16xf32, #tpu.memory_space<vmem>>, vector<16xf32>,
              tpu.vector_store %arg6[%swap3A_1304, %swap3A_1305], %masked_sort3A_1301 {strides = array<i32>} : memref<8x16xf32, #tpu.memory_space<vmem>>, vector<16xf32>,
              %swap3A_1307 = arith.constant 1 : i32
              %swap3A_1308 = arith.index_cast %swap3A_1307 : i32 to index
              %swap3A_1309 = arith.constant 0 : index
              %swap3A_1310 = tpu.vector_load %arg7[%swap3A_1308, %swap3A_1309] {strides = array<i32>} : memref<8x16xi32, #tpu.memory_space<vmem>>, vector<16xi32>,
              tpu.vector_store %arg7[%swap3A_1308, %swap3A_1309], %masked_sort3A_1302 {strides = array<i32>} : memref<8x16xi32, #tpu.memory_space<vmem>>, vector<16xi32>,
            } else {
            }
            %scan3A_1268 = arith.constant 0 : i32
            scf.yield %scan3A_1268 : i32
          }
          %scan3A_1238 = arith.constant 14 : i32
        } else {
        }
        %broadcast_in_dim3A_451 = arith.constant 2 : i32
        %broadcast_in_dim3A_452 = vector.broadcast %broadcast_in_dim3A_451 : i32 to vector<16xi32>
        %broadcast_in_dim3A_453 = arith.constant 8 : i32
        %broadcast_in_dim3A_454 = vector.broadcast %broadcast_in_dim3A_453 : i32 to vector<16xi32>
        %gather3A_455 = tpu.vector_load_idx %arg6[%broadcast_in_dim3A_452, %broadcast_in_dim3A_454] : memref<8x16xf32, #tpu.memory_space<vmem>>[vector<16xi32>, vector<16xi32>], vector<16xf32>,
        %add3A_456 = arith.constant 0 : i32
        %add3A_457 = arith.addi %mul3A_197, %add3A_456 : i32
        %get3A_458 = arith.constant 2 : i32
        %get3A_459 = arith.index_cast %get3A_458 : i32 to index
        %get3A_460 = arith.index_cast %add3A_457 : i32 to index
        %get3A_461 = tpu.vector_load %arg5[%get3A_459, %get3A_460] {strides = array<i32>} : memref<8x6272xf32, #tpu.memory_space<vmem>>, vector<16xf32>,
        %gt3A_462 = arith.cmpf ogt, %get3A_461, %gather3A_455 : vector<16xf32>
        %add3A_463 = arith.constant 16 : i32
        %add3A_464 = arith.addi %mul3A_197, %add3A_463 : i32
        %get3A_465 = arith.constant 2 : i32
        %get3A_466 = arith.index_cast %get3A_465 : i32 to index
        %get3A_467 = arith.index_cast %add3A_464 : i32 to index
        %get3A_468 = tpu.vector_load %arg5[%get3A_466, %get3A_467] {strides = array<i32>} : memref<8x6272xf32, #tpu.memory_space<vmem>>, vector<16xf32>,
        %gt3A_469 = arith.cmpf ogt, %get3A_468, %gather3A_455 : vector<16xf32>
        %or3A_470 = arith.ori %gt3A_462, %gt3A_469 : vector<16xi1>
        %add3A_471 = arith.constant 32 : i32
        %add3A_472 = arith.addi %mul3A_197, %add3A_471 : i32
        %get3A_473 = arith.constant 2 : i32
        %get3A_474 = arith.index_cast %get3A_473 : i32 to index
        %get3A_475 = arith.index_cast %add3A_472 : i32 to index
        %get3A_476 = tpu.vector_load %arg5[%get3A_474, %get3A_475] {strides = array<i32>} : memref<8x6272xf32, #tpu.memory_space<vmem>>, vector<16xf32>,
        %gt3A_477 = arith.cmpf ogt, %get3A_476, %gather3A_455 : vector<16xf32>
        %or3A_478 = arith.ori %or3A_470, %gt3A_477 : vector<16xi1>
        %add3A_479 = arith.constant 48 : i32
        %add3A_480 = arith.addi %mul3A_197, %add3A_479 : i32
        %get3A_481 = arith.constant 2 : i32
        %get3A_482 = arith.index_cast %get3A_481 : i32 to index
        %get3A_483 = arith.index_cast %add3A_480 : i32 to index
        %get3A_484 = tpu.vector_load %arg5[%get3A_482, %get3A_483] {strides = array<i32>} : memref<8x6272xf32, #tpu.memory_space<vmem>>, vector<16xf32>,
        %gt3A_485 = arith.cmpf ogt, %get3A_484, %gather3A_455 : vector<16xf32>
        %or3A_486 = arith.ori %or3A_478, %gt3A_485 : vector<16xi1>
        %add3A_487 = arith.constant 64 : i32
        %add3A_488 = arith.addi %mul3A_197, %add3A_487 : i32
        %get3A_489 = arith.constant 2 : i32
        %get3A_490 = arith.index_cast %get3A_489 : i32 to index
        %get3A_491 = arith.index_cast %add3A_488 : i32 to index
        %get3A_492 = tpu.vector_load %arg5[%get3A_490, %get3A_491] {strides = array<i32>} : memref<8x6272xf32, #tpu.memory_space<vmem>>, vector<16xf32>,
        %gt3A_493 = arith.cmpf ogt, %get3A_492, %gather3A_455 : vector<16xf32>
        %or3A_494 = arith.ori %or3A_486, %gt3A_493 : vector<16xi1>
        %add3A_495 = arith.constant 80 : i32
        %add3A_496 = arith.addi %mul3A_197, %add3A_495 : i32
        %get3A_497 = arith.constant 2 : i32
        %get3A_498 = arith.index_cast %get3A_497 : i32 to index
        %get3A_499 = arith.index_cast %add3A_496 : i32 to index
        %get3A_500 = tpu.vector_load %arg5[%get3A_498, %get3A_499] {strides = array<i32>} : memref<8x6272xf32, #tpu.memory_space<vmem>>, vector<16xf32>,
        %gt3A_501 = arith.cmpf ogt, %get3A_500, %gather3A_455 : vector<16xf32>
        %or3A_502 = arith.ori %or3A_494, %gt3A_501 : vector<16xi1>
        %add3A_503 = arith.constant 96 : i32
        %add3A_504 = arith.addi %mul3A_197, %add3A_503 : i32
        %get3A_505 = arith.constant 2 : i32
        %get3A_506 = arith.index_cast %get3A_505 : i32 to index
        %get3A_507 = arith.index_cast %add3A_504 : i32 to index
        %get3A_508 = tpu.vector_load %arg5[%get3A_506, %get3A_507] {strides = array<i32>} : memref<8x6272xf32, #tpu.memory_space<vmem>>, vector<16xf32>,
        %gt3A_509 = arith.cmpf ogt, %get3A_508, %gather3A_455 : vector<16xf32>
        %or3A_510 = arith.ori %or3A_502, %gt3A_509 : vector<16xi1>
        %add3A_511 = arith.constant 112 : i32
        %add3A_512 = arith.addi %mul3A_197, %add3A_511 : i32
        %get3A_513 = arith.constant 2 : i32
        %get3A_514 = arith.index_cast %get3A_513 : i32 to index
        %get3A_515 = arith.index_cast %add3A_512 : i32 to index
        %get3A_516 = tpu.vector_load %arg5[%get3A_514, %get3A_515] {strides = array<i32>} : memref<8x6272xf32, #tpu.memory_space<vmem>>, vector<16xf32>,
        %gt3A_517 = arith.cmpf ogt, %get3A_516, %gather3A_455 : vector<16xf32>
        %or3A_518 = arith.ori %or3A_510, %gt3A_517 : vector<16xi1>
        %add3A_519 = arith.constant 128 : i32
        %add3A_520 = arith.addi %mul3A_197, %add3A_519 : i32
        %get3A_521 = arith.constant 2 : i32
        %get3A_522 = arith.index_cast %get3A_521 : i32 to index
        %get3A_523 = arith.index_cast %add3A_520 : i32 to index
        %get3A_524 = tpu.vector_load %arg5[%get3A_522, %get3A_523] {strides = array<i32>} : memref<8x6272xf32, #tpu.memory_space<vmem>>, vector<16xf32>,
        %gt3A_525 = arith.cmpf ogt, %get3A_524, %gather3A_455 : vector<16xf32>
        %or3A_526 = arith.ori %or3A_518, %gt3A_525 : vector<16xi1>
        %add3A_527 = arith.constant 144 : i32
        %add3A_528 = arith.addi %mul3A_197, %add3A_527 : i32
        %get3A_529 = arith.constant 2 : i32
        %get3A_530 = arith.index_cast %get3A_529 : i32 to index
        %get3A_531 = arith.index_cast %add3A_528 : i32 to index
        %get3A_532 = tpu.vector_load %arg5[%get3A_530, %get3A_531] {strides = array<i32>} : memref<8x6272xf32, #tpu.memory_space<vmem>>, vector<16xf32>,
        %gt3A_533 = arith.cmpf ogt, %get3A_532, %gather3A_455 : vector<16xf32>
        %or3A_534 = arith.ori %or3A_526, %gt3A_533 : vector<16xi1>
        %add3A_535 = arith.constant 160 : i32
        %add3A_536 = arith.addi %mul3A_197, %add3A_535 : i32
        %get3A_537 = arith.constant 2 : i32
        %get3A_538 = arith.index_cast %get3A_537 : i32 to index
        %get3A_539 = arith.index_cast %add3A_536 : i32 to index
        %get3A_540 = tpu.vector_load %arg5[%get3A_538, %get3A_539] {strides = array<i32>} : memref<8x6272xf32, #tpu.memory_space<vmem>>, vector<16xf32>,
        %gt3A_541 = arith.cmpf ogt, %get3A_540, %gather3A_455 : vector<16xf32>
        %or3A_542 = arith.ori %or3A_534, %gt3A_541 : vector<16xi1>
        %add3A_543 = arith.constant 176 : i32
        %add3A_544 = arith.addi %mul3A_197, %add3A_543 : i32
        %get3A_545 = arith.constant 2 : i32
        %get3A_546 = arith.index_cast %get3A_545 : i32 to index
        %get3A_547 = arith.index_cast %add3A_544 : i32 to index
        %get3A_548 = tpu.vector_load %arg5[%get3A_546, %get3A_547] {strides = array<i32>} : memref<8x6272xf32, #tpu.memory_space<vmem>>, vector<16xf32>,
        %gt3A_549 = arith.cmpf ogt, %get3A_548, %gather3A_455 : vector<16xf32>
        %or3A_550 = arith.ori %or3A_542, %gt3A_549 : vector<16xi1>
        %add3A_551 = arith.constant 192 : i32
        %add3A_552 = arith.addi %mul3A_197, %add3A_551 : i32
        %get3A_553 = arith.constant 2 : i32
        %get3A_554 = arith.index_cast %get3A_553 : i32 to index
        %get3A_555 = arith.index_cast %add3A_552 : i32 to index
        %get3A_556 = tpu.vector_load %arg5[%get3A_554, %get3A_555] {strides = array<i32>} : memref<8x6272xf32, #tpu.memory_space<vmem>>, vector<16xf32>,
        %gt3A_557 = arith.cmpf ogt, %get3A_556, %gather3A_455 : vector<16xf32>
        %or3A_558 = arith.ori %or3A_550, %gt3A_557 : vector<16xi1>
        %add3A_559 = arith.constant 208 : i32
        %add3A_560 = arith.addi %mul3A_197, %add3A_559 : i32
        %get3A_561 = arith.constant 2 : i32
        %get3A_562 = arith.index_cast %get3A_561 : i32 to index
        %get3A_563 = arith.index_cast %add3A_560 : i32 to index
        %get3A_564 = tpu.vector_load %arg5[%get3A_562, %get3A_563] {strides = array<i32>} : memref<8x6272xf32, #tpu.memory_space<vmem>>, vector<16xf32>,
        %gt3A_565 = arith.cmpf ogt, %get3A_564, %gather3A_455 : vector<16xf32>
        %or3A_566 = arith.ori %or3A_558, %gt3A_565 : vector<16xi1>
        %reduce_or3A_567 = arith.constant 1.000000e+00 : f32
        %reduce_or3A_568 = arith.constant 0.000000e+00 : f32
        %reduce_or3A_569 = vector.broadcast %reduce_or3A_567 : f32 to vector<16xf32>
        %reduce_or3A_570 = vector.broadcast %reduce_or3A_568 : f32 to vector<16xf32>
        %reduce_or3A_571 = arith.select %or3A_566, %reduce_or3A_569, %reduce_or3A_570 : vector<16xi1>, vector<16xf32>
        %reduce_or3A_572 = arith.constant true
        %reduce_or3A_573 = vector.broadcast %reduce_or3A_572 : i1 to vector<16xi1>
        %reduce_or3A_574 = tpu.scan <max>, %reduce_or3A_571 masked %reduce_or3A_573 : vector<16xf32>, vector<16xi1> -> vector<16xf32>
        %reduce_or3A_575 = vector.extract %reduce_or3A_574[15] : f32 from vector<16xf32>
        %reduce_or3A_576 = arith.constant 0.000000e+00 : f32
        %reduce_or3A_577 = arith.cmpf ogt, %reduce_or3A_575, %reduce_or3A_576 : f32
        %convert_element_type3A_578 = arith.extui %reduce_or3A_577 : i1 to i32
        %cond3A_579 = arith.constant 0 : i32
        %cond3A_580 = arith.cmpi ne, %convert_element_type3A_578, %cond3A_579 : i32
        scf.if %cond3A_580 {
          %scan3A_1232 = arith.constant 0 : i32
          %scan3A_1233 = arith.constant 0 : i32
          %scan3A_1234 = arith.constant 14 : i32
          %scan3A_1235 = arith.addi %scan3A_1233, %scan3A_1234 : i32
          %scan3A_1236 = arith.constant 1 : i32
          %scan3A_1237 = scf.for %scan3A_1239 = %scan3A_1233 to %scan3A_1235 step %scan3A_1236 iter_args(%scan3A_1240 = %scan3A_1232) -> (i32)  : i32 {
            %mul3A_1241 = arith.constant 16 : i32
            %mul3A_1242 = arith.muli %scan3A_1239, %mul3A_1241 : i32
            %add3A_1243 = arith.addi %mul3A_197, %mul3A_1242 : i32
            %get3A_1244 = arith.constant 2 : i32
            %get3A_1245 = arith.index_cast %get3A_1244 : i32 to index
            %get3A_1246 = arith.index_cast %add3A_1243 : i32 to index
            %get3A_1247 = tpu.vector_load %arg5[%get3A_1245, %get3A_1246] {strides = array<i32>} : memref<8x6272xf32, #tpu.memory_space<vmem>>, vector<16xf32>,
            %broadcast_in_dim3A_1248 = arith.constant 2 : i32
            %broadcast_in_dim3A_1249 = vector.broadcast %broadcast_in_dim3A_1248 : i32 to vector<16xi32>
            %broadcast_in_dim3A_1250 = arith.constant 8 : i32
            %broadcast_in_dim3A_1251 = vector.broadcast %broadcast_in_dim3A_1250 : i32 to vector<16xi32>
            %gather3A_1252 = tpu.vector_load_idx %arg6[%broadcast_in_dim3A_1249, %broadcast_in_dim3A_1251] : memref<8x16xf32, #tpu.memory_space<vmem>>[vector<16xi32>, vector<16xi32>], vector<16xf32>,
            %gt3A_1253 = arith.cmpf ogt, %get3A_1247, %gather3A_1252 : vector<16xf32>
            %reduce_or3A_1254 = arith.constant 1.000000e+00 : f32
            %reduce_or3A_1255 = arith.constant 0.000000e+00 : f32
            %reduce_or3A_1256 = vector.broadcast %reduce_or3A_1254 : f32 to vector<16xf32>
            %reduce_or3A_1257 = vector.broadcast %reduce_or3A_1255 : f32 to vector<16xf32>
            %reduce_or3A_1258 = arith.select %gt3A_1253, %reduce_or3A_1256, %reduce_or3A_1257 : vector<16xi1>, vector<16xf32>
            %reduce_or3A_1259 = arith.constant true
            %reduce_or3A_1260 = vector.broadcast %reduce_or3A_1259 : i1 to vector<16xi1>
            %reduce_or3A_1261 = tpu.scan <max>, %reduce_or3A_1258 masked %reduce_or3A_1260 : vector<16xf32>, vector<16xi1> -> vector<16xf32>
            %reduce_or3A_1262 = vector.extract %reduce_or3A_1261[15] : f32 from vector<16xf32>
            %reduce_or3A_1263 = arith.constant 0.000000e+00 : f32
            %reduce_or3A_1264 = arith.cmpf ogt, %reduce_or3A_1262, %reduce_or3A_1263 : f32
            %convert_element_type3A_1265 = arith.extui %reduce_or3A_1264 : i1 to i32
            %cond3A_1266 = arith.constant 0 : i32
            %cond3A_1267 = arith.cmpi ne, %convert_element_type3A_1265, %cond3A_1266 : i32
            scf.if %cond3A_1267 {
              %mul3A_1269 = arith.constant 6272 : i32
              %mul3A_1270 = arith.muli %scan3A_179, %mul3A_1269 : i32
              %add3A_1271 = arith.addi %mul3A_94, %mul3A_1270 : i32
              %add3A_1272 = arith.addi %add3A_1271, %mul3A_197 : i32
              %mul3A_1273 = arith.constant 16 : i32
              %mul3A_1274 = arith.muli %scan3A_1239, %mul3A_1273 : i32
              %add3A_1275 = arith.addi %add3A_1272, %mul3A_1274 : i32
              %add3A_1276 = vector.broadcast %add3A_1275 : i32 to vector<16xi32>
              %add3A_1277 = arith.addi %add3A_1276, %iota3A : vector<16xi32>
              %masked_sort3A = arith.constant dense<true> : vector<16xi1>
              %masked_sort3A_1278, %masked_sort3A_1279, %masked_sort3A_1280 = tpu.sort %get3A_1247, %add3A_1277 masked %masked_sort3A {descending = true} : (vector<16xf32>, vector<16xi32>, vector<16xi1>) -> (vector<16xi1>, vector<16xf32>, vector<16xi32>)
              %rev3A = arith.constant 15 : i32
              %rev3A_1281 = vector.broadcast %rev3A : i32 to vector<16xi32>
              %rev3A_1282 = tpu.iota {dimensions = array<i32: 0>} : vector<16xi32>
              %rev3A_1283 = arith.subi %rev3A_1281, %rev3A_1282 : vector<16xi32>
              %rev3A_1284 = tpu.dynamic_gather %masked_sort3A_1279[%rev3A_1283] in [0] : vector<16xf32>, vector<16xi32> -> vector<16xf32>
              %rev3A_1285 = arith.constant 15 : i32
              %rev3A_1286 = vector.broadcast %rev3A_1285 : i32 to vector<16xi32>
              %rev3A_1287 = tpu.iota {dimensions = array<i32: 0>} : vector<16xi32>
              %rev3A_1288 = arith.subi %rev3A_1286, %rev3A_1287 : vector<16xi32>
              %rev3A_1289 = tpu.dynamic_gather %masked_sort3A_1280[%rev3A_1288] in [0] : vector<16xi32>, vector<16xi32> -> vector<16xi32>
              %get3A_1290 = arith.constant 2 : i32
              %get3A_1291 = arith.index_cast %get3A_1290 : i32 to index
              %get3A_1292 = arith.constant 0 : index
              %get3A_1293 = tpu.vector_load %arg6[%get3A_1291, %get3A_1292] {strides = array<i32>} : memref<8x16xf32, #tpu.memory_space<vmem>>, vector<16xf32>,
              %get3A_1294 = arith.constant 2 : i32
              %get3A_1295 = arith.index_cast %get3A_1294 : i32 to index
              %get3A_1296 = arith.constant 0 : index
              %get3A_1297 = tpu.vector_load %arg7[%get3A_1295, %get3A_1296] {strides = array<i32>} : memref<8x16xi32, #tpu.memory_space<vmem>>, vector<16xi32>,
              %ge3A = arith.cmpf oge, %get3A_1293, %rev3A_1284 : vector<16xf32>
              %select_n3A = arith.select %ge3A, %get3A_1293, %rev3A_1284 : vector<16xi1>, vector<16xf32>
              %select_n3A_1298 = arith.select %ge3A, %get3A_1297, %rev3A_1289 : vector<16xi1>, vector<16xi32>
              %masked_sort3A_1299 = arith.constant dense<true> : vector<16xi1>
              %masked_sort3A_1300, %masked_sort3A_1301, %masked_sort3A_1302 = tpu.sort %select_n3A, %select_n3A_1298 masked %masked_sort3A_1299 {descending = true} : (vector<16xf32>, vector<16xi32>, vector<16xi1>) -> (vector<16xi1>, vector<16xf32>, vector<16xi32>)
              %swap3A_1303 = arith.constant 2 : i32
              %swap3A_1304 = arith.index_cast %swap3A_1303 : i32 to index
              %swap3A_1305 = arith.constant 0 : index
              %swap3A_1306 = tpu.vector_load %arg6[%swap3A_1304, %swap3A_1305] {strides = array<i32>} : memref<8x16xf32, #tpu.memory_space<vmem>>, vector<16xf32>,
              tpu.vector_store %arg6[%swap3A_1304, %swap3A_1305], %masked_sort3A_1301 {strides = array<i32>} : memref<8x16xf32, #tpu.memory_space<vmem>>, vector<16xf32>,
              %swap3A_1307 = arith.constant 2 : i32
              %swap3A_1308 = arith.index_cast %swap3A_1307 : i32 to index
              %swap3A_1309 = arith.constant 0 : index
              %swap3A_1310 = tpu.vector_load %arg7[%swap3A_1308, %swap3A_1309] {strides = array<i32>} : memref<8x16xi32, #tpu.memory_space<vmem>>, vector<16xi32>,
              tpu.vector_store %arg7[%swap3A_1308, %swap3A_1309], %masked_sort3A_1302 {strides = array<i32>} : memref<8x16xi32, #tpu.memory_space<vmem>>, vector<16xi32>,
            } else {
            }
            %scan3A_1268 = arith.constant 0 : i32
            scf.yield %scan3A_1268 : i32
          }
          %scan3A_1238 = arith.constant 14 : i32
        } else {
        }
        %broadcast_in_dim3A_581 = arith.constant 3 : i32
        %broadcast_in_dim3A_582 = vector.broadcast %broadcast_in_dim3A_581 : i32 to vector<16xi32>
        %broadcast_in_dim3A_583 = arith.constant 8 : i32
        %broadcast_in_dim3A_584 = vector.broadcast %broadcast_in_dim3A_583 : i32 to vector<16xi32>
        %gather3A_585 = tpu.vector_load_idx %arg6[%broadcast_in_dim3A_582, %broadcast_in_dim3A_584] : memref<8x16xf32, #tpu.memory_space<vmem>>[vector<16xi32>, vector<16xi32>], vector<16xf32>,
        %add3A_586 = arith.constant 0 : i32
        %add3A_587 = arith.addi %mul3A_197, %add3A_586 : i32
        %get3A_588 = arith.constant 3 : i32
        %get3A_589 = arith.index_cast %get3A_588 : i32 to index
        %get3A_590 = arith.index_cast %add3A_587 : i32 to index
        %get3A_591 = tpu.vector_load %arg5[%get3A_589, %get3A_590] {strides = array<i32>} : memref<8x6272xf32, #tpu.memory_space<vmem>>, vector<16xf32>,
        %gt3A_592 = arith.cmpf ogt, %get3A_591, %gather3A_585 : vector<16xf32>
        %add3A_593 = arith.constant 16 : i32
        %add3A_594 = arith.addi %mul3A_197, %add3A_593 : i32
        %get3A_595 = arith.constant 3 : i32
        %get3A_596 = arith.index_cast %get3A_595 : i32 to index
        %get3A_597 = arith.index_cast %add3A_594 : i32 to index
        %get3A_598 = tpu.vector_load %arg5[%get3A_596, %get3A_597] {strides = array<i32>} : memref<8x6272xf32, #tpu.memory_space<vmem>>, vector<16xf32>,
        %gt3A_599 = arith.cmpf ogt, %get3A_598, %gather3A_585 : vector<16xf32>
        %or3A_600 = arith.ori %gt3A_592, %gt3A_599 : vector<16xi1>
        %add3A_601 = arith.constant 32 : i32
        %add3A_602 = arith.addi %mul3A_197, %add3A_601 : i32
        %get3A_603 = arith.constant 3 : i32
        %get3A_604 = arith.index_cast %get3A_603 : i32 to index
        %get3A_605 = arith.index_cast %add3A_602 : i32 to index
        %get3A_606 = tpu.vector_load %arg5[%get3A_604, %get3A_605] {strides = array<i32>} : memref<8x6272xf32, #tpu.memory_space<vmem>>, vector<16xf32>,
        %gt3A_607 = arith.cmpf ogt, %get3A_606, %gather3A_585 : vector<16xf32>
        %or3A_608 = arith.ori %or3A_600, %gt3A_607 : vector<16xi1>
        %add3A_609 = arith.constant 48 : i32
        %add3A_610 = arith.addi %mul3A_197, %add3A_609 : i32
        %get3A_611 = arith.constant 3 : i32
        %get3A_612 = arith.index_cast %get3A_611 : i32 to index
        %get3A_613 = arith.index_cast %add3A_610 : i32 to index
        %get3A_614 = tpu.vector_load %arg5[%get3A_612, %get3A_613] {strides = array<i32>} : memref<8x6272xf32, #tpu.memory_space<vmem>>, vector<16xf32>,
        %gt3A_615 = arith.cmpf ogt, %get3A_614, %gather3A_585 : vector<16xf32>
        %or3A_616 = arith.ori %or3A_608, %gt3A_615 : vector<16xi1>
        %add3A_617 = arith.constant 64 : i32
        %add3A_618 = arith.addi %mul3A_197, %add3A_617 : i32
        %get3A_619 = arith.constant 3 : i32
        %get3A_620 = arith.index_cast %get3A_619 : i32 to index
        %get3A_621 = arith.index_cast %add3A_618 : i32 to index
        %get3A_622 = tpu.vector_load %arg5[%get3A_620, %get3A_621] {strides = array<i32>} : memref<8x6272xf32, #tpu.memory_space<vmem>>, vector<16xf32>,
        %gt3A_623 = arith.cmpf ogt, %get3A_622, %gather3A_585 : vector<16xf32>
        %or3A_624 = arith.ori %or3A_616, %gt3A_623 : vector<16xi1>
        %add3A_625 = arith.constant 80 : i32
        %add3A_626 = arith.addi %mul3A_197, %add3A_625 : i32
        %get3A_627 = arith.constant 3 : i32
        %get3A_628 = arith.index_cast %get3A_627 : i32 to index
        %get3A_629 = arith.index_cast %add3A_626 : i32 to index
        %get3A_630 = tpu.vector_load %arg5[%get3A_628, %get3A_629] {strides = array<i32>} : memref<8x6272xf32, #tpu.memory_space<vmem>>, vector<16xf32>,
        %gt3A_631 = arith.cmpf ogt, %get3A_630, %gather3A_585 : vector<16xf32>
        %or3A_632 = arith.ori %or3A_624, %gt3A_631 : vector<16xi1>
        %add3A_633 = arith.constant 96 : i32
        %add3A_634 = arith.addi %mul3A_197, %add3A_633 : i32
        %get3A_635 = arith.constant 3 : i32
        %get3A_636 = arith.index_cast %get3A_635 : i32 to index
        %get3A_637 = arith.index_cast %add3A_634 : i32 to index
        %get3A_638 = tpu.vector_load %arg5[%get3A_636, %get3A_637] {strides = array<i32>} : memref<8x6272xf32, #tpu.memory_space<vmem>>, vector<16xf32>,
        %gt3A_639 = arith.cmpf ogt, %get3A_638, %gather3A_585 : vector<16xf32>
        %or3A_640 = arith.ori %or3A_632, %gt3A_639 : vector<16xi1>
        %add3A_641 = arith.constant 112 : i32
        %add3A_642 = arith.addi %mul3A_197, %add3A_641 : i32
        %get3A_643 = arith.constant 3 : i32
        %get3A_644 = arith.index_cast %get3A_643 : i32 to index
        %get3A_645 = arith.index_cast %add3A_642 : i32 to index
        %get3A_646 = tpu.vector_load %arg5[%get3A_644, %get3A_645] {strides = array<i32>} : memref<8x6272xf32, #tpu.memory_space<vmem>>, vector<16xf32>,
        %gt3A_647 = arith.cmpf ogt, %get3A_646, %gather3A_585 : vector<16xf32>
        %or3A_648 = arith.ori %or3A_640, %gt3A_647 : vector<16xi1>
        %add3A_649 = arith.constant 128 : i32
        %add3A_650 = arith.addi %mul3A_197, %add3A_649 : i32
        %get3A_651 = arith.constant 3 : i32
        %get3A_652 = arith.index_cast %get3A_651 : i32 to index
        %get3A_653 = arith.index_cast %add3A_650 : i32 to index
        %get3A_654 = tpu.vector_load %arg5[%get3A_652, %get3A_653] {strides = array<i32>} : memref<8x6272xf32, #tpu.memory_space<vmem>>, vector<16xf32>,
        %gt3A_655 = arith.cmpf ogt, %get3A_654, %gather3A_585 : vector<16xf32>
        %or3A_656 = arith.ori %or3A_648, %gt3A_655 : vector<16xi1>
        %add3A_657 = arith.constant 144 : i32
        %add3A_658 = arith.addi %mul3A_197, %add3A_657 : i32
        %get3A_659 = arith.constant 3 : i32
        %get3A_660 = arith.index_cast %get3A_659 : i32 to index
        %get3A_661 = arith.index_cast %add3A_658 : i32 to index
        %get3A_662 = tpu.vector_load %arg5[%get3A_660, %get3A_661] {strides = array<i32>} : memref<8x6272xf32, #tpu.memory_space<vmem>>, vector<16xf32>,
        %gt3A_663 = arith.cmpf ogt, %get3A_662, %gather3A_585 : vector<16xf32>
        %or3A_664 = arith.ori %or3A_656, %gt3A_663 : vector<16xi1>
        %add3A_665 = arith.constant 160 : i32
        %add3A_666 = arith.addi %mul3A_197, %add3A_665 : i32
        %get3A_667 = arith.constant 3 : i32
        %get3A_668 = arith.index_cast %get3A_667 : i32 to index
        %get3A_669 = arith.index_cast %add3A_666 : i32 to index
        %get3A_670 = tpu.vector_load %arg5[%get3A_668, %get3A_669] {strides = array<i32>} : memref<8x6272xf32, #tpu.memory_space<vmem>>, vector<16xf32>,
        %gt3A_671 = arith.cmpf ogt, %get3A_670, %gather3A_585 : vector<16xf32>
        %or3A_672 = arith.ori %or3A_664, %gt3A_671 : vector<16xi1>
        %add3A_673 = arith.constant 176 : i32
        %add3A_674 = arith.addi %mul3A_197, %add3A_673 : i32
        %get3A_675 = arith.constant 3 : i32
        %get3A_676 = arith.index_cast %get3A_675 : i32 to index
        %get3A_677 = arith.index_cast %add3A_674 : i32 to index
        %get3A_678 = tpu.vector_load %arg5[%get3A_676, %get3A_677] {strides = array<i32>} : memref<8x6272xf32, #tpu.memory_space<vmem>>, vector<16xf32>,
        %gt3A_679 = arith.cmpf ogt, %get3A_678, %gather3A_585 : vector<16xf32>
        %or3A_680 = arith.ori %or3A_672, %gt3A_679 : vector<16xi1>
        %add3A_681 = arith.constant 192 : i32
        %add3A_682 = arith.addi %mul3A_197, %add3A_681 : i32
        %get3A_683 = arith.constant 3 : i32
        %get3A_684 = arith.index_cast %get3A_683 : i32 to index
        %get3A_685 = arith.index_cast %add3A_682 : i32 to index
        %get3A_686 = tpu.vector_load %arg5[%get3A_684, %get3A_685] {strides = array<i32>} : memref<8x6272xf32, #tpu.memory_space<vmem>>, vector<16xf32>,
        %gt3A_687 = arith.cmpf ogt, %get3A_686, %gather3A_585 : vector<16xf32>
        %or3A_688 = arith.ori %or3A_680, %gt3A_687 : vector<16xi1>
        %add3A_689 = arith.constant 208 : i32
        %add3A_690 = arith.addi %mul3A_197, %add3A_689 : i32
        %get3A_691 = arith.constant 3 : i32
        %get3A_692 = arith.index_cast %get3A_691 : i32 to index
        %get3A_693 = arith.index_cast %add3A_690 : i32 to index
        %get3A_694 = tpu.vector_load %arg5[%get3A_692, %get3A_693] {strides = array<i32>} : memref<8x6272xf32, #tpu.memory_space<vmem>>, vector<16xf32>,
        %gt3A_695 = arith.cmpf ogt, %get3A_694, %gather3A_585 : vector<16xf32>
        %or3A_696 = arith.ori %or3A_688, %gt3A_695 : vector<16xi1>
        %reduce_or3A_697 = arith.constant 1.000000e+00 : f32
        %reduce_or3A_698 = arith.constant 0.000000e+00 : f32
        %reduce_or3A_699 = vector.broadcast %reduce_or3A_697 : f32 to vector<16xf32>
        %reduce_or3A_700 = vector.broadcast %reduce_or3A_698 : f32 to vector<16xf32>
        %reduce_or3A_701 = arith.select %or3A_696, %reduce_or3A_699, %reduce_or3A_700 : vector<16xi1>, vector<16xf32>
        %reduce_or3A_702 = arith.constant true
        %reduce_or3A_703 = vector.broadcast %reduce_or3A_702 : i1 to vector<16xi1>
        %reduce_or3A_704 = tpu.scan <max>, %reduce_or3A_701 masked %reduce_or3A_703 : vector<16xf32>, vector<16xi1> -> vector<16xf32>
        %reduce_or3A_705 = vector.extract %reduce_or3A_704[15] : f32 from vector<16xf32>
        %reduce_or3A_706 = arith.constant 0.000000e+00 : f32
        %reduce_or3A_707 = arith.cmpf ogt, %reduce_or3A_705, %reduce_or3A_706 : f32
        %convert_element_type3A_708 = arith.extui %reduce_or3A_707 : i1 to i32
        %cond3A_709 = arith.constant 0 : i32
        %cond3A_710 = arith.cmpi ne, %convert_element_type3A_708, %cond3A_709 : i32
        scf.if %cond3A_710 {
          %scan3A_1232 = arith.constant 0 : i32
          %scan3A_1233 = arith.constant 0 : i32
          %scan3A_1234 = arith.constant 14 : i32
          %scan3A_1235 = arith.addi %scan3A_1233, %scan3A_1234 : i32
          %scan3A_1236 = arith.constant 1 : i32
          %scan3A_1237 = scf.for %scan3A_1239 = %scan3A_1233 to %scan3A_1235 step %scan3A_1236 iter_args(%scan3A_1240 = %scan3A_1232) -> (i32)  : i32 {
            %mul3A_1241 = arith.constant 16 : i32
            %mul3A_1242 = arith.muli %scan3A_1239, %mul3A_1241 : i32
            %add3A_1243 = arith.addi %mul3A_197, %mul3A_1242 : i32
            %get3A_1244 = arith.constant 3 : i32
            %get3A_1245 = arith.index_cast %get3A_1244 : i32 to index
            %get3A_1246 = arith.index_cast %add3A_1243 : i32 to index
            %get3A_1247 = tpu.vector_load %arg5[%get3A_1245, %get3A_1246] {strides = array<i32>} : memref<8x6272xf32, #tpu.memory_space<vmem>>, vector<16xf32>,
            %broadcast_in_dim3A_1248 = arith.constant 3 : i32
            %broadcast_in_dim3A_1249 = vector.broadcast %broadcast_in_dim3A_1248 : i32 to vector<16xi32>
            %broadcast_in_dim3A_1250 = arith.constant 8 : i32
            %broadcast_in_dim3A_1251 = vector.broadcast %broadcast_in_dim3A_1250 : i32 to vector<16xi32>
            %gather3A_1252 = tpu.vector_load_idx %arg6[%broadcast_in_dim3A_1249, %broadcast_in_dim3A_1251] : memref<8x16xf32, #tpu.memory_space<vmem>>[vector<16xi32>, vector<16xi32>], vector<16xf32>,
            %gt3A_1253 = arith.cmpf ogt, %get3A_1247, %gather3A_1252 : vector<16xf32>
            %reduce_or3A_1254 = arith.constant 1.000000e+00 : f32
            %reduce_or3A_1255 = arith.constant 0.000000e+00 : f32
            %reduce_or3A_1256 = vector.broadcast %reduce_or3A_1254 : f32 to vector<16xf32>
            %reduce_or3A_1257 = vector.broadcast %reduce_or3A_1255 : f32 to vector<16xf32>
            %reduce_or3A_1258 = arith.select %gt3A_1253, %reduce_or3A_1256, %reduce_or3A_1257 : vector<16xi1>, vector<16xf32>
            %reduce_or3A_1259 = arith.constant true
            %reduce_or3A_1260 = vector.broadcast %reduce_or3A_1259 : i1 to vector<16xi1>
            %reduce_or3A_1261 = tpu.scan <max>, %reduce_or3A_1258 masked %reduce_or3A_1260 : vector<16xf32>, vector<16xi1> -> vector<16xf32>
            %reduce_or3A_1262 = vector.extract %reduce_or3A_1261[15] : f32 from vector<16xf32>
            %reduce_or3A_1263 = arith.constant 0.000000e+00 : f32
            %reduce_or3A_1264 = arith.cmpf ogt, %reduce_or3A_1262, %reduce_or3A_1263 : f32
            %convert_element_type3A_1265 = arith.extui %reduce_or3A_1264 : i1 to i32
            %cond3A_1266 = arith.constant 0 : i32
            %cond3A_1267 = arith.cmpi ne, %convert_element_type3A_1265, %cond3A_1266 : i32
            scf.if %cond3A_1267 {
              %mul3A_1269 = arith.constant 6272 : i32
              %mul3A_1270 = arith.muli %scan3A_179, %mul3A_1269 : i32
              %add3A_1271 = arith.addi %mul3A_94, %mul3A_1270 : i32
              %add3A_1272 = arith.addi %add3A_1271, %mul3A_197 : i32
              %mul3A_1273 = arith.constant 16 : i32
              %mul3A_1274 = arith.muli %scan3A_1239, %mul3A_1273 : i32
              %add3A_1275 = arith.addi %add3A_1272, %mul3A_1274 : i32
              %add3A_1276 = vector.broadcast %add3A_1275 : i32 to vector<16xi32>
              %add3A_1277 = arith.addi %add3A_1276, %iota3A : vector<16xi32>
              %masked_sort3A = arith.constant dense<true> : vector<16xi1>
              %masked_sort3A_1278, %masked_sort3A_1279, %masked_sort3A_1280 = tpu.sort %get3A_1247, %add3A_1277 masked %masked_sort3A {descending = true} : (vector<16xf32>, vector<16xi32>, vector<16xi1>) -> (vector<16xi1>, vector<16xf32>, vector<16xi32>)
              %rev3A = arith.constant 15 : i32
              %rev3A_1281 = vector.broadcast %rev3A : i32 to vector<16xi32>
              %rev3A_1282 = tpu.iota {dimensions = array<i32: 0>} : vector<16xi32>
              %rev3A_1283 = arith.subi %rev3A_1281, %rev3A_1282 : vector<16xi32>
              %rev3A_1284 = tpu.dynamic_gather %masked_sort3A_1279[%rev3A_1283] in [0] : vector<16xf32>, vector<16xi32> -> vector<16xf32>
              %rev3A_1285 = arith.constant 15 : i32
              %rev3A_1286 = vector.broadcast %rev3A_1285 : i32 to vector<16xi32>
              %rev3A_1287 = tpu.iota {dimensions = array<i32: 0>} : vector<16xi32>
              %rev3A_1288 = arith.subi %rev3A_1286, %rev3A_1287 : vector<16xi32>
              %rev3A_1289 = tpu.dynamic_gather %masked_sort3A_1280[%rev3A_1288] in [0] : vector<16xi32>, vector<16xi32> -> vector<16xi32>
              %get3A_1290 = arith.constant 3 : i32
              %get3A_1291 = arith.index_cast %get3A_1290 : i32 to index
              %get3A_1292 = arith.constant 0 : index
              %get3A_1293 = tpu.vector_load %arg6[%get3A_1291, %get3A_1292] {strides = array<i32>} : memref<8x16xf32, #tpu.memory_space<vmem>>, vector<16xf32>,
              %get3A_1294 = arith.constant 3 : i32
              %get3A_1295 = arith.index_cast %get3A_1294 : i32 to index
              %get3A_1296 = arith.constant 0 : index
              %get3A_1297 = tpu.vector_load %arg7[%get3A_1295, %get3A_1296] {strides = array<i32>} : memref<8x16xi32, #tpu.memory_space<vmem>>, vector<16xi32>,
              %ge3A = arith.cmpf oge, %get3A_1293, %rev3A_1284 : vector<16xf32>
              %select_n3A = arith.select %ge3A, %get3A_1293, %rev3A_1284 : vector<16xi1>, vector<16xf32>
              %select_n3A_1298 = arith.select %ge3A, %get3A_1297, %rev3A_1289 : vector<16xi1>, vector<16xi32>
              %masked_sort3A_1299 = arith.constant dense<true> : vector<16xi1>
              %masked_sort3A_1300, %masked_sort3A_1301, %masked_sort3A_1302 = tpu.sort %select_n3A, %select_n3A_1298 masked %masked_sort3A_1299 {descending = true} : (vector<16xf32>, vector<16xi32>, vector<16xi1>) -> (vector<16xi1>, vector<16xf32>, vector<16xi32>)
              %swap3A_1303 = arith.constant 3 : i32
              %swap3A_1304 = arith.index_cast %swap3A_1303 : i32 to index
              %swap3A_1305 = arith.constant 0 : index
              %swap3A_1306 = tpu.vector_load %arg6[%swap3A_1304, %swap3A_1305] {strides = array<i32>} : memref<8x16xf32, #tpu.memory_space<vmem>>, vector<16xf32>,
              tpu.vector_store %arg6[%swap3A_1304, %swap3A_1305], %masked_sort3A_1301 {strides = array<i32>} : memref<8x16xf32, #tpu.memory_space<vmem>>, vector<16xf32>,
              %swap3A_1307 = arith.constant 3 : i32
              %swap3A_1308 = arith.index_cast %swap3A_1307 : i32 to index
              %swap3A_1309 = arith.constant 0 : index
              %swap3A_1310 = tpu.vector_load %arg7[%swap3A_1308, %swap3A_1309] {strides = array<i32>} : memref<8x16xi32, #tpu.memory_space<vmem>>, vector<16xi32>,
              tpu.vector_store %arg7[%swap3A_1308, %swap3A_1309], %masked_sort3A_1302 {strides = array<i32>} : memref<8x16xi32, #tpu.memory_space<vmem>>, vector<16xi32>,
            } else {
            }
            %scan3A_1268 = arith.constant 0 : i32
            scf.yield %scan3A_1268 : i32
          }
          %scan3A_1238 = arith.constant 14 : i32
        } else {
        }
        %broadcast_in_dim3A_711 = arith.constant 4 : i32
        %broadcast_in_dim3A_712 = vector.broadcast %broadcast_in_dim3A_711 : i32 to vector<16xi32>
        %broadcast_in_dim3A_713 = arith.constant 8 : i32
        %broadcast_in_dim3A_714 = vector.broadcast %broadcast_in_dim3A_713 : i32 to vector<16xi32>
        %gather3A_715 = tpu.vector_load_idx %arg6[%broadcast_in_dim3A_712, %broadcast_in_dim3A_714] : memref<8x16xf32, #tpu.memory_space<vmem>>[vector<16xi32>, vector<16xi32>], vector<16xf32>,
        %add3A_716 = arith.constant 0 : i32
        %add3A_717 = arith.addi %mul3A_197, %add3A_716 : i32
        %get3A_718 = arith.constant 4 : i32
        %get3A_719 = arith.index_cast %get3A_718 : i32 to index
        %get3A_720 = arith.index_cast %add3A_717 : i32 to index
        %get3A_721 = tpu.vector_load %arg5[%get3A_719, %get3A_720] {strides = array<i32>} : memref<8x6272xf32, #tpu.memory_space<vmem>>, vector<16xf32>,
        %gt3A_722 = arith.cmpf ogt, %get3A_721, %gather3A_715 : vector<16xf32>
        %add3A_723 = arith.constant 16 : i32
        %add3A_724 = arith.addi %mul3A_197, %add3A_723 : i32
        %get3A_725 = arith.constant 4 : i32
        %get3A_726 = arith.index_cast %get3A_725 : i32 to index
        %get3A_727 = arith.index_cast %add3A_724 : i32 to index
        %get3A_728 = tpu.vector_load %arg5[%get3A_726, %get3A_727] {strides = array<i32>} : memref<8x6272xf32, #tpu.memory_space<vmem>>, vector<16xf32>,
        %gt3A_729 = arith.cmpf ogt, %get3A_728, %gather3A_715 : vector<16xf32>
        %or3A_730 = arith.ori %gt3A_722, %gt3A_729 : vector<16xi1>
        %add3A_731 = arith.constant 32 : i32
        %add3A_732 = arith.addi %mul3A_197, %add3A_731 : i32
        %get3A_733 = arith.constant 4 : i32
        %get3A_734 = arith.index_cast %get3A_733 : i32 to index
        %get3A_735 = arith.index_cast %add3A_732 : i32 to index
        %get3A_736 = tpu.vector_load %arg5[%get3A_734, %get3A_735] {strides = array<i32>} : memref<8x6272xf32, #tpu.memory_space<vmem>>, vector<16xf32>,
        %gt3A_737 = arith.cmpf ogt, %get3A_736, %gather3A_715 : vector<16xf32>
        %or3A_738 = arith.ori %or3A_730, %gt3A_737 : vector<16xi1>
        %add3A_739 = arith.constant 48 : i32
        %add3A_740 = arith.addi %mul3A_197, %add3A_739 : i32
        %get3A_741 = arith.constant 4 : i32
        %get3A_742 = arith.index_cast %get3A_741 : i32 to index
        %get3A_743 = arith.index_cast %add3A_740 : i32 to index
        %get3A_744 = tpu.vector_load %arg5[%get3A_742, %get3A_743] {strides = array<i32>} : memref<8x6272xf32, #tpu.memory_space<vmem>>, vector<16xf32>,
        %gt3A_745 = arith.cmpf ogt, %get3A_744, %gather3A_715 : vector<16xf32>
        %or3A_746 = arith.ori %or3A_738, %gt3A_745 : vector<16xi1>
        %add3A_747 = arith.constant 64 : i32
        %add3A_748 = arith.addi %mul3A_197, %add3A_747 : i32
        %get3A_749 = arith.constant 4 : i32
        %get3A_750 = arith.index_cast %get3A_749 : i32 to index
        %get3A_751 = arith.index_cast %add3A_748 : i32 to index
        %get3A_752 = tpu.vector_load %arg5[%get3A_750, %get3A_751] {strides = array<i32>} : memref<8x6272xf32, #tpu.memory_space<vmem>>, vector<16xf32>,
        %gt3A_753 = arith.cmpf ogt, %get3A_752, %gather3A_715 : vector<16xf32>
        %or3A_754 = arith.ori %or3A_746, %gt3A_753 : vector<16xi1>
        %add3A_755 = arith.constant 80 : i32
        %add3A_756 = arith.addi %mul3A_197, %add3A_755 : i32
        %get3A_757 = arith.constant 4 : i32
        %get3A_758 = arith.index_cast %get3A_757 : i32 to index
        %get3A_759 = arith.index_cast %add3A_756 : i32 to index
        %get3A_760 = tpu.vector_load %arg5[%get3A_758, %get3A_759] {strides = array<i32>} : memref<8x6272xf32, #tpu.memory_space<vmem>>, vector<16xf32>,
        %gt3A_761 = arith.cmpf ogt, %get3A_760, %gather3A_715 : vector<16xf32>
        %or3A_762 = arith.ori %or3A_754, %gt3A_761 : vector<16xi1>
        %add3A_763 = arith.constant 96 : i32
        %add3A_764 = arith.addi %mul3A_197, %add3A_763 : i32
        %get3A_765 = arith.constant 4 : i32
        %get3A_766 = arith.index_cast %get3A_765 : i32 to index
        %get3A_767 = arith.index_cast %add3A_764 : i32 to index
        %get3A_768 = tpu.vector_load %arg5[%get3A_766, %get3A_767] {strides = array<i32>} : memref<8x6272xf32, #tpu.memory_space<vmem>>, vector<16xf32>,
        %gt3A_769 = arith.cmpf ogt, %get3A_768, %gather3A_715 : vector<16xf32>
        %or3A_770 = arith.ori %or3A_762, %gt3A_769 : vector<16xi1>
        %add3A_771 = arith.constant 112 : i32
        %add3A_772 = arith.addi %mul3A_197, %add3A_771 : i32
        %get3A_773 = arith.constant 4 : i32
        %get3A_774 = arith.index_cast %get3A_773 : i32 to index
        %get3A_775 = arith.index_cast %add3A_772 : i32 to index
        %get3A_776 = tpu.vector_load %arg5[%get3A_774, %get3A_775] {strides = array<i32>} : memref<8x6272xf32, #tpu.memory_space<vmem>>, vector<16xf32>,
        %gt3A_777 = arith.cmpf ogt, %get3A_776, %gather3A_715 : vector<16xf32>
        %or3A_778 = arith.ori %or3A_770, %gt3A_777 : vector<16xi1>
        %add3A_779 = arith.constant 128 : i32
        %add3A_780 = arith.addi %mul3A_197, %add3A_779 : i32
        %get3A_781 = arith.constant 4 : i32
        %get3A_782 = arith.index_cast %get3A_781 : i32 to index
        %get3A_783 = arith.index_cast %add3A_780 : i32 to index
        %get3A_784 = tpu.vector_load %arg5[%get3A_782, %get3A_783] {strides = array<i32>} : memref<8x6272xf32, #tpu.memory_space<vmem>>, vector<16xf32>,
        %gt3A_785 = arith.cmpf ogt, %get3A_784, %gather3A_715 : vector<16xf32>
        %or3A_786 = arith.ori %or3A_778, %gt3A_785 : vector<16xi1>
        %add3A_787 = arith.constant 144 : i32
        %add3A_788 = arith.addi %mul3A_197, %add3A_787 : i32
        %get3A_789 = arith.constant 4 : i32
        %get3A_790 = arith.index_cast %get3A_789 : i32 to index
        %get3A_791 = arith.index_cast %add3A_788 : i32 to index
        %get3A_792 = tpu.vector_load %arg5[%get3A_790, %get3A_791] {strides = array<i32>} : memref<8x6272xf32, #tpu.memory_space<vmem>>, vector<16xf32>,
        %gt3A_793 = arith.cmpf ogt, %get3A_792, %gather3A_715 : vector<16xf32>
        %or3A_794 = arith.ori %or3A_786, %gt3A_793 : vector<16xi1>
        %add3A_795 = arith.constant 160 : i32
        %add3A_796 = arith.addi %mul3A_197, %add3A_795 : i32
        %get3A_797 = arith.constant 4 : i32
        %get3A_798 = arith.index_cast %get3A_797 : i32 to index
        %get3A_799 = arith.index_cast %add3A_796 : i32 to index
        %get3A_800 = tpu.vector_load %arg5[%get3A_798, %get3A_799] {strides = array<i32>} : memref<8x6272xf32, #tpu.memory_space<vmem>>, vector<16xf32>,
        %gt3A_801 = arith.cmpf ogt, %get3A_800, %gather3A_715 : vector<16xf32>
        %or3A_802 = arith.ori %or3A_794, %gt3A_801 : vector<16xi1>
        %add3A_803 = arith.constant 176 : i32
        %add3A_804 = arith.addi %mul3A_197, %add3A_803 : i32
        %get3A_805 = arith.constant 4 : i32
        %get3A_806 = arith.index_cast %get3A_805 : i32 to index
        %get3A_807 = arith.index_cast %add3A_804 : i32 to index
        %get3A_808 = tpu.vector_load %arg5[%get3A_806, %get3A_807] {strides = array<i32>} : memref<8x6272xf32, #tpu.memory_space<vmem>>, vector<16xf32>,
        %gt3A_809 = arith.cmpf ogt, %get3A_808, %gather3A_715 : vector<16xf32>
        %or3A_810 = arith.ori %or3A_802, %gt3A_809 : vector<16xi1>
        %add3A_811 = arith.constant 192 : i32
        %add3A_812 = arith.addi %mul3A_197, %add3A_811 : i32
        %get3A_813 = arith.constant 4 : i32
        %get3A_814 = arith.index_cast %get3A_813 : i32 to index
        %get3A_815 = arith.index_cast %add3A_812 : i32 to index
        %get3A_816 = tpu.vector_load %arg5[%get3A_814, %get3A_815] {strides = array<i32>} : memref<8x6272xf32, #tpu.memory_space<vmem>>, vector<16xf32>,
        %gt3A_817 = arith.cmpf ogt, %get3A_816, %gather3A_715 : vector<16xf32>
        %or3A_818 = arith.ori %or3A_810, %gt3A_817 : vector<16xi1>
        %add3A_819 = arith.constant 208 : i32
        %add3A_820 = arith.addi %mul3A_197, %add3A_819 : i32
        %get3A_821 = arith.constant 4 : i32
        %get3A_822 = arith.index_cast %get3A_821 : i32 to index
        %get3A_823 = arith.index_cast %add3A_820 : i32 to index
        %get3A_824 = tpu.vector_load %arg5[%get3A_822, %get3A_823] {strides = array<i32>} : memref<8x6272xf32, #tpu.memory_space<vmem>>, vector<16xf32>,
        %gt3A_825 = arith.cmpf ogt, %get3A_824, %gather3A_715 : vector<16xf32>
        %or3A_826 = arith.ori %or3A_818, %gt3A_825 : vector<16xi1>
        %reduce_or3A_827 = arith.constant 1.000000e+00 : f32
        %reduce_or3A_828 = arith.constant 0.000000e+00 : f32
        %reduce_or3A_829 = vector.broadcast %reduce_or3A_827 : f32 to vector<16xf32>
        %reduce_or3A_830 = vector.broadcast %reduce_or3A_828 : f32 to vector<16xf32>
        %reduce_or3A_831 = arith.select %or3A_826, %reduce_or3A_829, %reduce_or3A_830 : vector<16xi1>, vector<16xf32>
        %reduce_or3A_832 = arith.constant true
        %reduce_or3A_833 = vector.broadcast %reduce_or3A_832 : i1 to vector<16xi1>
        %reduce_or3A_834 = tpu.scan <max>, %reduce_or3A_831 masked %reduce_or3A_833 : vector<16xf32>, vector<16xi1> -> vector<16xf32>
        %reduce_or3A_835 = vector.extract %reduce_or3A_834[15] : f32 from vector<16xf32>
        %reduce_or3A_836 = arith.constant 0.000000e+00 : f32
        %reduce_or3A_837 = arith.cmpf ogt, %reduce_or3A_835, %reduce_or3A_836 : f32
        %convert_element_type3A_838 = arith.extui %reduce_or3A_837 : i1 to i32
        %cond3A_839 = arith.constant 0 : i32
        %cond3A_840 = arith.cmpi ne, %convert_element_type3A_838, %cond3A_839 : i32
        scf.if %cond3A_840 {
          %scan3A_1232 = arith.constant 0 : i32
          %scan3A_1233 = arith.constant 0 : i32
          %scan3A_1234 = arith.constant 14 : i32
          %scan3A_1235 = arith.addi %scan3A_1233, %scan3A_1234 : i32
          %scan3A_1236 = arith.constant 1 : i32
          %scan3A_1237 = scf.for %scan3A_1239 = %scan3A_1233 to %scan3A_1235 step %scan3A_1236 iter_args(%scan3A_1240 = %scan3A_1232) -> (i32)  : i32 {
            %mul3A_1241 = arith.constant 16 : i32
            %mul3A_1242 = arith.muli %scan3A_1239, %mul3A_1241 : i32
            %add3A_1243 = arith.addi %mul3A_197, %mul3A_1242 : i32
            %get3A_1244 = arith.constant 4 : i32
            %get3A_1245 = arith.index_cast %get3A_1244 : i32 to index
            %get3A_1246 = arith.index_cast %add3A_1243 : i32 to index
            %get3A_1247 = tpu.vector_load %arg5[%get3A_1245, %get3A_1246] {strides = array<i32>} : memref<8x6272xf32, #tpu.memory_space<vmem>>, vector<16xf32>,
            %broadcast_in_dim3A_1248 = arith.constant 4 : i32
            %broadcast_in_dim3A_1249 = vector.broadcast %broadcast_in_dim3A_1248 : i32 to vector<16xi32>
            %broadcast_in_dim3A_1250 = arith.constant 8 : i32
            %broadcast_in_dim3A_1251 = vector.broadcast %broadcast_in_dim3A_1250 : i32 to vector<16xi32>
            %gather3A_1252 = tpu.vector_load_idx %arg6[%broadcast_in_dim3A_1249, %broadcast_in_dim3A_1251] : memref<8x16xf32, #tpu.memory_space<vmem>>[vector<16xi32>, vector<16xi32>], vector<16xf32>,
            %gt3A_1253 = arith.cmpf ogt, %get3A_1247, %gather3A_1252 : vector<16xf32>
            %reduce_or3A_1254 = arith.constant 1.000000e+00 : f32
            %reduce_or3A_1255 = arith.constant 0.000000e+00 : f32
            %reduce_or3A_1256 = vector.broadcast %reduce_or3A_1254 : f32 to vector<16xf32>
            %reduce_or3A_1257 = vector.broadcast %reduce_or3A_1255 : f32 to vector<16xf32>
            %reduce_or3A_1258 = arith.select %gt3A_1253, %reduce_or3A_1256, %reduce_or3A_1257 : vector<16xi1>, vector<16xf32>
            %reduce_or3A_1259 = arith.constant true
            %reduce_or3A_1260 = vector.broadcast %reduce_or3A_1259 : i1 to vector<16xi1>
            %reduce_or3A_1261 = tpu.scan <max>, %reduce_or3A_1258 masked %reduce_or3A_1260 : vector<16xf32>, vector<16xi1> -> vector<16xf32>
            %reduce_or3A_1262 = vector.extract %reduce_or3A_1261[15] : f32 from vector<16xf32>
            %reduce_or3A_1263 = arith.constant 0.000000e+00 : f32
            %reduce_or3A_1264 = arith.cmpf ogt, %reduce_or3A_1262, %reduce_or3A_1263 : f32
            %convert_element_type3A_1265 = arith.extui %reduce_or3A_1264 : i1 to i32
            %cond3A_1266 = arith.constant 0 : i32
            %cond3A_1267 = arith.cmpi ne, %convert_element_type3A_1265, %cond3A_1266 : i32
            scf.if %cond3A_1267 {
              %mul3A_1269 = arith.constant 6272 : i32
              %mul3A_1270 = arith.muli %scan3A_179, %mul3A_1269 : i32
              %add3A_1271 = arith.addi %mul3A_94, %mul3A_1270 : i32
              %add3A_1272 = arith.addi %add3A_1271, %mul3A_197 : i32
              %mul3A_1273 = arith.constant 16 : i32
              %mul3A_1274 = arith.muli %scan3A_1239, %mul3A_1273 : i32
              %add3A_1275 = arith.addi %add3A_1272, %mul3A_1274 : i32
              %add3A_1276 = vector.broadcast %add3A_1275 : i32 to vector<16xi32>
              %add3A_1277 = arith.addi %add3A_1276, %iota3A : vector<16xi32>
              %masked_sort3A = arith.constant dense<true> : vector<16xi1>
              %masked_sort3A_1278, %masked_sort3A_1279, %masked_sort3A_1280 = tpu.sort %get3A_1247, %add3A_1277 masked %masked_sort3A {descending = true} : (vector<16xf32>, vector<16xi32>, vector<16xi1>) -> (vector<16xi1>, vector<16xf32>, vector<16xi32>)
              %rev3A = arith.constant 15 : i32
              %rev3A_1281 = vector.broadcast %rev3A : i32 to vector<16xi32>
              %rev3A_1282 = tpu.iota {dimensions = array<i32: 0>} : vector<16xi32>
              %rev3A_1283 = arith.subi %rev3A_1281, %rev3A_1282 : vector<16xi32>
              %rev3A_1284 = tpu.dynamic_gather %masked_sort3A_1279[%rev3A_1283] in [0] : vector<16xf32>, vector<16xi32> -> vector<16xf32>
              %rev3A_1285 = arith.constant 15 : i32
              %rev3A_1286 = vector.broadcast %rev3A_1285 : i32 to vector<16xi32>
              %rev3A_1287 = tpu.iota {dimensions = array<i32: 0>} : vector<16xi32>
              %rev3A_1288 = arith.subi %rev3A_1286, %rev3A_1287 : vector<16xi32>
              %rev3A_1289 = tpu.dynamic_gather %masked_sort3A_1280[%rev3A_1288] in [0] : vector<16xi32>, vector<16xi32> -> vector<16xi32>
              %get3A_1290 = arith.constant 4 : i32
              %get3A_1291 = arith.index_cast %get3A_1290 : i32 to index
              %get3A_1292 = arith.constant 0 : index
              %get3A_1293 = tpu.vector_load %arg6[%get3A_1291, %get3A_1292] {strides = array<i32>} : memref<8x16xf32, #tpu.memory_space<vmem>>, vector<16xf32>,
              %get3A_1294 = arith.constant 4 : i32
              %get3A_1295 = arith.index_cast %get3A_1294 : i32 to index
              %get3A_1296 = arith.constant 0 : index
              %get3A_1297 = tpu.vector_load %arg7[%get3A_1295, %get3A_1296] {strides = array<i32>} : memref<8x16xi32, #tpu.memory_space<vmem>>, vector<16xi32>,
              %ge3A = arith.cmpf oge, %get3A_1293, %rev3A_1284 : vector<16xf32>
              %select_n3A = arith.select %ge3A, %get3A_1293, %rev3A_1284 : vector<16xi1>, vector<16xf32>
              %select_n3A_1298 = arith.select %ge3A, %get3A_1297, %rev3A_1289 : vector<16xi1>, vector<16xi32>
              %masked_sort3A_1299 = arith.constant dense<true> : vector<16xi1>
              %masked_sort3A_1300, %masked_sort3A_1301, %masked_sort3A_1302 = tpu.sort %select_n3A, %select_n3A_1298 masked %masked_sort3A_1299 {descending = true} : (vector<16xf32>, vector<16xi32>, vector<16xi1>) -> (vector<16xi1>, vector<16xf32>, vector<16xi32>)
              %swap3A_1303 = arith.constant 4 : i32
              %swap3A_1304 = arith.index_cast %swap3A_1303 : i32 to index
              %swap3A_1305 = arith.constant 0 : index
              %swap3A_1306 = tpu.vector_load %arg6[%swap3A_1304, %swap3A_1305] {strides = array<i32>} : memref<8x16xf32, #tpu.memory_space<vmem>>, vector<16xf32>,
              tpu.vector_store %arg6[%swap3A_1304, %swap3A_1305], %masked_sort3A_1301 {strides = array<i32>} : memref<8x16xf32, #tpu.memory_space<vmem>>, vector<16xf32>,
              %swap3A_1307 = arith.constant 4 : i32
              %swap3A_1308 = arith.index_cast %swap3A_1307 : i32 to index
              %swap3A_1309 = arith.constant 0 : index
              %swap3A_1310 = tpu.vector_load %arg7[%swap3A_1308, %swap3A_1309] {strides = array<i32>} : memref<8x16xi32, #tpu.memory_space<vmem>>, vector<16xi32>,
              tpu.vector_store %arg7[%swap3A_1308, %swap3A_1309], %masked_sort3A_1302 {strides = array<i32>} : memref<8x16xi32, #tpu.memory_space<vmem>>, vector<16xi32>,
            } else {
            }
            %scan3A_1268 = arith.constant 0 : i32
            scf.yield %scan3A_1268 : i32
          }
          %scan3A_1238 = arith.constant 14 : i32
        } else {
        }
        %broadcast_in_dim3A_841 = arith.constant 5 : i32
        %broadcast_in_dim3A_842 = vector.broadcast %broadcast_in_dim3A_841 : i32 to vector<16xi32>
        %broadcast_in_dim3A_843 = arith.constant 8 : i32
        %broadcast_in_dim3A_844 = vector.broadcast %broadcast_in_dim3A_843 : i32 to vector<16xi32>
        %gather3A_845 = tpu.vector_load_idx %arg6[%broadcast_in_dim3A_842, %broadcast_in_dim3A_844] : memref<8x16xf32, #tpu.memory_space<vmem>>[vector<16xi32>, vector<16xi32>], vector<16xf32>,
        %add3A_846 = arith.constant 0 : i32
        %add3A_847 = arith.addi %mul3A_197, %add3A_846 : i32
        %get3A_848 = arith.constant 5 : i32
        %get3A_849 = arith.index_cast %get3A_848 : i32 to index
        %get3A_850 = arith.index_cast %add3A_847 : i32 to index
        %get3A_851 = tpu.vector_load %arg5[%get3A_849, %get3A_850] {strides = array<i32>} : memref<8x6272xf32, #tpu.memory_space<vmem>>, vector<16xf32>,
        %gt3A_852 = arith.cmpf ogt, %get3A_851, %gather3A_845 : vector<16xf32>
        %add3A_853 = arith.constant 16 : i32
        %add3A_854 = arith.addi %mul3A_197, %add3A_853 : i32
        %get3A_855 = arith.constant 5 : i32
        %get3A_856 = arith.index_cast %get3A_855 : i32 to index
        %get3A_857 = arith.index_cast %add3A_854 : i32 to index
        %get3A_858 = tpu.vector_load %arg5[%get3A_856, %get3A_857] {strides = array<i32>} : memref<8x6272xf32, #tpu.memory_space<vmem>>, vector<16xf32>,
        %gt3A_859 = arith.cmpf ogt, %get3A_858, %gather3A_845 : vector<16xf32>
        %or3A_860 = arith.ori %gt3A_852, %gt3A_859 : vector<16xi1>
        %add3A_861 = arith.constant 32 : i32
        %add3A_862 = arith.addi %mul3A_197, %add3A_861 : i32
        %get3A_863 = arith.constant 5 : i32
        %get3A_864 = arith.index_cast %get3A_863 : i32 to index
        %get3A_865 = arith.index_cast %add3A_862 : i32 to index
        %get3A_866 = tpu.vector_load %arg5[%get3A_864, %get3A_865] {strides = array<i32>} : memref<8x6272xf32, #tpu.memory_space<vmem>>, vector<16xf32>,
        %gt3A_867 = arith.cmpf ogt, %get3A_866, %gather3A_845 : vector<16xf32>
        %or3A_868 = arith.ori %or3A_860, %gt3A_867 : vector<16xi1>
        %add3A_869 = arith.constant 48 : i32
        %add3A_870 = arith.addi %mul3A_197, %add3A_869 : i32
        %get3A_871 = arith.constant 5 : i32
        %get3A_872 = arith.index_cast %get3A_871 : i32 to index
        %get3A_873 = arith.index_cast %add3A_870 : i32 to index
        %get3A_874 = tpu.vector_load %arg5[%get3A_872, %get3A_873] {strides = array<i32>} : memref<8x6272xf32, #tpu.memory_space<vmem>>, vector<16xf32>,
        %gt3A_875 = arith.cmpf ogt, %get3A_874, %gather3A_845 : vector<16xf32>
        %or3A_876 = arith.ori %or3A_868, %gt3A_875 : vector<16xi1>
        %add3A_877 = arith.constant 64 : i32
        %add3A_878 = arith.addi %mul3A_197, %add3A_877 : i32
        %get3A_879 = arith.constant 5 : i32
        %get3A_880 = arith.index_cast %get3A_879 : i32 to index
        %get3A_881 = arith.index_cast %add3A_878 : i32 to index
        %get3A_882 = tpu.vector_load %arg5[%get3A_880, %get3A_881] {strides = array<i32>} : memref<8x6272xf32, #tpu.memory_space<vmem>>, vector<16xf32>,
        %gt3A_883 = arith.cmpf ogt, %get3A_882, %gather3A_845 : vector<16xf32>
        %or3A_884 = arith.ori %or3A_876, %gt3A_883 : vector<16xi1>
        %add3A_885 = arith.constant 80 : i32
        %add3A_886 = arith.addi %mul3A_197, %add3A_885 : i32
        %get3A_887 = arith.constant 5 : i32
        %get3A_888 = arith.index_cast %get3A_887 : i32 to index
        %get3A_889 = arith.index_cast %add3A_886 : i32 to index
        %get3A_890 = tpu.vector_load %arg5[%get3A_888, %get3A_889] {strides = array<i32>} : memref<8x6272xf32, #tpu.memory_space<vmem>>, vector<16xf32>,
        %gt3A_891 = arith.cmpf ogt, %get3A_890, %gather3A_845 : vector<16xf32>
        %or3A_892 = arith.ori %or3A_884, %gt3A_891 : vector<16xi1>
        %add3A_893 = arith.constant 96 : i32
        %add3A_894 = arith.addi %mul3A_197, %add3A_893 : i32
        %get3A_895 = arith.constant 5 : i32
        %get3A_896 = arith.index_cast %get3A_895 : i32 to index
        %get3A_897 = arith.index_cast %add3A_894 : i32 to index
        %get3A_898 = tpu.vector_load %arg5[%get3A_896, %get3A_897] {strides = array<i32>} : memref<8x6272xf32, #tpu.memory_space<vmem>>, vector<16xf32>,
        %gt3A_899 = arith.cmpf ogt, %get3A_898, %gather3A_845 : vector<16xf32>
        %or3A_900 = arith.ori %or3A_892, %gt3A_899 : vector<16xi1>
        %add3A_901 = arith.constant 112 : i32
        %add3A_902 = arith.addi %mul3A_197, %add3A_901 : i32
        %get3A_903 = arith.constant 5 : i32
        %get3A_904 = arith.index_cast %get3A_903 : i32 to index
        %get3A_905 = arith.index_cast %add3A_902 : i32 to index
        %get3A_906 = tpu.vector_load %arg5[%get3A_904, %get3A_905] {strides = array<i32>} : memref<8x6272xf32, #tpu.memory_space<vmem>>, vector<16xf32>,
        %gt3A_907 = arith.cmpf ogt, %get3A_906, %gather3A_845 : vector<16xf32>
        %or3A_908 = arith.ori %or3A_900, %gt3A_907 : vector<16xi1>
        %add3A_909 = arith.constant 128 : i32
        %add3A_910 = arith.addi %mul3A_197, %add3A_909 : i32
        %get3A_911 = arith.constant 5 : i32
        %get3A_912 = arith.index_cast %get3A_911 : i32 to index
        %get3A_913 = arith.index_cast %add3A_910 : i32 to index
        %get3A_914 = tpu.vector_load %arg5[%get3A_912, %get3A_913] {strides = array<i32>} : memref<8x6272xf32, #tpu.memory_space<vmem>>, vector<16xf32>,
        %gt3A_915 = arith.cmpf ogt, %get3A_914, %gather3A_845 : vector<16xf32>
        %or3A_916 = arith.ori %or3A_908, %gt3A_915 : vector<16xi1>
        %add3A_917 = arith.constant 144 : i32
        %add3A_918 = arith.addi %mul3A_197, %add3A_917 : i32
        %get3A_919 = arith.constant 5 : i32
        %get3A_920 = arith.index_cast %get3A_919 : i32 to index
        %get3A_921 = arith.index_cast %add3A_918 : i32 to index
        %get3A_922 = tpu.vector_load %arg5[%get3A_920, %get3A_921] {strides = array<i32>} : memref<8x6272xf32, #tpu.memory_space<vmem>>, vector<16xf32>,
        %gt3A_923 = arith.cmpf ogt, %get3A_922, %gather3A_845 : vector<16xf32>
        %or3A_924 = arith.ori %or3A_916, %gt3A_923 : vector<16xi1>
        %add3A_925 = arith.constant 160 : i32
        %add3A_926 = arith.addi %mul3A_197, %add3A_925 : i32
        %get3A_927 = arith.constant 5 : i32
        %get3A_928 = arith.index_cast %get3A_927 : i32 to index
        %get3A_929 = arith.index_cast %add3A_926 : i32 to index
        %get3A_930 = tpu.vector_load %arg5[%get3A_928, %get3A_929] {strides = array<i32>} : memref<8x6272xf32, #tpu.memory_space<vmem>>, vector<16xf32>,
        %gt3A_931 = arith.cmpf ogt, %get3A_930, %gather3A_845 : vector<16xf32>
        %or3A_932 = arith.ori %or3A_924, %gt3A_931 : vector<16xi1>
        %add3A_933 = arith.constant 176 : i32
        %add3A_934 = arith.addi %mul3A_197, %add3A_933 : i32
        %get3A_935 = arith.constant 5 : i32
        %get3A_936 = arith.index_cast %get3A_935 : i32 to index
        %get3A_937 = arith.index_cast %add3A_934 : i32 to index
        %get3A_938 = tpu.vector_load %arg5[%get3A_936, %get3A_937] {strides = array<i32>} : memref<8x6272xf32, #tpu.memory_space<vmem>>, vector<16xf32>,
        %gt3A_939 = arith.cmpf ogt, %get3A_938, %gather3A_845 : vector<16xf32>
        %or3A_940 = arith.ori %or3A_932, %gt3A_939 : vector<16xi1>
        %add3A_941 = arith.constant 192 : i32
        %add3A_942 = arith.addi %mul3A_197, %add3A_941 : i32
        %get3A_943 = arith.constant 5 : i32
        %get3A_944 = arith.index_cast %get3A_943 : i32 to index
        %get3A_945 = arith.index_cast %add3A_942 : i32 to index
        %get3A_946 = tpu.vector_load %arg5[%get3A_944, %get3A_945] {strides = array<i32>} : memref<8x6272xf32, #tpu.memory_space<vmem>>, vector<16xf32>,
        %gt3A_947 = arith.cmpf ogt, %get3A_946, %gather3A_845 : vector<16xf32>
        %or3A_948 = arith.ori %or3A_940, %gt3A_947 : vector<16xi1>
        %add3A_949 = arith.constant 208 : i32
        %add3A_950 = arith.addi %mul3A_197, %add3A_949 : i32
        %get3A_951 = arith.constant 5 : i32
        %get3A_952 = arith.index_cast %get3A_951 : i32 to index
        %get3A_953 = arith.index_cast %add3A_950 : i32 to index
        %get3A_954 = tpu.vector_load %arg5[%get3A_952, %get3A_953] {strides = array<i32>} : memref<8x6272xf32, #tpu.memory_space<vmem>>, vector<16xf32>,
        %gt3A_955 = arith.cmpf ogt, %get3A_954, %gather3A_845 : vector<16xf32>
        %or3A_956 = arith.ori %or3A_948, %gt3A_955 : vector<16xi1>
        %reduce_or3A_957 = arith.constant 1.000000e+00 : f32
        %reduce_or3A_958 = arith.constant 0.000000e+00 : f32
        %reduce_or3A_959 = vector.broadcast %reduce_or3A_957 : f32 to vector<16xf32>
        %reduce_or3A_960 = vector.broadcast %reduce_or3A_958 : f32 to vector<16xf32>
        %reduce_or3A_961 = arith.select %or3A_956, %reduce_or3A_959, %reduce_or3A_960 : vector<16xi1>, vector<16xf32>
        %reduce_or3A_962 = arith.constant true
        %reduce_or3A_963 = vector.broadcast %reduce_or3A_962 : i1 to vector<16xi1>
        %reduce_or3A_964 = tpu.scan <max>, %reduce_or3A_961 masked %reduce_or3A_963 : vector<16xf32>, vector<16xi1> -> vector<16xf32>
        %reduce_or3A_965 = vector.extract %reduce_or3A_964[15] : f32 from vector<16xf32>
        %reduce_or3A_966 = arith.constant 0.000000e+00 : f32
        %reduce_or3A_967 = arith.cmpf ogt, %reduce_or3A_965, %reduce_or3A_966 : f32
        %convert_element_type3A_968 = arith.extui %reduce_or3A_967 : i1 to i32
        %cond3A_969 = arith.constant 0 : i32
        %cond3A_970 = arith.cmpi ne, %convert_element_type3A_968, %cond3A_969 : i32
        scf.if %cond3A_970 {
          %scan3A_1232 = arith.constant 0 : i32
          %scan3A_1233 = arith.constant 0 : i32
          %scan3A_1234 = arith.constant 14 : i32
          %scan3A_1235 = arith.addi %scan3A_1233, %scan3A_1234 : i32
          %scan3A_1236 = arith.constant 1 : i32
          %scan3A_1237 = scf.for %scan3A_1239 = %scan3A_1233 to %scan3A_1235 step %scan3A_1236 iter_args(%scan3A_1240 = %scan3A_1232) -> (i32)  : i32 {
            %mul3A_1241 = arith.constant 16 : i32
            %mul3A_1242 = arith.muli %scan3A_1239, %mul3A_1241 : i32
            %add3A_1243 = arith.addi %mul3A_197, %mul3A_1242 : i32
            %get3A_1244 = arith.constant 5 : i32
            %get3A_1245 = arith.index_cast %get3A_1244 : i32 to index
            %get3A_1246 = arith.index_cast %add3A_1243 : i32 to index
            %get3A_1247 = tpu.vector_load %arg5[%get3A_1245, %get3A_1246] {strides = array<i32>} : memref<8x6272xf32, #tpu.memory_space<vmem>>, vector<16xf32>,
            %broadcast_in_dim3A_1248 = arith.constant 5 : i32
            %broadcast_in_dim3A_1249 = vector.broadcast %broadcast_in_dim3A_1248 : i32 to vector<16xi32>
            %broadcast_in_dim3A_1250 = arith.constant 8 : i32
            %broadcast_in_dim3A_1251 = vector.broadcast %broadcast_in_dim3A_1250 : i32 to vector<16xi32>
            %gather3A_1252 = tpu.vector_load_idx %arg6[%broadcast_in_dim3A_1249, %broadcast_in_dim3A_1251] : memref<8x16xf32, #tpu.memory_space<vmem>>[vector<16xi32>, vector<16xi32>], vector<16xf32>,
            %gt3A_1253 = arith.cmpf ogt, %get3A_1247, %gather3A_1252 : vector<16xf32>
            %reduce_or3A_1254 = arith.constant 1.000000e+00 : f32
            %reduce_or3A_1255 = arith.constant 0.000000e+00 : f32
            %reduce_or3A_1256 = vector.broadcast %reduce_or3A_1254 : f32 to vector<16xf32>
            %reduce_or3A_1257 = vector.broadcast %reduce_or3A_1255 : f32 to vector<16xf32>
            %reduce_or3A_1258 = arith.select %gt3A_1253, %reduce_or3A_1256, %reduce_or3A_1257 : vector<16xi1>, vector<16xf32>
            %reduce_or3A_1259 = arith.constant true
            %reduce_or3A_1260 = vector.broadcast %reduce_or3A_1259 : i1 to vector<16xi1>
            %reduce_or3A_1261 = tpu.scan <max>, %reduce_or3A_1258 masked %reduce_or3A_1260 : vector<16xf32>, vector<16xi1> -> vector<16xf32>
            %reduce_or3A_1262 = vector.extract %reduce_or3A_1261[15] : f32 from vector<16xf32>
            %reduce_or3A_1263 = arith.constant 0.000000e+00 : f32
            %reduce_or3A_1264 = arith.cmpf ogt, %reduce_or3A_1262, %reduce_or3A_1263 : f32
            %convert_element_type3A_1265 = arith.extui %reduce_or3A_1264 : i1 to i32
            %cond3A_1266 = arith.constant 0 : i32
            %cond3A_1267 = arith.cmpi ne, %convert_element_type3A_1265, %cond3A_1266 : i32
            scf.if %cond3A_1267 {
              %mul3A_1269 = arith.constant 6272 : i32
              %mul3A_1270 = arith.muli %scan3A_179, %mul3A_1269 : i32
              %add3A_1271 = arith.addi %mul3A_94, %mul3A_1270 : i32
              %add3A_1272 = arith.addi %add3A_1271, %mul3A_197 : i32
              %mul3A_1273 = arith.constant 16 : i32
              %mul3A_1274 = arith.muli %scan3A_1239, %mul3A_1273 : i32
              %add3A_1275 = arith.addi %add3A_1272, %mul3A_1274 : i32
              %add3A_1276 = vector.broadcast %add3A_1275 : i32 to vector<16xi32>
              %add3A_1277 = arith.addi %add3A_1276, %iota3A : vector<16xi32>
              %masked_sort3A = arith.constant dense<true> : vector<16xi1>
              %masked_sort3A_1278, %masked_sort3A_1279, %masked_sort3A_1280 = tpu.sort %get3A_1247, %add3A_1277 masked %masked_sort3A {descending = true} : (vector<16xf32>, vector<16xi32>, vector<16xi1>) -> (vector<16xi1>, vector<16xf32>, vector<16xi32>)
              %rev3A = arith.constant 15 : i32
              %rev3A_1281 = vector.broadcast %rev3A : i32 to vector<16xi32>
              %rev3A_1282 = tpu.iota {dimensions = array<i32: 0>} : vector<16xi32>
              %rev3A_1283 = arith.subi %rev3A_1281, %rev3A_1282 : vector<16xi32>
              %rev3A_1284 = tpu.dynamic_gather %masked_sort3A_1279[%rev3A_1283] in [0] : vector<16xf32>, vector<16xi32> -> vector<16xf32>
              %rev3A_1285 = arith.constant 15 : i32
              %rev3A_1286 = vector.broadcast %rev3A_1285 : i32 to vector<16xi32>
              %rev3A_1287 = tpu.iota {dimensions = array<i32: 0>} : vector<16xi32>
              %rev3A_1288 = arith.subi %rev3A_1286, %rev3A_1287 : vector<16xi32>
              %rev3A_1289 = tpu.dynamic_gather %masked_sort3A_1280[%rev3A_1288] in [0] : vector<16xi32>, vector<16xi32> -> vector<16xi32>
              %get3A_1290 = arith.constant 5 : i32
              %get3A_1291 = arith.index_cast %get3A_1290 : i32 to index
              %get3A_1292 = arith.constant 0 : index
              %get3A_1293 = tpu.vector_load %arg6[%get3A_1291, %get3A_1292] {strides = array<i32>} : memref<8x16xf32, #tpu.memory_space<vmem>>, vector<16xf32>,
              %get3A_1294 = arith.constant 5 : i32
              %get3A_1295 = arith.index_cast %get3A_1294 : i32 to index
              %get3A_1296 = arith.constant 0 : index
              %get3A_1297 = tpu.vector_load %arg7[%get3A_1295, %get3A_1296] {strides = array<i32>} : memref<8x16xi32, #tpu.memory_space<vmem>>, vector<16xi32>,
              %ge3A = arith.cmpf oge, %get3A_1293, %rev3A_1284 : vector<16xf32>
              %select_n3A = arith.select %ge3A, %get3A_1293, %rev3A_1284 : vector<16xi1>, vector<16xf32>
              %select_n3A_1298 = arith.select %ge3A, %get3A_1297, %rev3A_1289 : vector<16xi1>, vector<16xi32>
              %masked_sort3A_1299 = arith.constant dense<true> : vector<16xi1>
              %masked_sort3A_1300, %masked_sort3A_1301, %masked_sort3A_1302 = tpu.sort %select_n3A, %select_n3A_1298 masked %masked_sort3A_1299 {descending = true} : (vector<16xf32>, vector<16xi32>, vector<16xi1>) -> (vector<16xi1>, vector<16xf32>, vector<16xi32>)
              %swap3A_1303 = arith.constant 5 : i32
              %swap3A_1304 = arith.index_cast %swap3A_1303 : i32 to index
              %swap3A_1305 = arith.constant 0 : index
              %swap3A_1306 = tpu.vector_load %arg6[%swap3A_1304, %swap3A_1305] {strides = array<i32>} : memref<8x16xf32, #tpu.memory_space<vmem>>, vector<16xf32>,
              tpu.vector_store %arg6[%swap3A_1304, %swap3A_1305], %masked_sort3A_1301 {strides = array<i32>} : memref<8x16xf32, #tpu.memory_space<vmem>>, vector<16xf32>,
              %swap3A_1307 = arith.constant 5 : i32
              %swap3A_1308 = arith.index_cast %swap3A_1307 : i32 to index
              %swap3A_1309 = arith.constant 0 : index
              %swap3A_1310 = tpu.vector_load %arg7[%swap3A_1308, %swap3A_1309] {strides = array<i32>} : memref<8x16xi32, #tpu.memory_space<vmem>>, vector<16xi32>,
              tpu.vector_store %arg7[%swap3A_1308, %swap3A_1309], %masked_sort3A_1302 {strides = array<i32>} : memref<8x16xi32, #tpu.memory_space<vmem>>, vector<16xi32>,
            } else {
            }
            %scan3A_1268 = arith.constant 0 : i32
            scf.yield %scan3A_1268 : i32
          }
          %scan3A_1238 = arith.constant 14 : i32
        } else {
        }
        %broadcast_in_dim3A_971 = arith.constant 6 : i32
        %broadcast_in_dim3A_972 = vector.broadcast %broadcast_in_dim3A_971 : i32 to vector<16xi32>
        %broadcast_in_dim3A_973 = arith.constant 8 : i32
        %broadcast_in_dim3A_974 = vector.broadcast %broadcast_in_dim3A_973 : i32 to vector<16xi32>
        %gather3A_975 = tpu.vector_load_idx %arg6[%broadcast_in_dim3A_972, %broadcast_in_dim3A_974] : memref<8x16xf32, #tpu.memory_space<vmem>>[vector<16xi32>, vector<16xi32>], vector<16xf32>,
        %add3A_976 = arith.constant 0 : i32
        %add3A_977 = arith.addi %mul3A_197, %add3A_976 : i32
        %get3A_978 = arith.constant 6 : i32
        %get3A_979 = arith.index_cast %get3A_978 : i32 to index
        %get3A_980 = arith.index_cast %add3A_977 : i32 to index
        %get3A_981 = tpu.vector_load %arg5[%get3A_979, %get3A_980] {strides = array<i32>} : memref<8x6272xf32, #tpu.memory_space<vmem>>, vector<16xf32>,
        %gt3A_982 = arith.cmpf ogt, %get3A_981, %gather3A_975 : vector<16xf32>
        %add3A_983 = arith.constant 16 : i32
        %add3A_984 = arith.addi %mul3A_197, %add3A_983 : i32
        %get3A_985 = arith.constant 6 : i32
        %get3A_986 = arith.index_cast %get3A_985 : i32 to index
        %get3A_987 = arith.index_cast %add3A_984 : i32 to index
        %get3A_988 = tpu.vector_load %arg5[%get3A_986, %get3A_987] {strides = array<i32>} : memref<8x6272xf32, #tpu.memory_space<vmem>>, vector<16xf32>,
        %gt3A_989 = arith.cmpf ogt, %get3A_988, %gather3A_975 : vector<16xf32>
        %or3A_990 = arith.ori %gt3A_982, %gt3A_989 : vector<16xi1>
        %add3A_991 = arith.constant 32 : i32
        %add3A_992 = arith.addi %mul3A_197, %add3A_991 : i32
        %get3A_993 = arith.constant 6 : i32
        %get3A_994 = arith.index_cast %get3A_993 : i32 to index
        %get3A_995 = arith.index_cast %add3A_992 : i32 to index
        %get3A_996 = tpu.vector_load %arg5[%get3A_994, %get3A_995] {strides = array<i32>} : memref<8x6272xf32, #tpu.memory_space<vmem>>, vector<16xf32>,
        %gt3A_997 = arith.cmpf ogt, %get3A_996, %gather3A_975 : vector<16xf32>
        %or3A_998 = arith.ori %or3A_990, %gt3A_997 : vector<16xi1>
        %add3A_999 = arith.constant 48 : i32
        %add3A_1000 = arith.addi %mul3A_197, %add3A_999 : i32
        %get3A_1001 = arith.constant 6 : i32
        %get3A_1002 = arith.index_cast %get3A_1001 : i32 to index
        %get3A_1003 = arith.index_cast %add3A_1000 : i32 to index
        %get3A_1004 = tpu.vector_load %arg5[%get3A_1002, %get3A_1003] {strides = array<i32>} : memref<8x6272xf32, #tpu.memory_space<vmem>>, vector<16xf32>,
        %gt3A_1005 = arith.cmpf ogt, %get3A_1004, %gather3A_975 : vector<16xf32>
        %or3A_1006 = arith.ori %or3A_998, %gt3A_1005 : vector<16xi1>
        %add3A_1007 = arith.constant 64 : i32
        %add3A_1008 = arith.addi %mul3A_197, %add3A_1007 : i32
        %get3A_1009 = arith.constant 6 : i32
        %get3A_1010 = arith.index_cast %get3A_1009 : i32 to index
        %get3A_1011 = arith.index_cast %add3A_1008 : i32 to index
        %get3A_1012 = tpu.vector_load %arg5[%get3A_1010, %get3A_1011] {strides = array<i32>} : memref<8x6272xf32, #tpu.memory_space<vmem>>, vector<16xf32>,
        %gt3A_1013 = arith.cmpf ogt, %get3A_1012, %gather3A_975 : vector<16xf32>
        %or3A_1014 = arith.ori %or3A_1006, %gt3A_1013 : vector<16xi1>
        %add3A_1015 = arith.constant 80 : i32
        %add3A_1016 = arith.addi %mul3A_197, %add3A_1015 : i32
        %get3A_1017 = arith.constant 6 : i32
        %get3A_1018 = arith.index_cast %get3A_1017 : i32 to index
        %get3A_1019 = arith.index_cast %add3A_1016 : i32 to index
        %get3A_1020 = tpu.vector_load %arg5[%get3A_1018, %get3A_1019] {strides = array<i32>} : memref<8x6272xf32, #tpu.memory_space<vmem>>, vector<16xf32>,
        %gt3A_1021 = arith.cmpf ogt, %get3A_1020, %gather3A_975 : vector<16xf32>
        %or3A_1022 = arith.ori %or3A_1014, %gt3A_1021 : vector<16xi1>
        %add3A_1023 = arith.constant 96 : i32
        %add3A_1024 = arith.addi %mul3A_197, %add3A_1023 : i32
        %get3A_1025 = arith.constant 6 : i32
        %get3A_1026 = arith.index_cast %get3A_1025 : i32 to index
        %get3A_1027 = arith.index_cast %add3A_1024 : i32 to index
        %get3A_1028 = tpu.vector_load %arg5[%get3A_1026, %get3A_1027] {strides = array<i32>} : memref<8x6272xf32, #tpu.memory_space<vmem>>, vector<16xf32>,
        %gt3A_1029 = arith.cmpf ogt, %get3A_1028, %gather3A_975 : vector<16xf32>
        %or3A_1030 = arith.ori %or3A_1022, %gt3A_1029 : vector<16xi1>
        %add3A_1031 = arith.constant 112 : i32
        %add3A_1032 = arith.addi %mul3A_197, %add3A_1031 : i32
        %get3A_1033 = arith.constant 6 : i32
        %get3A_1034 = arith.index_cast %get3A_1033 : i32 to index
        %get3A_1035 = arith.index_cast %add3A_1032 : i32 to index
        %get3A_1036 = tpu.vector_load %arg5[%get3A_1034, %get3A_1035] {strides = array<i32>} : memref<8x6272xf32, #tpu.memory_space<vmem>>, vector<16xf32>,
        %gt3A_1037 = arith.cmpf ogt, %get3A_1036, %gather3A_975 : vector<16xf32>
        %or3A_1038 = arith.ori %or3A_1030, %gt3A_1037 : vector<16xi1>
        %add3A_1039 = arith.constant 128 : i32
        %add3A_1040 = arith.addi %mul3A_197, %add3A_1039 : i32
        %get3A_1041 = arith.constant 6 : i32
        %get3A_1042 = arith.index_cast %get3A_1041 : i32 to index
        %get3A_1043 = arith.index_cast %add3A_1040 : i32 to index
        %get3A_1044 = tpu.vector_load %arg5[%get3A_1042, %get3A_1043] {strides = array<i32>} : memref<8x6272xf32, #tpu.memory_space<vmem>>, vector<16xf32>,
        %gt3A_1045 = arith.cmpf ogt, %get3A_1044, %gather3A_975 : vector<16xf32>
        %or3A_1046 = arith.ori %or3A_1038, %gt3A_1045 : vector<16xi1>
        %add3A_1047 = arith.constant 144 : i32
        %add3A_1048 = arith.addi %mul3A_197, %add3A_1047 : i32
        %get3A_1049 = arith.constant 6 : i32
        %get3A_1050 = arith.index_cast %get3A_1049 : i32 to index
        %get3A_1051 = arith.index_cast %add3A_1048 : i32 to index
        %get3A_1052 = tpu.vector_load %arg5[%get3A_1050, %get3A_1051] {strides = array<i32>} : memref<8x6272xf32, #tpu.memory_space<vmem>>, vector<16xf32>,
        %gt3A_1053 = arith.cmpf ogt, %get3A_1052, %gather3A_975 : vector<16xf32>
        %or3A_1054 = arith.ori %or3A_1046, %gt3A_1053 : vector<16xi1>
        %add3A_1055 = arith.constant 160 : i32
        %add3A_1056 = arith.addi %mul3A_197, %add3A_1055 : i32
        %get3A_1057 = arith.constant 6 : i32
        %get3A_1058 = arith.index_cast %get3A_1057 : i32 to index
        %get3A_1059 = arith.index_cast %add3A_1056 : i32 to index
        %get3A_1060 = tpu.vector_load %arg5[%get3A_1058, %get3A_1059] {strides = array<i32>} : memref<8x6272xf32, #tpu.memory_space<vmem>>, vector<16xf32>,
        %gt3A_1061 = arith.cmpf ogt, %get3A_1060, %gather3A_975 : vector<16xf32>
        %or3A_1062 = arith.ori %or3A_1054, %gt3A_1061 : vector<16xi1>
        %add3A_1063 = arith.constant 176 : i32
        %add3A_1064 = arith.addi %mul3A_197, %add3A_1063 : i32
        %get3A_1065 = arith.constant 6 : i32
        %get3A_1066 = arith.index_cast %get3A_1065 : i32 to index
        %get3A_1067 = arith.index_cast %add3A_1064 : i32 to index
        %get3A_1068 = tpu.vector_load %arg5[%get3A_1066, %get3A_1067] {strides = array<i32>} : memref<8x6272xf32, #tpu.memory_space<vmem>>, vector<16xf32>,
        %gt3A_1069 = arith.cmpf ogt, %get3A_1068, %gather3A_975 : vector<16xf32>
        %or3A_1070 = arith.ori %or3A_1062, %gt3A_1069 : vector<16xi1>
        %add3A_1071 = arith.constant 192 : i32
        %add3A_1072 = arith.addi %mul3A_197, %add3A_1071 : i32
        %get3A_1073 = arith.constant 6 : i32
        %get3A_1074 = arith.index_cast %get3A_1073 : i32 to index
        %get3A_1075 = arith.index_cast %add3A_1072 : i32 to index
        %get3A_1076 = tpu.vector_load %arg5[%get3A_1074, %get3A_1075] {strides = array<i32>} : memref<8x6272xf32, #tpu.memory_space<vmem>>, vector<16xf32>,
        %gt3A_1077 = arith.cmpf ogt, %get3A_1076, %gather3A_975 : vector<16xf32>
        %or3A_1078 = arith.ori %or3A_1070, %gt3A_1077 : vector<16xi1>
        %add3A_1079 = arith.constant 208 : i32
        %add3A_1080 = arith.addi %mul3A_197, %add3A_1079 : i32
        %get3A_1081 = arith.constant 6 : i32
        %get3A_1082 = arith.index_cast %get3A_1081 : i32 to index
        %get3A_1083 = arith.index_cast %add3A_1080 : i32 to index
        %get3A_1084 = tpu.vector_load %arg5[%get3A_1082, %get3A_1083] {strides = array<i32>} : memref<8x6272xf32, #tpu.memory_space<vmem>>, vector<16xf32>,
        %gt3A_1085 = arith.cmpf ogt, %get3A_1084, %gather3A_975 : vector<16xf32>
        %or3A_1086 = arith.ori %or3A_1078, %gt3A_1085 : vector<16xi1>
        %reduce_or3A_1087 = arith.constant 1.000000e+00 : f32
        %reduce_or3A_1088 = arith.constant 0.000000e+00 : f32
        %reduce_or3A_1089 = vector.broadcast %reduce_or3A_1087 : f32 to vector<16xf32>
        %reduce_or3A_1090 = vector.broadcast %reduce_or3A_1088 : f32 to vector<16xf32>
        %reduce_or3A_1091 = arith.select %or3A_1086, %reduce_or3A_1089, %reduce_or3A_1090 : vector<16xi1>, vector<16xf32>
        %reduce_or3A_1092 = arith.constant true
        %reduce_or3A_1093 = vector.broadcast %reduce_or3A_1092 : i1 to vector<16xi1>
        %reduce_or3A_1094 = tpu.scan <max>, %reduce_or3A_1091 masked %reduce_or3A_1093 : vector<16xf32>, vector<16xi1> -> vector<16xf32>
        %reduce_or3A_1095 = vector.extract %reduce_or3A_1094[15] : f32 from vector<16xf32>
        %reduce_or3A_1096 = arith.constant 0.000000e+00 : f32
        %reduce_or3A_1097 = arith.cmpf ogt, %reduce_or3A_1095, %reduce_or3A_1096 : f32
        %convert_element_type3A_1098 = arith.extui %reduce_or3A_1097 : i1 to i32
        %cond3A_1099 = arith.constant 0 : i32
        %cond3A_1100 = arith.cmpi ne, %convert_element_type3A_1098, %cond3A_1099 : i32
        scf.if %cond3A_1100 {
          %scan3A_1232 = arith.constant 0 : i32
          %scan3A_1233 = arith.constant 0 : i32
          %scan3A_1234 = arith.constant 14 : i32
          %scan3A_1235 = arith.addi %scan3A_1233, %scan3A_1234 : i32
          %scan3A_1236 = arith.constant 1 : i32
          %scan3A_1237 = scf.for %scan3A_1239 = %scan3A_1233 to %scan3A_1235 step %scan3A_1236 iter_args(%scan3A_1240 = %scan3A_1232) -> (i32)  : i32 {
            %mul3A_1241 = arith.constant 16 : i32
            %mul3A_1242 = arith.muli %scan3A_1239, %mul3A_1241 : i32
            %add3A_1243 = arith.addi %mul3A_197, %mul3A_1242 : i32
            %get3A_1244 = arith.constant 6 : i32
            %get3A_1245 = arith.index_cast %get3A_1244 : i32 to index
            %get3A_1246 = arith.index_cast %add3A_1243 : i32 to index
            %get3A_1247 = tpu.vector_load %arg5[%get3A_1245, %get3A_1246] {strides = array<i32>} : memref<8x6272xf32, #tpu.memory_space<vmem>>, vector<16xf32>,
            %broadcast_in_dim3A_1248 = arith.constant 6 : i32
            %broadcast_in_dim3A_1249 = vector.broadcast %broadcast_in_dim3A_1248 : i32 to vector<16xi32>
            %broadcast_in_dim3A_1250 = arith.constant 8 : i32
            %broadcast_in_dim3A_1251 = vector.broadcast %broadcast_in_dim3A_1250 : i32 to vector<16xi32>
            %gather3A_1252 = tpu.vector_load_idx %arg6[%broadcast_in_dim3A_1249, %broadcast_in_dim3A_1251] : memref<8x16xf32, #tpu.memory_space<vmem>>[vector<16xi32>, vector<16xi32>], vector<16xf32>,
            %gt3A_1253 = arith.cmpf ogt, %get3A_1247, %gather3A_1252 : vector<16xf32>
            %reduce_or3A_1254 = arith.constant 1.000000e+00 : f32
            %reduce_or3A_1255 = arith.constant 0.000000e+00 : f32
            %reduce_or3A_1256 = vector.broadcast %reduce_or3A_1254 : f32 to vector<16xf32>
            %reduce_or3A_1257 = vector.broadcast %reduce_or3A_1255 : f32 to vector<16xf32>
            %reduce_or3A_1258 = arith.select %gt3A_1253, %reduce_or3A_1256, %reduce_or3A_1257 : vector<16xi1>, vector<16xf32>
            %reduce_or3A_1259 = arith.constant true
            %reduce_or3A_1260 = vector.broadcast %reduce_or3A_1259 : i1 to vector<16xi1>
            %reduce_or3A_1261 = tpu.scan <max>, %reduce_or3A_1258 masked %reduce_or3A_1260 : vector<16xf32>, vector<16xi1> -> vector<16xf32>
            %reduce_or3A_1262 = vector.extract %reduce_or3A_1261[15] : f32 from vector<16xf32>
            %reduce_or3A_1263 = arith.constant 0.000000e+00 : f32
            %reduce_or3A_1264 = arith.cmpf ogt, %reduce_or3A_1262, %reduce_or3A_1263 : f32
            %convert_element_type3A_1265 = arith.extui %reduce_or3A_1264 : i1 to i32
            %cond3A_1266 = arith.constant 0 : i32
            %cond3A_1267 = arith.cmpi ne, %convert_element_type3A_1265, %cond3A_1266 : i32
            scf.if %cond3A_1267 {
              %mul3A_1269 = arith.constant 6272 : i32
              %mul3A_1270 = arith.muli %scan3A_179, %mul3A_1269 : i32
              %add3A_1271 = arith.addi %mul3A_94, %mul3A_1270 : i32
              %add3A_1272 = arith.addi %add3A_1271, %mul3A_197 : i32
              %mul3A_1273 = arith.constant 16 : i32
              %mul3A_1274 = arith.muli %scan3A_1239, %mul3A_1273 : i32
              %add3A_1275 = arith.addi %add3A_1272, %mul3A_1274 : i32
              %add3A_1276 = vector.broadcast %add3A_1275 : i32 to vector<16xi32>
              %add3A_1277 = arith.addi %add3A_1276, %iota3A : vector<16xi32>
              %masked_sort3A = arith.constant dense<true> : vector<16xi1>
              %masked_sort3A_1278, %masked_sort3A_1279, %masked_sort3A_1280 = tpu.sort %get3A_1247, %add3A_1277 masked %masked_sort3A {descending = true} : (vector<16xf32>, vector<16xi32>, vector<16xi1>) -> (vector<16xi1>, vector<16xf32>, vector<16xi32>)
              %rev3A = arith.constant 15 : i32
              %rev3A_1281 = vector.broadcast %rev3A : i32 to vector<16xi32>
              %rev3A_1282 = tpu.iota {dimensions = array<i32: 0>} : vector<16xi32>
              %rev3A_1283 = arith.subi %rev3A_1281, %rev3A_1282 : vector<16xi32>
              %rev3A_1284 = tpu.dynamic_gather %masked_sort3A_1279[%rev3A_1283] in [0] : vector<16xf32>, vector<16xi32> -> vector<16xf32>
              %rev3A_1285 = arith.constant 15 : i32
              %rev3A_1286 = vector.broadcast %rev3A_1285 : i32 to vector<16xi32>
              %rev3A_1287 = tpu.iota {dimensions = array<i32: 0>} : vector<16xi32>
              %rev3A_1288 = arith.subi %rev3A_1286, %rev3A_1287 : vector<16xi32>
              %rev3A_1289 = tpu.dynamic_gather %masked_sort3A_1280[%rev3A_1288] in [0] : vector<16xi32>, vector<16xi32> -> vector<16xi32>
              %get3A_1290 = arith.constant 6 : i32
              %get3A_1291 = arith.index_cast %get3A_1290 : i32 to index
              %get3A_1292 = arith.constant 0 : index
              %get3A_1293 = tpu.vector_load %arg6[%get3A_1291, %get3A_1292] {strides = array<i32>} : memref<8x16xf32, #tpu.memory_space<vmem>>, vector<16xf32>,
              %get3A_1294 = arith.constant 6 : i32
              %get3A_1295 = arith.index_cast %get3A_1294 : i32 to index
              %get3A_1296 = arith.constant 0 : index
              %get3A_1297 = tpu.vector_load %arg7[%get3A_1295, %get3A_1296] {strides = array<i32>} : memref<8x16xi32, #tpu.memory_space<vmem>>, vector<16xi32>,
              %ge3A = arith.cmpf oge, %get3A_1293, %rev3A_1284 : vector<16xf32>
              %select_n3A = arith.select %ge3A, %get3A_1293, %rev3A_1284 : vector<16xi1>, vector<16xf32>
              %select_n3A_1298 = arith.select %ge3A, %get3A_1297, %rev3A_1289 : vector<16xi1>, vector<16xi32>
              %masked_sort3A_1299 = arith.constant dense<true> : vector<16xi1>
              %masked_sort3A_1300, %masked_sort3A_1301, %masked_sort3A_1302 = tpu.sort %select_n3A, %select_n3A_1298 masked %masked_sort3A_1299 {descending = true} : (vector<16xf32>, vector<16xi32>, vector<16xi1>) -> (vector<16xi1>, vector<16xf32>, vector<16xi32>)
              %swap3A_1303 = arith.constant 6 : i32
              %swap3A_1304 = arith.index_cast %swap3A_1303 : i32 to index
              %swap3A_1305 = arith.constant 0 : index
              %swap3A_1306 = tpu.vector_load %arg6[%swap3A_1304, %swap3A_1305] {strides = array<i32>} : memref<8x16xf32, #tpu.memory_space<vmem>>, vector<16xf32>,
              tpu.vector_store %arg6[%swap3A_1304, %swap3A_1305], %masked_sort3A_1301 {strides = array<i32>} : memref<8x16xf32, #tpu.memory_space<vmem>>, vector<16xf32>,
              %swap3A_1307 = arith.constant 6 : i32
              %swap3A_1308 = arith.index_cast %swap3A_1307 : i32 to index
              %swap3A_1309 = arith.constant 0 : index
              %swap3A_1310 = tpu.vector_load %arg7[%swap3A_1308, %swap3A_1309] {strides = array<i32>} : memref<8x16xi32, #tpu.memory_space<vmem>>, vector<16xi32>,
              tpu.vector_store %arg7[%swap3A_1308, %swap3A_1309], %masked_sort3A_1302 {strides = array<i32>} : memref<8x16xi32, #tpu.memory_space<vmem>>, vector<16xi32>,
            } else {
            }
            %scan3A_1268 = arith.constant 0 : i32
            scf.yield %scan3A_1268 : i32
          }
          %scan3A_1238 = arith.constant 14 : i32
        } else {
        }
        %broadcast_in_dim3A_1101 = arith.constant 7 : i32
        %broadcast_in_dim3A_1102 = vector.broadcast %broadcast_in_dim3A_1101 : i32 to vector<16xi32>
        %broadcast_in_dim3A_1103 = arith.constant 8 : i32
        %broadcast_in_dim3A_1104 = vector.broadcast %broadcast_in_dim3A_1103 : i32 to vector<16xi32>
        %gather3A_1105 = tpu.vector_load_idx %arg6[%broadcast_in_dim3A_1102, %broadcast_in_dim3A_1104] : memref<8x16xf32, #tpu.memory_space<vmem>>[vector<16xi32>, vector<16xi32>], vector<16xf32>,
        %add3A_1106 = arith.constant 0 : i32
        %add3A_1107 = arith.addi %mul3A_197, %add3A_1106 : i32
        %get3A_1108 = arith.constant 7 : i32
        %get3A_1109 = arith.index_cast %get3A_1108 : i32 to index
        %get3A_1110 = arith.index_cast %add3A_1107 : i32 to index
        %get3A_1111 = tpu.vector_load %arg5[%get3A_1109, %get3A_1110] {strides = array<i32>} : memref<8x6272xf32, #tpu.memory_space<vmem>>, vector<16xf32>,
        %gt3A_1112 = arith.cmpf ogt, %get3A_1111, %gather3A_1105 : vector<16xf32>
        %add3A_1113 = arith.constant 16 : i32
        %add3A_1114 = arith.addi %mul3A_197, %add3A_1113 : i32
        %get3A_1115 = arith.constant 7 : i32
        %get3A_1116 = arith.index_cast %get3A_1115 : i32 to index
        %get3A_1117 = arith.index_cast %add3A_1114 : i32 to index
        %get3A_1118 = tpu.vector_load %arg5[%get3A_1116, %get3A_1117] {strides = array<i32>} : memref<8x6272xf32, #tpu.memory_space<vmem>>, vector<16xf32>,
        %gt3A_1119 = arith.cmpf ogt, %get3A_1118, %gather3A_1105 : vector<16xf32>
        %or3A_1120 = arith.ori %gt3A_1112, %gt3A_1119 : vector<16xi1>
        %add3A_1121 = arith.constant 32 : i32
        %add3A_1122 = arith.addi %mul3A_197, %add3A_1121 : i32
        %get3A_1123 = arith.constant 7 : i32
        %get3A_1124 = arith.index_cast %get3A_1123 : i32 to index
        %get3A_1125 = arith.index_cast %add3A_1122 : i32 to index
        %get3A_1126 = tpu.vector_load %arg5[%get3A_1124, %get3A_1125] {strides = array<i32>} : memref<8x6272xf32, #tpu.memory_space<vmem>>, vector<16xf32>,
        %gt3A_1127 = arith.cmpf ogt, %get3A_1126, %gather3A_1105 : vector<16xf32>
        %or3A_1128 = arith.ori %or3A_1120, %gt3A_1127 : vector<16xi1>
        %add3A_1129 = arith.constant 48 : i32
        %add3A_1130 = arith.addi %mul3A_197, %add3A_1129 : i32
        %get3A_1131 = arith.constant 7 : i32
        %get3A_1132 = arith.index_cast %get3A_1131 : i32 to index
        %get3A_1133 = arith.index_cast %add3A_1130 : i32 to index
        %get3A_1134 = tpu.vector_load %arg5[%get3A_1132, %get3A_1133] {strides = array<i32>} : memref<8x6272xf32, #tpu.memory_space<vmem>>, vector<16xf32>,
        %gt3A_1135 = arith.cmpf ogt, %get3A_1134, %gather3A_1105 : vector<16xf32>
        %or3A_1136 = arith.ori %or3A_1128, %gt3A_1135 : vector<16xi1>
        %add3A_1137 = arith.constant 64 : i32
        %add3A_1138 = arith.addi %mul3A_197, %add3A_1137 : i32
        %get3A_1139 = arith.constant 7 : i32
        %get3A_1140 = arith.index_cast %get3A_1139 : i32 to index
        %get3A_1141 = arith.index_cast %add3A_1138 : i32 to index
        %get3A_1142 = tpu.vector_load %arg5[%get3A_1140, %get3A_1141] {strides = array<i32>} : memref<8x6272xf32, #tpu.memory_space<vmem>>, vector<16xf32>,
        %gt3A_1143 = arith.cmpf ogt, %get3A_1142, %gather3A_1105 : vector<16xf32>
        %or3A_1144 = arith.ori %or3A_1136, %gt3A_1143 : vector<16xi1>
        %add3A_1145 = arith.constant 80 : i32
        %add3A_1146 = arith.addi %mul3A_197, %add3A_1145 : i32
        %get3A_1147 = arith.constant 7 : i32
        %get3A_1148 = arith.index_cast %get3A_1147 : i32 to index
        %get3A_1149 = arith.index_cast %add3A_1146 : i32 to index
        %get3A_1150 = tpu.vector_load %arg5[%get3A_1148, %get3A_1149] {strides = array<i32>} : memref<8x6272xf32, #tpu.memory_space<vmem>>, vector<16xf32>,
        %gt3A_1151 = arith.cmpf ogt, %get3A_1150, %gather3A_1105 : vector<16xf32>
        %or3A_1152 = arith.ori %or3A_1144, %gt3A_1151 : vector<16xi1>
        %add3A_1153 = arith.constant 96 : i32
        %add3A_1154 = arith.addi %mul3A_197, %add3A_1153 : i32
        %get3A_1155 = arith.constant 7 : i32
        %get3A_1156 = arith.index_cast %get3A_1155 : i32 to index
        %get3A_1157 = arith.index_cast %add3A_1154 : i32 to index
        %get3A_1158 = tpu.vector_load %arg5[%get3A_1156, %get3A_1157] {strides = array<i32>} : memref<8x6272xf32, #tpu.memory_space<vmem>>, vector<16xf32>,
        %gt3A_1159 = arith.cmpf ogt, %get3A_1158, %gather3A_1105 : vector<16xf32>
        %or3A_1160 = arith.ori %or3A_1152, %gt3A_1159 : vector<16xi1>
        %add3A_1161 = arith.constant 112 : i32
        %add3A_1162 = arith.addi %mul3A_197, %add3A_1161 : i32
        %get3A_1163 = arith.constant 7 : i32
        %get3A_1164 = arith.index_cast %get3A_1163 : i32 to index
        %get3A_1165 = arith.index_cast %add3A_1162 : i32 to index
        %get3A_1166 = tpu.vector_load %arg5[%get3A_1164, %get3A_1165] {strides = array<i32>} : memref<8x6272xf32, #tpu.memory_space<vmem>>, vector<16xf32>,
        %gt3A_1167 = arith.cmpf ogt, %get3A_1166, %gather3A_1105 : vector<16xf32>
        %or3A_1168 = arith.ori %or3A_1160, %gt3A_1167 : vector<16xi1>
        %add3A_1169 = arith.constant 128 : i32
        %add3A_1170 = arith.addi %mul3A_197, %add3A_1169 : i32
        %get3A_1171 = arith.constant 7 : i32
        %get3A_1172 = arith.index_cast %get3A_1171 : i32 to index
        %get3A_1173 = arith.index_cast %add3A_1170 : i32 to index
        %get3A_1174 = tpu.vector_load %arg5[%get3A_1172, %get3A_1173] {strides = array<i32>} : memref<8x6272xf32, #tpu.memory_space<vmem>>, vector<16xf32>,
        %gt3A_1175 = arith.cmpf ogt, %get3A_1174, %gather3A_1105 : vector<16xf32>
        %or3A_1176 = arith.ori %or3A_1168, %gt3A_1175 : vector<16xi1>
        %add3A_1177 = arith.constant 144 : i32
        %add3A_1178 = arith.addi %mul3A_197, %add3A_1177 : i32
        %get3A_1179 = arith.constant 7 : i32
        %get3A_1180 = arith.index_cast %get3A_1179 : i32 to index
        %get3A_1181 = arith.index_cast %add3A_1178 : i32 to index
        %get3A_1182 = tpu.vector_load %arg5[%get3A_1180, %get3A_1181] {strides = array<i32>} : memref<8x6272xf32, #tpu.memory_space<vmem>>, vector<16xf32>,
        %gt3A_1183 = arith.cmpf ogt, %get3A_1182, %gather3A_1105 : vector<16xf32>
        %or3A_1184 = arith.ori %or3A_1176, %gt3A_1183 : vector<16xi1>
        %add3A_1185 = arith.constant 160 : i32
        %add3A_1186 = arith.addi %mul3A_197, %add3A_1185 : i32
        %get3A_1187 = arith.constant 7 : i32
        %get3A_1188 = arith.index_cast %get3A_1187 : i32 to index
        %get3A_1189 = arith.index_cast %add3A_1186 : i32 to index
        %get3A_1190 = tpu.vector_load %arg5[%get3A_1188, %get3A_1189] {strides = array<i32>} : memref<8x6272xf32, #tpu.memory_space<vmem>>, vector<16xf32>,
        %gt3A_1191 = arith.cmpf ogt, %get3A_1190, %gather3A_1105 : vector<16xf32>
        %or3A_1192 = arith.ori %or3A_1184, %gt3A_1191 : vector<16xi1>
        %add3A_1193 = arith.constant 176 : i32
        %add3A_1194 = arith.addi %mul3A_197, %add3A_1193 : i32
        %get3A_1195 = arith.constant 7 : i32
        %get3A_1196 = arith.index_cast %get3A_1195 : i32 to index
        %get3A_1197 = arith.index_cast %add3A_1194 : i32 to index
        %get3A_1198 = tpu.vector_load %arg5[%get3A_1196, %get3A_1197] {strides = array<i32>} : memref<8x6272xf32, #tpu.memory_space<vmem>>, vector<16xf32>,
        %gt3A_1199 = arith.cmpf ogt, %get3A_1198, %gather3A_1105 : vector<16xf32>
        %or3A_1200 = arith.ori %or3A_1192, %gt3A_1199 : vector<16xi1>
        %add3A_1201 = arith.constant 192 : i32
        %add3A_1202 = arith.addi %mul3A_197, %add3A_1201 : i32
        %get3A_1203 = arith.constant 7 : i32
        %get3A_1204 = arith.index_cast %get3A_1203 : i32 to index
        %get3A_1205 = arith.index_cast %add3A_1202 : i32 to index
        %get3A_1206 = tpu.vector_load %arg5[%get3A_1204, %get3A_1205] {strides = array<i32>} : memref<8x6272xf32, #tpu.memory_space<vmem>>, vector<16xf32>,
        %gt3A_1207 = arith.cmpf ogt, %get3A_1206, %gather3A_1105 : vector<16xf32>
        %or3A_1208 = arith.ori %or3A_1200, %gt3A_1207 : vector<16xi1>
        %add3A_1209 = arith.constant 208 : i32
        %add3A_1210 = arith.addi %mul3A_197, %add3A_1209 : i32
        %get3A_1211 = arith.constant 7 : i32
        %get3A_1212 = arith.index_cast %get3A_1211 : i32 to index
        %get3A_1213 = arith.index_cast %add3A_1210 : i32 to index
        %get3A_1214 = tpu.vector_load %arg5[%get3A_1212, %get3A_1213] {strides = array<i32>} : memref<8x6272xf32, #tpu.memory_space<vmem>>, vector<16xf32>,
        %gt3A_1215 = arith.cmpf ogt, %get3A_1214, %gather3A_1105 : vector<16xf32>
        %or3A_1216 = arith.ori %or3A_1208, %gt3A_1215 : vector<16xi1>
        %reduce_or3A_1217 = arith.constant 1.000000e+00 : f32
        %reduce_or3A_1218 = arith.constant 0.000000e+00 : f32
        %reduce_or3A_1219 = vector.broadcast %reduce_or3A_1217 : f32 to vector<16xf32>
        %reduce_or3A_1220 = vector.broadcast %reduce_or3A_1218 : f32 to vector<16xf32>
        %reduce_or3A_1221 = arith.select %or3A_1216, %reduce_or3A_1219, %reduce_or3A_1220 : vector<16xi1>, vector<16xf32>
        %reduce_or3A_1222 = arith.constant true
        %reduce_or3A_1223 = vector.broadcast %reduce_or3A_1222 : i1 to vector<16xi1>
        %reduce_or3A_1224 = tpu.scan <max>, %reduce_or3A_1221 masked %reduce_or3A_1223 : vector<16xf32>, vector<16xi1> -> vector<16xf32>
        %reduce_or3A_1225 = vector.extract %reduce_or3A_1224[15] : f32 from vector<16xf32>
        %reduce_or3A_1226 = arith.constant 0.000000e+00 : f32
        %reduce_or3A_1227 = arith.cmpf ogt, %reduce_or3A_1225, %reduce_or3A_1226 : f32
        %convert_element_type3A_1228 = arith.extui %reduce_or3A_1227 : i1 to i32
        %cond3A_1229 = arith.constant 0 : i32
        %cond3A_1230 = arith.cmpi ne, %convert_element_type3A_1228, %cond3A_1229 : i32
        scf.if %cond3A_1230 {
          %scan3A_1232 = arith.constant 0 : i32
          %scan3A_1233 = arith.constant 0 : i32
          %scan3A_1234 = arith.constant 14 : i32
          %scan3A_1235 = arith.addi %scan3A_1233, %scan3A_1234 : i32
          %scan3A_1236 = arith.constant 1 : i32
          %scan3A_1237 = scf.for %scan3A_1239 = %scan3A_1233 to %scan3A_1235 step %scan3A_1236 iter_args(%scan3A_1240 = %scan3A_1232) -> (i32)  : i32 {
            %mul3A_1241 = arith.constant 16 : i32
            %mul3A_1242 = arith.muli %scan3A_1239, %mul3A_1241 : i32
            %add3A_1243 = arith.addi %mul3A_197, %mul3A_1242 : i32
            %get3A_1244 = arith.constant 7 : i32
            %get3A_1245 = arith.index_cast %get3A_1244 : i32 to index
            %get3A_1246 = arith.index_cast %add3A_1243 : i32 to index
            %get3A_1247 = tpu.vector_load %arg5[%get3A_1245, %get3A_1246] {strides = array<i32>} : memref<8x6272xf32, #tpu.memory_space<vmem>>, vector<16xf32>,
            %broadcast_in_dim3A_1248 = arith.constant 7 : i32
            %broadcast_in_dim3A_1249 = vector.broadcast %broadcast_in_dim3A_1248 : i32 to vector<16xi32>
            %broadcast_in_dim3A_1250 = arith.constant 8 : i32
            %broadcast_in_dim3A_1251 = vector.broadcast %broadcast_in_dim3A_1250 : i32 to vector<16xi32>
            %gather3A_1252 = tpu.vector_load_idx %arg6[%broadcast_in_dim3A_1249, %broadcast_in_dim3A_1251] : memref<8x16xf32, #tpu.memory_space<vmem>>[vector<16xi32>, vector<16xi32>], vector<16xf32>,
            %gt3A_1253 = arith.cmpf ogt, %get3A_1247, %gather3A_1252 : vector<16xf32>
            %reduce_or3A_1254 = arith.constant 1.000000e+00 : f32
            %reduce_or3A_1255 = arith.constant 0.000000e+00 : f32
            %reduce_or3A_1256 = vector.broadcast %reduce_or3A_1254 : f32 to vector<16xf32>
            %reduce_or3A_1257 = vector.broadcast %reduce_or3A_1255 : f32 to vector<16xf32>
            %reduce_or3A_1258 = arith.select %gt3A_1253, %reduce_or3A_1256, %reduce_or3A_1257 : vector<16xi1>, vector<16xf32>
            %reduce_or3A_1259 = arith.constant true
            %reduce_or3A_1260 = vector.broadcast %reduce_or3A_1259 : i1 to vector<16xi1>
            %reduce_or3A_1261 = tpu.scan <max>, %reduce_or3A_1258 masked %reduce_or3A_1260 : vector<16xf32>, vector<16xi1> -> vector<16xf32>
            %reduce_or3A_1262 = vector.extract %reduce_or3A_1261[15] : f32 from vector<16xf32>
            %reduce_or3A_1263 = arith.constant 0.000000e+00 : f32
            %reduce_or3A_1264 = arith.cmpf ogt, %reduce_or3A_1262, %reduce_or3A_1263 : f32
            %convert_element_type3A_1265 = arith.extui %reduce_or3A_1264 : i1 to i32
            %cond3A_1266 = arith.constant 0 : i32
            %cond3A_1267 = arith.cmpi ne, %convert_element_type3A_1265, %cond3A_1266 : i32
            scf.if %cond3A_1267 {
              %mul3A_1269 = arith.constant 6272 : i32
              %mul3A_1270 = arith.muli %scan3A_179, %mul3A_1269 : i32
              %add3A_1271 = arith.addi %mul3A_94, %mul3A_1270 : i32
              %add3A_1272 = arith.addi %add3A_1271, %mul3A_197 : i32
              %mul3A_1273 = arith.constant 16 : i32
              %mul3A_1274 = arith.muli %scan3A_1239, %mul3A_1273 : i32
              %add3A_1275 = arith.addi %add3A_1272, %mul3A_1274 : i32
              %add3A_1276 = vector.broadcast %add3A_1275 : i32 to vector<16xi32>
              %add3A_1277 = arith.addi %add3A_1276, %iota3A : vector<16xi32>
              %masked_sort3A = arith.constant dense<true> : vector<16xi1>
              %masked_sort3A_1278, %masked_sort3A_1279, %masked_sort3A_1280 = tpu.sort %get3A_1247, %add3A_1277 masked %masked_sort3A {descending = true} : (vector<16xf32>, vector<16xi32>, vector<16xi1>) -> (vector<16xi1>, vector<16xf32>, vector<16xi32>)
              %rev3A = arith.constant 15 : i32
              %rev3A_1281 = vector.broadcast %rev3A : i32 to vector<16xi32>
              %rev3A_1282 = tpu.iota {dimensions = array<i32: 0>} : vector<16xi32>
              %rev3A_1283 = arith.subi %rev3A_1281, %rev3A_1282 : vector<16xi32>
              %rev3A_1284 = tpu.dynamic_gather %masked_sort3A_1279[%rev3A_1283] in [0] : vector<16xf32>, vector<16xi32> -> vector<16xf32>
              %rev3A_1285 = arith.constant 15 : i32
              %rev3A_1286 = vector.broadcast %rev3A_1285 : i32 to vector<16xi32>
              %rev3A_1287 = tpu.iota {dimensions = array<i32: 0>} : vector<16xi32>
              %rev3A_1288 = arith.subi %rev3A_1286, %rev3A_1287 : vector<16xi32>
              %rev3A_1289 = tpu.dynamic_gather %masked_sort3A_1280[%rev3A_1288] in [0] : vector<16xi32>, vector<16xi32> -> vector<16xi32>
              %get3A_1290 = arith.constant 7 : i32
              %get3A_1291 = arith.index_cast %get3A_1290 : i32 to index
              %get3A_1292 = arith.constant 0 : index
              %get3A_1293 = tpu.vector_load %arg6[%get3A_1291, %get3A_1292] {strides = array<i32>} : memref<8x16xf32, #tpu.memory_space<vmem>>, vector<16xf32>,
              %get3A_1294 = arith.constant 7 : i32
              %get3A_1295 = arith.index_cast %get3A_1294 : i32 to index
              %get3A_1296 = arith.constant 0 : index
              %get3A_1297 = tpu.vector_load %arg7[%get3A_1295, %get3A_1296] {strides = array<i32>} : memref<8x16xi32, #tpu.memory_space<vmem>>, vector<16xi32>,
              %ge3A = arith.cmpf oge, %get3A_1293, %rev3A_1284 : vector<16xf32>
              %select_n3A = arith.select %ge3A, %get3A_1293, %rev3A_1284 : vector<16xi1>, vector<16xf32>
              %select_n3A_1298 = arith.select %ge3A, %get3A_1297, %rev3A_1289 : vector<16xi1>, vector<16xi32>
              %masked_sort3A_1299 = arith.constant dense<true> : vector<16xi1>
              %masked_sort3A_1300, %masked_sort3A_1301, %masked_sort3A_1302 = tpu.sort %select_n3A, %select_n3A_1298 masked %masked_sort3A_1299 {descending = true} : (vector<16xf32>, vector<16xi32>, vector<16xi1>) -> (vector<16xi1>, vector<16xf32>, vector<16xi32>)
              %swap3A_1303 = arith.constant 7 : i32
              %swap3A_1304 = arith.index_cast %swap3A_1303 : i32 to index
              %swap3A_1305 = arith.constant 0 : index
              %swap3A_1306 = tpu.vector_load %arg6[%swap3A_1304, %swap3A_1305] {strides = array<i32>} : memref<8x16xf32, #tpu.memory_space<vmem>>, vector<16xf32>,
              tpu.vector_store %arg6[%swap3A_1304, %swap3A_1305], %masked_sort3A_1301 {strides = array<i32>} : memref<8x16xf32, #tpu.memory_space<vmem>>, vector<16xf32>,
              %swap3A_1307 = arith.constant 7 : i32
              %swap3A_1308 = arith.index_cast %swap3A_1307 : i32 to index
              %swap3A_1309 = arith.constant 0 : index
              %swap3A_1310 = tpu.vector_load %arg7[%swap3A_1308, %swap3A_1309] {strides = array<i32>} : memref<8x16xi32, #tpu.memory_space<vmem>>, vector<16xi32>,
              tpu.vector_store %arg7[%swap3A_1308, %swap3A_1309], %masked_sort3A_1302 {strides = array<i32>} : memref<8x16xi32, #tpu.memory_space<vmem>>, vector<16xi32>,
            } else {
            }
            %scan3A_1268 = arith.constant 0 : i32
            scf.yield %scan3A_1268 : i32
          }
          %scan3A_1238 = arith.constant 14 : i32
        } else {
        }
        %scan3A_1231 = arith.constant 0 : i32
        scf.yield %scan3A_1231 : i32
      }
      %scan3A_192 = arith.constant 28 : i32
      %scan3A_193 = arith.constant 0 : i32
      scf.yield %scan3A_193 : i32
    }
    %scan3A_100 = arith.constant 10 : i32
    %mul3A_101 = arith.constant 8 : i32
    %mul3A_102 = arith.muli %arg0, %mul3A_101 : i32
    %add3A = arith.constant 0 : i32
    %add3A_103 = arith.addi %mul3A_102, %add3A : i32
    %mul3A_104 = arith.constant 16 : i32
    %mul3A_105 = arith.muli %arg1, %mul3A_104 : i32
    %run_scoped3A = arith.constant 0 : i32
    "tpu.region"() ({
      %run_scoped3A_179 = tpu.sem_alloc : memref<!tpu.dma_semaphore, #tpu.memory_space<semaphore_mem>>
      %dma_start3A = arith.constant 0 : i32
      %dma_start3A_180 = tpu.memref_slice %arg6[%run_scoped3A, %dma_start3A] : memref<8x16xf32, #tpu.memory_space<vmem>> -> memref<1x16xf32, #tpu.memory_space<vmem>>
      %dma_start3A_181 = tpu.memref_squeeze %dma_start3A_180 : memref<1x16xf32, #tpu.memory_space<vmem>> -> memref<16xf32, #tpu.memory_space<vmem>>
      %dma_start3A_182 = tpu.memref_slice %arg3[%add3A_103, %mul3A_105] : memref<16x256xf32, #tpu.memory_space<hbm>> -> memref<1x16xf32, #tpu.memory_space<hbm>>
      %dma_start3A_183 = tpu.memref_squeeze %dma_start3A_182 : memref<1x16xf32, #tpu.memory_space<hbm>> -> memref<16xf32, #tpu.memory_space<hbm>>
      %dma_start3A_184 = tpu.memref_slice %arg3[%add3A_103, %mul3A_105] : memref<16x256xf32, #tpu.memory_space<hbm>> -> memref<1x16xf32, #tpu.memory_space<hbm>>
      %dma_start3A_185 = tpu.memref_squeeze %dma_start3A_184 : memref<1x16xf32, #tpu.memory_space<hbm>> -> memref<16xf32, #tpu.memory_space<hbm>>
      %dma_start3A_186 = arith.constant 0 : i32
      %dma_start3A_187 = tpu.memref_slice %arg6[%run_scoped3A, %dma_start3A_186] : memref<8x16xf32, #tpu.memory_space<vmem>> -> memref<1x16xf32, #tpu.memory_space<vmem>>
      %dma_start3A_188 = tpu.memref_squeeze %dma_start3A_187 : memref<1x16xf32, #tpu.memory_space<vmem>> -> memref<16xf32, #tpu.memory_space<vmem>>
      tpu.enqueue_dma source(%dma_start3A_188 : memref<16xf32, #tpu.memory_space<vmem>>) target(%dma_start3A_185 : memref<16xf32, #tpu.memory_space<hbm>>) target_semaphore(%run_scoped3A_179 : memref<!tpu.dma_semaphore, #tpu.memory_space<semaphore_mem>>)
      %dma_wait3A = arith.constant 0 : i32
      %dma_wait3A_189 = tpu.memref_slice %arg6[%run_scoped3A, %dma_wait3A] : memref<8x16xf32, #tpu.memory_space<vmem>> -> memref<1x16xf32, #tpu.memory_space<vmem>>
      %dma_wait3A_190 = tpu.memref_squeeze %dma_wait3A_189 : memref<1x16xf32, #tpu.memory_space<vmem>> -> memref<16xf32, #tpu.memory_space<vmem>>
      %dma_wait3A_191 = tpu.memref_slice %arg3[%add3A_103, %mul3A_105] : memref<16x256xf32, #tpu.memory_space<hbm>> -> memref<1x16xf32, #tpu.memory_space<hbm>>
      %dma_wait3A_192 = tpu.memref_squeeze %dma_wait3A_191 : memref<1x16xf32, #tpu.memory_space<hbm>> -> memref<16xf32, #tpu.memory_space<hbm>>
      %dma_wait3A_193 = tpu.memref_slice %arg3[%add3A_103, %mul3A_105] : memref<16x256xf32, #tpu.memory_space<hbm>> -> memref<1x16xf32, #tpu.memory_space<hbm>>
      %dma_wait3A_194 = tpu.memref_squeeze %dma_wait3A_193 : memref<1x16xf32, #tpu.memory_space<hbm>> -> memref<16xf32, #tpu.memory_space<hbm>>
      %dma_wait3A_195 = arith.constant 0 : i32
      %dma_wait3A_196 = tpu.memref_slice %arg6[%run_scoped3A, %dma_wait3A_195] : memref<8x16xf32, #tpu.memory_space<vmem>> -> memref<1x16xf32, #tpu.memory_space<vmem>>
      %dma_wait3A_197 = tpu.memref_squeeze %dma_wait3A_196 : memref<1x16xf32, #tpu.memory_space<vmem>> -> memref<16xf32, #tpu.memory_space<vmem>>
      tpu.wait_dma2 semaphore(%run_scoped3A_179 : memref<!tpu.dma_semaphore, #tpu.memory_space<semaphore_mem>>) src(%dma_wait3A_197 : memref<16xf32, #tpu.memory_space<vmem>>) dst(%dma_wait3A_194 : memref<16xf32, #tpu.memory_space<hbm>>)
      tpu.yield
    }) : () -> ()
    %mul3A_106 = arith.constant 16 : i32
    %mul3A_107 = arith.muli %arg1, %mul3A_106 : i32
    %run_scoped3A_108 = arith.constant 0 : i32
    "tpu.region"() ({
      %run_scoped3A_179 = tpu.sem_alloc : memref<!tpu.dma_semaphore, #tpu.memory_space<semaphore_mem>>
      %dma_start3A = arith.constant 0 : i32
      %dma_start3A_180 = tpu.memref_slice %arg7[%run_scoped3A_108, %dma_start3A] : memref<8x16xi32, #tpu.memory_space<vmem>> -> memref<1x16xi32, #tpu.memory_space<vmem>>
      %dma_start3A_181 = tpu.memref_squeeze %dma_start3A_180 : memref<1x16xi32, #tpu.memory_space<vmem>> -> memref<16xi32, #tpu.memory_space<vmem>>
      %dma_start3A_182 = tpu.memref_slice %arg4[%add3A_103, %mul3A_107] : memref<16x256xi32, #tpu.memory_space<hbm>> -> memref<1x16xi32, #tpu.memory_space<hbm>>
      %dma_start3A_183 = tpu.memref_squeeze %dma_start3A_182 : memref<1x16xi32, #tpu.memory_space<hbm>> -> memref<16xi32, #tpu.memory_space<hbm>>
      %dma_start3A_184 = tpu.memref_slice %arg4[%add3A_103, %mul3A_107] : memref<16x256xi32, #tpu.memory_space<hbm>> -> memref<1x16xi32, #tpu.memory_space<hbm>>
      %dma_start3A_185 = tpu.memref_squeeze %dma_start3A_184 : memref<1x16xi32, #tpu.memory_space<hbm>> -> memref<16xi32, #tpu.memory_space<hbm>>
      %dma_start3A_186 = arith.constant 0 : i32
      %dma_start3A_187 = tpu.memref_slice %arg7[%run_scoped3A_108, %dma_start3A_186] : memref<8x16xi32, #tpu.memory_space<vmem>> -> memref<1x16xi32, #tpu.memory_space<vmem>>
      %dma_start3A_188 = tpu.memref_squeeze %dma_start3A_187 : memref<1x16xi32, #tpu.memory_space<vmem>> -> memref<16xi32, #tpu.memory_space<vmem>>
      tpu.enqueue_dma source(%dma_start3A_188 : memref<16xi32, #tpu.memory_space<vmem>>) target(%dma_start3A_185 : memref<16xi32, #tpu.memory_space<hbm>>) target_semaphore(%run_scoped3A_179 : memref<!tpu.dma_semaphore, #tpu.memory_space<semaphore_mem>>)
      %dma_wait3A = arith.constant 0 : i32
      %dma_wait3A_189 = tpu.memref_slice %arg7[%run_scoped3A_108, %dma_wait3A] : memref<8x16xi32, #tpu.memory_space<vmem>> -> memref<1x16xi32, #tpu.memory_space<vmem>>
      %dma_wait3A_190 = tpu.memref_squeeze %dma_wait3A_189 : memref<1x16xi32, #tpu.memory_space<vmem>> -> memref<16xi32, #tpu.memory_space<vmem>>
      %dma_wait3A_191 = tpu.memref_slice %arg4[%add3A_103, %mul3A_107] : memref<16x256xi32, #tpu.memory_space<hbm>> -> memref<1x16xi32, #tpu.memory_space<hbm>>
      %dma_wait3A_192 = tpu.memref_squeeze %dma_wait3A_191 : memref<1x16xi32, #tpu.memory_space<hbm>> -> memref<16xi32, #tpu.memory_space<hbm>>
      %dma_wait3A_193 = tpu.memref_slice %arg4[%add3A_103, %mul3A_107] : memref<16x256xi32, #tpu.memory_space<hbm>> -> memref<1x16xi32, #tpu.memory_space<hbm>>
      %dma_wait3A_194 = tpu.memref_squeeze %dma_wait3A_193 : memref<1x16xi32, #tpu.memory_space<hbm>> -> memref<16xi32, #tpu.memory_space<hbm>>
      %dma_wait3A_195 = arith.constant 0 : i32
      %dma_wait3A_196 = tpu.memref_slice %arg7[%run_scoped3A_108, %dma_wait3A_195] : memref<8x16xi32, #tpu.memory_space<vmem>> -> memref<1x16xi32, #tpu.memory_space<vmem>>
      %dma_wait3A_197 = tpu.memref_squeeze %dma_wait3A_196 : memref<1x16xi32, #tpu.memory_space<vmem>> -> memref<16xi32, #tpu.memory_space<vmem>>
      tpu.wait_dma2 semaphore(%run_scoped3A_179 : memref<!tpu.dma_semaphore, #tpu.memory_space<semaphore_mem>>) src(%dma_wait3A_197 : memref<16xi32, #tpu.memory_space<vmem>>) dst(%dma_wait3A_194 : memref<16xi32, #tpu.memory_space<hbm>>)
      tpu.yield
    }) : () -> ()
    %mul3A_109 = arith.constant 8 : i32
    %mul3A_110 = arith.muli %arg0, %mul3A_109 : i32
    %add3A_111 = arith.constant 1 : i32
    %add3A_112 = arith.addi %mul3A_110, %add3A_111 : i32
    %mul3A_113 = arith.constant 16 : i32
    %mul3A_114 = arith.muli %arg1, %mul3A_113 : i32
    %run_scoped3A_115 = arith.constant 1 : i32
    "tpu.region"() ({
      %run_scoped3A_179 = tpu.sem_alloc : memref<!tpu.dma_semaphore, #tpu.memory_space<semaphore_mem>>
      %dma_start3A = arith.constant 0 : i32
      %dma_start3A_180 = tpu.memref_slice %arg6[%run_scoped3A_115, %dma_start3A] : memref<8x16xf32, #tpu.memory_space<vmem>> -> memref<1x16xf32, #tpu.memory_space<vmem>>
      %dma_start3A_181 = tpu.memref_squeeze %dma_start3A_180 : memref<1x16xf32, #tpu.memory_space<vmem>> -> memref<16xf32, #tpu.memory_space<vmem>>
      %dma_start3A_182 = tpu.memref_slice %arg3[%add3A_112, %mul3A_114] : memref<16x256xf32, #tpu.memory_space<hbm>> -> memref<1x16xf32, #tpu.memory_space<hbm>>
      %dma_start3A_183 = tpu.memref_squeeze %dma_start3A_182 : memref<1x16xf32, #tpu.memory_space<hbm>> -> memref<16xf32, #tpu.memory_space<hbm>>
      %dma_start3A_184 = tpu.memref_slice %arg3[%add3A_112, %mul3A_114] : memref<16x256xf32, #tpu.memory_space<hbm>> -> memref<1x16xf32, #tpu.memory_space<hbm>>
      %dma_start3A_185 = tpu.memref_squeeze %dma_start3A_184 : memref<1x16xf32, #tpu.memory_space<hbm>> -> memref<16xf32, #tpu.memory_space<hbm>>
      %dma_start3A_186 = arith.constant 0 : i32
      %dma_start3A_187 = tpu.memref_slice %arg6[%run_scoped3A_115, %dma_start3A_186] : memref<8x16xf32, #tpu.memory_space<vmem>> -> memref<1x16xf32, #tpu.memory_space<vmem>>
      %dma_start3A_188 = tpu.memref_squeeze %dma_start3A_187 : memref<1x16xf32, #tpu.memory_space<vmem>> -> memref<16xf32, #tpu.memory_space<vmem>>
      tpu.enqueue_dma source(%dma_start3A_188 : memref<16xf32, #tpu.memory_space<vmem>>) target(%dma_start3A_185 : memref<16xf32, #tpu.memory_space<hbm>>) target_semaphore(%run_scoped3A_179 : memref<!tpu.dma_semaphore, #tpu.memory_space<semaphore_mem>>)
      %dma_wait3A = arith.constant 0 : i32
      %dma_wait3A_189 = tpu.memref_slice %arg6[%run_scoped3A_115, %dma_wait3A] : memref<8x16xf32, #tpu.memory_space<vmem>> -> memref<1x16xf32, #tpu.memory_space<vmem>>
      %dma_wait3A_190 = tpu.memref_squeeze %dma_wait3A_189 : memref<1x16xf32, #tpu.memory_space<vmem>> -> memref<16xf32, #tpu.memory_space<vmem>>
      %dma_wait3A_191 = tpu.memref_slice %arg3[%add3A_112, %mul3A_114] : memref<16x256xf32, #tpu.memory_space<hbm>> -> memref<1x16xf32, #tpu.memory_space<hbm>>
      %dma_wait3A_192 = tpu.memref_squeeze %dma_wait3A_191 : memref<1x16xf32, #tpu.memory_space<hbm>> -> memref<16xf32, #tpu.memory_space<hbm>>
      %dma_wait3A_193 = tpu.memref_slice %arg3[%add3A_112, %mul3A_114] : memref<16x256xf32, #tpu.memory_space<hbm>> -> memref<1x16xf32, #tpu.memory_space<hbm>>
      %dma_wait3A_194 = tpu.memref_squeeze %dma_wait3A_193 : memref<1x16xf32, #tpu.memory_space<hbm>> -> memref<16xf32, #tpu.memory_space<hbm>>
      %dma_wait3A_195 = arith.constant 0 : i32
      %dma_wait3A_196 = tpu.memref_slice %arg6[%run_scoped3A_115, %dma_wait3A_195] : memref<8x16xf32, #tpu.memory_space<vmem>> -> memref<1x16xf32, #tpu.memory_space<vmem>>
      %dma_wait3A_197 = tpu.memref_squeeze %dma_wait3A_196 : memref<1x16xf32, #tpu.memory_space<vmem>> -> memref<16xf32, #tpu.memory_space<vmem>>
      tpu.wait_dma2 semaphore(%run_scoped3A_179 : memref<!tpu.dma_semaphore, #tpu.memory_space<semaphore_mem>>) src(%dma_wait3A_197 : memref<16xf32, #tpu.memory_space<vmem>>) dst(%dma_wait3A_194 : memref<16xf32, #tpu.memory_space<hbm>>)
      tpu.yield
    }) : () -> ()
    %mul3A_116 = arith.constant 16 : i32
    %mul3A_117 = arith.muli %arg1, %mul3A_116 : i32
    %run_scoped3A_118 = arith.constant 1 : i32
    "tpu.region"() ({
      %run_scoped3A_179 = tpu.sem_alloc : memref<!tpu.dma_semaphore, #tpu.memory_space<semaphore_mem>>
      %dma_start3A = arith.constant 0 : i32
      %dma_start3A_180 = tpu.memref_slice %arg7[%run_scoped3A_118, %dma_start3A] : memref<8x16xi32, #tpu.memory_space<vmem>> -> memref<1x16xi32, #tpu.memory_space<vmem>>
      %dma_start3A_181 = tpu.memref_squeeze %dma_start3A_180 : memref<1x16xi32, #tpu.memory_space<vmem>> -> memref<16xi32, #tpu.memory_space<vmem>>
      %dma_start3A_182 = tpu.memref_slice %arg4[%add3A_112, %mul3A_117] : memref<16x256xi32, #tpu.memory_space<hbm>> -> memref<1x16xi32, #tpu.memory_space<hbm>>
      %dma_start3A_183 = tpu.memref_squeeze %dma_start3A_182 : memref<1x16xi32, #tpu.memory_space<hbm>> -> memref<16xi32, #tpu.memory_space<hbm>>
      %dma_start3A_184 = tpu.memref_slice %arg4[%add3A_112, %mul3A_117] : memref<16x256xi32, #tpu.memory_space<hbm>> -> memref<1x16xi32, #tpu.memory_space<hbm>>
      %dma_start3A_185 = tpu.memref_squeeze %dma_start3A_184 : memref<1x16xi32, #tpu.memory_space<hbm>> -> memref<16xi32, #tpu.memory_space<hbm>>
      %dma_start3A_186 = arith.constant 0 : i32
      %dma_start3A_187 = tpu.memref_slice %arg7[%run_scoped3A_118, %dma_start3A_186] : memref<8x16xi32, #tpu.memory_space<vmem>> -> memref<1x16xi32, #tpu.memory_space<vmem>>
      %dma_start3A_188 = tpu.memref_squeeze %dma_start3A_187 : memref<1x16xi32, #tpu.memory_space<vmem>> -> memref<16xi32, #tpu.memory_space<vmem>>
      tpu.enqueue_dma source(%dma_start3A_188 : memref<16xi32, #tpu.memory_space<vmem>>) target(%dma_start3A_185 : memref<16xi32, #tpu.memory_space<hbm>>) target_semaphore(%run_scoped3A_179 : memref<!tpu.dma_semaphore, #tpu.memory_space<semaphore_mem>>)
      %dma_wait3A = arith.constant 0 : i32
      %dma_wait3A_189 = tpu.memref_slice %arg7[%run_scoped3A_118, %dma_wait3A] : memref<8x16xi32, #tpu.memory_space<vmem>> -> memref<1x16xi32, #tpu.memory_space<vmem>>
      %dma_wait3A_190 = tpu.memref_squeeze %dma_wait3A_189 : memref<1x16xi32, #tpu.memory_space<vmem>> -> memref<16xi32, #tpu.memory_space<vmem>>
      %dma_wait3A_191 = tpu.memref_slice %arg4[%add3A_112, %mul3A_117] : memref<16x256xi32, #tpu.memory_space<hbm>> -> memref<1x16xi32, #tpu.memory_space<hbm>>
      %dma_wait3A_192 = tpu.memref_squeeze %dma_wait3A_191 : memref<1x16xi32, #tpu.memory_space<hbm>> -> memref<16xi32, #tpu.memory_space<hbm>>
      %dma_wait3A_193 = tpu.memref_slice %arg4[%add3A_112, %mul3A_117] : memref<16x256xi32, #tpu.memory_space<hbm>> -> memref<1x16xi32, #tpu.memory_space<hbm>>
      %dma_wait3A_194 = tpu.memref_squeeze %dma_wait3A_193 : memref<1x16xi32, #tpu.memory_space<hbm>> -> memref<16xi32, #tpu.memory_space<hbm>>
      %dma_wait3A_195 = arith.constant 0 : i32
      %dma_wait3A_196 = tpu.memref_slice %arg7[%run_scoped3A_118, %dma_wait3A_195] : memref<8x16xi32, #tpu.memory_space<vmem>> -> memref<1x16xi32, #tpu.memory_space<vmem>>
      %dma_wait3A_197 = tpu.memref_squeeze %dma_wait3A_196 : memref<1x16xi32, #tpu.memory_space<vmem>> -> memref<16xi32, #tpu.memory_space<vmem>>
      tpu.wait_dma2 semaphore(%run_scoped3A_179 : memref<!tpu.dma_semaphore, #tpu.memory_space<semaphore_mem>>) src(%dma_wait3A_197 : memref<16xi32, #tpu.memory_space<vmem>>) dst(%dma_wait3A_194 : memref<16xi32, #tpu.memory_space<hbm>>)
      tpu.yield
    }) : () -> ()
    %mul3A_119 = arith.constant 8 : i32
    %mul3A_120 = arith.muli %arg0, %mul3A_119 : i32
    %add3A_121 = arith.constant 2 : i32
    %add3A_122 = arith.addi %mul3A_120, %add3A_121 : i32
    %mul3A_123 = arith.constant 16 : i32
    %mul3A_124 = arith.muli %arg1, %mul3A_123 : i32
    %run_scoped3A_125 = arith.constant 2 : i32
    "tpu.region"() ({
      %run_scoped3A_179 = tpu.sem_alloc : memref<!tpu.dma_semaphore, #tpu.memory_space<semaphore_mem>>
      %dma_start3A = arith.constant 0 : i32
      %dma_start3A_180 = tpu.memref_slice %arg6[%run_scoped3A_125, %dma_start3A] : memref<8x16xf32, #tpu.memory_space<vmem>> -> memref<1x16xf32, #tpu.memory_space<vmem>>
      %dma_start3A_181 = tpu.memref_squeeze %dma_start3A_180 : memref<1x16xf32, #tpu.memory_space<vmem>> -> memref<16xf32, #tpu.memory_space<vmem>>
      %dma_start3A_182 = tpu.memref_slice %arg3[%add3A_122, %mul3A_124] : memref<16x256xf32, #tpu.memory_space<hbm>> -> memref<1x16xf32, #tpu.memory_space<hbm>>
      %dma_start3A_183 = tpu.memref_squeeze %dma_start3A_182 : memref<1x16xf32, #tpu.memory_space<hbm>> -> memref<16xf32, #tpu.memory_space<hbm>>
      %dma_start3A_184 = tpu.memref_slice %arg3[%add3A_122, %mul3A_124] : memref<16x256xf32, #tpu.memory_space<hbm>> -> memref<1x16xf32, #tpu.memory_space<hbm>>
      %dma_start3A_185 = tpu.memref_squeeze %dma_start3A_184 : memref<1x16xf32, #tpu.memory_space<hbm>> -> memref<16xf32, #tpu.memory_space<hbm>>
      %dma_start3A_186 = arith.constant 0 : i32
      %dma_start3A_187 = tpu.memref_slice %arg6[%run_scoped3A_125, %dma_start3A_186] : memref<8x16xf32, #tpu.memory_space<vmem>> -> memref<1x16xf32, #tpu.memory_space<vmem>>
      %dma_start3A_188 = tpu.memref_squeeze %dma_start3A_187 : memref<1x16xf32, #tpu.memory_space<vmem>> -> memref<16xf32, #tpu.memory_space<vmem>>
      tpu.enqueue_dma source(%dma_start3A_188 : memref<16xf32, #tpu.memory_space<vmem>>) target(%dma_start3A_185 : memref<16xf32, #tpu.memory_space<hbm>>) target_semaphore(%run_scoped3A_179 : memref<!tpu.dma_semaphore, #tpu.memory_space<semaphore_mem>>)
      %dma_wait3A = arith.constant 0 : i32
      %dma_wait3A_189 = tpu.memref_slice %arg6[%run_scoped3A_125, %dma_wait3A] : memref<8x16xf32, #tpu.memory_space<vmem>> -> memref<1x16xf32, #tpu.memory_space<vmem>>
      %dma_wait3A_190 = tpu.memref_squeeze %dma_wait3A_189 : memref<1x16xf32, #tpu.memory_space<vmem>> -> memref<16xf32, #tpu.memory_space<vmem>>
      %dma_wait3A_191 = tpu.memref_slice %arg3[%add3A_122, %mul3A_124] : memref<16x256xf32, #tpu.memory_space<hbm>> -> memref<1x16xf32, #tpu.memory_space<hbm>>
      %dma_wait3A_192 = tpu.memref_squeeze %dma_wait3A_191 : memref<1x16xf32, #tpu.memory_space<hbm>> -> memref<16xf32, #tpu.memory_space<hbm>>
      %dma_wait3A_193 = tpu.memref_slice %arg3[%add3A_122, %mul3A_124] : memref<16x256xf32, #tpu.memory_space<hbm>> -> memref<1x16xf32, #tpu.memory_space<hbm>>
      %dma_wait3A_194 = tpu.memref_squeeze %dma_wait3A_193 : memref<1x16xf32, #tpu.memory_space<hbm>> -> memref<16xf32, #tpu.memory_space<hbm>>
      %dma_wait3A_195 = arith.constant 0 : i32
      %dma_wait3A_196 = tpu.memref_slice %arg6[%run_scoped3A_125, %dma_wait3A_195] : memref<8x16xf32, #tpu.memory_space<vmem>> -> memref<1x16xf32, #tpu.memory_space<vmem>>
      %dma_wait3A_197 = tpu.memref_squeeze %dma_wait3A_196 : memref<1x16xf32, #tpu.memory_space<vmem>> -> memref<16xf32, #tpu.memory_space<vmem>>
      tpu.wait_dma2 semaphore(%run_scoped3A_179 : memref<!tpu.dma_semaphore, #tpu.memory_space<semaphore_mem>>) src(%dma_wait3A_197 : memref<16xf32, #tpu.memory_space<vmem>>) dst(%dma_wait3A_194 : memref<16xf32, #tpu.memory_space<hbm>>)
      tpu.yield
    }) : () -> ()
    %mul3A_126 = arith.constant 16 : i32
    %mul3A_127 = arith.muli %arg1, %mul3A_126 : i32
    %run_scoped3A_128 = arith.constant 2 : i32
    "tpu.region"() ({
      %run_scoped3A_179 = tpu.sem_alloc : memref<!tpu.dma_semaphore, #tpu.memory_space<semaphore_mem>>
      %dma_start3A = arith.constant 0 : i32
      %dma_start3A_180 = tpu.memref_slice %arg7[%run_scoped3A_128, %dma_start3A] : memref<8x16xi32, #tpu.memory_space<vmem>> -> memref<1x16xi32, #tpu.memory_space<vmem>>
      %dma_start3A_181 = tpu.memref_squeeze %dma_start3A_180 : memref<1x16xi32, #tpu.memory_space<vmem>> -> memref<16xi32, #tpu.memory_space<vmem>>
      %dma_start3A_182 = tpu.memref_slice %arg4[%add3A_122, %mul3A_127] : memref<16x256xi32, #tpu.memory_space<hbm>> -> memref<1x16xi32, #tpu.memory_space<hbm>>
      %dma_start3A_183 = tpu.memref_squeeze %dma_start3A_182 : memref<1x16xi32, #tpu.memory_space<hbm>> -> memref<16xi32, #tpu.memory_space<hbm>>
      %dma_start3A_184 = tpu.memref_slice %arg4[%add3A_122, %mul3A_127] : memref<16x256xi32, #tpu.memory_space<hbm>> -> memref<1x16xi32, #tpu.memory_space<hbm>>
      %dma_start3A_185 = tpu.memref_squeeze %dma_start3A_184 : memref<1x16xi32, #tpu.memory_space<hbm>> -> memref<16xi32, #tpu.memory_space<hbm>>
      %dma_start3A_186 = arith.constant 0 : i32
      %dma_start3A_187 = tpu.memref_slice %arg7[%run_scoped3A_128, %dma_start3A_186] : memref<8x16xi32, #tpu.memory_space<vmem>> -> memref<1x16xi32, #tpu.memory_space<vmem>>
      %dma_start3A_188 = tpu.memref_squeeze %dma_start3A_187 : memref<1x16xi32, #tpu.memory_space<vmem>> -> memref<16xi32, #tpu.memory_space<vmem>>
      tpu.enqueue_dma source(%dma_start3A_188 : memref<16xi32, #tpu.memory_space<vmem>>) target(%dma_start3A_185 : memref<16xi32, #tpu.memory_space<hbm>>) target_semaphore(%run_scoped3A_179 : memref<!tpu.dma_semaphore, #tpu.memory_space<semaphore_mem>>)
      %dma_wait3A = arith.constant 0 : i32
      %dma_wait3A_189 = tpu.memref_slice %arg7[%run_scoped3A_128, %dma_wait3A] : memref<8x16xi32, #tpu.memory_space<vmem>> -> memref<1x16xi32, #tpu.memory_space<vmem>>
      %dma_wait3A_190 = tpu.memref_squeeze %dma_wait3A_189 : memref<1x16xi32, #tpu.memory_space<vmem>> -> memref<16xi32, #tpu.memory_space<vmem>>
      %dma_wait3A_191 = tpu.memref_slice %arg4[%add3A_122, %mul3A_127] : memref<16x256xi32, #tpu.memory_space<hbm>> -> memref<1x16xi32, #tpu.memory_space<hbm>>
      %dma_wait3A_192 = tpu.memref_squeeze %dma_wait3A_191 : memref<1x16xi32, #tpu.memory_space<hbm>> -> memref<16xi32, #tpu.memory_space<hbm>>
      %dma_wait3A_193 = tpu.memref_slice %arg4[%add3A_122, %mul3A_127] : memref<16x256xi32, #tpu.memory_space<hbm>> -> memref<1x16xi32, #tpu.memory_space<hbm>>
      %dma_wait3A_194 = tpu.memref_squeeze %dma_wait3A_193 : memref<1x16xi32, #tpu.memory_space<hbm>> -> memref<16xi32, #tpu.memory_space<hbm>>
      %dma_wait3A_195 = arith.constant 0 : i32
      %dma_wait3A_196 = tpu.memref_slice %arg7[%run_scoped3A_128, %dma_wait3A_195] : memref<8x16xi32, #tpu.memory_space<vmem>> -> memref<1x16xi32, #tpu.memory_space<vmem>>
      %dma_wait3A_197 = tpu.memref_squeeze %dma_wait3A_196 : memref<1x16xi32, #tpu.memory_space<vmem>> -> memref<16xi32, #tpu.memory_space<vmem>>
      tpu.wait_dma2 semaphore(%run_scoped3A_179 : memref<!tpu.dma_semaphore, #tpu.memory_space<semaphore_mem>>) src(%dma_wait3A_197 : memref<16xi32, #tpu.memory_space<vmem>>) dst(%dma_wait3A_194 : memref<16xi32, #tpu.memory_space<hbm>>)
      tpu.yield
    }) : () -> ()
    %mul3A_129 = arith.constant 8 : i32
    %mul3A_130 = arith.muli %arg0, %mul3A_129 : i32
    %add3A_131 = arith.constant 3 : i32
    %add3A_132 = arith.addi %mul3A_130, %add3A_131 : i32
    %mul3A_133 = arith.constant 16 : i32
    %mul3A_134 = arith.muli %arg1, %mul3A_133 : i32
    %run_scoped3A_135 = arith.constant 3 : i32
    "tpu.region"() ({
      %run_scoped3A_179 = tpu.sem_alloc : memref<!tpu.dma_semaphore, #tpu.memory_space<semaphore_mem>>
      %dma_start3A = arith.constant 0 : i32
      %dma_start3A_180 = tpu.memref_slice %arg6[%run_scoped3A_135, %dma_start3A] : memref<8x16xf32, #tpu.memory_space<vmem>> -> memref<1x16xf32, #tpu.memory_space<vmem>>
      %dma_start3A_181 = tpu.memref_squeeze %dma_start3A_180 : memref<1x16xf32, #tpu.memory_space<vmem>> -> memref<16xf32, #tpu.memory_space<vmem>>
      %dma_start3A_182 = tpu.memref_slice %arg3[%add3A_132, %mul3A_134] : memref<16x256xf32, #tpu.memory_space<hbm>> -> memref<1x16xf32, #tpu.memory_space<hbm>>
      %dma_start3A_183 = tpu.memref_squeeze %dma_start3A_182 : memref<1x16xf32, #tpu.memory_space<hbm>> -> memref<16xf32, #tpu.memory_space<hbm>>
      %dma_start3A_184 = tpu.memref_slice %arg3[%add3A_132, %mul3A_134] : memref<16x256xf32, #tpu.memory_space<hbm>> -> memref<1x16xf32, #tpu.memory_space<hbm>>
      %dma_start3A_185 = tpu.memref_squeeze %dma_start3A_184 : memref<1x16xf32, #tpu.memory_space<hbm>> -> memref<16xf32, #tpu.memory_space<hbm>>
      %dma_start3A_186 = arith.constant 0 : i32
      %dma_start3A_187 = tpu.memref_slice %arg6[%run_scoped3A_135, %dma_start3A_186] : memref<8x16xf32, #tpu.memory_space<vmem>> -> memref<1x16xf32, #tpu.memory_space<vmem>>
      %dma_start3A_188 = tpu.memref_squeeze %dma_start3A_187 : memref<1x16xf32, #tpu.memory_space<vmem>> -> memref<16xf32, #tpu.memory_space<vmem>>
      tpu.enqueue_dma source(%dma_start3A_188 : memref<16xf32, #tpu.memory_space<vmem>>) target(%dma_start3A_185 : memref<16xf32, #tpu.memory_space<hbm>>) target_semaphore(%run_scoped3A_179 : memref<!tpu.dma_semaphore, #tpu.memory_space<semaphore_mem>>)
      %dma_wait3A = arith.constant 0 : i32
      %dma_wait3A_189 = tpu.memref_slice %arg6[%run_scoped3A_135, %dma_wait3A] : memref<8x16xf32, #tpu.memory_space<vmem>> -> memref<1x16xf32, #tpu.memory_space<vmem>>
      %dma_wait3A_190 = tpu.memref_squeeze %dma_wait3A_189 : memref<1x16xf32, #tpu.memory_space<vmem>> -> memref<16xf32, #tpu.memory_space<vmem>>
      %dma_wait3A_191 = tpu.memref_slice %arg3[%add3A_132, %mul3A_134] : memref<16x256xf32, #tpu.memory_space<hbm>> -> memref<1x16xf32, #tpu.memory_space<hbm>>
      %dma_wait3A_192 = tpu.memref_squeeze %dma_wait3A_191 : memref<1x16xf32, #tpu.memory_space<hbm>> -> memref<16xf32, #tpu.memory_space<hbm>>
      %dma_wait3A_193 = tpu.memref_slice %arg3[%add3A_132, %mul3A_134] : memref<16x256xf32, #tpu.memory_space<hbm>> -> memref<1x16xf32, #tpu.memory_space<hbm>>
      %dma_wait3A_194 = tpu.memref_squeeze %dma_wait3A_193 : memref<1x16xf32, #tpu.memory_space<hbm>> -> memref<16xf32, #tpu.memory_space<hbm>>
      %dma_wait3A_195 = arith.constant 0 : i32
      %dma_wait3A_196 = tpu.memref_slice %arg6[%run_scoped3A_135, %dma_wait3A_195] : memref<8x16xf32, #tpu.memory_space<vmem>> -> memref<1x16xf32, #tpu.memory_space<vmem>>
      %dma_wait3A_197 = tpu.memref_squeeze %dma_wait3A_196 : memref<1x16xf32, #tpu.memory_space<vmem>> -> memref<16xf32, #tpu.memory_space<vmem>>
      tpu.wait_dma2 semaphore(%run_scoped3A_179 : memref<!tpu.dma_semaphore, #tpu.memory_space<semaphore_mem>>) src(%dma_wait3A_197 : memref<16xf32, #tpu.memory_space<vmem>>) dst(%dma_wait3A_194 : memref<16xf32, #tpu.memory_space<hbm>>)
      tpu.yield
    }) : () -> ()
    %mul3A_136 = arith.constant 16 : i32
    %mul3A_137 = arith.muli %arg1, %mul3A_136 : i32
    %run_scoped3A_138 = arith.constant 3 : i32
    "tpu.region"() ({
      %run_scoped3A_179 = tpu.sem_alloc : memref<!tpu.dma_semaphore, #tpu.memory_space<semaphore_mem>>
      %dma_start3A = arith.constant 0 : i32
      %dma_start3A_180 = tpu.memref_slice %arg7[%run_scoped3A_138, %dma_start3A] : memref<8x16xi32, #tpu.memory_space<vmem>> -> memref<1x16xi32, #tpu.memory_space<vmem>>
      %dma_start3A_181 = tpu.memref_squeeze %dma_start3A_180 : memref<1x16xi32, #tpu.memory_space<vmem>> -> memref<16xi32, #tpu.memory_space<vmem>>
      %dma_start3A_182 = tpu.memref_slice %arg4[%add3A_132, %mul3A_137] : memref<16x256xi32, #tpu.memory_space<hbm>> -> memref<1x16xi32, #tpu.memory_space<hbm>>
      %dma_start3A_183 = tpu.memref_squeeze %dma_start3A_182 : memref<1x16xi32, #tpu.memory_space<hbm>> -> memref<16xi32, #tpu.memory_space<hbm>>
      %dma_start3A_184 = tpu.memref_slice %arg4[%add3A_132, %mul3A_137] : memref<16x256xi32, #tpu.memory_space<hbm>> -> memref<1x16xi32, #tpu.memory_space<hbm>>
      %dma_start3A_185 = tpu.memref_squeeze %dma_start3A_184 : memref<1x16xi32, #tpu.memory_space<hbm>> -> memref<16xi32, #tpu.memory_space<hbm>>
      %dma_start3A_186 = arith.constant 0 : i32
      %dma_start3A_187 = tpu.memref_slice %arg7[%run_scoped3A_138, %dma_start3A_186] : memref<8x16xi32, #tpu.memory_space<vmem>> -> memref<1x16xi32, #tpu.memory_space<vmem>>
      %dma_start3A_188 = tpu.memref_squeeze %dma_start3A_187 : memref<1x16xi32, #tpu.memory_space<vmem>> -> memref<16xi32, #tpu.memory_space<vmem>>
      tpu.enqueue_dma source(%dma_start3A_188 : memref<16xi32, #tpu.memory_space<vmem>>) target(%dma_start3A_185 : memref<16xi32, #tpu.memory_space<hbm>>) target_semaphore(%run_scoped3A_179 : memref<!tpu.dma_semaphore, #tpu.memory_space<semaphore_mem>>)
      %dma_wait3A = arith.constant 0 : i32
      %dma_wait3A_189 = tpu.memref_slice %arg7[%run_scoped3A_138, %dma_wait3A] : memref<8x16xi32, #tpu.memory_space<vmem>> -> memref<1x16xi32, #tpu.memory_space<vmem>>
      %dma_wait3A_190 = tpu.memref_squeeze %dma_wait3A_189 : memref<1x16xi32, #tpu.memory_space<vmem>> -> memref<16xi32, #tpu.memory_space<vmem>>
      %dma_wait3A_191 = tpu.memref_slice %arg4[%add3A_132, %mul3A_137] : memref<16x256xi32, #tpu.memory_space<hbm>> -> memref<1x16xi32, #tpu.memory_space<hbm>>
      %dma_wait3A_192 = tpu.memref_squeeze %dma_wait3A_191 : memref<1x16xi32, #tpu.memory_space<hbm>> -> memref<16xi32, #tpu.memory_space<hbm>>
      %dma_wait3A_193 = tpu.memref_slice %arg4[%add3A_132, %mul3A_137] : memref<16x256xi32, #tpu.memory_space<hbm>> -> memref<1x16xi32, #tpu.memory_space<hbm>>
      %dma_wait3A_194 = tpu.memref_squeeze %dma_wait3A_193 : memref<1x16xi32, #tpu.memory_space<hbm>> -> memref<16xi32, #tpu.memory_space<hbm>>
      %dma_wait3A_195 = arith.constant 0 : i32
      %dma_wait3A_196 = tpu.memref_slice %arg7[%run_scoped3A_138, %dma_wait3A_195] : memref<8x16xi32, #tpu.memory_space<vmem>> -> memref<1x16xi32, #tpu.memory_space<vmem>>
      %dma_wait3A_197 = tpu.memref_squeeze %dma_wait3A_196 : memref<1x16xi32, #tpu.memory_space<vmem>> -> memref<16xi32, #tpu.memory_space<vmem>>
      tpu.wait_dma2 semaphore(%run_scoped3A_179 : memref<!tpu.dma_semaphore, #tpu.memory_space<semaphore_mem>>) src(%dma_wait3A_197 : memref<16xi32, #tpu.memory_space<vmem>>) dst(%dma_wait3A_194 : memref<16xi32, #tpu.memory_space<hbm>>)
      tpu.yield
    }) : () -> ()
    %mul3A_139 = arith.constant 8 : i32
    %mul3A_140 = arith.muli %arg0, %mul3A_139 : i32
    %add3A_141 = arith.constant 4 : i32
    %add3A_142 = arith.addi %mul3A_140, %add3A_141 : i32
    %mul3A_143 = arith.constant 16 : i32
    %mul3A_144 = arith.muli %arg1, %mul3A_143 : i32
    %run_scoped3A_145 = arith.constant 4 : i32
    "tpu.region"() ({
      %run_scoped3A_179 = tpu.sem_alloc : memref<!tpu.dma_semaphore, #tpu.memory_space<semaphore_mem>>
      %dma_start3A = arith.constant 0 : i32
      %dma_start3A_180 = tpu.memref_slice %arg6[%run_scoped3A_145, %dma_start3A] : memref<8x16xf32, #tpu.memory_space<vmem>> -> memref<1x16xf32, #tpu.memory_space<vmem>>
      %dma_start3A_181 = tpu.memref_squeeze %dma_start3A_180 : memref<1x16xf32, #tpu.memory_space<vmem>> -> memref<16xf32, #tpu.memory_space<vmem>>
      %dma_start3A_182 = tpu.memref_slice %arg3[%add3A_142, %mul3A_144] : memref<16x256xf32, #tpu.memory_space<hbm>> -> memref<1x16xf32, #tpu.memory_space<hbm>>
      %dma_start3A_183 = tpu.memref_squeeze %dma_start3A_182 : memref<1x16xf32, #tpu.memory_space<hbm>> -> memref<16xf32, #tpu.memory_space<hbm>>
      %dma_start3A_184 = tpu.memref_slice %arg3[%add3A_142, %mul3A_144] : memref<16x256xf32, #tpu.memory_space<hbm>> -> memref<1x16xf32, #tpu.memory_space<hbm>>
      %dma_start3A_185 = tpu.memref_squeeze %dma_start3A_184 : memref<1x16xf32, #tpu.memory_space<hbm>> -> memref<16xf32, #tpu.memory_space<hbm>>
      %dma_start3A_186 = arith.constant 0 : i32
      %dma_start3A_187 = tpu.memref_slice %arg6[%run_scoped3A_145, %dma_start3A_186] : memref<8x16xf32, #tpu.memory_space<vmem>> -> memref<1x16xf32, #tpu.memory_space<vmem>>
      %dma_start3A_188 = tpu.memref_squeeze %dma_start3A_187 : memref<1x16xf32, #tpu.memory_space<vmem>> -> memref<16xf32, #tpu.memory_space<vmem>>
      tpu.enqueue_dma source(%dma_start3A_188 : memref<16xf32, #tpu.memory_space<vmem>>) target(%dma_start3A_185 : memref<16xf32, #tpu.memory_space<hbm>>) target_semaphore(%run_scoped3A_179 : memref<!tpu.dma_semaphore, #tpu.memory_space<semaphore_mem>>)
      %dma_wait3A = arith.constant 0 : i32
      %dma_wait3A_189 = tpu.memref_slice %arg6[%run_scoped3A_145, %dma_wait3A] : memref<8x16xf32, #tpu.memory_space<vmem>> -> memref<1x16xf32, #tpu.memory_space<vmem>>
      %dma_wait3A_190 = tpu.memref_squeeze %dma_wait3A_189 : memref<1x16xf32, #tpu.memory_space<vmem>> -> memref<16xf32, #tpu.memory_space<vmem>>
      %dma_wait3A_191 = tpu.memref_slice %arg3[%add3A_142, %mul3A_144] : memref<16x256xf32, #tpu.memory_space<hbm>> -> memref<1x16xf32, #tpu.memory_space<hbm>>
      %dma_wait3A_192 = tpu.memref_squeeze %dma_wait3A_191 : memref<1x16xf32, #tpu.memory_space<hbm>> -> memref<16xf32, #tpu.memory_space<hbm>>
      %dma_wait3A_193 = tpu.memref_slice %arg3[%add3A_142, %mul3A_144] : memref<16x256xf32, #tpu.memory_space<hbm>> -> memref<1x16xf32, #tpu.memory_space<hbm>>
      %dma_wait3A_194 = tpu.memref_squeeze %dma_wait3A_193 : memref<1x16xf32, #tpu.memory_space<hbm>> -> memref<16xf32, #tpu.memory_space<hbm>>
      %dma_wait3A_195 = arith.constant 0 : i32
      %dma_wait3A_196 = tpu.memref_slice %arg6[%run_scoped3A_145, %dma_wait3A_195] : memref<8x16xf32, #tpu.memory_space<vmem>> -> memref<1x16xf32, #tpu.memory_space<vmem>>
      %dma_wait3A_197 = tpu.memref_squeeze %dma_wait3A_196 : memref<1x16xf32, #tpu.memory_space<vmem>> -> memref<16xf32, #tpu.memory_space<vmem>>
      tpu.wait_dma2 semaphore(%run_scoped3A_179 : memref<!tpu.dma_semaphore, #tpu.memory_space<semaphore_mem>>) src(%dma_wait3A_197 : memref<16xf32, #tpu.memory_space<vmem>>) dst(%dma_wait3A_194 : memref<16xf32, #tpu.memory_space<hbm>>)
      tpu.yield
    }) : () -> ()
    %mul3A_146 = arith.constant 16 : i32
    %mul3A_147 = arith.muli %arg1, %mul3A_146 : i32
    %run_scoped3A_148 = arith.constant 4 : i32
    "tpu.region"() ({
      %run_scoped3A_179 = tpu.sem_alloc : memref<!tpu.dma_semaphore, #tpu.memory_space<semaphore_mem>>
      %dma_start3A = arith.constant 0 : i32
      %dma_start3A_180 = tpu.memref_slice %arg7[%run_scoped3A_148, %dma_start3A] : memref<8x16xi32, #tpu.memory_space<vmem>> -> memref<1x16xi32, #tpu.memory_space<vmem>>
      %dma_start3A_181 = tpu.memref_squeeze %dma_start3A_180 : memref<1x16xi32, #tpu.memory_space<vmem>> -> memref<16xi32, #tpu.memory_space<vmem>>
      %dma_start3A_182 = tpu.memref_slice %arg4[%add3A_142, %mul3A_147] : memref<16x256xi32, #tpu.memory_space<hbm>> -> memref<1x16xi32, #tpu.memory_space<hbm>>
      %dma_start3A_183 = tpu.memref_squeeze %dma_start3A_182 : memref<1x16xi32, #tpu.memory_space<hbm>> -> memref<16xi32, #tpu.memory_space<hbm>>
      %dma_start3A_184 = tpu.memref_slice %arg4[%add3A_142, %mul3A_147] : memref<16x256xi32, #tpu.memory_space<hbm>> -> memref<1x16xi32, #tpu.memory_space<hbm>>
      %dma_start3A_185 = tpu.memref_squeeze %dma_start3A_184 : memref<1x16xi32, #tpu.memory_space<hbm>> -> memref<16xi32, #tpu.memory_space<hbm>>
      %dma_start3A_186 = arith.constant 0 : i32
      %dma_start3A_187 = tpu.memref_slice %arg7[%run_scoped3A_148, %dma_start3A_186] : memref<8x16xi32, #tpu.memory_space<vmem>> -> memref<1x16xi32, #tpu.memory_space<vmem>>
      %dma_start3A_188 = tpu.memref_squeeze %dma_start3A_187 : memref<1x16xi32, #tpu.memory_space<vmem>> -> memref<16xi32, #tpu.memory_space<vmem>>
      tpu.enqueue_dma source(%dma_start3A_188 : memref<16xi32, #tpu.memory_space<vmem>>) target(%dma_start3A_185 : memref<16xi32, #tpu.memory_space<hbm>>) target_semaphore(%run_scoped3A_179 : memref<!tpu.dma_semaphore, #tpu.memory_space<semaphore_mem>>)
      %dma_wait3A = arith.constant 0 : i32
      %dma_wait3A_189 = tpu.memref_slice %arg7[%run_scoped3A_148, %dma_wait3A] : memref<8x16xi32, #tpu.memory_space<vmem>> -> memref<1x16xi32, #tpu.memory_space<vmem>>
      %dma_wait3A_190 = tpu.memref_squeeze %dma_wait3A_189 : memref<1x16xi32, #tpu.memory_space<vmem>> -> memref<16xi32, #tpu.memory_space<vmem>>
      %dma_wait3A_191 = tpu.memref_slice %arg4[%add3A_142, %mul3A_147] : memref<16x256xi32, #tpu.memory_space<hbm>> -> memref<1x16xi32, #tpu.memory_space<hbm>>
      %dma_wait3A_192 = tpu.memref_squeeze %dma_wait3A_191 : memref<1x16xi32, #tpu.memory_space<hbm>> -> memref<16xi32, #tpu.memory_space<hbm>>
      %dma_wait3A_193 = tpu.memref_slice %arg4[%add3A_142, %mul3A_147] : memref<16x256xi32, #tpu.memory_space<hbm>> -> memref<1x16xi32, #tpu.memory_space<hbm>>
      %dma_wait3A_194 = tpu.memref_squeeze %dma_wait3A_193 : memref<1x16xi32, #tpu.memory_space<hbm>> -> memref<16xi32, #tpu.memory_space<hbm>>
      %dma_wait3A_195 = arith.constant 0 : i32
      %dma_wait3A_196 = tpu.memref_slice %arg7[%run_scoped3A_148, %dma_wait3A_195] : memref<8x16xi32, #tpu.memory_space<vmem>> -> memref<1x16xi32, #tpu.memory_space<vmem>>
      %dma_wait3A_197 = tpu.memref_squeeze %dma_wait3A_196 : memref<1x16xi32, #tpu.memory_space<vmem>> -> memref<16xi32, #tpu.memory_space<vmem>>
      tpu.wait_dma2 semaphore(%run_scoped3A_179 : memref<!tpu.dma_semaphore, #tpu.memory_space<semaphore_mem>>) src(%dma_wait3A_197 : memref<16xi32, #tpu.memory_space<vmem>>) dst(%dma_wait3A_194 : memref<16xi32, #tpu.memory_space<hbm>>)
      tpu.yield
    }) : () -> ()
    %mul3A_149 = arith.constant 8 : i32
    %mul3A_150 = arith.muli %arg0, %mul3A_149 : i32
    %add3A_151 = arith.constant 5 : i32
    %add3A_152 = arith.addi %mul3A_150, %add3A_151 : i32
    %mul3A_153 = arith.constant 16 : i32
    %mul3A_154 = arith.muli %arg1, %mul3A_153 : i32
    %run_scoped3A_155 = arith.constant 5 : i32
    "tpu.region"() ({
      %run_scoped3A_179 = tpu.sem_alloc : memref<!tpu.dma_semaphore, #tpu.memory_space<semaphore_mem>>
      %dma_start3A = arith.constant 0 : i32
      %dma_start3A_180 = tpu.memref_slice %arg6[%run_scoped3A_155, %dma_start3A] : memref<8x16xf32, #tpu.memory_space<vmem>> -> memref<1x16xf32, #tpu.memory_space<vmem>>
      %dma_start3A_181 = tpu.memref_squeeze %dma_start3A_180 : memref<1x16xf32, #tpu.memory_space<vmem>> -> memref<16xf32, #tpu.memory_space<vmem>>
      %dma_start3A_182 = tpu.memref_slice %arg3[%add3A_152, %mul3A_154] : memref<16x256xf32, #tpu.memory_space<hbm>> -> memref<1x16xf32, #tpu.memory_space<hbm>>
      %dma_start3A_183 = tpu.memref_squeeze %dma_start3A_182 : memref<1x16xf32, #tpu.memory_space<hbm>> -> memref<16xf32, #tpu.memory_space<hbm>>
      %dma_start3A_184 = tpu.memref_slice %arg3[%add3A_152, %mul3A_154] : memref<16x256xf32, #tpu.memory_space<hbm>> -> memref<1x16xf32, #tpu.memory_space<hbm>>
      %dma_start3A_185 = tpu.memref_squeeze %dma_start3A_184 : memref<1x16xf32, #tpu.memory_space<hbm>> -> memref<16xf32, #tpu.memory_space<hbm>>
      %dma_start3A_186 = arith.constant 0 : i32
      %dma_start3A_187 = tpu.memref_slice %arg6[%run_scoped3A_155, %dma_start3A_186] : memref<8x16xf32, #tpu.memory_space<vmem>> -> memref<1x16xf32, #tpu.memory_space<vmem>>
      %dma_start3A_188 = tpu.memref_squeeze %dma_start3A_187 : memref<1x16xf32, #tpu.memory_space<vmem>> -> memref<16xf32, #tpu.memory_space<vmem>>
      tpu.enqueue_dma source(%dma_start3A_188 : memref<16xf32, #tpu.memory_space<vmem>>) target(%dma_start3A_185 : memref<16xf32, #tpu.memory_space<hbm>>) target_semaphore(%run_scoped3A_179 : memref<!tpu.dma_semaphore, #tpu.memory_space<semaphore_mem>>)
      %dma_wait3A = arith.constant 0 : i32
      %dma_wait3A_189 = tpu.memref_slice %arg6[%run_scoped3A_155, %dma_wait3A] : memref<8x16xf32, #tpu.memory_space<vmem>> -> memref<1x16xf32, #tpu.memory_space<vmem>>
      %dma_wait3A_190 = tpu.memref_squeeze %dma_wait3A_189 : memref<1x16xf32, #tpu.memory_space<vmem>> -> memref<16xf32, #tpu.memory_space<vmem>>
      %dma_wait3A_191 = tpu.memref_slice %arg3[%add3A_152, %mul3A_154] : memref<16x256xf32, #tpu.memory_space<hbm>> -> memref<1x16xf32, #tpu.memory_space<hbm>>
      %dma_wait3A_192 = tpu.memref_squeeze %dma_wait3A_191 : memref<1x16xf32, #tpu.memory_space<hbm>> -> memref<16xf32, #tpu.memory_space<hbm>>
      %dma_wait3A_193 = tpu.memref_slice %arg3[%add3A_152, %mul3A_154] : memref<16x256xf32, #tpu.memory_space<hbm>> -> memref<1x16xf32, #tpu.memory_space<hbm>>
      %dma_wait3A_194 = tpu.memref_squeeze %dma_wait3A_193 : memref<1x16xf32, #tpu.memory_space<hbm>> -> memref<16xf32, #tpu.memory_space<hbm>>
      %dma_wait3A_195 = arith.constant 0 : i32
      %dma_wait3A_196 = tpu.memref_slice %arg6[%run_scoped3A_155, %dma_wait3A_195] : memref<8x16xf32, #tpu.memory_space<vmem>> -> memref<1x16xf32, #tpu.memory_space<vmem>>
      %dma_wait3A_197 = tpu.memref_squeeze %dma_wait3A_196 : memref<1x16xf32, #tpu.memory_space<vmem>> -> memref<16xf32, #tpu.memory_space<vmem>>
      tpu.wait_dma2 semaphore(%run_scoped3A_179 : memref<!tpu.dma_semaphore, #tpu.memory_space<semaphore_mem>>) src(%dma_wait3A_197 : memref<16xf32, #tpu.memory_space<vmem>>) dst(%dma_wait3A_194 : memref<16xf32, #tpu.memory_space<hbm>>)
      tpu.yield
    }) : () -> ()
    %mul3A_156 = arith.constant 16 : i32
    %mul3A_157 = arith.muli %arg1, %mul3A_156 : i32
    %run_scoped3A_158 = arith.constant 5 : i32
    "tpu.region"() ({
      %run_scoped3A_179 = tpu.sem_alloc : memref<!tpu.dma_semaphore, #tpu.memory_space<semaphore_mem>>
      %dma_start3A = arith.constant 0 : i32
      %dma_start3A_180 = tpu.memref_slice %arg7[%run_scoped3A_158, %dma_start3A] : memref<8x16xi32, #tpu.memory_space<vmem>> -> memref<1x16xi32, #tpu.memory_space<vmem>>
      %dma_start3A_181 = tpu.memref_squeeze %dma_start3A_180 : memref<1x16xi32, #tpu.memory_space<vmem>> -> memref<16xi32, #tpu.memory_space<vmem>>
      %dma_start3A_182 = tpu.memref_slice %arg4[%add3A_152, %mul3A_157] : memref<16x256xi32, #tpu.memory_space<hbm>> -> memref<1x16xi32, #tpu.memory_space<hbm>>
      %dma_start3A_183 = tpu.memref_squeeze %dma_start3A_182 : memref<1x16xi32, #tpu.memory_space<hbm>> -> memref<16xi32, #tpu.memory_space<hbm>>
      %dma_start3A_184 = tpu.memref_slice %arg4[%add3A_152, %mul3A_157] : memref<16x256xi32, #tpu.memory_space<hbm>> -> memref<1x16xi32, #tpu.memory_space<hbm>>
      %dma_start3A_185 = tpu.memref_squeeze %dma_start3A_184 : memref<1x16xi32, #tpu.memory_space<hbm>> -> memref<16xi32, #tpu.memory_space<hbm>>
      %dma_start3A_186 = arith.constant 0 : i32
      %dma_start3A_187 = tpu.memref_slice %arg7[%run_scoped3A_158, %dma_start3A_186] : memref<8x16xi32, #tpu.memory_space<vmem>> -> memref<1x16xi32, #tpu.memory_space<vmem>>
      %dma_start3A_188 = tpu.memref_squeeze %dma_start3A_187 : memref<1x16xi32, #tpu.memory_space<vmem>> -> memref<16xi32, #tpu.memory_space<vmem>>
      tpu.enqueue_dma source(%dma_start3A_188 : memref<16xi32, #tpu.memory_space<vmem>>) target(%dma_start3A_185 : memref<16xi32, #tpu.memory_space<hbm>>) target_semaphore(%run_scoped3A_179 : memref<!tpu.dma_semaphore, #tpu.memory_space<semaphore_mem>>)
      %dma_wait3A = arith.constant 0 : i32
      %dma_wait3A_189 = tpu.memref_slice %arg7[%run_scoped3A_158, %dma_wait3A] : memref<8x16xi32, #tpu.memory_space<vmem>> -> memref<1x16xi32, #tpu.memory_space<vmem>>
      %dma_wait3A_190 = tpu.memref_squeeze %dma_wait3A_189 : memref<1x16xi32, #tpu.memory_space<vmem>> -> memref<16xi32, #tpu.memory_space<vmem>>
      %dma_wait3A_191 = tpu.memref_slice %arg4[%add3A_152, %mul3A_157] : memref<16x256xi32, #tpu.memory_space<hbm>> -> memref<1x16xi32, #tpu.memory_space<hbm>>
      %dma_wait3A_192 = tpu.memref_squeeze %dma_wait3A_191 : memref<1x16xi32, #tpu.memory_space<hbm>> -> memref<16xi32, #tpu.memory_space<hbm>>
      %dma_wait3A_193 = tpu.memref_slice %arg4[%add3A_152, %mul3A_157] : memref<16x256xi32, #tpu.memory_space<hbm>> -> memref<1x16xi32, #tpu.memory_space<hbm>>
      %dma_wait3A_194 = tpu.memref_squeeze %dma_wait3A_193 : memref<1x16xi32, #tpu.memory_space<hbm>> -> memref<16xi32, #tpu.memory_space<hbm>>
      %dma_wait3A_195 = arith.constant 0 : i32
      %dma_wait3A_196 = tpu.memref_slice %arg7[%run_scoped3A_158, %dma_wait3A_195] : memref<8x16xi32, #tpu.memory_space<vmem>> -> memref<1x16xi32, #tpu.memory_space<vmem>>
      %dma_wait3A_197 = tpu.memref_squeeze %dma_wait3A_196 : memref<1x16xi32, #tpu.memory_space<vmem>> -> memref<16xi32, #tpu.memory_space<vmem>>
      tpu.wait_dma2 semaphore(%run_scoped3A_179 : memref<!tpu.dma_semaphore, #tpu.memory_space<semaphore_mem>>) src(%dma_wait3A_197 : memref<16xi32, #tpu.memory_space<vmem>>) dst(%dma_wait3A_194 : memref<16xi32, #tpu.memory_space<hbm>>)
      tpu.yield
    }) : () -> ()
    %mul3A_159 = arith.constant 8 : i32
    %mul3A_160 = arith.muli %arg0, %mul3A_159 : i32
    %add3A_161 = arith.constant 6 : i32
    %add3A_162 = arith.addi %mul3A_160, %add3A_161 : i32
    %mul3A_163 = arith.constant 16 : i32
    %mul3A_164 = arith.muli %arg1, %mul3A_163 : i32
    %run_scoped3A_165 = arith.constant 6 : i32
    "tpu.region"() ({
      %run_scoped3A_179 = tpu.sem_alloc : memref<!tpu.dma_semaphore, #tpu.memory_space<semaphore_mem>>
      %dma_start3A = arith.constant 0 : i32
      %dma_start3A_180 = tpu.memref_slice %arg6[%run_scoped3A_165, %dma_start3A] : memref<8x16xf32, #tpu.memory_space<vmem>> -> memref<1x16xf32, #tpu.memory_space<vmem>>
      %dma_start3A_181 = tpu.memref_squeeze %dma_start3A_180 : memref<1x16xf32, #tpu.memory_space<vmem>> -> memref<16xf32, #tpu.memory_space<vmem>>
      %dma_start3A_182 = tpu.memref_slice %arg3[%add3A_162, %mul3A_164] : memref<16x256xf32, #tpu.memory_space<hbm>> -> memref<1x16xf32, #tpu.memory_space<hbm>>
      %dma_start3A_183 = tpu.memref_squeeze %dma_start3A_182 : memref<1x16xf32, #tpu.memory_space<hbm>> -> memref<16xf32, #tpu.memory_space<hbm>>
      %dma_start3A_184 = tpu.memref_slice %arg3[%add3A_162, %mul3A_164] : memref<16x256xf32, #tpu.memory_space<hbm>> -> memref<1x16xf32, #tpu.memory_space<hbm>>
      %dma_start3A_185 = tpu.memref_squeeze %dma_start3A_184 : memref<1x16xf32, #tpu.memory_space<hbm>> -> memref<16xf32, #tpu.memory_space<hbm>>
      %dma_start3A_186 = arith.constant 0 : i32
      %dma_start3A_187 = tpu.memref_slice %arg6[%run_scoped3A_165, %dma_start3A_186] : memref<8x16xf32, #tpu.memory_space<vmem>> -> memref<1x16xf32, #tpu.memory_space<vmem>>
      %dma_start3A_188 = tpu.memref_squeeze %dma_start3A_187 : memref<1x16xf32, #tpu.memory_space<vmem>> -> memref<16xf32, #tpu.memory_space<vmem>>
      tpu.enqueue_dma source(%dma_start3A_188 : memref<16xf32, #tpu.memory_space<vmem>>) target(%dma_start3A_185 : memref<16xf32, #tpu.memory_space<hbm>>) target_semaphore(%run_scoped3A_179 : memref<!tpu.dma_semaphore, #tpu.memory_space<semaphore_mem>>)
      %dma_wait3A = arith.constant 0 : i32
      %dma_wait3A_189 = tpu.memref_slice %arg6[%run_scoped3A_165, %dma_wait3A] : memref<8x16xf32, #tpu.memory_space<vmem>> -> memref<1x16xf32, #tpu.memory_space<vmem>>
      %dma_wait3A_190 = tpu.memref_squeeze %dma_wait3A_189 : memref<1x16xf32, #tpu.memory_space<vmem>> -> memref<16xf32, #tpu.memory_space<vmem>>
      %dma_wait3A_191 = tpu.memref_slice %arg3[%add3A_162, %mul3A_164] : memref<16x256xf32, #tpu.memory_space<hbm>> -> memref<1x16xf32, #tpu.memory_space<hbm>>
      %dma_wait3A_192 = tpu.memref_squeeze %dma_wait3A_191 : memref<1x16xf32, #tpu.memory_space<hbm>> -> memref<16xf32, #tpu.memory_space<hbm>>
      %dma_wait3A_193 = tpu.memref_slice %arg3[%add3A_162, %mul3A_164] : memref<16x256xf32, #tpu.memory_space<hbm>> -> memref<1x16xf32, #tpu.memory_space<hbm>>
      %dma_wait3A_194 = tpu.memref_squeeze %dma_wait3A_193 : memref<1x16xf32, #tpu.memory_space<hbm>> -> memref<16xf32, #tpu.memory_space<hbm>>
      %dma_wait3A_195 = arith.constant 0 : i32
      %dma_wait3A_196 = tpu.memref_slice %arg6[%run_scoped3A_165, %dma_wait3A_195] : memref<8x16xf32, #tpu.memory_space<vmem>> -> memref<1x16xf32, #tpu.memory_space<vmem>>
      %dma_wait3A_197 = tpu.memref_squeeze %dma_wait3A_196 : memref<1x16xf32, #tpu.memory_space<vmem>> -> memref<16xf32, #tpu.memory_space<vmem>>
      tpu.wait_dma2 semaphore(%run_scoped3A_179 : memref<!tpu.dma_semaphore, #tpu.memory_space<semaphore_mem>>) src(%dma_wait3A_197 : memref<16xf32, #tpu.memory_space<vmem>>) dst(%dma_wait3A_194 : memref<16xf32, #tpu.memory_space<hbm>>)
      tpu.yield
    }) : () -> ()
    %mul3A_166 = arith.constant 16 : i32
    %mul3A_167 = arith.muli %arg1, %mul3A_166 : i32
    %run_scoped3A_168 = arith.constant 6 : i32
    "tpu.region"() ({
      %run_scoped3A_179 = tpu.sem_alloc : memref<!tpu.dma_semaphore, #tpu.memory_space<semaphore_mem>>
      %dma_start3A = arith.constant 0 : i32
      %dma_start3A_180 = tpu.memref_slice %arg7[%run_scoped3A_168, %dma_start3A] : memref<8x16xi32, #tpu.memory_space<vmem>> -> memref<1x16xi32, #tpu.memory_space<vmem>>
      %dma_start3A_181 = tpu.memref_squeeze %dma_start3A_180 : memref<1x16xi32, #tpu.memory_space<vmem>> -> memref<16xi32, #tpu.memory_space<vmem>>
      %dma_start3A_182 = tpu.memref_slice %arg4[%add3A_162, %mul3A_167] : memref<16x256xi32, #tpu.memory_space<hbm>> -> memref<1x16xi32, #tpu.memory_space<hbm>>
      %dma_start3A_183 = tpu.memref_squeeze %dma_start3A_182 : memref<1x16xi32, #tpu.memory_space<hbm>> -> memref<16xi32, #tpu.memory_space<hbm>>
      %dma_start3A_184 = tpu.memref_slice %arg4[%add3A_162, %mul3A_167] : memref<16x256xi32, #tpu.memory_space<hbm>> -> memref<1x16xi32, #tpu.memory_space<hbm>>
      %dma_start3A_185 = tpu.memref_squeeze %dma_start3A_184 : memref<1x16xi32, #tpu.memory_space<hbm>> -> memref<16xi32, #tpu.memory_space<hbm>>
      %dma_start3A_186 = arith.constant 0 : i32
      %dma_start3A_187 = tpu.memref_slice %arg7[%run_scoped3A_168, %dma_start3A_186] : memref<8x16xi32, #tpu.memory_space<vmem>> -> memref<1x16xi32, #tpu.memory_space<vmem>>
      %dma_start3A_188 = tpu.memref_squeeze %dma_start3A_187 : memref<1x16xi32, #tpu.memory_space<vmem>> -> memref<16xi32, #tpu.memory_space<vmem>>
      tpu.enqueue_dma source(%dma_start3A_188 : memref<16xi32, #tpu.memory_space<vmem>>) target(%dma_start3A_185 : memref<16xi32, #tpu.memory_space<hbm>>) target_semaphore(%run_scoped3A_179 : memref<!tpu.dma_semaphore, #tpu.memory_space<semaphore_mem>>)
      %dma_wait3A = arith.constant 0 : i32
      %dma_wait3A_189 = tpu.memref_slice %arg7[%run_scoped3A_168, %dma_wait3A] : memref<8x16xi32, #tpu.memory_space<vmem>> -> memref<1x16xi32, #tpu.memory_space<vmem>>
      %dma_wait3A_190 = tpu.memref_squeeze %dma_wait3A_189 : memref<1x16xi32, #tpu.memory_space<vmem>> -> memref<16xi32, #tpu.memory_space<vmem>>
      %dma_wait3A_191 = tpu.memref_slice %arg4[%add3A_162, %mul3A_167] : memref<16x256xi32, #tpu.memory_space<hbm>> -> memref<1x16xi32, #tpu.memory_space<hbm>>
      %dma_wait3A_192 = tpu.memref_squeeze %dma_wait3A_191 : memref<1x16xi32, #tpu.memory_space<hbm>> -> memref<16xi32, #tpu.memory_space<hbm>>
      %dma_wait3A_193 = tpu.memref_slice %arg4[%add3A_162, %mul3A_167] : memref<16x256xi32, #tpu.memory_space<hbm>> -> memref<1x16xi32, #tpu.memory_space<hbm>>
      %dma_wait3A_194 = tpu.memref_squeeze %dma_wait3A_193 : memref<1x16xi32, #tpu.memory_space<hbm>> -> memref<16xi32, #tpu.memory_space<hbm>>
      %dma_wait3A_195 = arith.constant 0 : i32
      %dma_wait3A_196 = tpu.memref_slice %arg7[%run_scoped3A_168, %dma_wait3A_195] : memref<8x16xi32, #tpu.memory_space<vmem>> -> memref<1x16xi32, #tpu.memory_space<vmem>>
      %dma_wait3A_197 = tpu.memref_squeeze %dma_wait3A_196 : memref<1x16xi32, #tpu.memory_space<vmem>> -> memref<16xi32, #tpu.memory_space<vmem>>
      tpu.wait_dma2 semaphore(%run_scoped3A_179 : memref<!tpu.dma_semaphore, #tpu.memory_space<semaphore_mem>>) src(%dma_wait3A_197 : memref<16xi32, #tpu.memory_space<vmem>>) dst(%dma_wait3A_194 : memref<16xi32, #tpu.memory_space<hbm>>)
      tpu.yield
    }) : () -> ()
    %mul3A_169 = arith.constant 8 : i32
    %mul3A_170 = arith.muli %arg0, %mul3A_169 : i32
    %add3A_171 = arith.constant 7 : i32
    %add3A_172 = arith.addi %mul3A_170, %add3A_171 : i32
    %mul3A_173 = arith.constant 16 : i32
    %mul3A_174 = arith.muli %arg1, %mul3A_173 : i32
    %run_scoped3A_175 = arith.constant 7 : i32
    "tpu.region"() ({
      %run_scoped3A_179 = tpu.sem_alloc : memref<!tpu.dma_semaphore, #tpu.memory_space<semaphore_mem>>
      %dma_start3A = arith.constant 0 : i32
      %dma_start3A_180 = tpu.memref_slice %arg6[%run_scoped3A_175, %dma_start3A] : memref<8x16xf32, #tpu.memory_space<vmem>> -> memref<1x16xf32, #tpu.memory_space<vmem>>
      %dma_start3A_181 = tpu.memref_squeeze %dma_start3A_180 : memref<1x16xf32, #tpu.memory_space<vmem>> -> memref<16xf32, #tpu.memory_space<vmem>>
      %dma_start3A_182 = tpu.memref_slice %arg3[%add3A_172, %mul3A_174] : memref<16x256xf32, #tpu.memory_space<hbm>> -> memref<1x16xf32, #tpu.memory_space<hbm>>
      %dma_start3A_183 = tpu.memref_squeeze %dma_start3A_182 : memref<1x16xf32, #tpu.memory_space<hbm>> -> memref<16xf32, #tpu.memory_space<hbm>>
      %dma_start3A_184 = tpu.memref_slice %arg3[%add3A_172, %mul3A_174] : memref<16x256xf32, #tpu.memory_space<hbm>> -> memref<1x16xf32, #tpu.memory_space<hbm>>
      %dma_start3A_185 = tpu.memref_squeeze %dma_start3A_184 : memref<1x16xf32, #tpu.memory_space<hbm>> -> memref<16xf32, #tpu.memory_space<hbm>>
      %dma_start3A_186 = arith.constant 0 : i32
      %dma_start3A_187 = tpu.memref_slice %arg6[%run_scoped3A_175, %dma_start3A_186] : memref<8x16xf32, #tpu.memory_space<vmem>> -> memref<1x16xf32, #tpu.memory_space<vmem>>
      %dma_start3A_188 = tpu.memref_squeeze %dma_start3A_187 : memref<1x16xf32, #tpu.memory_space<vmem>> -> memref<16xf32, #tpu.memory_space<vmem>>
      tpu.enqueue_dma source(%dma_start3A_188 : memref<16xf32, #tpu.memory_space<vmem>>) target(%dma_start3A_185 : memref<16xf32, #tpu.memory_space<hbm>>) target_semaphore(%run_scoped3A_179 : memref<!tpu.dma_semaphore, #tpu.memory_space<semaphore_mem>>)
      %dma_wait3A = arith.constant 0 : i32
      %dma_wait3A_189 = tpu.memref_slice %arg6[%run_scoped3A_175, %dma_wait3A] : memref<8x16xf32, #tpu.memory_space<vmem>> -> memref<1x16xf32, #tpu.memory_space<vmem>>
      %dma_wait3A_190 = tpu.memref_squeeze %dma_wait3A_189 : memref<1x16xf32, #tpu.memory_space<vmem>> -> memref<16xf32, #tpu.memory_space<vmem>>
      %dma_wait3A_191 = tpu.memref_slice %arg3[%add3A_172, %mul3A_174] : memref<16x256xf32, #tpu.memory_space<hbm>> -> memref<1x16xf32, #tpu.memory_space<hbm>>
      %dma_wait3A_192 = tpu.memref_squeeze %dma_wait3A_191 : memref<1x16xf32, #tpu.memory_space<hbm>> -> memref<16xf32, #tpu.memory_space<hbm>>
      %dma_wait3A_193 = tpu.memref_slice %arg3[%add3A_172, %mul3A_174] : memref<16x256xf32, #tpu.memory_space<hbm>> -> memref<1x16xf32, #tpu.memory_space<hbm>>
      %dma_wait3A_194 = tpu.memref_squeeze %dma_wait3A_193 : memref<1x16xf32, #tpu.memory_space<hbm>> -> memref<16xf32, #tpu.memory_space<hbm>>
      %dma_wait3A_195 = arith.constant 0 : i32
      %dma_wait3A_196 = tpu.memref_slice %arg6[%run_scoped3A_175, %dma_wait3A_195] : memref<8x16xf32, #tpu.memory_space<vmem>> -> memref<1x16xf32, #tpu.memory_space<vmem>>
      %dma_wait3A_197 = tpu.memref_squeeze %dma_wait3A_196 : memref<1x16xf32, #tpu.memory_space<vmem>> -> memref<16xf32, #tpu.memory_space<vmem>>
      tpu.wait_dma2 semaphore(%run_scoped3A_179 : memref<!tpu.dma_semaphore, #tpu.memory_space<semaphore_mem>>) src(%dma_wait3A_197 : memref<16xf32, #tpu.memory_space<vmem>>) dst(%dma_wait3A_194 : memref<16xf32, #tpu.memory_space<hbm>>)
      tpu.yield
    }) : () -> ()
    %mul3A_176 = arith.constant 16 : i32
    %mul3A_177 = arith.muli %arg1, %mul3A_176 : i32
    %run_scoped3A_178 = arith.constant 7 : i32
    "tpu.region"() ({
      %run_scoped3A_179 = tpu.sem_alloc : memref<!tpu.dma_semaphore, #tpu.memory_space<semaphore_mem>>
      %dma_start3A = arith.constant 0 : i32
      %dma_start3A_180 = tpu.memref_slice %arg7[%run_scoped3A_178, %dma_start3A] : memref<8x16xi32, #tpu.memory_space<vmem>> -> memref<1x16xi32, #tpu.memory_space<vmem>>
      %dma_start3A_181 = tpu.memref_squeeze %dma_start3A_180 : memref<1x16xi32, #tpu.memory_space<vmem>> -> memref<16xi32, #tpu.memory_space<vmem>>
      %dma_start3A_182 = tpu.memref_slice %arg4[%add3A_172, %mul3A_177] : memref<16x256xi32, #tpu.memory_space<hbm>> -> memref<1x16xi32, #tpu.memory_space<hbm>>
      %dma_start3A_183 = tpu.memref_squeeze %dma_start3A_182 : memref<1x16xi32, #tpu.memory_space<hbm>> -> memref<16xi32, #tpu.memory_space<hbm>>
      %dma_start3A_184 = tpu.memref_slice %arg4[%add3A_172, %mul3A_177] : memref<16x256xi32, #tpu.memory_space<hbm>> -> memref<1x16xi32, #tpu.memory_space<hbm>>
      %dma_start3A_185 = tpu.memref_squeeze %dma_start3A_184 : memref<1x16xi32, #tpu.memory_space<hbm>> -> memref<16xi32, #tpu.memory_space<hbm>>
      %dma_start3A_186 = arith.constant 0 : i32
      %dma_start3A_187 = tpu.memref_slice %arg7[%run_scoped3A_178, %dma_start3A_186] : memref<8x16xi32, #tpu.memory_space<vmem>> -> memref<1x16xi32, #tpu.memory_space<vmem>>
      %dma_start3A_188 = tpu.memref_squeeze %dma_start3A_187 : memref<1x16xi32, #tpu.memory_space<vmem>> -> memref<16xi32, #tpu.memory_space<vmem>>
      tpu.enqueue_dma source(%dma_start3A_188 : memref<16xi32, #tpu.memory_space<vmem>>) target(%dma_start3A_185 : memref<16xi32, #tpu.memory_space<hbm>>) target_semaphore(%run_scoped3A_179 : memref<!tpu.dma_semaphore, #tpu.memory_space<semaphore_mem>>)
      %dma_wait3A = arith.constant 0 : i32
      %dma_wait3A_189 = tpu.memref_slice %arg7[%run_scoped3A_178, %dma_wait3A] : memref<8x16xi32, #tpu.memory_space<vmem>> -> memref<1x16xi32, #tpu.memory_space<vmem>>
      %dma_wait3A_190 = tpu.memref_squeeze %dma_wait3A_189 : memref<1x16xi32, #tpu.memory_space<vmem>> -> memref<16xi32, #tpu.memory_space<vmem>>
      %dma_wait3A_191 = tpu.memref_slice %arg4[%add3A_172, %mul3A_177] : memref<16x256xi32, #tpu.memory_space<hbm>> -> memref<1x16xi32, #tpu.memory_space<hbm>>
      %dma_wait3A_192 = tpu.memref_squeeze %dma_wait3A_191 : memref<1x16xi32, #tpu.memory_space<hbm>> -> memref<16xi32, #tpu.memory_space<hbm>>
      %dma_wait3A_193 = tpu.memref_slice %arg4[%add3A_172, %mul3A_177] : memref<16x256xi32, #tpu.memory_space<hbm>> -> memref<1x16xi32, #tpu.memory_space<hbm>>
      %dma_wait3A_194 = tpu.memref_squeeze %dma_wait3A_193 : memref<1x16xi32, #tpu.memory_space<hbm>> -> memref<16xi32, #tpu.memory_space<hbm>>
      %dma_wait3A_195 = arith.constant 0 : i32
      %dma_wait3A_196 = tpu.memref_slice %arg7[%run_scoped3A_178, %dma_wait3A_195] : memref<8x16xi32, #tpu.memory_space<vmem>> -> memref<1x16xi32, #tpu.memory_space<vmem>>
      %dma_wait3A_197 = tpu.memref_squeeze %dma_wait3A_196 : memref<1x16xi32, #tpu.memory_space<vmem>> -> memref<16xi32, #tpu.memory_space<vmem>>
      tpu.wait_dma2 semaphore(%run_scoped3A_179 : memref<!tpu.dma_semaphore, #tpu.memory_space<semaphore_mem>>) src(%dma_wait3A_197 : memref<16xi32, #tpu.memory_space<vmem>>) dst(%dma_wait3A_194 : memref<16xi32, #tpu.memory_space<hbm>>)
      tpu.yield
    }) : () -> ()
    return
  }
}

#map = affine_map<(d0, d1) -> (0, 0)>
module attributes {stable_mosaic.version = 14 : i64} {
  func.func @_stage3_body(%arg0: i32, %arg1: i32, %arg2: memref<16x256xf32, #tpu.memory_space<hbm>>, %arg3: memref<16x256xi32, #tpu.memory_space<hbm>>, %arg4: memref<16x16xf32, #tpu.memory_space<hbm>>, %arg5: memref<16x16xf32, #tpu.memory_space<hbm>>, %arg6: memref<16x16xf32, #tpu.memory_space<hbm>>, %arg7: memref<16x16xi32, #tpu.memory_space<hbm>>, %arg8: memref<16x256xf32, #tpu.memory_space<vmem>>, %arg9: memref<16x256xi32, #tpu.memory_space<vmem>>, %arg10: memref<16x16xf32, #tpu.memory_space<vmem>>, %arg11: memref<1x16xf32, #tpu.memory_space<vmem>>, %arg12: memref<1x16xi32, #tpu.memory_space<vmem>>, %arg13: memref<16xf32, #tpu.memory_space<vmem>>, %arg14: memref<16xf32, #tpu.memory_space<vmem>>, %arg15: memref<16xi32, #tpu.memory_space<vmem>>) attributes {dimension_semantics = [#tpu.dimension_semantics<core_parallel>, #tpu.dimension_semantics<subcore_parallel>], iteration_bounds = array<i64: 2, 16>, scalar_prefetch = 0 : i64, scratch_operands = 8 : i64, tpu.core_type = #tpu.core_type<sc_vector_subcore>, window_params = [{transform_indices = #map}, {transform_indices = #map}, {transform_indices = #map}, {transform_indices = #map}, {transform_indices = #map}, {transform_indices = #map}]} {
    %lt3A = arith.constant 8 : i32
    %lt3A_0 = arith.cmpi slt, %arg1, %lt3A : i32
    %convert_element_type3A = arith.extui %lt3A_0 : i1 to i32
    %cond3A = arith.constant 0 : i32
    %cond3A_1 = arith.cmpi ne, %convert_element_type3A, %cond3A : i32
    scf.if %cond3A_1 {
      %mul3A = arith.constant 2 : i32
      %mul3A_2 = arith.muli %arg1, %mul3A : i32
      %add3A = arith.addi %mul3A_2, %arg0 : i32
      "tpu.region"() ({
        %run_scoped3A = tpu.sem_alloc : memref<!tpu.dma_semaphore, #tpu.memory_space<semaphore_mem>>
        tpu.enqueue_dma source(%arg2 : memref<16x256xf32, #tpu.memory_space<hbm>>) target(%arg8 : memref<16x256xf32, #tpu.memory_space<vmem>>) target_semaphore(%run_scoped3A : memref<!tpu.dma_semaphore, #tpu.memory_space<semaphore_mem>>)
        tpu.wait_dma2 semaphore(%run_scoped3A : memref<!tpu.dma_semaphore, #tpu.memory_space<semaphore_mem>>) src(%arg2 : memref<16x256xf32, #tpu.memory_space<hbm>>) dst(%arg8 : memref<16x256xf32, #tpu.memory_space<vmem>>)
        tpu.yield
      }) : () -> ()
      "tpu.region"() ({
        %run_scoped3A = tpu.sem_alloc : memref<!tpu.dma_semaphore, #tpu.memory_space<semaphore_mem>>
        tpu.enqueue_dma source(%arg3 : memref<16x256xi32, #tpu.memory_space<hbm>>) target(%arg9 : memref<16x256xi32, #tpu.memory_space<vmem>>) target_semaphore(%run_scoped3A : memref<!tpu.dma_semaphore, #tpu.memory_space<semaphore_mem>>)
        tpu.wait_dma2 semaphore(%run_scoped3A : memref<!tpu.dma_semaphore, #tpu.memory_space<semaphore_mem>>) src(%arg3 : memref<16x256xi32, #tpu.memory_space<hbm>>) dst(%arg9 : memref<16x256xi32, #tpu.memory_space<vmem>>)
        tpu.yield
      }) : () -> ()
      "tpu.region"() ({
        %run_scoped3A = tpu.sem_alloc : memref<!tpu.dma_semaphore, #tpu.memory_space<semaphore_mem>>
        tpu.enqueue_dma source(%arg4 : memref<16x16xf32, #tpu.memory_space<hbm>>) target(%arg10 : memref<16x16xf32, #tpu.memory_space<vmem>>) target_semaphore(%run_scoped3A : memref<!tpu.dma_semaphore, #tpu.memory_space<semaphore_mem>>)
        tpu.wait_dma2 semaphore(%run_scoped3A : memref<!tpu.dma_semaphore, #tpu.memory_space<semaphore_mem>>) src(%arg4 : memref<16x16xf32, #tpu.memory_space<hbm>>) dst(%arg10 : memref<16x16xf32, #tpu.memory_space<vmem>>)
        tpu.yield
      }) : () -> ()
      %broadcast_in_dim3A = arith.constant 0xFF800000 : f32
      %broadcast_in_dim3A_3 = vector.broadcast %broadcast_in_dim3A : f32 to vector<16xf32>
      %swap3A = arith.constant 0 : i32
      %swap3A_4 = arith.index_cast %swap3A : i32 to index
      %swap3A_5 = arith.constant 0 : index
      %swap3A_6 = tpu.vector_load %arg11[%swap3A_4, %swap3A_5] {strides = array<i32>} : memref<1x16xf32, #tpu.memory_space<vmem>>, vector<16xf32>,
      tpu.vector_store %arg11[%swap3A_4, %swap3A_5], %broadcast_in_dim3A_3 {strides = array<i32>} : memref<1x16xf32, #tpu.memory_space<vmem>>, vector<16xf32>,
      %broadcast_in_dim3A_7 = arith.constant 0 : i32
      %broadcast_in_dim3A_8 = vector.broadcast %broadcast_in_dim3A_7 : i32 to vector<16xi32>
      %swap3A_9 = arith.constant 0 : i32
      %swap3A_10 = arith.index_cast %swap3A_9 : i32 to index
      %swap3A_11 = arith.constant 0 : index
      %swap3A_12 = tpu.vector_load %arg12[%swap3A_10, %swap3A_11] {strides = array<i32>} : memref<1x16xi32, #tpu.memory_space<vmem>>, vector<16xi32>,
      tpu.vector_store %arg12[%swap3A_10, %swap3A_11], %broadcast_in_dim3A_8 {strides = array<i32>} : memref<1x16xi32, #tpu.memory_space<vmem>>, vector<16xi32>,
      %iota3A = tpu.iota {dimensions = array<i32: 0>} : vector<16xi32>
      %broadcast_in_dim3A_13 = vector.broadcast %add3A : i32 to vector<16xi32>
      %broadcast_in_dim3A_14 = arith.constant 0 : i32
      %broadcast_in_dim3A_15 = vector.broadcast %broadcast_in_dim3A_14 : i32 to vector<16xi32>
      %add3A_16 = arith.addi %broadcast_in_dim3A_15, %iota3A : vector<16xi32>
      %gather3A = tpu.vector_load_idx %arg8[%broadcast_in_dim3A_13, %add3A_16] : memref<16x256xf32, #tpu.memory_space<vmem>>[vector<16xi32>, vector<16xi32>], vector<16xf32>,
      %gather3A_17 = tpu.vector_load_idx %arg9[%broadcast_in_dim3A_13, %add3A_16] : memref<16x256xi32, #tpu.memory_space<vmem>>[vector<16xi32>, vector<16xi32>], vector<16xi32>,
      %masked_sort3A = arith.constant dense<true> : vector<16xi1>
      %masked_sort3A_18, %masked_sort3A_19, %masked_sort3A_20 = tpu.sort %gather3A, %gather3A_17 masked %masked_sort3A {descending = true} : (vector<16xf32>, vector<16xi32>, vector<16xi1>) -> (vector<16xi1>, vector<16xf32>, vector<16xi32>)
      %rev3A = arith.constant 15 : i32
      %rev3A_21 = vector.broadcast %rev3A : i32 to vector<16xi32>
      %rev3A_22 = tpu.iota {dimensions = array<i32: 0>} : vector<16xi32>
      %rev3A_23 = arith.subi %rev3A_21, %rev3A_22 : vector<16xi32>
      %rev3A_24 = tpu.dynamic_gather %masked_sort3A_19[%rev3A_23] in [0] : vector<16xf32>, vector<16xi32> -> vector<16xf32>
      %rev3A_25 = arith.constant 15 : i32
      %rev3A_26 = vector.broadcast %rev3A_25 : i32 to vector<16xi32>
      %rev3A_27 = tpu.iota {dimensions = array<i32: 0>} : vector<16xi32>
      %rev3A_28 = arith.subi %rev3A_26, %rev3A_27 : vector<16xi32>
      %rev3A_29 = tpu.dynamic_gather %masked_sort3A_20[%rev3A_28] in [0] : vector<16xi32>, vector<16xi32> -> vector<16xi32>
      %get3A = arith.constant 0 : i32
      %get3A_30 = arith.index_cast %get3A : i32 to index
      %get3A_31 = arith.constant 0 : index
      %get3A_32 = tpu.vector_load %arg11[%get3A_30, %get3A_31] {strides = array<i32>} : memref<1x16xf32, #tpu.memory_space<vmem>>, vector<16xf32>,
      %get3A_33 = arith.constant 0 : i32
      %get3A_34 = arith.index_cast %get3A_33 : i32 to index
      %get3A_35 = arith.constant 0 : index
      %get3A_36 = tpu.vector_load %arg12[%get3A_34, %get3A_35] {strides = array<i32>} : memref<1x16xi32, #tpu.memory_space<vmem>>, vector<16xi32>,
      %ge3A = arith.cmpf oge, %get3A_32, %rev3A_24 : vector<16xf32>
      %select_n3A = arith.select %ge3A, %get3A_32, %rev3A_24 : vector<16xi1>, vector<16xf32>
      %select_n3A_37 = arith.select %ge3A, %get3A_36, %rev3A_29 : vector<16xi1>, vector<16xi32>
      %masked_sort3A_38 = arith.constant dense<true> : vector<16xi1>
      %masked_sort3A_39, %masked_sort3A_40, %masked_sort3A_41 = tpu.sort %select_n3A, %select_n3A_37 masked %masked_sort3A_38 {descending = true} : (vector<16xf32>, vector<16xi32>, vector<16xi1>) -> (vector<16xi1>, vector<16xf32>, vector<16xi32>)
      %swap3A_42 = arith.constant 0 : i32
      %swap3A_43 = arith.index_cast %swap3A_42 : i32 to index
      %swap3A_44 = arith.constant 0 : index
      %swap3A_45 = tpu.vector_load %arg11[%swap3A_43, %swap3A_44] {strides = array<i32>} : memref<1x16xf32, #tpu.memory_space<vmem>>, vector<16xf32>,
      tpu.vector_store %arg11[%swap3A_43, %swap3A_44], %masked_sort3A_40 {strides = array<i32>} : memref<1x16xf32, #tpu.memory_space<vmem>>, vector<16xf32>,
      %swap3A_46 = arith.constant 0 : i32
      %swap3A_47 = arith.index_cast %swap3A_46 : i32 to index
      %swap3A_48 = arith.constant 0 : index
      %swap3A_49 = tpu.vector_load %arg12[%swap3A_47, %swap3A_48] {strides = array<i32>} : memref<1x16xi32, #tpu.memory_space<vmem>>, vector<16xi32>,
      tpu.vector_store %arg12[%swap3A_47, %swap3A_48], %masked_sort3A_41 {strides = array<i32>} : memref<1x16xi32, #tpu.memory_space<vmem>>, vector<16xi32>,
      %broadcast_in_dim3A_50 = arith.constant 16 : i32
      %broadcast_in_dim3A_51 = vector.broadcast %broadcast_in_dim3A_50 : i32 to vector<16xi32>
      %add3A_52 = arith.addi %broadcast_in_dim3A_51, %iota3A : vector<16xi32>
      %gather3A_53 = tpu.vector_load_idx %arg8[%broadcast_in_dim3A_13, %add3A_52] : memref<16x256xf32, #tpu.memory_space<vmem>>[vector<16xi32>, vector<16xi32>], vector<16xf32>,
      %gather3A_54 = tpu.vector_load_idx %arg9[%broadcast_in_dim3A_13, %add3A_52] : memref<16x256xi32, #tpu.memory_space<vmem>>[vector<16xi32>, vector<16xi32>], vector<16xi32>,
      %masked_sort3A_55 = arith.constant dense<true> : vector<16xi1>
      %masked_sort3A_56, %masked_sort3A_57, %masked_sort3A_58 = tpu.sort %gather3A_53, %gather3A_54 masked %masked_sort3A_55 {descending = true} : (vector<16xf32>, vector<16xi32>, vector<16xi1>) -> (vector<16xi1>, vector<16xf32>, vector<16xi32>)
      %rev3A_59 = arith.constant 15 : i32
      %rev3A_60 = vector.broadcast %rev3A_59 : i32 to vector<16xi32>
      %rev3A_61 = tpu.iota {dimensions = array<i32: 0>} : vector<16xi32>
      %rev3A_62 = arith.subi %rev3A_60, %rev3A_61 : vector<16xi32>
      %rev3A_63 = tpu.dynamic_gather %masked_sort3A_57[%rev3A_62] in [0] : vector<16xf32>, vector<16xi32> -> vector<16xf32>
      %rev3A_64 = arith.constant 15 : i32
      %rev3A_65 = vector.broadcast %rev3A_64 : i32 to vector<16xi32>
      %rev3A_66 = tpu.iota {dimensions = array<i32: 0>} : vector<16xi32>
      %rev3A_67 = arith.subi %rev3A_65, %rev3A_66 : vector<16xi32>
      %rev3A_68 = tpu.dynamic_gather %masked_sort3A_58[%rev3A_67] in [0] : vector<16xi32>, vector<16xi32> -> vector<16xi32>
      %get3A_69 = arith.constant 0 : i32
      %get3A_70 = arith.index_cast %get3A_69 : i32 to index
      %get3A_71 = arith.constant 0 : index
      %get3A_72 = tpu.vector_load %arg11[%get3A_70, %get3A_71] {strides = array<i32>} : memref<1x16xf32, #tpu.memory_space<vmem>>, vector<16xf32>,
      %get3A_73 = arith.constant 0 : i32
      %get3A_74 = arith.index_cast %get3A_73 : i32 to index
      %get3A_75 = arith.constant 0 : index
      %get3A_76 = tpu.vector_load %arg12[%get3A_74, %get3A_75] {strides = array<i32>} : memref<1x16xi32, #tpu.memory_space<vmem>>, vector<16xi32>,
      %ge3A_77 = arith.cmpf oge, %get3A_72, %rev3A_63 : vector<16xf32>
      %select_n3A_78 = arith.select %ge3A_77, %get3A_72, %rev3A_63 : vector<16xi1>, vector<16xf32>
      %select_n3A_79 = arith.select %ge3A_77, %get3A_76, %rev3A_68 : vector<16xi1>, vector<16xi32>
      %masked_sort3A_80 = arith.constant dense<true> : vector<16xi1>
      %masked_sort3A_81, %masked_sort3A_82, %masked_sort3A_83 = tpu.sort %select_n3A_78, %select_n3A_79 masked %masked_sort3A_80 {descending = true} : (vector<16xf32>, vector<16xi32>, vector<16xi1>) -> (vector<16xi1>, vector<16xf32>, vector<16xi32>)
      %swap3A_84 = arith.constant 0 : i32
      %swap3A_85 = arith.index_cast %swap3A_84 : i32 to index
      %swap3A_86 = arith.constant 0 : index
      %swap3A_87 = tpu.vector_load %arg11[%swap3A_85, %swap3A_86] {strides = array<i32>} : memref<1x16xf32, #tpu.memory_space<vmem>>, vector<16xf32>,
      tpu.vector_store %arg11[%swap3A_85, %swap3A_86], %masked_sort3A_82 {strides = array<i32>} : memref<1x16xf32, #tpu.memory_space<vmem>>, vector<16xf32>,
      %swap3A_88 = arith.constant 0 : i32
      %swap3A_89 = arith.index_cast %swap3A_88 : i32 to index
      %swap3A_90 = arith.constant 0 : index
      %swap3A_91 = tpu.vector_load %arg12[%swap3A_89, %swap3A_90] {strides = array<i32>} : memref<1x16xi32, #tpu.memory_space<vmem>>, vector<16xi32>,
      tpu.vector_store %arg12[%swap3A_89, %swap3A_90], %masked_sort3A_83 {strides = array<i32>} : memref<1x16xi32, #tpu.memory_space<vmem>>, vector<16xi32>,
      %broadcast_in_dim3A_92 = arith.constant 32 : i32
      %broadcast_in_dim3A_93 = vector.broadcast %broadcast_in_dim3A_92 : i32 to vector<16xi32>
      %add3A_94 = arith.addi %broadcast_in_dim3A_93, %iota3A : vector<16xi32>
      %gather3A_95 = tpu.vector_load_idx %arg8[%broadcast_in_dim3A_13, %add3A_94] : memref<16x256xf32, #tpu.memory_space<vmem>>[vector<16xi32>, vector<16xi32>], vector<16xf32>,
      %gather3A_96 = tpu.vector_load_idx %arg9[%broadcast_in_dim3A_13, %add3A_94] : memref<16x256xi32, #tpu.memory_space<vmem>>[vector<16xi32>, vector<16xi32>], vector<16xi32>,
      %masked_sort3A_97 = arith.constant dense<true> : vector<16xi1>
      %masked_sort3A_98, %masked_sort3A_99, %masked_sort3A_100 = tpu.sort %gather3A_95, %gather3A_96 masked %masked_sort3A_97 {descending = true} : (vector<16xf32>, vector<16xi32>, vector<16xi1>) -> (vector<16xi1>, vector<16xf32>, vector<16xi32>)
      %rev3A_101 = arith.constant 15 : i32
      %rev3A_102 = vector.broadcast %rev3A_101 : i32 to vector<16xi32>
      %rev3A_103 = tpu.iota {dimensions = array<i32: 0>} : vector<16xi32>
      %rev3A_104 = arith.subi %rev3A_102, %rev3A_103 : vector<16xi32>
      %rev3A_105 = tpu.dynamic_gather %masked_sort3A_99[%rev3A_104] in [0] : vector<16xf32>, vector<16xi32> -> vector<16xf32>
      %rev3A_106 = arith.constant 15 : i32
      %rev3A_107 = vector.broadcast %rev3A_106 : i32 to vector<16xi32>
      %rev3A_108 = tpu.iota {dimensions = array<i32: 0>} : vector<16xi32>
      %rev3A_109 = arith.subi %rev3A_107, %rev3A_108 : vector<16xi32>
      %rev3A_110 = tpu.dynamic_gather %masked_sort3A_100[%rev3A_109] in [0] : vector<16xi32>, vector<16xi32> -> vector<16xi32>
      %get3A_111 = arith.constant 0 : i32
      %get3A_112 = arith.index_cast %get3A_111 : i32 to index
      %get3A_113 = arith.constant 0 : index
      %get3A_114 = tpu.vector_load %arg11[%get3A_112, %get3A_113] {strides = array<i32>} : memref<1x16xf32, #tpu.memory_space<vmem>>, vector<16xf32>,
      %get3A_115 = arith.constant 0 : i32
      %get3A_116 = arith.index_cast %get3A_115 : i32 to index
      %get3A_117 = arith.constant 0 : index
      %get3A_118 = tpu.vector_load %arg12[%get3A_116, %get3A_117] {strides = array<i32>} : memref<1x16xi32, #tpu.memory_space<vmem>>, vector<16xi32>,
      %ge3A_119 = arith.cmpf oge, %get3A_114, %rev3A_105 : vector<16xf32>
      %select_n3A_120 = arith.select %ge3A_119, %get3A_114, %rev3A_105 : vector<16xi1>, vector<16xf32>
      %select_n3A_121 = arith.select %ge3A_119, %get3A_118, %rev3A_110 : vector<16xi1>, vector<16xi32>
      %masked_sort3A_122 = arith.constant dense<true> : vector<16xi1>
      %masked_sort3A_123, %masked_sort3A_124, %masked_sort3A_125 = tpu.sort %select_n3A_120, %select_n3A_121 masked %masked_sort3A_122 {descending = true} : (vector<16xf32>, vector<16xi32>, vector<16xi1>) -> (vector<16xi1>, vector<16xf32>, vector<16xi32>)
      %swap3A_126 = arith.constant 0 : i32
      %swap3A_127 = arith.index_cast %swap3A_126 : i32 to index
      %swap3A_128 = arith.constant 0 : index
      %swap3A_129 = tpu.vector_load %arg11[%swap3A_127, %swap3A_128] {strides = array<i32>} : memref<1x16xf32, #tpu.memory_space<vmem>>, vector<16xf32>,
      tpu.vector_store %arg11[%swap3A_127, %swap3A_128], %masked_sort3A_124 {strides = array<i32>} : memref<1x16xf32, #tpu.memory_space<vmem>>, vector<16xf32>,
      %swap3A_130 = arith.constant 0 : i32
      %swap3A_131 = arith.index_cast %swap3A_130 : i32 to index
      %swap3A_132 = arith.constant 0 : index
      %swap3A_133 = tpu.vector_load %arg12[%swap3A_131, %swap3A_132] {strides = array<i32>} : memref<1x16xi32, #tpu.memory_space<vmem>>, vector<16xi32>,
      tpu.vector_store %arg12[%swap3A_131, %swap3A_132], %masked_sort3A_125 {strides = array<i32>} : memref<1x16xi32, #tpu.memory_space<vmem>>, vector<16xi32>,
      %broadcast_in_dim3A_134 = arith.constant 48 : i32
      %broadcast_in_dim3A_135 = vector.broadcast %broadcast_in_dim3A_134 : i32 to vector<16xi32>
      %add3A_136 = arith.addi %broadcast_in_dim3A_135, %iota3A : vector<16xi32>
      %gather3A_137 = tpu.vector_load_idx %arg8[%broadcast_in_dim3A_13, %add3A_136] : memref<16x256xf32, #tpu.memory_space<vmem>>[vector<16xi32>, vector<16xi32>], vector<16xf32>,
      %gather3A_138 = tpu.vector_load_idx %arg9[%broadcast_in_dim3A_13, %add3A_136] : memref<16x256xi32, #tpu.memory_space<vmem>>[vector<16xi32>, vector<16xi32>], vector<16xi32>,
      %masked_sort3A_139 = arith.constant dense<true> : vector<16xi1>
      %masked_sort3A_140, %masked_sort3A_141, %masked_sort3A_142 = tpu.sort %gather3A_137, %gather3A_138 masked %masked_sort3A_139 {descending = true} : (vector<16xf32>, vector<16xi32>, vector<16xi1>) -> (vector<16xi1>, vector<16xf32>, vector<16xi32>)
      %rev3A_143 = arith.constant 15 : i32
      %rev3A_144 = vector.broadcast %rev3A_143 : i32 to vector<16xi32>
      %rev3A_145 = tpu.iota {dimensions = array<i32: 0>} : vector<16xi32>
      %rev3A_146 = arith.subi %rev3A_144, %rev3A_145 : vector<16xi32>
      %rev3A_147 = tpu.dynamic_gather %masked_sort3A_141[%rev3A_146] in [0] : vector<16xf32>, vector<16xi32> -> vector<16xf32>
      %rev3A_148 = arith.constant 15 : i32
      %rev3A_149 = vector.broadcast %rev3A_148 : i32 to vector<16xi32>
      %rev3A_150 = tpu.iota {dimensions = array<i32: 0>} : vector<16xi32>
      %rev3A_151 = arith.subi %rev3A_149, %rev3A_150 : vector<16xi32>
      %rev3A_152 = tpu.dynamic_gather %masked_sort3A_142[%rev3A_151] in [0] : vector<16xi32>, vector<16xi32> -> vector<16xi32>
      %get3A_153 = arith.constant 0 : i32
      %get3A_154 = arith.index_cast %get3A_153 : i32 to index
      %get3A_155 = arith.constant 0 : index
      %get3A_156 = tpu.vector_load %arg11[%get3A_154, %get3A_155] {strides = array<i32>} : memref<1x16xf32, #tpu.memory_space<vmem>>, vector<16xf32>,
      %get3A_157 = arith.constant 0 : i32
      %get3A_158 = arith.index_cast %get3A_157 : i32 to index
      %get3A_159 = arith.constant 0 : index
      %get3A_160 = tpu.vector_load %arg12[%get3A_158, %get3A_159] {strides = array<i32>} : memref<1x16xi32, #tpu.memory_space<vmem>>, vector<16xi32>,
      %ge3A_161 = arith.cmpf oge, %get3A_156, %rev3A_147 : vector<16xf32>
      %select_n3A_162 = arith.select %ge3A_161, %get3A_156, %rev3A_147 : vector<16xi1>, vector<16xf32>
      %select_n3A_163 = arith.select %ge3A_161, %get3A_160, %rev3A_152 : vector<16xi1>, vector<16xi32>
      %masked_sort3A_164 = arith.constant dense<true> : vector<16xi1>
      %masked_sort3A_165, %masked_sort3A_166, %masked_sort3A_167 = tpu.sort %select_n3A_162, %select_n3A_163 masked %masked_sort3A_164 {descending = true} : (vector<16xf32>, vector<16xi32>, vector<16xi1>) -> (vector<16xi1>, vector<16xf32>, vector<16xi32>)
      %swap3A_168 = arith.constant 0 : i32
      %swap3A_169 = arith.index_cast %swap3A_168 : i32 to index
      %swap3A_170 = arith.constant 0 : index
      %swap3A_171 = tpu.vector_load %arg11[%swap3A_169, %swap3A_170] {strides = array<i32>} : memref<1x16xf32, #tpu.memory_space<vmem>>, vector<16xf32>,
      tpu.vector_store %arg11[%swap3A_169, %swap3A_170], %masked_sort3A_166 {strides = array<i32>} : memref<1x16xf32, #tpu.memory_space<vmem>>, vector<16xf32>,
      %swap3A_172 = arith.constant 0 : i32
      %swap3A_173 = arith.index_cast %swap3A_172 : i32 to index
      %swap3A_174 = arith.constant 0 : index
      %swap3A_175 = tpu.vector_load %arg12[%swap3A_173, %swap3A_174] {strides = array<i32>} : memref<1x16xi32, #tpu.memory_space<vmem>>, vector<16xi32>,
      tpu.vector_store %arg12[%swap3A_173, %swap3A_174], %masked_sort3A_167 {strides = array<i32>} : memref<1x16xi32, #tpu.memory_space<vmem>>, vector<16xi32>,
      %broadcast_in_dim3A_176 = arith.constant 64 : i32
      %broadcast_in_dim3A_177 = vector.broadcast %broadcast_in_dim3A_176 : i32 to vector<16xi32>
      %add3A_178 = arith.addi %broadcast_in_dim3A_177, %iota3A : vector<16xi32>
      %gather3A_179 = tpu.vector_load_idx %arg8[%broadcast_in_dim3A_13, %add3A_178] : memref<16x256xf32, #tpu.memory_space<vmem>>[vector<16xi32>, vector<16xi32>], vector<16xf32>,
      %gather3A_180 = tpu.vector_load_idx %arg9[%broadcast_in_dim3A_13, %add3A_178] : memref<16x256xi32, #tpu.memory_space<vmem>>[vector<16xi32>, vector<16xi32>], vector<16xi32>,
      %masked_sort3A_181 = arith.constant dense<true> : vector<16xi1>
      %masked_sort3A_182, %masked_sort3A_183, %masked_sort3A_184 = tpu.sort %gather3A_179, %gather3A_180 masked %masked_sort3A_181 {descending = true} : (vector<16xf32>, vector<16xi32>, vector<16xi1>) -> (vector<16xi1>, vector<16xf32>, vector<16xi32>)
      %rev3A_185 = arith.constant 15 : i32
      %rev3A_186 = vector.broadcast %rev3A_185 : i32 to vector<16xi32>
      %rev3A_187 = tpu.iota {dimensions = array<i32: 0>} : vector<16xi32>
      %rev3A_188 = arith.subi %rev3A_186, %rev3A_187 : vector<16xi32>
      %rev3A_189 = tpu.dynamic_gather %masked_sort3A_183[%rev3A_188] in [0] : vector<16xf32>, vector<16xi32> -> vector<16xf32>
      %rev3A_190 = arith.constant 15 : i32
      %rev3A_191 = vector.broadcast %rev3A_190 : i32 to vector<16xi32>
      %rev3A_192 = tpu.iota {dimensions = array<i32: 0>} : vector<16xi32>
      %rev3A_193 = arith.subi %rev3A_191, %rev3A_192 : vector<16xi32>
      %rev3A_194 = tpu.dynamic_gather %masked_sort3A_184[%rev3A_193] in [0] : vector<16xi32>, vector<16xi32> -> vector<16xi32>
      %get3A_195 = arith.constant 0 : i32
      %get3A_196 = arith.index_cast %get3A_195 : i32 to index
      %get3A_197 = arith.constant 0 : index
      %get3A_198 = tpu.vector_load %arg11[%get3A_196, %get3A_197] {strides = array<i32>} : memref<1x16xf32, #tpu.memory_space<vmem>>, vector<16xf32>,
      %get3A_199 = arith.constant 0 : i32
      %get3A_200 = arith.index_cast %get3A_199 : i32 to index
      %get3A_201 = arith.constant 0 : index
      %get3A_202 = tpu.vector_load %arg12[%get3A_200, %get3A_201] {strides = array<i32>} : memref<1x16xi32, #tpu.memory_space<vmem>>, vector<16xi32>,
      %ge3A_203 = arith.cmpf oge, %get3A_198, %rev3A_189 : vector<16xf32>
      %select_n3A_204 = arith.select %ge3A_203, %get3A_198, %rev3A_189 : vector<16xi1>, vector<16xf32>
      %select_n3A_205 = arith.select %ge3A_203, %get3A_202, %rev3A_194 : vector<16xi1>, vector<16xi32>
      %masked_sort3A_206 = arith.constant dense<true> : vector<16xi1>
      %masked_sort3A_207, %masked_sort3A_208, %masked_sort3A_209 = tpu.sort %select_n3A_204, %select_n3A_205 masked %masked_sort3A_206 {descending = true} : (vector<16xf32>, vector<16xi32>, vector<16xi1>) -> (vector<16xi1>, vector<16xf32>, vector<16xi32>)
      %swap3A_210 = arith.constant 0 : i32
      %swap3A_211 = arith.index_cast %swap3A_210 : i32 to index
      %swap3A_212 = arith.constant 0 : index
      %swap3A_213 = tpu.vector_load %arg11[%swap3A_211, %swap3A_212] {strides = array<i32>} : memref<1x16xf32, #tpu.memory_space<vmem>>, vector<16xf32>,
      tpu.vector_store %arg11[%swap3A_211, %swap3A_212], %masked_sort3A_208 {strides = array<i32>} : memref<1x16xf32, #tpu.memory_space<vmem>>, vector<16xf32>,
      %swap3A_214 = arith.constant 0 : i32
      %swap3A_215 = arith.index_cast %swap3A_214 : i32 to index
      %swap3A_216 = arith.constant 0 : index
      %swap3A_217 = tpu.vector_load %arg12[%swap3A_215, %swap3A_216] {strides = array<i32>} : memref<1x16xi32, #tpu.memory_space<vmem>>, vector<16xi32>,
      tpu.vector_store %arg12[%swap3A_215, %swap3A_216], %masked_sort3A_209 {strides = array<i32>} : memref<1x16xi32, #tpu.memory_space<vmem>>, vector<16xi32>,
      %broadcast_in_dim3A_218 = arith.constant 80 : i32
      %broadcast_in_dim3A_219 = vector.broadcast %broadcast_in_dim3A_218 : i32 to vector<16xi32>
      %add3A_220 = arith.addi %broadcast_in_dim3A_219, %iota3A : vector<16xi32>
      %gather3A_221 = tpu.vector_load_idx %arg8[%broadcast_in_dim3A_13, %add3A_220] : memref<16x256xf32, #tpu.memory_space<vmem>>[vector<16xi32>, vector<16xi32>], vector<16xf32>,
      %gather3A_222 = tpu.vector_load_idx %arg9[%broadcast_in_dim3A_13, %add3A_220] : memref<16x256xi32, #tpu.memory_space<vmem>>[vector<16xi32>, vector<16xi32>], vector<16xi32>,
      %masked_sort3A_223 = arith.constant dense<true> : vector<16xi1>
      %masked_sort3A_224, %masked_sort3A_225, %masked_sort3A_226 = tpu.sort %gather3A_221, %gather3A_222 masked %masked_sort3A_223 {descending = true} : (vector<16xf32>, vector<16xi32>, vector<16xi1>) -> (vector<16xi1>, vector<16xf32>, vector<16xi32>)
      %rev3A_227 = arith.constant 15 : i32
      %rev3A_228 = vector.broadcast %rev3A_227 : i32 to vector<16xi32>
      %rev3A_229 = tpu.iota {dimensions = array<i32: 0>} : vector<16xi32>
      %rev3A_230 = arith.subi %rev3A_228, %rev3A_229 : vector<16xi32>
      %rev3A_231 = tpu.dynamic_gather %masked_sort3A_225[%rev3A_230] in [0] : vector<16xf32>, vector<16xi32> -> vector<16xf32>
      %rev3A_232 = arith.constant 15 : i32
      %rev3A_233 = vector.broadcast %rev3A_232 : i32 to vector<16xi32>
      %rev3A_234 = tpu.iota {dimensions = array<i32: 0>} : vector<16xi32>
      %rev3A_235 = arith.subi %rev3A_233, %rev3A_234 : vector<16xi32>
      %rev3A_236 = tpu.dynamic_gather %masked_sort3A_226[%rev3A_235] in [0] : vector<16xi32>, vector<16xi32> -> vector<16xi32>
      %get3A_237 = arith.constant 0 : i32
      %get3A_238 = arith.index_cast %get3A_237 : i32 to index
      %get3A_239 = arith.constant 0 : index
      %get3A_240 = tpu.vector_load %arg11[%get3A_238, %get3A_239] {strides = array<i32>} : memref<1x16xf32, #tpu.memory_space<vmem>>, vector<16xf32>,
      %get3A_241 = arith.constant 0 : i32
      %get3A_242 = arith.index_cast %get3A_241 : i32 to index
      %get3A_243 = arith.constant 0 : index
      %get3A_244 = tpu.vector_load %arg12[%get3A_242, %get3A_243] {strides = array<i32>} : memref<1x16xi32, #tpu.memory_space<vmem>>, vector<16xi32>,
      %ge3A_245 = arith.cmpf oge, %get3A_240, %rev3A_231 : vector<16xf32>
      %select_n3A_246 = arith.select %ge3A_245, %get3A_240, %rev3A_231 : vector<16xi1>, vector<16xf32>
      %select_n3A_247 = arith.select %ge3A_245, %get3A_244, %rev3A_236 : vector<16xi1>, vector<16xi32>
      %masked_sort3A_248 = arith.constant dense<true> : vector<16xi1>
      %masked_sort3A_249, %masked_sort3A_250, %masked_sort3A_251 = tpu.sort %select_n3A_246, %select_n3A_247 masked %masked_sort3A_248 {descending = true} : (vector<16xf32>, vector<16xi32>, vector<16xi1>) -> (vector<16xi1>, vector<16xf32>, vector<16xi32>)
      %swap3A_252 = arith.constant 0 : i32
      %swap3A_253 = arith.index_cast %swap3A_252 : i32 to index
      %swap3A_254 = arith.constant 0 : index
      %swap3A_255 = tpu.vector_load %arg11[%swap3A_253, %swap3A_254] {strides = array<i32>} : memref<1x16xf32, #tpu.memory_space<vmem>>, vector<16xf32>,
      tpu.vector_store %arg11[%swap3A_253, %swap3A_254], %masked_sort3A_250 {strides = array<i32>} : memref<1x16xf32, #tpu.memory_space<vmem>>, vector<16xf32>,
      %swap3A_256 = arith.constant 0 : i32
      %swap3A_257 = arith.index_cast %swap3A_256 : i32 to index
      %swap3A_258 = arith.constant 0 : index
      %swap3A_259 = tpu.vector_load %arg12[%swap3A_257, %swap3A_258] {strides = array<i32>} : memref<1x16xi32, #tpu.memory_space<vmem>>, vector<16xi32>,
      tpu.vector_store %arg12[%swap3A_257, %swap3A_258], %masked_sort3A_251 {strides = array<i32>} : memref<1x16xi32, #tpu.memory_space<vmem>>, vector<16xi32>,
      %broadcast_in_dim3A_260 = arith.constant 96 : i32
      %broadcast_in_dim3A_261 = vector.broadcast %broadcast_in_dim3A_260 : i32 to vector<16xi32>
      %add3A_262 = arith.addi %broadcast_in_dim3A_261, %iota3A : vector<16xi32>
      %gather3A_263 = tpu.vector_load_idx %arg8[%broadcast_in_dim3A_13, %add3A_262] : memref<16x256xf32, #tpu.memory_space<vmem>>[vector<16xi32>, vector<16xi32>], vector<16xf32>,
      %gather3A_264 = tpu.vector_load_idx %arg9[%broadcast_in_dim3A_13, %add3A_262] : memref<16x256xi32, #tpu.memory_space<vmem>>[vector<16xi32>, vector<16xi32>], vector<16xi32>,
      %masked_sort3A_265 = arith.constant dense<true> : vector<16xi1>
      %masked_sort3A_266, %masked_sort3A_267, %masked_sort3A_268 = tpu.sort %gather3A_263, %gather3A_264 masked %masked_sort3A_265 {descending = true} : (vector<16xf32>, vector<16xi32>, vector<16xi1>) -> (vector<16xi1>, vector<16xf32>, vector<16xi32>)
      %rev3A_269 = arith.constant 15 : i32
      %rev3A_270 = vector.broadcast %rev3A_269 : i32 to vector<16xi32>
      %rev3A_271 = tpu.iota {dimensions = array<i32: 0>} : vector<16xi32>
      %rev3A_272 = arith.subi %rev3A_270, %rev3A_271 : vector<16xi32>
      %rev3A_273 = tpu.dynamic_gather %masked_sort3A_267[%rev3A_272] in [0] : vector<16xf32>, vector<16xi32> -> vector<16xf32>
      %rev3A_274 = arith.constant 15 : i32
      %rev3A_275 = vector.broadcast %rev3A_274 : i32 to vector<16xi32>
      %rev3A_276 = tpu.iota {dimensions = array<i32: 0>} : vector<16xi32>
      %rev3A_277 = arith.subi %rev3A_275, %rev3A_276 : vector<16xi32>
      %rev3A_278 = tpu.dynamic_gather %masked_sort3A_268[%rev3A_277] in [0] : vector<16xi32>, vector<16xi32> -> vector<16xi32>
      %get3A_279 = arith.constant 0 : i32
      %get3A_280 = arith.index_cast %get3A_279 : i32 to index
      %get3A_281 = arith.constant 0 : index
      %get3A_282 = tpu.vector_load %arg11[%get3A_280, %get3A_281] {strides = array<i32>} : memref<1x16xf32, #tpu.memory_space<vmem>>, vector<16xf32>,
      %get3A_283 = arith.constant 0 : i32
      %get3A_284 = arith.index_cast %get3A_283 : i32 to index
      %get3A_285 = arith.constant 0 : index
      %get3A_286 = tpu.vector_load %arg12[%get3A_284, %get3A_285] {strides = array<i32>} : memref<1x16xi32, #tpu.memory_space<vmem>>, vector<16xi32>,
      %ge3A_287 = arith.cmpf oge, %get3A_282, %rev3A_273 : vector<16xf32>
      %select_n3A_288 = arith.select %ge3A_287, %get3A_282, %rev3A_273 : vector<16xi1>, vector<16xf32>
      %select_n3A_289 = arith.select %ge3A_287, %get3A_286, %rev3A_278 : vector<16xi1>, vector<16xi32>
      %masked_sort3A_290 = arith.constant dense<true> : vector<16xi1>
      %masked_sort3A_291, %masked_sort3A_292, %masked_sort3A_293 = tpu.sort %select_n3A_288, %select_n3A_289 masked %masked_sort3A_290 {descending = true} : (vector<16xf32>, vector<16xi32>, vector<16xi1>) -> (vector<16xi1>, vector<16xf32>, vector<16xi32>)
      %swap3A_294 = arith.constant 0 : i32
      %swap3A_295 = arith.index_cast %swap3A_294 : i32 to index
      %swap3A_296 = arith.constant 0 : index
      %swap3A_297 = tpu.vector_load %arg11[%swap3A_295, %swap3A_296] {strides = array<i32>} : memref<1x16xf32, #tpu.memory_space<vmem>>, vector<16xf32>,
      tpu.vector_store %arg11[%swap3A_295, %swap3A_296], %masked_sort3A_292 {strides = array<i32>} : memref<1x16xf32, #tpu.memory_space<vmem>>, vector<16xf32>,
      %swap3A_298 = arith.constant 0 : i32
      %swap3A_299 = arith.index_cast %swap3A_298 : i32 to index
      %swap3A_300 = arith.constant 0 : index
      %swap3A_301 = tpu.vector_load %arg12[%swap3A_299, %swap3A_300] {strides = array<i32>} : memref<1x16xi32, #tpu.memory_space<vmem>>, vector<16xi32>,
      tpu.vector_store %arg12[%swap3A_299, %swap3A_300], %masked_sort3A_293 {strides = array<i32>} : memref<1x16xi32, #tpu.memory_space<vmem>>, vector<16xi32>,
      %broadcast_in_dim3A_302 = arith.constant 112 : i32
      %broadcast_in_dim3A_303 = vector.broadcast %broadcast_in_dim3A_302 : i32 to vector<16xi32>
      %add3A_304 = arith.addi %broadcast_in_dim3A_303, %iota3A : vector<16xi32>
      %gather3A_305 = tpu.vector_load_idx %arg8[%broadcast_in_dim3A_13, %add3A_304] : memref<16x256xf32, #tpu.memory_space<vmem>>[vector<16xi32>, vector<16xi32>], vector<16xf32>,
      %gather3A_306 = tpu.vector_load_idx %arg9[%broadcast_in_dim3A_13, %add3A_304] : memref<16x256xi32, #tpu.memory_space<vmem>>[vector<16xi32>, vector<16xi32>], vector<16xi32>,
      %masked_sort3A_307 = arith.constant dense<true> : vector<16xi1>
      %masked_sort3A_308, %masked_sort3A_309, %masked_sort3A_310 = tpu.sort %gather3A_305, %gather3A_306 masked %masked_sort3A_307 {descending = true} : (vector<16xf32>, vector<16xi32>, vector<16xi1>) -> (vector<16xi1>, vector<16xf32>, vector<16xi32>)
      %rev3A_311 = arith.constant 15 : i32
      %rev3A_312 = vector.broadcast %rev3A_311 : i32 to vector<16xi32>
      %rev3A_313 = tpu.iota {dimensions = array<i32: 0>} : vector<16xi32>
      %rev3A_314 = arith.subi %rev3A_312, %rev3A_313 : vector<16xi32>
      %rev3A_315 = tpu.dynamic_gather %masked_sort3A_309[%rev3A_314] in [0] : vector<16xf32>, vector<16xi32> -> vector<16xf32>
      %rev3A_316 = arith.constant 15 : i32
      %rev3A_317 = vector.broadcast %rev3A_316 : i32 to vector<16xi32>
      %rev3A_318 = tpu.iota {dimensions = array<i32: 0>} : vector<16xi32>
      %rev3A_319 = arith.subi %rev3A_317, %rev3A_318 : vector<16xi32>
      %rev3A_320 = tpu.dynamic_gather %masked_sort3A_310[%rev3A_319] in [0] : vector<16xi32>, vector<16xi32> -> vector<16xi32>
      %get3A_321 = arith.constant 0 : i32
      %get3A_322 = arith.index_cast %get3A_321 : i32 to index
      %get3A_323 = arith.constant 0 : index
      %get3A_324 = tpu.vector_load %arg11[%get3A_322, %get3A_323] {strides = array<i32>} : memref<1x16xf32, #tpu.memory_space<vmem>>, vector<16xf32>,
      %get3A_325 = arith.constant 0 : i32
      %get3A_326 = arith.index_cast %get3A_325 : i32 to index
      %get3A_327 = arith.constant 0 : index
      %get3A_328 = tpu.vector_load %arg12[%get3A_326, %get3A_327] {strides = array<i32>} : memref<1x16xi32, #tpu.memory_space<vmem>>, vector<16xi32>,
      %ge3A_329 = arith.cmpf oge, %get3A_324, %rev3A_315 : vector<16xf32>
      %select_n3A_330 = arith.select %ge3A_329, %get3A_324, %rev3A_315 : vector<16xi1>, vector<16xf32>
      %select_n3A_331 = arith.select %ge3A_329, %get3A_328, %rev3A_320 : vector<16xi1>, vector<16xi32>
      %masked_sort3A_332 = arith.constant dense<true> : vector<16xi1>
      %masked_sort3A_333, %masked_sort3A_334, %masked_sort3A_335 = tpu.sort %select_n3A_330, %select_n3A_331 masked %masked_sort3A_332 {descending = true} : (vector<16xf32>, vector<16xi32>, vector<16xi1>) -> (vector<16xi1>, vector<16xf32>, vector<16xi32>)
      %swap3A_336 = arith.constant 0 : i32
      %swap3A_337 = arith.index_cast %swap3A_336 : i32 to index
      %swap3A_338 = arith.constant 0 : index
      %swap3A_339 = tpu.vector_load %arg11[%swap3A_337, %swap3A_338] {strides = array<i32>} : memref<1x16xf32, #tpu.memory_space<vmem>>, vector<16xf32>,
      tpu.vector_store %arg11[%swap3A_337, %swap3A_338], %masked_sort3A_334 {strides = array<i32>} : memref<1x16xf32, #tpu.memory_space<vmem>>, vector<16xf32>,
      %swap3A_340 = arith.constant 0 : i32
      %swap3A_341 = arith.index_cast %swap3A_340 : i32 to index
      %swap3A_342 = arith.constant 0 : index
      %swap3A_343 = tpu.vector_load %arg12[%swap3A_341, %swap3A_342] {strides = array<i32>} : memref<1x16xi32, #tpu.memory_space<vmem>>, vector<16xi32>,
      tpu.vector_store %arg12[%swap3A_341, %swap3A_342], %masked_sort3A_335 {strides = array<i32>} : memref<1x16xi32, #tpu.memory_space<vmem>>, vector<16xi32>,
      %broadcast_in_dim3A_344 = arith.constant 128 : i32
      %broadcast_in_dim3A_345 = vector.broadcast %broadcast_in_dim3A_344 : i32 to vector<16xi32>
      %add3A_346 = arith.addi %broadcast_in_dim3A_345, %iota3A : vector<16xi32>
      %gather3A_347 = tpu.vector_load_idx %arg8[%broadcast_in_dim3A_13, %add3A_346] : memref<16x256xf32, #tpu.memory_space<vmem>>[vector<16xi32>, vector<16xi32>], vector<16xf32>,
      %gather3A_348 = tpu.vector_load_idx %arg9[%broadcast_in_dim3A_13, %add3A_346] : memref<16x256xi32, #tpu.memory_space<vmem>>[vector<16xi32>, vector<16xi32>], vector<16xi32>,
      %masked_sort3A_349 = arith.constant dense<true> : vector<16xi1>
      %masked_sort3A_350, %masked_sort3A_351, %masked_sort3A_352 = tpu.sort %gather3A_347, %gather3A_348 masked %masked_sort3A_349 {descending = true} : (vector<16xf32>, vector<16xi32>, vector<16xi1>) -> (vector<16xi1>, vector<16xf32>, vector<16xi32>)
      %rev3A_353 = arith.constant 15 : i32
      %rev3A_354 = vector.broadcast %rev3A_353 : i32 to vector<16xi32>
      %rev3A_355 = tpu.iota {dimensions = array<i32: 0>} : vector<16xi32>
      %rev3A_356 = arith.subi %rev3A_354, %rev3A_355 : vector<16xi32>
      %rev3A_357 = tpu.dynamic_gather %masked_sort3A_351[%rev3A_356] in [0] : vector<16xf32>, vector<16xi32> -> vector<16xf32>
      %rev3A_358 = arith.constant 15 : i32
      %rev3A_359 = vector.broadcast %rev3A_358 : i32 to vector<16xi32>
      %rev3A_360 = tpu.iota {dimensions = array<i32: 0>} : vector<16xi32>
      %rev3A_361 = arith.subi %rev3A_359, %rev3A_360 : vector<16xi32>
      %rev3A_362 = tpu.dynamic_gather %masked_sort3A_352[%rev3A_361] in [0] : vector<16xi32>, vector<16xi32> -> vector<16xi32>
      %get3A_363 = arith.constant 0 : i32
      %get3A_364 = arith.index_cast %get3A_363 : i32 to index
      %get3A_365 = arith.constant 0 : index
      %get3A_366 = tpu.vector_load %arg11[%get3A_364, %get3A_365] {strides = array<i32>} : memref<1x16xf32, #tpu.memory_space<vmem>>, vector<16xf32>,
      %get3A_367 = arith.constant 0 : i32
      %get3A_368 = arith.index_cast %get3A_367 : i32 to index
      %get3A_369 = arith.constant 0 : index
      %get3A_370 = tpu.vector_load %arg12[%get3A_368, %get3A_369] {strides = array<i32>} : memref<1x16xi32, #tpu.memory_space<vmem>>, vector<16xi32>,
      %ge3A_371 = arith.cmpf oge, %get3A_366, %rev3A_357 : vector<16xf32>
      %select_n3A_372 = arith.select %ge3A_371, %get3A_366, %rev3A_357 : vector<16xi1>, vector<16xf32>
      %select_n3A_373 = arith.select %ge3A_371, %get3A_370, %rev3A_362 : vector<16xi1>, vector<16xi32>
      %masked_sort3A_374 = arith.constant dense<true> : vector<16xi1>
      %masked_sort3A_375, %masked_sort3A_376, %masked_sort3A_377 = tpu.sort %select_n3A_372, %select_n3A_373 masked %masked_sort3A_374 {descending = true} : (vector<16xf32>, vector<16xi32>, vector<16xi1>) -> (vector<16xi1>, vector<16xf32>, vector<16xi32>)
      %swap3A_378 = arith.constant 0 : i32
      %swap3A_379 = arith.index_cast %swap3A_378 : i32 to index
      %swap3A_380 = arith.constant 0 : index
      %swap3A_381 = tpu.vector_load %arg11[%swap3A_379, %swap3A_380] {strides = array<i32>} : memref<1x16xf32, #tpu.memory_space<vmem>>, vector<16xf32>,
      tpu.vector_store %arg11[%swap3A_379, %swap3A_380], %masked_sort3A_376 {strides = array<i32>} : memref<1x16xf32, #tpu.memory_space<vmem>>, vector<16xf32>,
      %swap3A_382 = arith.constant 0 : i32
      %swap3A_383 = arith.index_cast %swap3A_382 : i32 to index
      %swap3A_384 = arith.constant 0 : index
      %swap3A_385 = tpu.vector_load %arg12[%swap3A_383, %swap3A_384] {strides = array<i32>} : memref<1x16xi32, #tpu.memory_space<vmem>>, vector<16xi32>,
      tpu.vector_store %arg12[%swap3A_383, %swap3A_384], %masked_sort3A_377 {strides = array<i32>} : memref<1x16xi32, #tpu.memory_space<vmem>>, vector<16xi32>,
      %broadcast_in_dim3A_386 = arith.constant 144 : i32
      %broadcast_in_dim3A_387 = vector.broadcast %broadcast_in_dim3A_386 : i32 to vector<16xi32>
      %add3A_388 = arith.addi %broadcast_in_dim3A_387, %iota3A : vector<16xi32>
      %gather3A_389 = tpu.vector_load_idx %arg8[%broadcast_in_dim3A_13, %add3A_388] : memref<16x256xf32, #tpu.memory_space<vmem>>[vector<16xi32>, vector<16xi32>], vector<16xf32>,
      %gather3A_390 = tpu.vector_load_idx %arg9[%broadcast_in_dim3A_13, %add3A_388] : memref<16x256xi32, #tpu.memory_space<vmem>>[vector<16xi32>, vector<16xi32>], vector<16xi32>,
      %masked_sort3A_391 = arith.constant dense<true> : vector<16xi1>
      %masked_sort3A_392, %masked_sort3A_393, %masked_sort3A_394 = tpu.sort %gather3A_389, %gather3A_390 masked %masked_sort3A_391 {descending = true} : (vector<16xf32>, vector<16xi32>, vector<16xi1>) -> (vector<16xi1>, vector<16xf32>, vector<16xi32>)
      %rev3A_395 = arith.constant 15 : i32
      %rev3A_396 = vector.broadcast %rev3A_395 : i32 to vector<16xi32>
      %rev3A_397 = tpu.iota {dimensions = array<i32: 0>} : vector<16xi32>
      %rev3A_398 = arith.subi %rev3A_396, %rev3A_397 : vector<16xi32>
      %rev3A_399 = tpu.dynamic_gather %masked_sort3A_393[%rev3A_398] in [0] : vector<16xf32>, vector<16xi32> -> vector<16xf32>
      %rev3A_400 = arith.constant 15 : i32
      %rev3A_401 = vector.broadcast %rev3A_400 : i32 to vector<16xi32>
      %rev3A_402 = tpu.iota {dimensions = array<i32: 0>} : vector<16xi32>
      %rev3A_403 = arith.subi %rev3A_401, %rev3A_402 : vector<16xi32>
      %rev3A_404 = tpu.dynamic_gather %masked_sort3A_394[%rev3A_403] in [0] : vector<16xi32>, vector<16xi32> -> vector<16xi32>
      %get3A_405 = arith.constant 0 : i32
      %get3A_406 = arith.index_cast %get3A_405 : i32 to index
      %get3A_407 = arith.constant 0 : index
      %get3A_408 = tpu.vector_load %arg11[%get3A_406, %get3A_407] {strides = array<i32>} : memref<1x16xf32, #tpu.memory_space<vmem>>, vector<16xf32>,
      %get3A_409 = arith.constant 0 : i32
      %get3A_410 = arith.index_cast %get3A_409 : i32 to index
      %get3A_411 = arith.constant 0 : index
      %get3A_412 = tpu.vector_load %arg12[%get3A_410, %get3A_411] {strides = array<i32>} : memref<1x16xi32, #tpu.memory_space<vmem>>, vector<16xi32>,
      %ge3A_413 = arith.cmpf oge, %get3A_408, %rev3A_399 : vector<16xf32>
      %select_n3A_414 = arith.select %ge3A_413, %get3A_408, %rev3A_399 : vector<16xi1>, vector<16xf32>
      %select_n3A_415 = arith.select %ge3A_413, %get3A_412, %rev3A_404 : vector<16xi1>, vector<16xi32>
      %masked_sort3A_416 = arith.constant dense<true> : vector<16xi1>
      %masked_sort3A_417, %masked_sort3A_418, %masked_sort3A_419 = tpu.sort %select_n3A_414, %select_n3A_415 masked %masked_sort3A_416 {descending = true} : (vector<16xf32>, vector<16xi32>, vector<16xi1>) -> (vector<16xi1>, vector<16xf32>, vector<16xi32>)
      %swap3A_420 = arith.constant 0 : i32
      %swap3A_421 = arith.index_cast %swap3A_420 : i32 to index
      %swap3A_422 = arith.constant 0 : index
      %swap3A_423 = tpu.vector_load %arg11[%swap3A_421, %swap3A_422] {strides = array<i32>} : memref<1x16xf32, #tpu.memory_space<vmem>>, vector<16xf32>,
      tpu.vector_store %arg11[%swap3A_421, %swap3A_422], %masked_sort3A_418 {strides = array<i32>} : memref<1x16xf32, #tpu.memory_space<vmem>>, vector<16xf32>,
      %swap3A_424 = arith.constant 0 : i32
      %swap3A_425 = arith.index_cast %swap3A_424 : i32 to index
      %swap3A_426 = arith.constant 0 : index
      %swap3A_427 = tpu.vector_load %arg12[%swap3A_425, %swap3A_426] {strides = array<i32>} : memref<1x16xi32, #tpu.memory_space<vmem>>, vector<16xi32>,
      tpu.vector_store %arg12[%swap3A_425, %swap3A_426], %masked_sort3A_419 {strides = array<i32>} : memref<1x16xi32, #tpu.memory_space<vmem>>, vector<16xi32>,
      %broadcast_in_dim3A_428 = arith.constant 160 : i32
      %broadcast_in_dim3A_429 = vector.broadcast %broadcast_in_dim3A_428 : i32 to vector<16xi32>
      %add3A_430 = arith.addi %broadcast_in_dim3A_429, %iota3A : vector<16xi32>
      %gather3A_431 = tpu.vector_load_idx %arg8[%broadcast_in_dim3A_13, %add3A_430] : memref<16x256xf32, #tpu.memory_space<vmem>>[vector<16xi32>, vector<16xi32>], vector<16xf32>,
      %gather3A_432 = tpu.vector_load_idx %arg9[%broadcast_in_dim3A_13, %add3A_430] : memref<16x256xi32, #tpu.memory_space<vmem>>[vector<16xi32>, vector<16xi32>], vector<16xi32>,
      %masked_sort3A_433 = arith.constant dense<true> : vector<16xi1>
      %masked_sort3A_434, %masked_sort3A_435, %masked_sort3A_436 = tpu.sort %gather3A_431, %gather3A_432 masked %masked_sort3A_433 {descending = true} : (vector<16xf32>, vector<16xi32>, vector<16xi1>) -> (vector<16xi1>, vector<16xf32>, vector<16xi32>)
      %rev3A_437 = arith.constant 15 : i32
      %rev3A_438 = vector.broadcast %rev3A_437 : i32 to vector<16xi32>
      %rev3A_439 = tpu.iota {dimensions = array<i32: 0>} : vector<16xi32>
      %rev3A_440 = arith.subi %rev3A_438, %rev3A_439 : vector<16xi32>
      %rev3A_441 = tpu.dynamic_gather %masked_sort3A_435[%rev3A_440] in [0] : vector<16xf32>, vector<16xi32> -> vector<16xf32>
      %rev3A_442 = arith.constant 15 : i32
      %rev3A_443 = vector.broadcast %rev3A_442 : i32 to vector<16xi32>
      %rev3A_444 = tpu.iota {dimensions = array<i32: 0>} : vector<16xi32>
      %rev3A_445 = arith.subi %rev3A_443, %rev3A_444 : vector<16xi32>
      %rev3A_446 = tpu.dynamic_gather %masked_sort3A_436[%rev3A_445] in [0] : vector<16xi32>, vector<16xi32> -> vector<16xi32>
      %get3A_447 = arith.constant 0 : i32
      %get3A_448 = arith.index_cast %get3A_447 : i32 to index
      %get3A_449 = arith.constant 0 : index
      %get3A_450 = tpu.vector_load %arg11[%get3A_448, %get3A_449] {strides = array<i32>} : memref<1x16xf32, #tpu.memory_space<vmem>>, vector<16xf32>,
      %get3A_451 = arith.constant 0 : i32
      %get3A_452 = arith.index_cast %get3A_451 : i32 to index
      %get3A_453 = arith.constant 0 : index
      %get3A_454 = tpu.vector_load %arg12[%get3A_452, %get3A_453] {strides = array<i32>} : memref<1x16xi32, #tpu.memory_space<vmem>>, vector<16xi32>,
      %ge3A_455 = arith.cmpf oge, %get3A_450, %rev3A_441 : vector<16xf32>
      %select_n3A_456 = arith.select %ge3A_455, %get3A_450, %rev3A_441 : vector<16xi1>, vector<16xf32>
      %select_n3A_457 = arith.select %ge3A_455, %get3A_454, %rev3A_446 : vector<16xi1>, vector<16xi32>
      %masked_sort3A_458 = arith.constant dense<true> : vector<16xi1>
      %masked_sort3A_459, %masked_sort3A_460, %masked_sort3A_461 = tpu.sort %select_n3A_456, %select_n3A_457 masked %masked_sort3A_458 {descending = true} : (vector<16xf32>, vector<16xi32>, vector<16xi1>) -> (vector<16xi1>, vector<16xf32>, vector<16xi32>)
      %swap3A_462 = arith.constant 0 : i32
      %swap3A_463 = arith.index_cast %swap3A_462 : i32 to index
      %swap3A_464 = arith.constant 0 : index
      %swap3A_465 = tpu.vector_load %arg11[%swap3A_463, %swap3A_464] {strides = array<i32>} : memref<1x16xf32, #tpu.memory_space<vmem>>, vector<16xf32>,
      tpu.vector_store %arg11[%swap3A_463, %swap3A_464], %masked_sort3A_460 {strides = array<i32>} : memref<1x16xf32, #tpu.memory_space<vmem>>, vector<16xf32>,
      %swap3A_466 = arith.constant 0 : i32
      %swap3A_467 = arith.index_cast %swap3A_466 : i32 to index
      %swap3A_468 = arith.constant 0 : index
      %swap3A_469 = tpu.vector_load %arg12[%swap3A_467, %swap3A_468] {strides = array<i32>} : memref<1x16xi32, #tpu.memory_space<vmem>>, vector<16xi32>,
      tpu.vector_store %arg12[%swap3A_467, %swap3A_468], %masked_sort3A_461 {strides = array<i32>} : memref<1x16xi32, #tpu.memory_space<vmem>>, vector<16xi32>,
      %broadcast_in_dim3A_470 = arith.constant 176 : i32
      %broadcast_in_dim3A_471 = vector.broadcast %broadcast_in_dim3A_470 : i32 to vector<16xi32>
      %add3A_472 = arith.addi %broadcast_in_dim3A_471, %iota3A : vector<16xi32>
      %gather3A_473 = tpu.vector_load_idx %arg8[%broadcast_in_dim3A_13, %add3A_472] : memref<16x256xf32, #tpu.memory_space<vmem>>[vector<16xi32>, vector<16xi32>], vector<16xf32>,
      %gather3A_474 = tpu.vector_load_idx %arg9[%broadcast_in_dim3A_13, %add3A_472] : memref<16x256xi32, #tpu.memory_space<vmem>>[vector<16xi32>, vector<16xi32>], vector<16xi32>,
      %masked_sort3A_475 = arith.constant dense<true> : vector<16xi1>
      %masked_sort3A_476, %masked_sort3A_477, %masked_sort3A_478 = tpu.sort %gather3A_473, %gather3A_474 masked %masked_sort3A_475 {descending = true} : (vector<16xf32>, vector<16xi32>, vector<16xi1>) -> (vector<16xi1>, vector<16xf32>, vector<16xi32>)
      %rev3A_479 = arith.constant 15 : i32
      %rev3A_480 = vector.broadcast %rev3A_479 : i32 to vector<16xi32>
      %rev3A_481 = tpu.iota {dimensions = array<i32: 0>} : vector<16xi32>
      %rev3A_482 = arith.subi %rev3A_480, %rev3A_481 : vector<16xi32>
      %rev3A_483 = tpu.dynamic_gather %masked_sort3A_477[%rev3A_482] in [0] : vector<16xf32>, vector<16xi32> -> vector<16xf32>
      %rev3A_484 = arith.constant 15 : i32
      %rev3A_485 = vector.broadcast %rev3A_484 : i32 to vector<16xi32>
      %rev3A_486 = tpu.iota {dimensions = array<i32: 0>} : vector<16xi32>
      %rev3A_487 = arith.subi %rev3A_485, %rev3A_486 : vector<16xi32>
      %rev3A_488 = tpu.dynamic_gather %masked_sort3A_478[%rev3A_487] in [0] : vector<16xi32>, vector<16xi32> -> vector<16xi32>
      %get3A_489 = arith.constant 0 : i32
      %get3A_490 = arith.index_cast %get3A_489 : i32 to index
      %get3A_491 = arith.constant 0 : index
      %get3A_492 = tpu.vector_load %arg11[%get3A_490, %get3A_491] {strides = array<i32>} : memref<1x16xf32, #tpu.memory_space<vmem>>, vector<16xf32>,
      %get3A_493 = arith.constant 0 : i32
      %get3A_494 = arith.index_cast %get3A_493 : i32 to index
      %get3A_495 = arith.constant 0 : index
      %get3A_496 = tpu.vector_load %arg12[%get3A_494, %get3A_495] {strides = array<i32>} : memref<1x16xi32, #tpu.memory_space<vmem>>, vector<16xi32>,
      %ge3A_497 = arith.cmpf oge, %get3A_492, %rev3A_483 : vector<16xf32>
      %select_n3A_498 = arith.select %ge3A_497, %get3A_492, %rev3A_483 : vector<16xi1>, vector<16xf32>
      %select_n3A_499 = arith.select %ge3A_497, %get3A_496, %rev3A_488 : vector<16xi1>, vector<16xi32>
      %masked_sort3A_500 = arith.constant dense<true> : vector<16xi1>
      %masked_sort3A_501, %masked_sort3A_502, %masked_sort3A_503 = tpu.sort %select_n3A_498, %select_n3A_499 masked %masked_sort3A_500 {descending = true} : (vector<16xf32>, vector<16xi32>, vector<16xi1>) -> (vector<16xi1>, vector<16xf32>, vector<16xi32>)
      %swap3A_504 = arith.constant 0 : i32
      %swap3A_505 = arith.index_cast %swap3A_504 : i32 to index
      %swap3A_506 = arith.constant 0 : index
      %swap3A_507 = tpu.vector_load %arg11[%swap3A_505, %swap3A_506] {strides = array<i32>} : memref<1x16xf32, #tpu.memory_space<vmem>>, vector<16xf32>,
      tpu.vector_store %arg11[%swap3A_505, %swap3A_506], %masked_sort3A_502 {strides = array<i32>} : memref<1x16xf32, #tpu.memory_space<vmem>>, vector<16xf32>,
      %swap3A_508 = arith.constant 0 : i32
      %swap3A_509 = arith.index_cast %swap3A_508 : i32 to index
      %swap3A_510 = arith.constant 0 : index
      %swap3A_511 = tpu.vector_load %arg12[%swap3A_509, %swap3A_510] {strides = array<i32>} : memref<1x16xi32, #tpu.memory_space<vmem>>, vector<16xi32>,
      tpu.vector_store %arg12[%swap3A_509, %swap3A_510], %masked_sort3A_503 {strides = array<i32>} : memref<1x16xi32, #tpu.memory_space<vmem>>, vector<16xi32>,
      %broadcast_in_dim3A_512 = arith.constant 192 : i32
      %broadcast_in_dim3A_513 = vector.broadcast %broadcast_in_dim3A_512 : i32 to vector<16xi32>
      %add3A_514 = arith.addi %broadcast_in_dim3A_513, %iota3A : vector<16xi32>
      %gather3A_515 = tpu.vector_load_idx %arg8[%broadcast_in_dim3A_13, %add3A_514] : memref<16x256xf32, #tpu.memory_space<vmem>>[vector<16xi32>, vector<16xi32>], vector<16xf32>,
      %gather3A_516 = tpu.vector_load_idx %arg9[%broadcast_in_dim3A_13, %add3A_514] : memref<16x256xi32, #tpu.memory_space<vmem>>[vector<16xi32>, vector<16xi32>], vector<16xi32>,
      %masked_sort3A_517 = arith.constant dense<true> : vector<16xi1>
      %masked_sort3A_518, %masked_sort3A_519, %masked_sort3A_520 = tpu.sort %gather3A_515, %gather3A_516 masked %masked_sort3A_517 {descending = true} : (vector<16xf32>, vector<16xi32>, vector<16xi1>) -> (vector<16xi1>, vector<16xf32>, vector<16xi32>)
      %rev3A_521 = arith.constant 15 : i32
      %rev3A_522 = vector.broadcast %rev3A_521 : i32 to vector<16xi32>
      %rev3A_523 = tpu.iota {dimensions = array<i32: 0>} : vector<16xi32>
      %rev3A_524 = arith.subi %rev3A_522, %rev3A_523 : vector<16xi32>
      %rev3A_525 = tpu.dynamic_gather %masked_sort3A_519[%rev3A_524] in [0] : vector<16xf32>, vector<16xi32> -> vector<16xf32>
      %rev3A_526 = arith.constant 15 : i32
      %rev3A_527 = vector.broadcast %rev3A_526 : i32 to vector<16xi32>
      %rev3A_528 = tpu.iota {dimensions = array<i32: 0>} : vector<16xi32>
      %rev3A_529 = arith.subi %rev3A_527, %rev3A_528 : vector<16xi32>
      %rev3A_530 = tpu.dynamic_gather %masked_sort3A_520[%rev3A_529] in [0] : vector<16xi32>, vector<16xi32> -> vector<16xi32>
      %get3A_531 = arith.constant 0 : i32
      %get3A_532 = arith.index_cast %get3A_531 : i32 to index
      %get3A_533 = arith.constant 0 : index
      %get3A_534 = tpu.vector_load %arg11[%get3A_532, %get3A_533] {strides = array<i32>} : memref<1x16xf32, #tpu.memory_space<vmem>>, vector<16xf32>,
      %get3A_535 = arith.constant 0 : i32
      %get3A_536 = arith.index_cast %get3A_535 : i32 to index
      %get3A_537 = arith.constant 0 : index
      %get3A_538 = tpu.vector_load %arg12[%get3A_536, %get3A_537] {strides = array<i32>} : memref<1x16xi32, #tpu.memory_space<vmem>>, vector<16xi32>,
      %ge3A_539 = arith.cmpf oge, %get3A_534, %rev3A_525 : vector<16xf32>
      %select_n3A_540 = arith.select %ge3A_539, %get3A_534, %rev3A_525 : vector<16xi1>, vector<16xf32>
      %select_n3A_541 = arith.select %ge3A_539, %get3A_538, %rev3A_530 : vector<16xi1>, vector<16xi32>
      %masked_sort3A_542 = arith.constant dense<true> : vector<16xi1>
      %masked_sort3A_543, %masked_sort3A_544, %masked_sort3A_545 = tpu.sort %select_n3A_540, %select_n3A_541 masked %masked_sort3A_542 {descending = true} : (vector<16xf32>, vector<16xi32>, vector<16xi1>) -> (vector<16xi1>, vector<16xf32>, vector<16xi32>)
      %swap3A_546 = arith.constant 0 : i32
      %swap3A_547 = arith.index_cast %swap3A_546 : i32 to index
      %swap3A_548 = arith.constant 0 : index
      %swap3A_549 = tpu.vector_load %arg11[%swap3A_547, %swap3A_548] {strides = array<i32>} : memref<1x16xf32, #tpu.memory_space<vmem>>, vector<16xf32>,
      tpu.vector_store %arg11[%swap3A_547, %swap3A_548], %masked_sort3A_544 {strides = array<i32>} : memref<1x16xf32, #tpu.memory_space<vmem>>, vector<16xf32>,
      %swap3A_550 = arith.constant 0 : i32
      %swap3A_551 = arith.index_cast %swap3A_550 : i32 to index
      %swap3A_552 = arith.constant 0 : index
      %swap3A_553 = tpu.vector_load %arg12[%swap3A_551, %swap3A_552] {strides = array<i32>} : memref<1x16xi32, #tpu.memory_space<vmem>>, vector<16xi32>,
      tpu.vector_store %arg12[%swap3A_551, %swap3A_552], %masked_sort3A_545 {strides = array<i32>} : memref<1x16xi32, #tpu.memory_space<vmem>>, vector<16xi32>,
      %broadcast_in_dim3A_554 = arith.constant 208 : i32
      %broadcast_in_dim3A_555 = vector.broadcast %broadcast_in_dim3A_554 : i32 to vector<16xi32>
      %add3A_556 = arith.addi %broadcast_in_dim3A_555, %iota3A : vector<16xi32>
      %gather3A_557 = tpu.vector_load_idx %arg8[%broadcast_in_dim3A_13, %add3A_556] : memref<16x256xf32, #tpu.memory_space<vmem>>[vector<16xi32>, vector<16xi32>], vector<16xf32>,
      %gather3A_558 = tpu.vector_load_idx %arg9[%broadcast_in_dim3A_13, %add3A_556] : memref<16x256xi32, #tpu.memory_space<vmem>>[vector<16xi32>, vector<16xi32>], vector<16xi32>,
      %masked_sort3A_559 = arith.constant dense<true> : vector<16xi1>
      %masked_sort3A_560, %masked_sort3A_561, %masked_sort3A_562 = tpu.sort %gather3A_557, %gather3A_558 masked %masked_sort3A_559 {descending = true} : (vector<16xf32>, vector<16xi32>, vector<16xi1>) -> (vector<16xi1>, vector<16xf32>, vector<16xi32>)
      %rev3A_563 = arith.constant 15 : i32
      %rev3A_564 = vector.broadcast %rev3A_563 : i32 to vector<16xi32>
      %rev3A_565 = tpu.iota {dimensions = array<i32: 0>} : vector<16xi32>
      %rev3A_566 = arith.subi %rev3A_564, %rev3A_565 : vector<16xi32>
      %rev3A_567 = tpu.dynamic_gather %masked_sort3A_561[%rev3A_566] in [0] : vector<16xf32>, vector<16xi32> -> vector<16xf32>
      %rev3A_568 = arith.constant 15 : i32
      %rev3A_569 = vector.broadcast %rev3A_568 : i32 to vector<16xi32>
      %rev3A_570 = tpu.iota {dimensions = array<i32: 0>} : vector<16xi32>
      %rev3A_571 = arith.subi %rev3A_569, %rev3A_570 : vector<16xi32>
      %rev3A_572 = tpu.dynamic_gather %masked_sort3A_562[%rev3A_571] in [0] : vector<16xi32>, vector<16xi32> -> vector<16xi32>
      %get3A_573 = arith.constant 0 : i32
      %get3A_574 = arith.index_cast %get3A_573 : i32 to index
      %get3A_575 = arith.constant 0 : index
      %get3A_576 = tpu.vector_load %arg11[%get3A_574, %get3A_575] {strides = array<i32>} : memref<1x16xf32, #tpu.memory_space<vmem>>, vector<16xf32>,
      %get3A_577 = arith.constant 0 : i32
      %get3A_578 = arith.index_cast %get3A_577 : i32 to index
      %get3A_579 = arith.constant 0 : index
      %get3A_580 = tpu.vector_load %arg12[%get3A_578, %get3A_579] {strides = array<i32>} : memref<1x16xi32, #tpu.memory_space<vmem>>, vector<16xi32>,
      %ge3A_581 = arith.cmpf oge, %get3A_576, %rev3A_567 : vector<16xf32>
      %select_n3A_582 = arith.select %ge3A_581, %get3A_576, %rev3A_567 : vector<16xi1>, vector<16xf32>
      %select_n3A_583 = arith.select %ge3A_581, %get3A_580, %rev3A_572 : vector<16xi1>, vector<16xi32>
      %masked_sort3A_584 = arith.constant dense<true> : vector<16xi1>
      %masked_sort3A_585, %masked_sort3A_586, %masked_sort3A_587 = tpu.sort %select_n3A_582, %select_n3A_583 masked %masked_sort3A_584 {descending = true} : (vector<16xf32>, vector<16xi32>, vector<16xi1>) -> (vector<16xi1>, vector<16xf32>, vector<16xi32>)
      %swap3A_588 = arith.constant 0 : i32
      %swap3A_589 = arith.index_cast %swap3A_588 : i32 to index
      %swap3A_590 = arith.constant 0 : index
      %swap3A_591 = tpu.vector_load %arg11[%swap3A_589, %swap3A_590] {strides = array<i32>} : memref<1x16xf32, #tpu.memory_space<vmem>>, vector<16xf32>,
      tpu.vector_store %arg11[%swap3A_589, %swap3A_590], %masked_sort3A_586 {strides = array<i32>} : memref<1x16xf32, #tpu.memory_space<vmem>>, vector<16xf32>,
      %swap3A_592 = arith.constant 0 : i32
      %swap3A_593 = arith.index_cast %swap3A_592 : i32 to index
      %swap3A_594 = arith.constant 0 : index
      %swap3A_595 = tpu.vector_load %arg12[%swap3A_593, %swap3A_594] {strides = array<i32>} : memref<1x16xi32, #tpu.memory_space<vmem>>, vector<16xi32>,
      tpu.vector_store %arg12[%swap3A_593, %swap3A_594], %masked_sort3A_587 {strides = array<i32>} : memref<1x16xi32, #tpu.memory_space<vmem>>, vector<16xi32>,
      %broadcast_in_dim3A_596 = arith.constant 224 : i32
      %broadcast_in_dim3A_597 = vector.broadcast %broadcast_in_dim3A_596 : i32 to vector<16xi32>
      %add3A_598 = arith.addi %broadcast_in_dim3A_597, %iota3A : vector<16xi32>
      %gather3A_599 = tpu.vector_load_idx %arg8[%broadcast_in_dim3A_13, %add3A_598] : memref<16x256xf32, #tpu.memory_space<vmem>>[vector<16xi32>, vector<16xi32>], vector<16xf32>,
      %gather3A_600 = tpu.vector_load_idx %arg9[%broadcast_in_dim3A_13, %add3A_598] : memref<16x256xi32, #tpu.memory_space<vmem>>[vector<16xi32>, vector<16xi32>], vector<16xi32>,
      %masked_sort3A_601 = arith.constant dense<true> : vector<16xi1>
      %masked_sort3A_602, %masked_sort3A_603, %masked_sort3A_604 = tpu.sort %gather3A_599, %gather3A_600 masked %masked_sort3A_601 {descending = true} : (vector<16xf32>, vector<16xi32>, vector<16xi1>) -> (vector<16xi1>, vector<16xf32>, vector<16xi32>)
      %rev3A_605 = arith.constant 15 : i32
      %rev3A_606 = vector.broadcast %rev3A_605 : i32 to vector<16xi32>
      %rev3A_607 = tpu.iota {dimensions = array<i32: 0>} : vector<16xi32>
      %rev3A_608 = arith.subi %rev3A_606, %rev3A_607 : vector<16xi32>
      %rev3A_609 = tpu.dynamic_gather %masked_sort3A_603[%rev3A_608] in [0] : vector<16xf32>, vector<16xi32> -> vector<16xf32>
      %rev3A_610 = arith.constant 15 : i32
      %rev3A_611 = vector.broadcast %rev3A_610 : i32 to vector<16xi32>
      %rev3A_612 = tpu.iota {dimensions = array<i32: 0>} : vector<16xi32>
      %rev3A_613 = arith.subi %rev3A_611, %rev3A_612 : vector<16xi32>
      %rev3A_614 = tpu.dynamic_gather %masked_sort3A_604[%rev3A_613] in [0] : vector<16xi32>, vector<16xi32> -> vector<16xi32>
      %get3A_615 = arith.constant 0 : i32
      %get3A_616 = arith.index_cast %get3A_615 : i32 to index
      %get3A_617 = arith.constant 0 : index
      %get3A_618 = tpu.vector_load %arg11[%get3A_616, %get3A_617] {strides = array<i32>} : memref<1x16xf32, #tpu.memory_space<vmem>>, vector<16xf32>,
      %get3A_619 = arith.constant 0 : i32
      %get3A_620 = arith.index_cast %get3A_619 : i32 to index
      %get3A_621 = arith.constant 0 : index
      %get3A_622 = tpu.vector_load %arg12[%get3A_620, %get3A_621] {strides = array<i32>} : memref<1x16xi32, #tpu.memory_space<vmem>>, vector<16xi32>,
      %ge3A_623 = arith.cmpf oge, %get3A_618, %rev3A_609 : vector<16xf32>
      %select_n3A_624 = arith.select %ge3A_623, %get3A_618, %rev3A_609 : vector<16xi1>, vector<16xf32>
      %select_n3A_625 = arith.select %ge3A_623, %get3A_622, %rev3A_614 : vector<16xi1>, vector<16xi32>
      %masked_sort3A_626 = arith.constant dense<true> : vector<16xi1>
      %masked_sort3A_627, %masked_sort3A_628, %masked_sort3A_629 = tpu.sort %select_n3A_624, %select_n3A_625 masked %masked_sort3A_626 {descending = true} : (vector<16xf32>, vector<16xi32>, vector<16xi1>) -> (vector<16xi1>, vector<16xf32>, vector<16xi32>)
      %swap3A_630 = arith.constant 0 : i32
      %swap3A_631 = arith.index_cast %swap3A_630 : i32 to index
      %swap3A_632 = arith.constant 0 : index
      %swap3A_633 = tpu.vector_load %arg11[%swap3A_631, %swap3A_632] {strides = array<i32>} : memref<1x16xf32, #tpu.memory_space<vmem>>, vector<16xf32>,
      tpu.vector_store %arg11[%swap3A_631, %swap3A_632], %masked_sort3A_628 {strides = array<i32>} : memref<1x16xf32, #tpu.memory_space<vmem>>, vector<16xf32>,
      %swap3A_634 = arith.constant 0 : i32
      %swap3A_635 = arith.index_cast %swap3A_634 : i32 to index
      %swap3A_636 = arith.constant 0 : index
      %swap3A_637 = tpu.vector_load %arg12[%swap3A_635, %swap3A_636] {strides = array<i32>} : memref<1x16xi32, #tpu.memory_space<vmem>>, vector<16xi32>,
      tpu.vector_store %arg12[%swap3A_635, %swap3A_636], %masked_sort3A_629 {strides = array<i32>} : memref<1x16xi32, #tpu.memory_space<vmem>>, vector<16xi32>,
      %broadcast_in_dim3A_638 = arith.constant 240 : i32
      %broadcast_in_dim3A_639 = vector.broadcast %broadcast_in_dim3A_638 : i32 to vector<16xi32>
      %add3A_640 = arith.addi %broadcast_in_dim3A_639, %iota3A : vector<16xi32>
      %gather3A_641 = tpu.vector_load_idx %arg8[%broadcast_in_dim3A_13, %add3A_640] : memref<16x256xf32, #tpu.memory_space<vmem>>[vector<16xi32>, vector<16xi32>], vector<16xf32>,
      %gather3A_642 = tpu.vector_load_idx %arg9[%broadcast_in_dim3A_13, %add3A_640] : memref<16x256xi32, #tpu.memory_space<vmem>>[vector<16xi32>, vector<16xi32>], vector<16xi32>,
      %masked_sort3A_643 = arith.constant dense<true> : vector<16xi1>
      %masked_sort3A_644, %masked_sort3A_645, %masked_sort3A_646 = tpu.sort %gather3A_641, %gather3A_642 masked %masked_sort3A_643 {descending = true} : (vector<16xf32>, vector<16xi32>, vector<16xi1>) -> (vector<16xi1>, vector<16xf32>, vector<16xi32>)
      %rev3A_647 = arith.constant 15 : i32
      %rev3A_648 = vector.broadcast %rev3A_647 : i32 to vector<16xi32>
      %rev3A_649 = tpu.iota {dimensions = array<i32: 0>} : vector<16xi32>
      %rev3A_650 = arith.subi %rev3A_648, %rev3A_649 : vector<16xi32>
      %rev3A_651 = tpu.dynamic_gather %masked_sort3A_645[%rev3A_650] in [0] : vector<16xf32>, vector<16xi32> -> vector<16xf32>
      %rev3A_652 = arith.constant 15 : i32
      %rev3A_653 = vector.broadcast %rev3A_652 : i32 to vector<16xi32>
      %rev3A_654 = tpu.iota {dimensions = array<i32: 0>} : vector<16xi32>
      %rev3A_655 = arith.subi %rev3A_653, %rev3A_654 : vector<16xi32>
      %rev3A_656 = tpu.dynamic_gather %masked_sort3A_646[%rev3A_655] in [0] : vector<16xi32>, vector<16xi32> -> vector<16xi32>
      %get3A_657 = arith.constant 0 : i32
      %get3A_658 = arith.index_cast %get3A_657 : i32 to index
      %get3A_659 = arith.constant 0 : index
      %get3A_660 = tpu.vector_load %arg11[%get3A_658, %get3A_659] {strides = array<i32>} : memref<1x16xf32, #tpu.memory_space<vmem>>, vector<16xf32>,
      %get3A_661 = arith.constant 0 : i32
      %get3A_662 = arith.index_cast %get3A_661 : i32 to index
      %get3A_663 = arith.constant 0 : index
      %get3A_664 = tpu.vector_load %arg12[%get3A_662, %get3A_663] {strides = array<i32>} : memref<1x16xi32, #tpu.memory_space<vmem>>, vector<16xi32>,
      %ge3A_665 = arith.cmpf oge, %get3A_660, %rev3A_651 : vector<16xf32>
      %select_n3A_666 = arith.select %ge3A_665, %get3A_660, %rev3A_651 : vector<16xi1>, vector<16xf32>
      %select_n3A_667 = arith.select %ge3A_665, %get3A_664, %rev3A_656 : vector<16xi1>, vector<16xi32>
      %masked_sort3A_668 = arith.constant dense<true> : vector<16xi1>
      %masked_sort3A_669, %masked_sort3A_670, %masked_sort3A_671 = tpu.sort %select_n3A_666, %select_n3A_667 masked %masked_sort3A_668 {descending = true} : (vector<16xf32>, vector<16xi32>, vector<16xi1>) -> (vector<16xi1>, vector<16xf32>, vector<16xi32>)
      %swap3A_672 = arith.constant 0 : i32
      %swap3A_673 = arith.index_cast %swap3A_672 : i32 to index
      %swap3A_674 = arith.constant 0 : index
      %swap3A_675 = tpu.vector_load %arg11[%swap3A_673, %swap3A_674] {strides = array<i32>} : memref<1x16xf32, #tpu.memory_space<vmem>>, vector<16xf32>,
      tpu.vector_store %arg11[%swap3A_673, %swap3A_674], %masked_sort3A_670 {strides = array<i32>} : memref<1x16xf32, #tpu.memory_space<vmem>>, vector<16xf32>,
      %swap3A_676 = arith.constant 0 : i32
      %swap3A_677 = arith.index_cast %swap3A_676 : i32 to index
      %swap3A_678 = arith.constant 0 : index
      %swap3A_679 = tpu.vector_load %arg12[%swap3A_677, %swap3A_678] {strides = array<i32>} : memref<1x16xi32, #tpu.memory_space<vmem>>, vector<16xi32>,
      tpu.vector_store %arg12[%swap3A_677, %swap3A_678], %masked_sort3A_671 {strides = array<i32>} : memref<1x16xi32, #tpu.memory_space<vmem>>, vector<16xi32>,
      %broadcast_in_dim3A_680 = arith.constant 0 : i32
      %broadcast_in_dim3A_681 = vector.broadcast %broadcast_in_dim3A_680 : i32 to vector<16xi32>
      %gather3A_682 = tpu.vector_load_idx %arg10[%broadcast_in_dim3A_13, %broadcast_in_dim3A_681] : memref<16x16xf32, #tpu.memory_space<vmem>>[vector<16xi32>, vector<16xi32>], vector<16xf32>,
      %broadcast_in_dim3A_683 = arith.constant 1 : i32
      %broadcast_in_dim3A_684 = vector.broadcast %broadcast_in_dim3A_683 : i32 to vector<16xi32>
      %gather3A_685 = tpu.vector_load_idx %arg10[%broadcast_in_dim3A_13, %broadcast_in_dim3A_684] : memref<16x16xf32, #tpu.memory_space<vmem>>[vector<16xi32>, vector<16xi32>], vector<16xf32>,
      %get3A_686 = arith.constant 0 : i32
      %get3A_687 = arith.index_cast %get3A_686 : i32 to index
      %get3A_688 = arith.constant 0 : index
      %get3A_689 = tpu.vector_load %arg11[%get3A_687, %get3A_688] {strides = array<i32>} : memref<1x16xf32, #tpu.memory_space<vmem>>, vector<16xf32>,
      %mul3A_690 = arith.constant 2.000000e+00 : f32
      %mul3A_691 = vector.broadcast %mul3A_690 : f32 to vector<16xf32>
      %mul3A_692 = arith.mulf %mul3A_691, %get3A_689 : vector<16xf32>
      %sub3A = arith.subf %gather3A_682, %mul3A_692 : vector<16xf32>
      %sub3A_693 = arith.subf %gather3A_682, %sub3A : vector<16xf32>
      %mul3A_694 = arith.constant 5.000000e-01 : f32
      %mul3A_695 = vector.broadcast %mul3A_694 : f32 to vector<16xf32>
      %mul3A_696 = arith.mulf %sub3A_693, %mul3A_695 : vector<16xf32>
      %div3A = arith.divf %mul3A_696, %gather3A_685 : vector<16xf32>
      %swap3A_697 = arith.constant 0 : index
      %swap3A_698 = tpu.vector_load %arg14[%swap3A_697] {strides = array<i32>} : memref<16xf32, #tpu.memory_space<vmem>>, vector<16xf32>,
      tpu.vector_store %arg14[%swap3A_697], %div3A {strides = array<i32>} : memref<16xf32, #tpu.memory_space<vmem>>, vector<16xf32>,
      %div3A_699 = arith.divf %get3A_689, %gather3A_685 : vector<16xf32>
      %swap3A_700 = arith.constant 0 : index
      %swap3A_701 = tpu.vector_load %arg13[%swap3A_700] {strides = array<i32>} : memref<16xf32, #tpu.memory_space<vmem>>, vector<16xf32>,
      tpu.vector_store %arg13[%swap3A_700], %div3A_699 {strides = array<i32>} : memref<16xf32, #tpu.memory_space<vmem>>, vector<16xf32>,
      %get3A_702 = arith.constant 0 : i32
      %get3A_703 = arith.index_cast %get3A_702 : i32 to index
      %get3A_704 = arith.constant 0 : index
      %get3A_705 = tpu.vector_load %arg12[%get3A_703, %get3A_704] {strides = array<i32>} : memref<1x16xi32, #tpu.memory_space<vmem>>, vector<16xi32>,
      %swap3A_706 = arith.constant 0 : index
      %swap3A_707 = tpu.vector_load %arg15[%swap3A_706] {strides = array<i32>} : memref<16xi32, #tpu.memory_space<vmem>>, vector<16xi32>,
      tpu.vector_store %arg15[%swap3A_706], %get3A_705 {strides = array<i32>} : memref<16xi32, #tpu.memory_space<vmem>>, vector<16xi32>,
      "tpu.region"() ({
        %run_scoped3A = tpu.sem_alloc : memref<!tpu.dma_semaphore, #tpu.memory_space<semaphore_mem>>
        %dma_start3A = arith.constant 0 : i32
        %dma_start3A_708 = tpu.memref_slice %arg5[%add3A, %dma_start3A] : memref<16x16xf32, #tpu.memory_space<hbm>> -> memref<1x16xf32, #tpu.memory_space<hbm>>
        %dma_start3A_709 = tpu.memref_squeeze %dma_start3A_708 : memref<1x16xf32, #tpu.memory_space<hbm>> -> memref<16xf32, #tpu.memory_space<hbm>>
        %dma_start3A_710 = arith.constant 0 : i32
        %dma_start3A_711 = tpu.memref_slice %arg5[%add3A, %dma_start3A_710] : memref<16x16xf32, #tpu.memory_space<hbm>> -> memref<1x16xf32, #tpu.memory_space<hbm>>
        %dma_start3A_712 = tpu.memref_squeeze %dma_start3A_711 : memref<1x16xf32, #tpu.memory_space<hbm>> -> memref<16xf32, #tpu.memory_space<hbm>>
        tpu.enqueue_dma source(%arg13 : memref<16xf32, #tpu.memory_space<vmem>>) target(%dma_start3A_712 : memref<16xf32, #tpu.memory_space<hbm>>) target_semaphore(%run_scoped3A : memref<!tpu.dma_semaphore, #tpu.memory_space<semaphore_mem>>)
        %dma_wait3A = arith.constant 0 : i32
        %dma_wait3A_713 = tpu.memref_slice %arg5[%add3A, %dma_wait3A] : memref<16x16xf32, #tpu.memory_space<hbm>> -> memref<1x16xf32, #tpu.memory_space<hbm>>
        %dma_wait3A_714 = tpu.memref_squeeze %dma_wait3A_713 : memref<1x16xf32, #tpu.memory_space<hbm>> -> memref<16xf32, #tpu.memory_space<hbm>>
        %dma_wait3A_715 = arith.constant 0 : i32
        %dma_wait3A_716 = tpu.memref_slice %arg5[%add3A, %dma_wait3A_715] : memref<16x16xf32, #tpu.memory_space<hbm>> -> memref<1x16xf32, #tpu.memory_space<hbm>>
        %dma_wait3A_717 = tpu.memref_squeeze %dma_wait3A_716 : memref<1x16xf32, #tpu.memory_space<hbm>> -> memref<16xf32, #tpu.memory_space<hbm>>
        tpu.wait_dma2 semaphore(%run_scoped3A : memref<!tpu.dma_semaphore, #tpu.memory_space<semaphore_mem>>) src(%arg13 : memref<16xf32, #tpu.memory_space<vmem>>) dst(%dma_wait3A_717 : memref<16xf32, #tpu.memory_space<hbm>>)
        tpu.yield
      }) : () -> ()
      "tpu.region"() ({
        %run_scoped3A = tpu.sem_alloc : memref<!tpu.dma_semaphore, #tpu.memory_space<semaphore_mem>>
        %dma_start3A = arith.constant 0 : i32
        %dma_start3A_708 = tpu.memref_slice %arg6[%add3A, %dma_start3A] : memref<16x16xf32, #tpu.memory_space<hbm>> -> memref<1x16xf32, #tpu.memory_space<hbm>>
        %dma_start3A_709 = tpu.memref_squeeze %dma_start3A_708 : memref<1x16xf32, #tpu.memory_space<hbm>> -> memref<16xf32, #tpu.memory_space<hbm>>
        %dma_start3A_710 = arith.constant 0 : i32
        %dma_start3A_711 = tpu.memref_slice %arg6[%add3A, %dma_start3A_710] : memref<16x16xf32, #tpu.memory_space<hbm>> -> memref<1x16xf32, #tpu.memory_space<hbm>>
        %dma_start3A_712 = tpu.memref_squeeze %dma_start3A_711 : memref<1x16xf32, #tpu.memory_space<hbm>> -> memref<16xf32, #tpu.memory_space<hbm>>
        tpu.enqueue_dma source(%arg14 : memref<16xf32, #tpu.memory_space<vmem>>) target(%dma_start3A_712 : memref<16xf32, #tpu.memory_space<hbm>>) target_semaphore(%run_scoped3A : memref<!tpu.dma_semaphore, #tpu.memory_space<semaphore_mem>>)
        %dma_wait3A = arith.constant 0 : i32
        %dma_wait3A_713 = tpu.memref_slice %arg6[%add3A, %dma_wait3A] : memref<16x16xf32, #tpu.memory_space<hbm>> -> memref<1x16xf32, #tpu.memory_space<hbm>>
        %dma_wait3A_714 = tpu.memref_squeeze %dma_wait3A_713 : memref<1x16xf32, #tpu.memory_space<hbm>> -> memref<16xf32, #tpu.memory_space<hbm>>
        %dma_wait3A_715 = arith.constant 0 : i32
        %dma_wait3A_716 = tpu.memref_slice %arg6[%add3A, %dma_wait3A_715] : memref<16x16xf32, #tpu.memory_space<hbm>> -> memref<1x16xf32, #tpu.memory_space<hbm>>
        %dma_wait3A_717 = tpu.memref_squeeze %dma_wait3A_716 : memref<1x16xf32, #tpu.memory_space<hbm>> -> memref<16xf32, #tpu.memory_space<hbm>>
        tpu.wait_dma2 semaphore(%run_scoped3A : memref<!tpu.dma_semaphore, #tpu.memory_space<semaphore_mem>>) src(%arg14 : memref<16xf32, #tpu.memory_space<vmem>>) dst(%dma_wait3A_717 : memref<16xf32, #tpu.memory_space<hbm>>)
        tpu.yield
      }) : () -> ()
      "tpu.region"() ({
        %run_scoped3A = tpu.sem_alloc : memref<!tpu.dma_semaphore, #tpu.memory_space<semaphore_mem>>
        %dma_start3A = arith.constant 0 : i32
        %dma_start3A_708 = tpu.memref_slice %arg7[%add3A, %dma_start3A] : memref<16x16xi32, #tpu.memory_space<hbm>> -> memref<1x16xi32, #tpu.memory_space<hbm>>
        %dma_start3A_709 = tpu.memref_squeeze %dma_start3A_708 : memref<1x16xi32, #tpu.memory_space<hbm>> -> memref<16xi32, #tpu.memory_space<hbm>>
        %dma_start3A_710 = arith.constant 0 : i32
        %dma_start3A_711 = tpu.memref_slice %arg7[%add3A, %dma_start3A_710] : memref<16x16xi32, #tpu.memory_space<hbm>> -> memref<1x16xi32, #tpu.memory_space<hbm>>
        %dma_start3A_712 = tpu.memref_squeeze %dma_start3A_711 : memref<1x16xi32, #tpu.memory_space<hbm>> -> memref<16xi32, #tpu.memory_space<hbm>>
        tpu.enqueue_dma source(%arg15 : memref<16xi32, #tpu.memory_space<vmem>>) target(%dma_start3A_712 : memref<16xi32, #tpu.memory_space<hbm>>) target_semaphore(%run_scoped3A : memref<!tpu.dma_semaphore, #tpu.memory_space<semaphore_mem>>)
        %dma_wait3A = arith.constant 0 : i32
        %dma_wait3A_713 = tpu.memref_slice %arg7[%add3A, %dma_wait3A] : memref<16x16xi32, #tpu.memory_space<hbm>> -> memref<1x16xi32, #tpu.memory_space<hbm>>
        %dma_wait3A_714 = tpu.memref_squeeze %dma_wait3A_713 : memref<1x16xi32, #tpu.memory_space<hbm>> -> memref<16xi32, #tpu.memory_space<hbm>>
        %dma_wait3A_715 = arith.constant 0 : i32
        %dma_wait3A_716 = tpu.memref_slice %arg7[%add3A, %dma_wait3A_715] : memref<16x16xi32, #tpu.memory_space<hbm>> -> memref<1x16xi32, #tpu.memory_space<hbm>>
        %dma_wait3A_717 = tpu.memref_squeeze %dma_wait3A_716 : memref<1x16xi32, #tpu.memory_space<hbm>> -> memref<16xi32, #tpu.memory_space<hbm>>
        tpu.wait_dma2 semaphore(%run_scoped3A : memref<!tpu.dma_semaphore, #tpu.memory_space<semaphore_mem>>) src(%arg15 : memref<16xi32, #tpu.memory_space<vmem>>) dst(%dma_wait3A_717 : memref<16xi32, #tpu.memory_space<hbm>>)
        tpu.yield
      }) : () -> ()
    } else {
    }
    return
  }
}

module attributes {stable_mosaic.version = 14 : i64} {
  func.func @_stage1_body(%arg0: i32, %arg1: memref<16x64xf32, #tpu.memory_space<vmem>>, %arg2: memref<64x4096xf32, #tpu.memory_space<vmem>>, %arg3: memref<16x4096xf32, #tpu.memory_space<vmem>>, %arg4: memref<16x16xf32, #tpu.memory_space<vmem>>) attributes {dimension_semantics = [#tpu.dimension_semantics<arbitrary>], iteration_bounds = array<i64: 245>, scalar_prefetch = 0 : i64, scratch_operands = 0 : i64, tpu.core_type = #tpu.core_type<tc>, window_params = [{pipeline_mode = #tpu.pipeline_mode<synchronous>, transform_indices = @transform_0, window_bounds = array<i64: 16, 64>}, {transform_indices = @transform_1, window_bounds = array<i64: 64, 4096>}, {transform_indices = @transform_2, window_bounds = array<i64: 16, 4096>}, {pipeline_mode = #tpu.pipeline_mode<synchronous>, transform_indices = @transform_3, window_bounds = array<i64: 16, 16>}]} {
    %get3A = arith.constant 0 : index
    %get3A_0 = arith.constant 0 : index
    %get3A_1 = vector.load %arg1[%get3A, %get3A_0] : memref<16x64xf32, #tpu.memory_space<vmem>>, vector<16x64xf32>
    %get3A_2 = arith.constant 0 : index
    %get3A_3 = arith.constant 0 : index
    %get3A_4 = vector.load %arg2[%get3A_2, %get3A_3] : memref<64x4096xf32, #tpu.memory_space<vmem>>, vector<64x4096xf32>
    %dot_general3A = arith.constant dense<0.000000e+00> : vector<16x4096xf32>
    %dot_general3A_5 = tpu.matmul %get3A_1, %get3A_4, %dot_general3A {dimension_numbers = #tpu.dot_dimension_numbers<[1], [0], [0], [1], [0, 0, 1, 1], [], []>, transpose_lhs_hint = false} : vector<16x64xf32>, vector<64x4096xf32>, vector<16x4096xf32> -> vector<16x4096xf32>
    %iota3A = tpu.iota {dimensions = array<i32: 1>} : vector<16x4096xi32>
    %mul3A = arith.constant 4096 : i32
    %mul3A_6 = arith.muli %arg0, %mul3A : i32
    %add3A = vector.broadcast %mul3A_6 : i32 to vector<16x4096xi32>
    %add3A_7 = arith.addi %iota3A, %add3A : vector<16x4096xi32>
    %lt3A = arith.constant 1000000 : i32
    %lt3A_8 = vector.broadcast %lt3A : i32 to vector<16x4096xi32>
    %lt3A_9 = arith.cmpi slt, %add3A_7, %lt3A_8 : vector<16x4096xi32>
    %jit3A = arith.constant 0xFF800000 : f32
    %broadcast_in_dim3A = vector.broadcast %jit3A : f32 to vector<16x4096xf32>
    %select_n3A = arith.select %lt3A_9, %dot_general3A_5, %broadcast_in_dim3A : vector<16x4096xi1>, vector<16x4096xf32>
    %swap3A = arith.constant 0 : index
    %swap3A_10 = arith.constant 0 : index
    %swap3A_11 = vector.load %arg3[%swap3A, %swap3A_10] : memref<16x4096xf32, #tpu.memory_space<vmem>>, vector<16x4096xf32>
    tpu.vector_store %arg3[%swap3A, %swap3A_10], %select_n3A {strides = array<i32>} : memref<16x4096xf32, #tpu.memory_space<vmem>>, vector<16x4096xf32>,
    %mul3A_12 = arith.mulf %get3A_4, %get3A_4 : vector<64x4096xf32>
    %reduce_sum3A = arith.constant dense<0.000000e+00> : vector<4096xf32>
    %reduce_sum3A_13 = vector.multi_reduction <add>, %mul3A_12, %reduce_sum3A [0] : vector<64x4096xf32> to vector<4096xf32>
    %broadcast_in_dim3A_14 = vector.shape_cast %reduce_sum3A_13 : vector<4096xf32> to vector<1x4096xf32>
    %iota3A_15 = tpu.iota {dimensions = array<i32: 1>} : vector<1x4096xi32>
    %mul3A_16 = arith.constant 4096 : i32
    %mul3A_17 = arith.muli %arg0, %mul3A_16 : i32
    %add3A_18 = vector.broadcast %mul3A_17 : i32 to vector<1x4096xi32>
    %add3A_19 = arith.addi %iota3A_15, %add3A_18 : vector<1x4096xi32>
    %lt3A_20 = arith.constant 1000000 : i32
    %lt3A_21 = vector.broadcast %lt3A_20 : i32 to vector<1x4096xi32>
    %lt3A_22 = arith.cmpi slt, %add3A_19, %lt3A_21 : vector<1x4096xi32>
    %jit3A_23 = arith.constant -1.000000e+00 : f32
    %broadcast_in_dim3A_24 = vector.broadcast %jit3A_23 : f32 to vector<1x4096xf32>
    %select_n3A_25 = arith.select %lt3A_22, %broadcast_in_dim3A_14, %broadcast_in_dim3A_24 : vector<1x4096xi1>, vector<1x4096xf32>
    %reduce_max3A = vector.shape_cast %select_n3A_25 : vector<1x4096xf32> to vector<1x1x4096xf32>
    %reduce_max3A_26 = arith.constant dense<0xFF800000> : vector<1xf32>
    %reduce_max3A_27 = vector.multi_reduction <maximumf>, %reduce_max3A, %reduce_max3A_26 [1, 2] : vector<1x1x4096xf32> to vector<1xf32>
    %reduce_max3A_28 = vector.shape_cast %reduce_max3A_27 : vector<1xf32> to vector<1x1x1xf32>
    %reduce_max3A_29 = vector.extract %reduce_max3A_28[0, 0, 0] : f32 from vector<1x1x1xf32>
    %reshape3A = vector.broadcast %reduce_max3A_29 : f32 to vector<1x1xf32>
    %broadcast_in_dim3A_30 = vector.shape_cast %reshape3A : vector<1x1xf32> to vector<1x1xf32>
    %broadcast_in_dim3A_31 = vector.broadcast %broadcast_in_dim3A_30 : vector<1x1xf32> to vector<16x1xf32>
    %eq3A = arith.constant 0 : i32
    %eq3A_32 = arith.cmpi eq, %arg0, %eq3A : i32
    %convert_element_type3A = arith.extui %eq3A_32 : i1 to i32
    %cond3A = arith.constant 0 : i32
    %cond3A_33 = arith.cmpi ne, %convert_element_type3A, %cond3A : i32
    scf.if %cond3A_33 {
      %mul3A_43 = arith.mulf %get3A_1, %get3A_1 : vector<16x64xf32>
      %reduce_sum3A_44 = arith.constant dense<0.000000e+00> : vector<16xf32>
      %reduce_sum3A_45 = vector.multi_reduction <add>, %mul3A_43, %reduce_sum3A_44 [1] : vector<16x64xf32> to vector<16xf32>
      %broadcast_in_dim3A_46 = vector.shape_cast %reduce_sum3A_45 : vector<16xf32> to vector<16x1xf32>
      %broadcast_in_dim3A_47 = arith.constant 0.000000e+00 : f32
      %broadcast_in_dim3A_48 = vector.broadcast %broadcast_in_dim3A_47 : f32 to vector<16x1xf32>
      %concatenate3A = tpu.concatenate %broadcast_in_dim3A_46, %broadcast_in_dim3A_31, %broadcast_in_dim3A_48, %broadcast_in_dim3A_48, %broadcast_in_dim3A_48, %broadcast_in_dim3A_48, %broadcast_in_dim3A_48, %broadcast_in_dim3A_48, %broadcast_in_dim3A_48, %broadcast_in_dim3A_48, %broadcast_in_dim3A_48, %broadcast_in_dim3A_48, %broadcast_in_dim3A_48, %broadcast_in_dim3A_48, %broadcast_in_dim3A_48, %broadcast_in_dim3A_48 in 1 : vector<16x1xf32>, vector<16x1xf32>, vector<16x1xf32>, vector<16x1xf32>, vector<16x1xf32>, vector<16x1xf32>, vector<16x1xf32>, vector<16x1xf32>, vector<16x1xf32>, vector<16x1xf32>, vector<16x1xf32>, vector<16x1xf32>, vector<16x1xf32>, vector<16x1xf32>, vector<16x1xf32>, vector<16x1xf32> -> vector<16x16xf32>
      %swap3A_49 = arith.constant 0 : index
      %swap3A_50 = arith.constant 0 : index
      %swap3A_51 = vector.load %arg4[%swap3A_49, %swap3A_50] : memref<16x16xf32, #tpu.memory_space<vmem>>, vector<16x16xf32>
      tpu.vector_store %arg4[%swap3A_49, %swap3A_50], %concatenate3A {strides = array<i32>} : memref<16x16xf32, #tpu.memory_space<vmem>>, vector<16x16xf32>,
    } else {
    }
    %ne3A = arith.constant 0 : i32
    %ne3A_34 = arith.cmpi ne, %arg0, %ne3A : i32
    %convert_element_type3A_35 = arith.extui %ne3A_34 : i1 to i32
    %cond3A_36 = arith.constant 0 : i32
    %cond3A_37 = arith.cmpi ne, %convert_element_type3A_35, %cond3A_36 : i32
    scf.if %cond3A_37 {
      %get3A_43 = arith.constant 0 : index
      %get3A_44 = arith.constant 1 : index
      %get3A_45 = vector.load %arg4[%get3A_43, %get3A_44] : memref<16x16xf32, #tpu.memory_space<vmem>>, vector<16x1xf32>
      %max3A = arith.maximumf %get3A_45, %broadcast_in_dim3A_31 : vector<16x1xf32>
      %swap3A_46 = arith.constant 0 : index
      %swap3A_47 = arith.constant 1 : index
      %swap3A_48 = vector.load %arg4[%swap3A_46, %swap3A_47] : memref<16x16xf32, #tpu.memory_space<vmem>>, vector<16x1xf32>
      tpu.vector_store %arg4[%swap3A_46, %swap3A_47], %max3A {strides = array<i32>} : memref<16x16xf32, #tpu.memory_space<vmem>>, vector<16x1xf32>,
    } else {
    }
    %eq3A_38 = arith.constant 244 : i32
    %eq3A_39 = arith.cmpi eq, %arg0, %eq3A_38 : i32
    %convert_element_type3A_40 = arith.extui %eq3A_39 : i1 to i32
    %cond3A_41 = arith.constant 0 : i32
    %cond3A_42 = arith.cmpi ne, %convert_element_type3A_40, %cond3A_41 : i32
    scf.if %cond3A_42 {
      %get3A_43 = arith.constant 0 : index
      %get3A_44 = arith.constant 0 : index
      %get3A_45 = vector.load %arg4[%get3A_43, %get3A_44] : memref<16x16xf32, #tpu.memory_space<vmem>>, vector<16x1xf32>
      %get3A_46 = arith.constant 0 : index
      %get3A_47 = arith.constant 1 : index
      %get3A_48 = vector.load %arg4[%get3A_46, %get3A_47] : memref<16x16xf32, #tpu.memory_space<vmem>>, vector<16x1xf32>
      %add3A_49 = arith.addf %get3A_45, %get3A_48 : vector<16x1xf32>
      %swap3A_50 = arith.constant 0 : index
      %swap3A_51 = arith.constant 0 : index
      %swap3A_52 = vector.load %arg4[%swap3A_50, %swap3A_51] : memref<16x16xf32, #tpu.memory_space<vmem>>, vector<16x1xf32>
      tpu.vector_store %arg4[%swap3A_50, %swap3A_51], %add3A_49 {strides = array<i32>} : memref<16x16xf32, #tpu.memory_space<vmem>>, vector<16x1xf32>,
    } else {
    }
    return
  }
  func.func @transform_0(%arg0: i32) -> (i32, i32) {
    %c0_i32 = arith.constant 0 : i32
    %c0_i32_0 = arith.constant 0 : i32
    %c0_i32_1 = arith.constant 0 : i32
    return %c0_i32, %c0_i32_0 : i32, i32
  }
  func.func @transform_1(%arg0: i32) -> (i32, i32) {
    %c0_i32 = arith.constant 0 : i32
    %c0_i32_0 = arith.constant 0 : i32
    return %c0_i32, %arg0 : i32, i32
  }
  func.func @transform_2(%arg0: i32) -> (i32, i32) {
    %c0_i32 = arith.constant 0 : i32
    %c0_i32_0 = arith.constant 0 : i32
    return %c0_i32, %arg0 : i32, i32
  }
  func.func @transform_3(%arg0: i32) -> (i32, i32) {
    %c0_i32 = arith.constant 0 : i32
    %c0_i32_0 = arith.constant 0 : i32
    %c0_i32_1 = arith.constant 0 : i32
    return %c0_i32, %c0_i32_0 : i32, i32
  }
}

</mosaic_0001>

<sc_bundles>
// kernel: kernel.5.cloned.1.call-start
scs
__scs_entry_jumppad:
0x0: {  	(pc) =	sbr.rel $0x88, $3  }
0x1: {  	(tag) =	ssettag $0x0;
	lr =	simm.s32 $0x1  }
0x2: {  	[smem:$0x3F9F] =	sst lr;
	_ =	strace $0xD0000000  }
0x3: {  	_ = 	snop  }
0x4: {  	_ = 	snop  }
0x5: {  	_ = 	snop  }
0x6: {  	_ = 	snop  }
0x7: {  	_ = 	snop  }
__scs_overlays_trampoline_lowered:
0x8: {  	[smem:$0x3FAE] =	sst s0  }
0x9: {  	[smem:$0x3FAF] =	sst s1  }
0xa: {  	[smem:$0x3FB0] =	sst s2  }
0xb: {  	[smem:$0x3FB1] =	sst s3  }
0xc: {  	[smem:$0x3FB2] =	sst s4  }
0xd: {  	[smem:$0x3FB3] =	sst s5  }
0xe: {  	[smem:$0x3FB4] =	sst s6  }
0xf: {  	[smem:$0x3FB5] =	sst s7  }
0x10: {  	[smem:$0x3FB6] =	sst s8  }
0x11: {  	[smem:$0x3FB7] =	sst s9;
	s0 =	simm.s32 @!p0 $0x0  }
0x12: {  	s1 =	sld [smem:$0x3F9D];
	s0 =	simm.s32 @p0 $0x1  }
0x13: {  	[smem:$0x3FB8] =	sst s0;
	s0 =	simm.s32 @!p1 $0x0  }
0x14: {  	s2 =	sld [smem:$0x3F9C];
	s0 =	simm.s32 @p1 $0x1  }
0x15: {  	[smem:$0x3FB9] =	sst s0;
	s0 =	simm.s32 @!p2 $0x0  }
0x16: {  	s3 =	sld [smem:$0x3FDB];
	s0 =	simm.s32 @p2 $0x1  }
0x17: {  	s4 =	simm.s32 $0x1BF5;
	[smem:$0x3FBB] =	sst s0  }
0x18: {  	s0 =	sld [smem:$0x3F9E];
	_ =	swait.ge [sflag:s4], $0x0  }
0x19: {  	s7 =	sld [smem:$0x3F9F]  }
0x1a: {  	s8 =	sadd.s32 $0xFFFFE003, lr  }
0x1b: {  	s9 =	sadd.s32 $0xFFFFFEF7, lr;
	s5 =	simm.s32 $0xFFFFFFFF;
	p2 =	slt.u32 s8, $0xFFFFF086  }
0x1c: {  	p1 =	slt.u32 s9, $0xF7A;
	s5 =	simm.s32 @!p2 $0x0  }
0x1d: {  	s5 =	simm.s32 @p1 $0x1;
	p0 =	seq.s32 s7, s2  }
0x1e: {  	s7 =	smul.u32 @!p0 $0xF7A, s2;
	p2 =	seq.s32 @!p0 s5, $0x0  }
0x1f: {  	s9 =	smul.u32 $0xF7A, s1;
	s8 =	simm.s32 @!p0 $0x1BF5;
	p2 =	por !p2, p0  }
0x20: {  	[sflag:s8] =	ssyncset.s32 @!p0 $0xFFFFF086;
	s6 =	sadd.s32 @!p0 s3, s7;
	s7 =	simm.s32 @!p0 $0x108  }
0x21: {  	s3 =	sadd.s32 s3, s9;
	s6 =	sadd.s32 @!p0 $0x88, s6;
	s7 =	simm.s32 @p2 $0x1082  }
0x22: {  	[simem:s7], [sflag:s8] =	dma.local @!p0 [hbm:s6], $0xF7A  }
0x23: {  	s9 =	sor.u32 $0xD0000000, s2;
	s6 =	simm.s32 $0x108;
	_ =	swait.ge @!p0 [sflag:s8], $0x0  }
0x24: {  	s3 =	sadd.s32 $0x88, s3;
	s6 =	simm.s32 @!p1 $0x1082;
	[sflag:s4] =	ssyncset.s32 $0xFFFFF086  }
0x25: {  	[simem:s6], [sflag:s4] =	dma.local [hbm:s3], $0xF7A  }
0x26: {  	[smem:$0x3F9F] =	sst s1;
	(tag) =	ssettag s2;
	_ =	strace s9  }
0x27: {  	s1 =	sld [smem:$0x3FAF]  }
0x28: {  	s2 =	sld [smem:$0x3FB0]  }
0x29: {  	s4 =	sld [smem:$0x3FB2]  }
0x2a: {  	p0 =	seq.s32 s5, $0x0;
	s5 =	sld [smem:$0x3FB3]  }
0x2b: {  	s6 =	sld [smem:$0x3FB4]  }
0x2c: {  	s7 =	sld [smem:$0x3FB5]  }
0x2d: {  	s3 =	simm.s32 $0x108;
	s8 =	sld [smem:$0x3FB6]  }
0x2e: {  	s3 =	simm.s32 @!p0 $0x1082;
	s9 =	sld [smem:$0x3FB7]  }
0x2f: {  	lr =	sadd.s32 s0, s3;
	s0 =	sld [smem:$0x3FAE]  }
0x30: {  	s3 =	sld [smem:$0x3FB1]  }
0x31: {  	[smem:$0x3FBA] =	sst s10  }
0x32: {  	s10 =	sld [smem:$0x3FB8];
	_ =	sdelay $0x3  }
0x33: {  	p0 =	seq.s32 s10, $0x1;
	s10 =	sld [smem:$0x3FBA];
	_ =	sdelay $0x3  }
0x34: {  	[smem:$0x3FBA] =	sst s10  }
0x35: {  	s10 =	sld [smem:$0x3FB9];
	_ =	sdelay $0x3  }
0x36: {  	p1 =	seq.s32 s10, $0x1;
	s10 =	sld [smem:$0x3FBA];
	_ =	sdelay $0x3  }
0x37: {  	[smem:$0x3FBA] =	sst s10  }
0x38: {  	s10 =	sld [smem:$0x3FBB]  }
0x39: {  	_ = 	snop;
	(pc) =	sbr.ind lr, $3  }
0x3a: {  	_ = 	snop  }
0x3b: {  	_ = 	snop  }
0x3c: {  	p2 =	seq.s32 s10, $0x1;
	s10 =	sld [smem:$0x3FBA]  }
0x3d: {  	_ =	shalt  }
0x3e: {  	_ =	shalt  }
0x3f: {  	_ =	shalt  }
0x40: {  	_ =	shalt  }
0x41: {  	_ =	shalt  }
0x42: {  	_ =	shalt  }
0x43: {  	_ =	shalt  }
0x44: {  	_ =	shalt  }
0x45: {  	_ =	shalt  }
0x46: {  	_ =	shalt  }
0x47: {  	_ =	shalt  }
0x48: {  	_ =	shalt  }
0x49: {  	_ =	shalt  }
0x4a: {  	_ =	shalt  }
0x4b: {  	_ =	shalt  }
0x4c: {  	_ =	shalt  }
0x4d: {  	_ =	shalt  }
0x4e: {  	_ =	shalt  }
0x4f: {  	_ =	shalt  }
0x50: {  	_ =	shalt  }
0x51: {  	_ =	shalt  }
0x52: {  	_ =	shalt  }
0x53: {  	_ =	shalt  }
0x54: {  	_ =	shalt  }
0x55: {  	_ =	shalt  }
0x56: {  	_ =	shalt  }
0x57: {  	_ =	shalt  }
0x58: {  	_ =	shalt  }
0x59: {  	_ =	shalt  }
0x5a: {  	_ =	shalt  }
0x5b: {  	_ =	shalt  }
0x5c: {  	_ =	shalt  }
0x5d: {  	_ =	shalt  }
0x5e: {  	_ =	shalt  }
0x5f: {  	_ =	shalt  }
0x60: {  	_ =	shalt  }
0x61: {  	_ =	shalt  }
0x62: {  	_ =	shalt  }
0x63: {  	_ =	shalt  }
0x64: {  	_ =	shalt  }
0x65: {  	_ =	shalt  }
0x66: {  	_ =	shalt  }
0x67: {  	_ =	shalt  }
0x68: {  	_ =	shalt  }
0x69: {  	_ =	shalt  }
0x6a: {  	_ =	shalt  }
0x6b: {  	_ =	shalt  }
0x6c: {  	_ =	shalt  }
0x6d: {  	_ =	shalt  }
0x6e: {  	_ =	shalt  }
0x6f: {  	_ =	shalt  }
0x70: {  	_ =	shalt  }
0x71: {  	_ =	shalt  }
0x72: {  	_ =	shalt  }
0x73: {  	_ =	shalt  }
0x74: {  	_ =	shalt  }
0x75: {  	_ =	shalt  }
0x76: {  	_ =	shalt  }
0x77: {  	_ =	shalt  }
0x78: {  	_ =	shalt  }
0x79: {  	_ =	shalt  }
0x7a: {  	_ =	shalt  }
0x7b: {  	_ =	shalt  }
0x7c: {  	_ =	shalt  }
0x7d: {  	_ =	shalt  }
0x7e: {  	_ =	shalt  }
0x7f: {  	_ =	shalt  }
0x80: {  	_ =	shalt  }
0x81: {  	_ =	shalt  }
0x82: {  	_ =	shalt  }
0x83: {  	_ =	shalt  }
0x84: {  	_ =	shalt  }
0x85: {  	_ =	shalt  }
0x86: {  	_ =	shalt  }
0x87: {  	_ =	shalt  }
.Lfunc_end0:
.L_simem_size_0:
called_computation_lowered:
.L_overlay_start_0:
0x88: {  	s2 =	sld [smem:$0x3FD9]  }
0x89: {  	s3 =	sld [smem:$0x3FFE];
	_ =	sdelay $0x1  }
0x8a: {  	s1 =	srdreg.scid  }
0x8b: {  	s0 =	sand.u32 $0x1, s1  }
0x8c: {  	s16 =	sshll.u32 s0, $0xA;
	s2 =	sadd.s32 s3, s2  }
0x8d: {  	s2 =	sadd.s32 s2, s16  }
0x8e: {  	[smem:$0x3FC6] =	sst s2  }
0x8f: {  	_ = 	snop  }
0x90: {  	(tm) =	ssettm $0x1  }
0x91: {  	s17 =	sld [smem:$0x3FFB];
	_ =	sdelay $0x3  }
0x92: {  	_ =	strace s17  }
0x93: {  	s2 =	sld [smem:$0x3FFC];
	_ =	sdelay $0x3  }
0x94: {  	_ =	strace s2  }
0x95: {  	s2 =	sld [smem:$0x3FFD];
	_ =	sdelay $0x3  }
0x96: {  	_ =	strace s2  }
0x97: {  	_ =	strace $0x8FFFFFFF  }
0x98: {  	s18 =	sld [smem:$0x3FDB];
	_ =	sdelay $0x1  }
0x99: {  	s19 =	simm.s32 $_scs_section_size  }
0x9a: {  	s4 =	simm.s32 $_size__tile_overlayer_lowered;
	s5 =	simm.s32 $_tile_overlayer_lowered  }
0x9b: {  	s22 =	simm.s32 $0x1BFF;
	s21 =	sshll.u32 s5, $0x1;
	s2 =	sadd.s32 s19, s18  }
0x9c: {  	s6 =	simm.s32 $0x0;
	s20 =	sshll.u32 s4, $0x1;
	s4 =	sadd.s32 s21, s2  }
0x9d: {  	[timem:s6], [sflag:s22] =	dma.local [hbm:s4], s20  }
0x9e: {  	_ =	swait.ge [sflag:s22], s20  }
0x9f: {  	s3 =	ssub.s32 $0x0, s20;
	[sflag:s22] =	ssyncset.done $0x0  }
0xa0: {  	[sflag:s22] =	ssyncadd.s32 s3;
	_ =	sdelay $0x1  }
0xa1: {  	s23 =	simm.s32 $0x1B8B  }
0xa2: {  	_ =	swait.ge [sflag:s23], $0x1  }
0xa3: {  	[sflag:s23] =	ssyncset.done $0x0  }
0xa4: {  	s25 =	simm.s32 $0x1B8E;
	s24 =	sld [smem:$0x3FFE];
	[sflag:s23] =	ssyncadd.s32 $0xFFFFFFFF  }
0xa5: {  	s26 =	simm.s32 $execute0_lowered;
	[smem:$0x3FD2] =	sst s25  }
0xa6: {  	s4 =	sshll.u32 s26, $0x1;
	_ =	strace $0x80000046;
	[dreg:$0x1] =	wrdreg $0xFFFFFFFF  }
0xa7: {  	s28 =	simm.s32 $_size_execute0_lowered;
	s2 =	sadd.s32 s2, s4;
	[dreg:$0x0] =	wrdreg $0x0  }
0xa8: {  	s4 =	sshll.u32 s28, $0x1;
	[dreg:$0x2] =	wrdreg s2  }
0xa9: {  	[dreg:$0x3] =	wrdreg s4  }
0xaa: {  	[dreg:$0x4] =	wrdreg $0xC0  }
0xab: {  	_ =	task [dreg:s6], $0x5FFFF  }
0xac: {  	[dreg:$0x1] =	wrdreg $0xFFFFFFFF  }
0xad: {  	[dreg:$0x0] =	wrdreg $0x60  }
0xae: {  	[dreg:$0x2] =	wrdreg s24  }
0xaf: {  	[dreg:$0x3] =	wrdreg $0x9  }
0xb0: {  	_ =	task.clear_ibuf [dreg:s6], $0x4FFFF;
	_ =	strace $0x90000046  }
0xb1: {  	s29 =	simm.s32 $0x9;
	_ =	strace $0x80000048  }
0xb2: {  	_ =	swait.ge [sflag:s29], $0x1  }
0xb3: {  	[sflag:s29] =	ssyncadd.s32 $0xFFFFFFFF  }
0xb4: {  	_ =	strace $0x90000048  }
0xb5: {  	_ =	sfence  }
0xb6: {  	s30 =	sld [smem:$0x0];
	_ =	sdelay $0x2  }
0xb7: {  	s31 =	sshll.u32 s1, $0xD;
	s1 =	sshrl.u32 s1, $0x2  }
0xb8: {  	s3 =	sand.u32 $0x4000, s31;
	s1 =	sadd.s32 s1, s30  }
0xb9: {  	s0 =	sor.u32 s3, s0;
	s1 =	sshll.u32 s1, $0x11  }
0xba: {  	s0 =	sor.u32 s1, s0  }
0xbb: {  	s0 =	sadd.s32 $0x8F2B, s0  }
0xbc: {  	[sflag:s0] =	ssyncadd.remote.s32 $0x1  }
0xbd: {  	_ =	sfence.sel $0xFFFF  }
0xbe: {  	[dreg:$0x0] =	wrdreg $0xFFFFFFFF;
	(pc) =	sbr.abs _section_cstart, $3  }
0xbf: {  	[dreg:$0x1] =	wrdreg $0xFFFFFFFF  }
0xc0: {  	_ =	task.clear_ibuf [dreg:s6], $0x2FFFF;
	_ =	strace $0x9FFFFFFF  }
0xc1: {  	(tm) =	ssettm $0x7FFFFFFF  }
tec
execute0_lowered:
.L_overlay_start_1:
0x0: {  	(tag) =	ssettag $0x1  }
0x1: {  	s0 =	srdreg.scid  }
0x2: {  	s1 =	rddreg [dreg:$0x0];
	s3 =	simm.s32 $0x0;
	s8 =	stileid.u32  }
0x3: {  	s0 =	sand.u32 $0x1, s0;
	[smem:$0x7FF] =	sst s3;
	s12 =	sadd.s32 $0x1EB800, s1  }
0x4: {  	s6 =	sshll.u32 s8, $0x4;
	s7 =	sshll.u32 s8, $0x1;
	s14 =	smul.u32 $0xF500, s8  }
0x5: {  	s2 =	smul.u32 $0xF5000, s0;
	_ =	strace $0x80000047;
	s4 =	ssub.s32 $0x2, s0  }
0x6: {  	s6 =	sand.u32 $0x80, s6;
	s0 =	sshll.u32 s0, $0x8;
	s13 =	sand.u32 $0xE, s7  }
0x7: {  	s5 =	sshrl.u32 s4, $0x1;
	s0 =	sor.u32 s0, s6;
	s2 =	sadd.s32 s2, s1  }
0x8: {  	[dreg:$0x2] =	wrdreg s14;
	s0 =	sor.u32 s13, s0;
	s2 =	sadd.s32 $0x1600, s2  }
0x9: {  	s1 =	sadd.s32 $0x1EBA00, s1;
	s15 =	sadd.s32 s12, s0;
	[dreg:$0x3] =	wrdreg s2  }
0xa: {  	s4 =	ssub.s32 s4, s5;
	s16 =	sadd.s32 s1, s0;
	[dreg:$0x4] =	wrdreg s15  }
0xb: {  	s17 =	sor.u32 $0x10, s0;
	s31 =	smax.u32 s4, $0x1;
	[dreg:$0x5] =	wrdreg s16  }
0xc: {  	s18 =	sadd.s32 s12, s17;
	[dreg:$0x14] =	wrdreg s31  }
0xd: {  	s19 =	sor.u32 $0x20, s0;
	s2 =	sadd.s32 s1, s17;
	[dreg:$0x6] =	wrdreg s18  }
0xe: {  	s21 =	sor.u32 $0x30, s0;
	s20 =	sadd.s32 s12, s19;
	[dreg:$0x7] =	wrdreg s2  }
0xf: {  	s23 =	sor.u32 $0x40, s0;
	s22 =	sadd.s32 s12, s21;
	[dreg:$0x8] =	wrdreg s20  }
0x10: {  	s25 =	sor.u32 $0x50, s0;
	s24 =	sadd.s32 s12, s23;
	[dreg:$0xa] =	wrdreg s22  }
0x11: {  	s28 =	sor.u32 $0x60, s0;
	s26 =	sadd.s32 s12, s25;
	[dreg:$0xc] =	wrdreg s24  }
0x12: {  	s0 =	sor.u32 $0x70, s0;
	s29 =	sadd.s32 s12, s28;
	[dreg:$0xe] =	wrdreg s26  }
0x13: {  	s30 =	sadd.s32 s12, s0;
	[dreg:$0x10] =	wrdreg s29  }
0x14: {  	s0 =	sadd.s32 s1, s0;
	[dreg:$0x12] =	wrdreg s30  }
0x15: {  	s2 =	sadd.s32 s1, s19;
	[dreg:$0x13] =	wrdreg s0  }
.Ltmp0:
0x16: {  	[dreg:$0x9] =	wrdreg s2;
	s2 =	sadd.s32 s1, s21;
	(pc) =	sbr.rel .LBB2_1-.Ltmp0, $4  }
0x17: {  	v2 =	vimm.s32 $0x8;
	v4 =	vimm.s32 $0x88;
	[dreg:$0xb] =	wrdreg s2;
	s2 =	sadd.s32 s1, s23  }
0x18: {  	v5 =	vimm.s32 $0x108;
	v6 =	vimm.s32 $0x188;
	v7 =	vimm.s32 $0x208;
	[dreg:$0xd] =	wrdreg s2;
	s2 =	sadd.s32 s1, s25  }
0x19: {  	v8 =	vimm.s32 $0x288;
	v9 =	vimm.s32 $0x308;
	v10 =	vimm.s32 $0x388;
	[dreg:$0xf] =	wrdreg s2;
	s2 =	sadd.s32 s1, s28  }
0x1a: {  	v0 =	vimm.f32 $-Inf;
	v1 =	vimm.s32 $0x0;
	v3 =	vimm.f32 $0.0e+00;
	s23 =	simm.s32 $0xC400;
	s1 =	simm.s32 $0x0;
	[dreg:$0x11] =	wrdreg s2  }
.LBB2_37:
0x1b: {  	s0 =	simm.s32 $0x0;
	s1 =	rddreg [dreg:$0x4];
	s2 =	simm.s32 $0x1  }
0x1c: {  	[hbm4b:s1+s0] =	stream.linear.scatter [tilespmem:s23], [sflag:$0x1], $0x10, $0x38;
	[tilespmem:$0xCC00] =	vst v63  }
0x1d: {  	_ =	swait.ge [sflag:s2], $0x10  }
0x1e: {  	[sflag:s2] =	ssyncset.done $0x0  }
0x1f: {  	s3 =	simm.s32 $0xC800;
	s26 =	rddreg [dreg:$0x5];
	[sflag:s2] =	ssyncadd.s32 $0xFFFFFFF0  }
0x20: {  	[hbm4b:s26+s0] =	stream.linear.scatter [tilespmem:s3], [sflag:$0x1], $0x10, $0x38;
	[tilespmem:$0xCC00] =	vst v63  }
0x21: {  	_ =	swait.ge [sflag:s2], $0x10  }
0x22: {  	[sflag:s2] =	ssyncset.done $0x0  }
0x23: {  	s29 =	simm.s32 $0xC480;
	s28 =	rddreg [dreg:$0x6];
	[sflag:s2] =	ssyncadd.s32 $0xFFFFFFF0  }
0x24: {  	[hbm4b:s28+s0] =	stream.linear.scatter [tilespmem:s29], [sflag:$0x1], $0x10, $0x38;
	[tilespmem:$0xCC00] =	vst v63  }
0x25: {  	_ =	swait.ge [sflag:s2], $0x10  }
0x26: {  	[sflag:s2] =	ssyncset.done $0x0  }
0x27: {  	s31 =	simm.s32 $0xC880;
	s30 =	rddreg [dreg:$0x7];
	[sflag:s2] =	ssyncadd.s32 $0xFFFFFFF0  }
0x28: {  	[hbm4b:s30+s0] =	stream.linear.scatter [tilespmem:s31], [sflag:$0x1], $0x10, $0x38;
	[tilespmem:$0xCC00] =	vst v63  }
0x29: {  	_ =	swait.ge [sflag:s2], $0x10  }
0x2a: {  	[sflag:s2] =	ssyncset.done $0x0  }
0x2b: {  	s5 =	simm.s32 $0xC500;
	s4 =	rddreg [dreg:$0x8];
	[sflag:s2] =	ssyncadd.s32 $0xFFFFFFF0  }
0x2c: {  	[hbm4b:s4+s0] =	stream.linear.scatter [tilespmem:s5], [sflag:$0x1], $0x10, $0x38;
	[tilespmem:$0xCC00] =	vst v63  }
0x2d: {  	_ =	swait.ge [sflag:s2], $0x10  }
0x2e: {  	[sflag:s2] =	ssyncset.done $0x0  }
0x2f: {  	s7 =	simm.s32 $0xC900;
	s6 =	rddreg [dreg:$0x9];
	[sflag:s2] =	ssyncadd.s32 $0xFFFFFFF0  }
0x30: {  	[hbm4b:s6+s0] =	stream.linear.scatter [tilespmem:s7], [sflag:$0x1], $0x10, $0x38;
	[tilespmem:$0xCC00] =	vst v63  }
0x31: {  	_ =	swait.ge [sflag:s2], $0x10  }
0x32: {  	[sflag:s2] =	ssyncset.done $0x0  }
0x33: {  	s9 =	simm.s32 $0xC580;
	s8 =	rddreg [dreg:$0xa];
	[sflag:s2] =	ssyncadd.s32 $0xFFFFFFF0  }
0x34: {  	[hbm4b:s8+s0] =	stream.linear.scatter [tilespmem:s9], [sflag:$0x1], $0x10, $0x38;
	[tilespmem:$0xCC00] =	vst v63  }
0x35: {  	_ =	swait.ge [sflag:s2], $0x10  }
0x36: {  	[sflag:s2] =	ssyncset.done $0x0  }
0x37: {  	s11 =	simm.s32 $0xC980;
	s10 =	rddreg [dreg:$0xb];
	[sflag:s2] =	ssyncadd.s32 $0xFFFFFFF0  }
0x38: {  	[hbm4b:s10+s0] =	stream.linear.scatter [tilespmem:s11], [sflag:$0x1], $0x10, $0x38;
	[tilespmem:$0xCC00] =	vst v63  }
0x39: {  	_ =	swait.ge [sflag:s2], $0x10  }
0x3a: {  	[sflag:s2] =	ssyncset.done $0x0  }
0x3b: {  	s13 =	simm.s32 $0xC600;
	s12 =	rddreg [dreg:$0xc];
	[sflag:s2] =	ssyncadd.s32 $0xFFFFFFF0  }
0x3c: {  	[hbm4b:s12+s0] =	stream.linear.scatter [tilespmem:s13], [sflag:$0x1], $0x10, $0x38;
	[tilespmem:$0xCC00] =	vst v63  }
0x3d: {  	_ =	swait.ge [sflag:s2], $0x10  }
0x3e: {  	[sflag:s2] =	ssyncset.done $0x0  }
0x3f: {  	s15 =	simm.s32 $0xCA00;
	s14 =	rddreg [dreg:$0xd];
	[sflag:s2] =	ssyncadd.s32 $0xFFFFFFF0  }
0x40: {  	[hbm4b:s14+s0] =	stream.linear.scatter [tilespmem:s15], [sflag:$0x1], $0x10, $0x38;
	[tilespmem:$0xCC00] =	vst v63  }
0x41: {  	_ =	swait.ge [sflag:s2], $0x10  }
0x42: {  	[sflag:s2] =	ssyncset.done $0x0  }
0x43: {  	s17 =	simm.s32 $0xC680;
	s16 =	rddreg [dreg:$0xe];
	[sflag:s2] =	ssyncadd.s32 $0xFFFFFFF0  }
0x44: {  	[hbm4b:s16+s0] =	stream.linear.scatter [tilespmem:s17], [sflag:$0x1], $0x10, $0x38;
	[tilespmem:$0xCC00] =	vst v63  }
0x45: {  	_ =	swait.ge [sflag:s2], $0x10  }
0x46: {  	[sflag:s2] =	ssyncset.done $0x0  }
0x47: {  	s19 =	simm.s32 $0xCA80;
	s18 =	rddreg [dreg:$0xf];
	[sflag:s2] =	ssyncadd.s32 $0xFFFFFFF0  }
0x48: {  	[hbm4b:s18+s0] =	stream.linear.scatter [tilespmem:s19], [sflag:$0x1], $0x10, $0x38;
	[tilespmem:$0xCC00] =	vst v63  }
0x49: {  	_ =	swait.ge [sflag:s2], $0x10  }
0x4a: {  	[sflag:s2] =	ssyncset.done $0x0  }
0x4b: {  	s21 =	simm.s32 $0xC700;
	s20 =	rddreg [dreg:$0x10];
	[sflag:s2] =	ssyncadd.s32 $0xFFFFFFF0  }
0x4c: {  	[hbm4b:s20+s0] =	stream.linear.scatter [tilespmem:s21], [sflag:$0x1], $0x10, $0x38;
	[tilespmem:$0xCC00] =	vst v63  }
0x4d: {  	_ =	swait.ge [sflag:s2], $0x10  }
0x4e: {  	[sflag:s2] =	ssyncset.done $0x0  }
0x4f: {  	s24 =	simm.s32 $0xCB00;
	s22 =	rddreg [dreg:$0x11];
	[sflag:s2] =	ssyncadd.s32 $0xFFFFFFF0  }
0x50: {  	[hbm4b:s22+s0] =	stream.linear.scatter [tilespmem:s24], [sflag:$0x1], $0x10, $0x38;
	[tilespmem:$0xCC00] =	vst v63  }
0x51: {  	_ =	swait.ge [sflag:s2], $0x10  }
0x52: {  	[sflag:s2] =	ssyncset.done $0x0  }
0x53: {  	s26 =	simm.s32 $0xC780;
	s25 =	rddreg [dreg:$0x12];
	[sflag:s2] =	ssyncadd.s32 $0xFFFFFFF0  }
0x54: {  	[hbm4b:s25+s0] =	stream.linear.scatter [tilespmem:s26], [sflag:$0x1], $0x10, $0x38;
	[tilespmem:$0xCC00] =	vst v63  }
0x55: {  	_ =	swait.ge [sflag:s2], $0x10  }
0x56: {  	[sflag:s2] =	ssyncset.done $0x0  }
0x57: {  	s29 =	simm.s32 $0xCB80;
	s28 =	rddreg [dreg:$0x13];
	[sflag:s2] =	ssyncadd.s32 $0xFFFFFFF0  }
0x58: {  	[hbm4b:s28+s0] =	stream.linear.scatter [tilespmem:s29], [sflag:$0x1], $0x10, $0x38;
	[tilespmem:$0xCC00] =	vst v63  }
0x59: {  	_ =	swait.ge [sflag:s2], $0x10  }
0x5a: {  	s30 =	rddreg [dreg:$0x15]  }
0x5b: {  	s31 =	rddreg [dreg:$0x14];
	s1 =	sadd.s32 $0x1, s30  }
0x5c: {  	p0 =	sne.s32 s1, s31  }
.Ltmp1:
0x5d: {  	_ = 	snop;
	(pc) =	sbr.rel @!p0 .LBB2_38-.Ltmp1, $3  }
0x5e: {  	_ =	sdelay $0x1  }
0x5f: {  	[sflag:s2] =	ssyncset.done $0x0  }
0x60: {  	[sflag:s2] =	ssyncadd.s32 $0xFFFFFFF0  }
.LBB2_1:
0x61: {  	[tilespmem:$0xC400] =	vst v0  }
0x62: {  	[tilespmem:$0xC800] =	vst v1  }
0x63: {  	[tilespmem:$0xC480] =	vst v0  }
0x64: {  	[tilespmem:$0xC880] =	vst v1  }
0x65: {  	[tilespmem:$0xC500] =	vst v0  }
0x66: {  	[tilespmem:$0xC900] =	vst v1  }
0x67: {  	[tilespmem:$0xC580] =	vst v0  }
0x68: {  	[tilespmem:$0xC980] =	vst v1  }
0x69: {  	[tilespmem:$0xC600] =	vst v0  }
0x6a: {  	[tilespmem:$0xCA00] =	vst v1  }
0x6b: {  	[tilespmem:$0xC680] =	vst v0  }
.Ltmp2:
0x6c: {  	[tilespmem:$0xCA80] =	vst v1;
	(pc) =	sbr.rel .LBB2_2-.Ltmp2, $4  }
0x6d: {  	[tilespmem:$0xC700] =	vst v0  }
0x6e: {  	[tilespmem:$0xCB00] =	vst v1  }
0x6f: {  	[dreg:$0x15] =	wrdreg s1;
	[tilespmem:$0xC780] =	vst v0  }
0x70: {  	[tilespmem:$0xCB80] =	vst v1;
	s3 =	rddreg [dreg:$0x2];
	s0 =	simm.s32 $0x0  }
.LBB2_36:
0x71: {  	s0 =	rddreg [dreg:$0x17]  }
0x72: {  	s0 =	sadd.s32 $0x1, s0  }
0x73: {  	p0 =	sne.s32 s0, $0xA  }
.Ltmp3:
0x74: {  	_ = 	snop;
	(pc) =	sbr.rel @!p0 .LBB2_37-.Ltmp3, $3  }
0x75: {  	_ =	sdelay $0x1  }
0x76: {  	s3 =	rddreg [dreg:$0x16]  }
0x77: {  	s3 =	sadd.s32 $0x1880, s3  }
.LBB2_2:
0x78: {  	[dreg:$0x17] =	wrdreg s0;
	s25 =	smul.u32 $0x1880, s0  }
0x79: {  	s1 =	rddreg [dreg:$0x2]  }
0x7a: {  	s26 =	rddreg [dreg:$0x3];
	s31 =	simm.s32 $0x0;
	s0 =	sadd.s32 s1, s25  }
.Ltmp4:
0x7b: {  	s30 =	simm.s32 $0x1;
	s0 =	sadd.s32 s0, s26;
	(pc) =	sbr.rel .LBB2_3-.Ltmp4, $4  }
0x7c: {  	[tilespmem:s31], [sflag:$0x1] =	stream.linear.gather [hbm4b:s0+s31], $0xC400, $0x38;
	[tilespmem:$0xCC00] =	vst v63  }
0x7d: {  	_ =	swait.ge [sflag:s30], $0xC400  }
0x7e: {  	s28 =	simm.s32 $0x0;
	s29 =	simm.s32 $0x0;
	[sflag:s30] =	ssyncset.done $0x0  }
0x7f: {  	s25 =	simm.s32 $0x0;
	[dreg:$0x16] =	wrdreg s3;
	[sflag:s30] =	ssyncadd.s32 $0xFFFF3C00  }
.LBB2_34:
0x80: {  	v11, v12, _ =	vpop @p1 (xrf1)  }
0x81: {  	[tilespmem:$0xCB80] =	vst @p1 v12  }
0x82: {  	[tilespmem:$0xC780] =	vst @p1 v11  }
.LBB2_35:
0x83: {  	s29 =	sadd.s32 $0x1, s29  }
0x84: {  	p0 =	sne.s32 s29, $0x1C  }
.Ltmp5:
0x85: {  	_ = 	snop;
	(pc) =	sbr.rel @!p0 .LBB2_36-.Ltmp5, $3  }
0x86: {  	_ =	sdelay $0x1  }
0x87: {  	s31 =	sadd.s32 $0x700, s31  }
0x88: {  	s28 =	sadd.s32 $0xE0, s28;
	s3 =	sadd.s32 $0xE0, s3;
	s25 =	sadd.s32 $0x6, s25  }
.LBB2_3:
0x89: {  	s8 =	smul.u32 $0xE0, s29  }
0x8a: {  	s16 =	smul.u32 $0x700, s29  }
0x8b: {  	s17 =	sand.u32 $0x60, s8  }
0x8c: {  	s7 =	sand.u32 $0xFC00, s16;
	s0 =	sadd.s32 $0x20, s8;
	s22 =	sadd.s32 $0x30, s8  }
0x8d: {  	s9 =	sadd.s32 $0x40, s8;
	s15 =	sadd.s32 $0x50, s8;
	s1 =	sor.u32 $0x10, s17  }
0x8e: {  	s19 =	sadd.s32 $0x60, s8;
	s2 =	sshll.u32 s0, $0x3;
	[smem:$0x7F3] =	sst s1  }
0x8f: {  	s11 =	sor.u32 s17, s7;
	s26 =	sshll.u32 s22, $0x3;
	[smem:$0x7F4] =	sst s2  }
0x90: {  	s5 =	sand.u32 $0x60, s0;
	s4 =	sand.u32 $0x70, s22;
	[dreg:$0x18] =	wrdreg s26  }
0x91: {  	s10 =	sshll.u32 s9, $0x3;
	s14 =	sand.u32 $0x60, s9;
	[smem:$0x7F5] =	sst s5  }
0x92: {  	s18 =	sshll.u32 s15, $0x3;
	s20 =	sand.u32 $0x70, s15;
	[dreg:$0x19] =	wrdreg s4  }
0x93: {  	s12 =	sor.u32 s1, s7;
	s24 =	sand.u32 $0x1FC00, s2;
	[smem:$0x7F6] =	sst s10  }
0x94: {  	s6 =	sand.u32 $0x1FC00, s26;
	s0 =	sand.u32 $0x1FC00, s10;
	[smem:$0x7F7] =	sst s14  }
0x95: {  	[dreg:$0x1a] =	wrdreg s18;
	s22 =	sand.u32 $0x1FC00, s18;
	s1 =	sadd.s32 $0x70, s8  }
0x96: {  	[dreg:$0x1b] =	wrdreg s20;
	s18 =	sadd.s32 $0x90, s8;
	s13 =	sor.u32 s5, s24  }
0x97: {  	s21 =	sor.u32 s4, s6;
	s14 =	sor.u32 s14, s0;
	s24 =	sshll.u32 s19, $0x3  }
0x98: {  	v11 =	vld.idx.msk [tilespmem:v2+s23+$0x0], $0xffff;
	s6 =	sand.u32 $0x60, s19;
	s22 =	sor.u32 s20, s22;
	[smem:$0x7F8] =	sst s24  }
0x99: {  	v12 =	vld [tilespmem:s11+$0x0];
	s9 =	sshll.u32 s1, $0x3;
	s10 =	sand.u32 $0x70, s1;
	[smem:$0x7F9] =	sst s6  }
0x9a: {  	v13 =	vld [tilespmem:s12+$0x0];
	s19 =	sand.u32 $0x70, s18;
	s20 =	sadd.s32 $0xA0, s8;
	[dreg:$0x1d] =	wrdreg s9  }
0x9b: {  	s26 =	sand.u32 $0x1FC00, s24;
	v14 =	vld [tilespmem:s13+$0x0];
	s0 =	sand.u32 $0x1FC00, s9;
	[dreg:$0x1e] =	wrdreg s10  }
0x9c: {  	v15 =	vld [tilespmem:s21+$0x0];
	s24 =	sshll.u32 s18, $0x3;
	s2 =	sand.u32 $0x60, s20;
	s30 =	sshll.u32 s20, $0x3  }
0x9d: {  	v16 =	vld [tilespmem:s14+$0x0];
	s9 =	sadd.s32 $0xB0, s8;
	[dreg:$0x1c] =	wrdreg s19;
	s15 =	sor.u32 s6, s26  }
0x9e: {  	v17 =	vld [tilespmem:s22+$0x0];
	s0 =	sor.u32 s10, s0;
	[dreg:$0x1f] =	wrdreg s24;
	s26 =	sand.u32 $0x1FC00, s24  }
0x9f: {  	s4 =	sand.u32 $0x1FC00, s30;
	s6 =	sshll.u32 s9, $0x3;
	s9 =	sand.u32 $0x70, s9;
	v56 =	vld [tilespmem:s15+$0x0];
	vm0 =	vgt.f32 v12, v11;
	vm1 =	vgt.f32 v13, v11  }
0xa0: {  	v57 =	vld [tilespmem:s0+$0x0];
	s5 =	sor.u32 s19, s26;
	s18 =	sor.u32 s2, s4;
	[smem:$0x7FA] =	sst s6;
	vm0 =	vmor vm0, vm1;
	vm4 =	vgt.f32 v14, v11  }
0xa1: {  	v58 =	vld [tilespmem:s11+$0x400];
	s10 =	sand.u32 $0x1FC00, s6;
	s19 =	sadd.s32 $0xC0, s8;
	[smem:$0x7FB] =	sst s9;
	vm5 =	vgt.f32 v15, v11;
	vm0 =	vmor vm0, vm4  }
0xa2: {  	v59 =	vld [tilespmem:s5+$0x0];
	s6 =	sor.u32 s9, s10;
	s10 =	sadd.s32 $0xD0, s8;
	s8 =	sshll.u32 s19, $0x3;
	vm6 =	vgt.f32 v16, v11;
	vm0 =	vmor vm0, vm5  }
0xa3: {  	v60 =	vld [tilespmem:s18+$0x0];
	s9 =	sand.u32 $0x60, s19;
	s19 =	sand.u32 $0x1FC00, s8;
	s20 =	sshll.u32 s10, $0x3;
	vm7 =	vgt.f32 v17, v11;
	vm0 =	vmor vm0, vm6  }
0xa4: {  	v61 =	vld [tilespmem:s6+$0x0];
	s24 =	sand.u32 $0x70, s10;
	s19 =	sor.u32 s9, s19;
	s26 =	sand.u32 $0x1FC00, s20;
	vm8 =	vgt.f32 v56, v11;
	vm0 =	vmor vm0, vm7  }
0xa5: {  	v62 =	vld [tilespmem:s19+$0x0];
	s10 =	sor.u32 s24, s26;
	vm9 =	vgt.f32 v57, v11;
	vm0 =	vmor vm0, vm8  }
0xa6: {  	vm10 =	vgt.f32 v58, v11;
	v63 =	vld [tilespmem:s10+$0x0];
	vm0 =	vmor vm0, vm9  }
0xa7: {  	vm11 =	vgt.f32 v59, v11;
	vm0 =	vmor vm0, vm10  }
0xa8: {  	vm12 =	vgt.f32 v60, v11;
	vm0 =	vmor vm0, vm11  }
0xa9: {  	vm13 =	vgt.f32 v61, v11;
	vm0 =	vmor vm0, vm12  }
0xaa: {  	vm14 =	vgt.f32 v62, v11;
	vm0 =	vmor vm0, vm13  }
0xab: {  	vm15 =	vgt.f32 v63, v11;
	vm0 =	vmor vm0, vm14  }
0xac: {  	vm0 =	vmor vm0, vm15  }
0xad: {  	v11 =	vsel vm0, $0x3F800000, v3  }
0xae: {  	(xrf0) =	vmax.scan.msk.f32 $0xffff, v11;
	_ =	sdelay $0x5  }
0xaf: {  	v11, _, _ =	vpop (xrf0)  }
0xb0: {  	(v2sf) =	vpush v11, $0xF;
	_ =	sdelay $0xe  }
0xb1: {  	[smem:$0x7FC] =	sst s20;
	s20 =	spop (v2sf)  }
0xb2: {  	p0 =	sgt.f32 s20, $0.0e+00  }
.Ltmp6:
0xb3: {  	_ = 	snop;
	(pc) =	sbr.rel @!p0 .LBB2_7-.Ltmp6, $2  }
0xb4: {  	_ =	sdelay $0x2  }
0xb5: {  	[smem:$0x7FD] =	sst s24  }
0xb6: {  	_ =	sdelay $0x1  }
0xb7: {  	s20 =	sadd.s32 $0x0, s28  }
0xb8: {  	s24 =	sand.u32 $0x1FC00, s31;
	s20 =	sand.u32 $0x70, s20  }
0xb9: {  	v11 =	vld.idx.msk [tilespmem:v2+s23+$0x0], $0xffff;
	s20 =	sor.u32 s20, s24  }
0xba: {  	v12 =	vld [tilespmem:s20+$0x0];
	_ =	sdelay $0x4  }
0xbb: {  	vm0 =	vgt.f32 v12, v11  }
0xbc: {  	v11 =	vsel vm0, $0x3F800000, v3  }
0xbd: {  	(xrf0) =	vmax.scan.msk.f32 $0xffff, v11;
	_ =	sdelay $0x5  }
0xbe: {  	v11, _, _ =	vpop (xrf0)  }
0xbf: {  	(v2sf) =	vpush v11, $0xF;
	_ =	sdelay $0xe  }
0xc0: {  	s26 =	spop (v2sf)  }
0xc1: {  	p1 =	sgt.f32 s26, $0.0e+00;
	_ =	sdelay $0x1  }
0xc2: {  	s20 =	sadd.s32 @p1 $0x0, s3;
	v11 =	vlaneseq.u32 @p1  }
0xc3: {  	v13 =	vor.u32 @p1 s20, v11  }
0xc4: {  	(xrf1) =	vsort.dscd.msk.f32 @p1 $0xffff, v12, v13;
	_ =	sdelay $0xb  }
0xc5: {  	v11 =	vmul.u32 @p1 $0xFFFFFFFF, v11;
	v12 =	vld @p1 [tilespmem:$0xC400]  }
0xc6: {  	v13 =	vld @p1 [tilespmem:$0xC800]  }
0xc7: {  	v11 =	vadd.s32 @p1 $0xF, v11;
	v14, v15, _ =	vpop @p1 (xrf1)  }
0xc8: {  	v14 =	vperm.xlane @p1 v14, v11  }
0xc9: {  	v11 =	vperm.xlane @p1 v15, v11  }
0xca: {  	vm0 =	vge.f32 @p1 v12, v14  }
0xcb: {  	v12 =	vsel @p1 vm0, v12, v14;
	v11 =	vsel @p1 vm0, v13, v11  }
0xcc: {  	(xrf1) =	vsort.dscd.msk.f32 @p1 $0xffff, v12, v11;
	_ =	sdelay $0xd  }
0xcd: {  	s24 =	smov.u32 s31;
	s20 =	simm.s32 $0x10;
	v11, v12, _ =	vpop @p1 (xrf1)  }
.LBB2_5:
0xce: {  	s1 =	sadd.s32 s20, s28  }
0xcf: {  	[tilespmem:$0xC800] =	vst @p1 v12;
	s24 =	sadd.s32 $0x80, s24;
	s4 =	smov.u32 s20;
	s20 =	sadd.s32 $0x10, s20  }
0xd0: {  	s1 =	sand.u32 $0x70, s1;
	s26 =	sand.u32 $0x1FC00, s24;
	p0 =	sne.s32 s20, $0xE0;
	[tilespmem:$0xC400] =	vst @p1 v11  }
0xd1: {  	s1 =	sor.u32 s1, s26;
	v11 =	vld.idx.msk [tilespmem:v2+s23+$0x0], $0xffff  }
0xd2: {  	v12 =	vld [tilespmem:s1+$0x0];
	_ =	sdelay $0x4  }
0xd3: {  	vm0 =	vgt.f32 v12, v11  }
0xd4: {  	v11 =	vsel vm0, $0x3F800000, v3  }
0xd5: {  	(xrf0) =	vmax.scan.msk.f32 $0xffff, v11;
	_ =	sdelay $0x5  }
0xd6: {  	v11, _, _ =	vpop (xrf0)  }
0xd7: {  	(v2sf) =	vpush v11, $0xF;
	_ =	sdelay $0xe  }
0xd8: {  	s1 =	spop (v2sf)  }
0xd9: {  	p1 =	sgt.f32 s1, $0.0e+00;
	_ =	sdelay $0x1  }
0xda: {  	s1 =	sadd.s32 @p1 s4, s3;
	v11 =	vlaneseq.u32 @p1  }
0xdb: {  	v13 =	vor.u32 @p1 s1, v11  }
0xdc: {  	(xrf1) =	vsort.dscd.msk.f32 @p1 $0xffff, v12, v13;
	_ =	sdelay $0xb  }
0xdd: {  	v11 =	vmul.u32 @p1 $0xFFFFFFFF, v11;
	v12 =	vld @p1 [tilespmem:$0xC400]  }
0xde: {  	v13 =	vld @p1 [tilespmem:$0xC800]  }
0xdf: {  	v11 =	vadd.s32 @p1 $0xF, v11;
	v14, v15, _ =	vpop @p1 (xrf1)  }
0xe0: {  	v14 =	vperm.xlane @p1 v14, v11  }
0xe1: {  	v11 =	vperm.xlane @p1 v15, v11  }
0xe2: {  	vm0 =	vge.f32 @p1 v12, v14  }
0xe3: {  	v12 =	vsel @p1 vm0, v12, v14;
	v11 =	vsel @p1 vm0, v13, v11  }
0xe4: {  	(xrf1) =	vsort.dscd.msk.f32 @p1 $0xffff, v12, v11;
	_ =	sdelay $0x9  }
.Ltmp7:
0xe5: {  	(pc) =	sbr.rel @p0 .LBB2_5-.Ltmp7, $2  }
0xe6: {  	_ =	sdelay $0x2  }
0xe7: {  	v11, v12, _ =	vpop @p1 (xrf1)  }
0xe8: {  	[tilespmem:$0xC800] =	vst @p1 v12  }
0xe9: {  	[tilespmem:$0xC400] =	vst @p1 v11  }
.LBB2_7:
0xea: {  	_ =	sdelay $0x3  }
0xeb: {  	v11 =	vld.idx.msk [tilespmem:v4+s23+$0x0], $0xffff  }
0xec: {  	v12 =	vld [tilespmem:s11+$0x80]  }
0xed: {  	v13 =	vld [tilespmem:s12+$0x80]  }
0xee: {  	v14 =	vld [tilespmem:s13+$0x80]  }
0xef: {  	v15 =	vld [tilespmem:s21+$0x80]  }
0xf0: {  	v16 =	vld [tilespmem:s14+$0x80]  }
0xf1: {  	v17 =	vld [tilespmem:s22+$0x80]  }
0xf2: {  	v56 =	vld [tilespmem:s15+$0x80];
	vm0 =	vgt.f32 v12, v11;
	vm1 =	vgt.f32 v13, v11  }
0xf3: {  	v57 =	vld [tilespmem:s0+$0x80];
	s7 =	sadd.s32 s17, s7;
	vm4 =	vgt.f32 v14, v11;
	vm0 =	vmor vm0, vm1  }
0xf4: {  	v58 =	vld [tilespmem:s7+$0x480];
	vm5 =	vgt.f32 v15, v11;
	vm0 =	vmor vm0, vm4  }
0xf5: {  	v59 =	vld [tilespmem:s5+$0x80];
	vm6 =	vgt.f32 v16, v11;
	vm0 =	vmor vm0, vm5  }
0xf6: {  	v60 =	vld [tilespmem:s18+$0x80];
	vm7 =	vgt.f32 v17, v11;
	vm0 =	vmor vm0, vm6  }
0xf7: {  	v61 =	vld [tilespmem:s6+$0x80];
	vm8 =	vgt.f32 v56, v11;
	vm0 =	vmor vm0, vm7  }
0xf8: {  	v62 =	vld [tilespmem:s19+$0x80];
	vm9 =	vgt.f32 v57, v11;
	vm0 =	vmor vm0, vm8  }
0xf9: {  	v63 =	vld [tilespmem:s10+$0x80];
	vm10 =	vgt.f32 v58, v11;
	vm0 =	vmor vm0, vm9  }
0xfa: {  	vm11 =	vgt.f32 v59, v11;
	vm0 =	vmor vm0, vm10  }
0xfb: {  	vm12 =	vgt.f32 v60, v11;
	vm0 =	vmor vm0, vm11  }
0xfc: {  	vm13 =	vgt.f32 v61, v11;
	vm0 =	vmor vm0, vm12  }
0xfd: {  	vm14 =	vgt.f32 v62, v11;
	vm0 =	vmor vm0, vm13  }
0xfe: {  	vm15 =	vgt.f32 v63, v11;
	vm0 =	vmor vm0, vm14  }
0xff: {  	vm0 =	vmor vm0, vm15  }
0x100: {  	v11 =	vsel vm0, $0x3F800000, v3  }
0x101: {  	(xrf0) =	vmax.scan.msk.f32 $0xffff, v11;
	_ =	sdelay $0x5  }
0x102: {  	v11, _, _ =	vpop (xrf0)  }
0x103: {  	(v2sf) =	vpush v11, $0xF;
	_ =	sdelay $0xe  }
0x104: {  	s1 =	spop (v2sf)  }
0x105: {  	p0 =	sgt.f32 s1, $0.0e+00  }
.Ltmp8:
0x106: {  	_ = 	snop;
	(pc) =	sbr.rel @!p0 .LBB2_11-.Ltmp8, $1  }
0x107: {  	_ =	sdelay $0x3  }
0x108: {  	_ =	sdelay $0x1  }
0x109: {  	s1 =	sadd.s32 $0x0, s28  }
0x10a: {  	s4 =	sand.u32 $0x1FC00, s31;
	s1 =	sand.u32 $0x70, s1  }
0x10b: {  	v11 =	vld.idx.msk [tilespmem:v4+s23+$0x0], $0xffff;
	s1 =	sor.u32 s1, s4  }
0x10c: {  	v12 =	vld [tilespmem:s1+$0x80];
	_ =	sdelay $0x4  }
0x10d: {  	vm0 =	vgt.f32 v12, v11  }
0x10e: {  	v11 =	vsel vm0, $0x3F800000, v3  }
0x10f: {  	(xrf0) =	vmax.scan.msk.f32 $0xffff, v11;
	_ =	sdelay $0x5  }
0x110: {  	v11, _, _ =	vpop (xrf0)  }
0x111: {  	(v2sf) =	vpush v11, $0xF;
	_ =	sdelay $0xe  }
0x112: {  	s26 =	spop (v2sf)  }
0x113: {  	p1 =	sgt.f32 s26, $0.0e+00;
	_ =	sdelay $0x1  }
0x114: {  	s1 =	sadd.s32 @p1 $0x0, s3;
	v11 =	vlaneseq.u32 @p1  }
0x115: {  	v13 =	vor.u32 @p1 s1, v11  }
0x116: {  	(xrf1) =	vsort.dscd.msk.f32 @p1 $0xffff, v12, v13;
	_ =	sdelay $0xb  }
0x117: {  	v11 =	vmul.u32 @p1 $0xFFFFFFFF, v11;
	v12 =	vld @p1 [tilespmem:$0xC480]  }
0x118: {  	v13 =	vld @p1 [tilespmem:$0xC880]  }
0x119: {  	v11 =	vadd.s32 @p1 $0xF, v11;
	v14, v15, _ =	vpop @p1 (xrf1)  }
0x11a: {  	v14 =	vperm.xlane @p1 v14, v11  }
0x11b: {  	v11 =	vperm.xlane @p1 v15, v11  }
0x11c: {  	vm0 =	vge.f32 @p1 v12, v14  }
0x11d: {  	v12 =	vsel @p1 vm0, v12, v14;
	v11 =	vsel @p1 vm0, v13, v11  }
0x11e: {  	(xrf1) =	vsort.dscd.msk.f32 @p1 $0xffff, v12, v11;
	_ =	sdelay $0xd  }
0x11f: {  	s20 =	simm.s32 $0x10;
	s24 =	smov.u32 s31;
	v11, v12, _ =	vpop @p1 (xrf1)  }
.LBB2_9:
0x120: {  	s1 =	sadd.s32 s20, s28  }
0x121: {  	[tilespmem:$0xC880] =	vst @p1 v12;
	s24 =	sadd.s32 $0x80, s24;
	s4 =	smov.u32 s20;
	s20 =	sadd.s32 $0x10, s20  }
0x122: {  	s1 =	sand.u32 $0x70, s1;
	s26 =	sand.u32 $0x1FC00, s24;
	p0 =	sne.s32 s20, $0xE0;
	[tilespmem:$0xC480] =	vst @p1 v11  }
0x123: {  	s1 =	sor.u32 s1, s26;
	v11 =	vld.idx.msk [tilespmem:v4+s23+$0x0], $0xffff  }
0x124: {  	v12 =	vld [tilespmem:s1+$0x80];
	_ =	sdelay $0x4  }
0x125: {  	vm0 =	vgt.f32 v12, v11  }
0x126: {  	v11 =	vsel vm0, $0x3F800000, v3  }
0x127: {  	(xrf0) =	vmax.scan.msk.f32 $0xffff, v11;
	_ =	sdelay $0x5  }
0x128: {  	v11, _, _ =	vpop (xrf0)  }
0x129: {  	(v2sf) =	vpush v11, $0xF;
	_ =	sdelay $0xe  }
0x12a: {  	s1 =	spop (v2sf)  }
0x12b: {  	p1 =	sgt.f32 s1, $0.0e+00;
	_ =	sdelay $0x1  }
0x12c: {  	s1 =	sadd.s32 @p1 s4, s3;
	v11 =	vlaneseq.u32 @p1  }
0x12d: {  	v13 =	vor.u32 @p1 s1, v11  }
0x12e: {  	(xrf1) =	vsort.dscd.msk.f32 @p1 $0xffff, v12, v13;
	_ =	sdelay $0xb  }
0x12f: {  	v11 =	vmul.u32 @p1 $0xFFFFFFFF, v11;
	v12 =	vld @p1 [tilespmem:$0xC480]  }
0x130: {  	v13 =	vld @p1 [tilespmem:$0xC880]  }
0x131: {  	v11 =	vadd.s32 @p1 $0xF, v11;
	v14, v15, _ =	vpop @p1 (xrf1)  }
0x132: {  	v14 =	vperm.xlane @p1 v14, v11  }
0x133: {  	v11 =	vperm.xlane @p1 v15, v11  }
0x134: {  	vm0 =	vge.f32 @p1 v12, v14  }
0x135: {  	v12 =	vsel @p1 vm0, v12, v14;
	v11 =	vsel @p1 vm0, v13, v11  }
0x136: {  	(xrf1) =	vsort.dscd.msk.f32 @p1 $0xffff, v12, v11;
	_ =	sdelay $0x9  }
.Ltmp9:
0x137: {  	(pc) =	sbr.rel @p0 .LBB2_9-.Ltmp9, $2  }
0x138: {  	_ =	sdelay $0x2  }
0x139: {  	v11, v12, _ =	vpop @p1 (xrf1)  }
0x13a: {  	[tilespmem:$0xC880] =	vst @p1 v12  }
0x13b: {  	[tilespmem:$0xC480] =	vst @p1 v11  }
.LBB2_11:
0x13c: {  	_ =	sdelay $0x3  }
0x13d: {  	v11 =	vld.idx.msk [tilespmem:v5+s23+$0x0], $0xffff  }
0x13e: {  	v12 =	vld [tilespmem:s11+$0x100]  }
0x13f: {  	v13 =	vld [tilespmem:s12+$0x100]  }
0x140: {  	v14 =	vld [tilespmem:s13+$0x100]  }
0x141: {  	v15 =	vld [tilespmem:s21+$0x100]  }
0x142: {  	v16 =	vld [tilespmem:s14+$0x100]  }
0x143: {  	v17 =	vld [tilespmem:s22+$0x100]  }
0x144: {  	v56 =	vld [tilespmem:s15+$0x100];
	vm0 =	vgt.f32 v12, v11;
	vm1 =	vgt.f32 v13, v11  }
0x145: {  	v57 =	vld [tilespmem:s0+$0x100];
	vm4 =	vgt.f32 v14, v11;
	vm0 =	vmor vm0, vm1  }
0x146: {  	v58 =	vld [tilespmem:s7+$0x500];
	vm5 =	vgt.f32 v15, v11;
	vm0 =	vmor vm0, vm4  }
0x147: {  	v59 =	vld [tilespmem:s5+$0x100];
	vm6 =	vgt.f32 v16, v11;
	vm0 =	vmor vm0, vm5  }
0x148: {  	v60 =	vld [tilespmem:s18+$0x100];
	vm7 =	vgt.f32 v17, v11;
	vm0 =	vmor vm0, vm6  }
0x149: {  	v61 =	vld [tilespmem:s6+$0x100];
	vm8 =	vgt.f32 v56, v11;
	vm0 =	vmor vm0, vm7  }
0x14a: {  	v62 =	vld [tilespmem:s19+$0x100];
	vm9 =	vgt.f32 v57, v11;
	vm0 =	vmor vm0, vm8  }
0x14b: {  	v63 =	vld [tilespmem:s10+$0x100];
	vm10 =	vgt.f32 v58, v11;
	vm0 =	vmor vm0, vm9  }
0x14c: {  	vm11 =	vgt.f32 v59, v11;
	vm0 =	vmor vm0, vm10  }
0x14d: {  	vm12 =	vgt.f32 v60, v11;
	vm0 =	vmor vm0, vm11  }
0x14e: {  	vm13 =	vgt.f32 v61, v11;
	vm0 =	vmor vm0, vm12  }
0x14f: {  	vm14 =	vgt.f32 v62, v11;
	vm0 =	vmor vm0, vm13  }
0x150: {  	vm15 =	vgt.f32 v63, v11;
	vm0 =	vmor vm0, vm14  }
0x151: {  	vm0 =	vmor vm0, vm15  }
0x152: {  	v11 =	vsel vm0, $0x3F800000, v3  }
0x153: {  	(xrf0) =	vmax.scan.msk.f32 $0xffff, v11;
	_ =	sdelay $0x5  }
0x154: {  	v11, _, _ =	vpop (xrf0)  }
0x155: {  	(v2sf) =	vpush v11, $0xF;
	_ =	sdelay $0xe  }
0x156: {  	s1 =	spop (v2sf)  }
0x157: {  	p0 =	sgt.f32 s1, $0.0e+00  }
.Ltmp10:
0x158: {  	_ = 	snop;
	(pc) =	sbr.rel @!p0 .LBB2_15-.Ltmp10, $1  }
0x159: {  	_ =	sdelay $0x3  }
0x15a: {  	_ =	sdelay $0x1  }
0x15b: {  	s1 =	sadd.s32 $0x0, s28  }
0x15c: {  	s4 =	sand.u32 $0x1FC00, s31;
	s1 =	sand.u32 $0x70, s1  }
0x15d: {  	v11 =	vld.idx.msk [tilespmem:v5+s23+$0x0], $0xffff;
	s1 =	sor.u32 s1, s4  }
0x15e: {  	v12 =	vld [tilespmem:s1+$0x100];
	_ =	sdelay $0x4  }
0x15f: {  	vm0 =	vgt.f32 v12, v11  }
0x160: {  	v11 =	vsel vm0, $0x3F800000, v3  }
0x161: {  	(xrf0) =	vmax.scan.msk.f32 $0xffff, v11;
	_ =	sdelay $0x5  }
0x162: {  	v11, _, _ =	vpop (xrf0)  }
0x163: {  	(v2sf) =	vpush v11, $0xF;
	_ =	sdelay $0xe  }
0x164: {  	s26 =	spop (v2sf)  }
0x165: {  	p1 =	sgt.f32 s26, $0.0e+00;
	_ =	sdelay $0x1  }
0x166: {  	s1 =	sadd.s32 @p1 $0x0, s3;
	v11 =	vlaneseq.u32 @p1  }
0x167: {  	v13 =	vor.u32 @p1 s1, v11  }
0x168: {  	(xrf1) =	vsort.dscd.msk.f32 @p1 $0xffff, v12, v13;
	_ =	sdelay $0xb  }
0x169: {  	v11 =	vmul.u32 @p1 $0xFFFFFFFF, v11;
	v12 =	vld @p1 [tilespmem:$0xC500]  }
0x16a: {  	v13 =	vld @p1 [tilespmem:$0xC900]  }
0x16b: {  	v11 =	vadd.s32 @p1 $0xF, v11;
	v14, v15, _ =	vpop @p1 (xrf1)  }
0x16c: {  	v14 =	vperm.xlane @p1 v14, v11  }
0x16d: {  	v11 =	vperm.xlane @p1 v15, v11  }
0x16e: {  	vm0 =	vge.f32 @p1 v12, v14  }
0x16f: {  	v12 =	vsel @p1 vm0, v12, v14;
	v11 =	vsel @p1 vm0, v13, v11  }
0x170: {  	(xrf1) =	vsort.dscd.msk.f32 @p1 $0xffff, v12, v11;
	_ =	sdelay $0xd  }
0x171: {  	s20 =	simm.s32 $0x10;
	s24 =	smov.u32 s31;
	v11, v12, _ =	vpop @p1 (xrf1)  }
.LBB2_13:
0x172: {  	s1 =	sadd.s32 s20, s28  }
0x173: {  	[tilespmem:$0xC900] =	vst @p1 v12;
	s24 =	sadd.s32 $0x80, s24;
	s4 =	smov.u32 s20;
	s20 =	sadd.s32 $0x10, s20  }
0x174: {  	s1 =	sand.u32 $0x70, s1;
	s26 =	sand.u32 $0x1FC00, s24;
	p0 =	sne.s32 s20, $0xE0;
	[tilespmem:$0xC500] =	vst @p1 v11  }
0x175: {  	s1 =	sor.u32 s1, s26;
	v11 =	vld.idx.msk [tilespmem:v5+s23+$0x0], $0xffff  }
0x176: {  	v12 =	vld [tilespmem:s1+$0x100];
	_ =	sdelay $0x4  }
0x177: {  	vm0 =	vgt.f32 v12, v11  }
0x178: {  	v11 =	vsel vm0, $0x3F800000, v3  }
0x179: {  	(xrf0) =	vmax.scan.msk.f32 $0xffff, v11;
	_ =	sdelay $0x5  }
0x17a: {  	v11, _, _ =	vpop (xrf0)  }
0x17b: {  	(v2sf) =	vpush v11, $0xF;
	_ =	sdelay $0xe  }
0x17c: {  	s1 =	spop (v2sf)  }
0x17d: {  	p1 =	sgt.f32 s1, $0.0e+00;
	_ =	sdelay $0x1  }
0x17e: {  	s1 =	sadd.s32 @p1 s4, s3;
	v11 =	vlaneseq.u32 @p1  }
0x17f: {  	v13 =	vor.u32 @p1 s1, v11  }
0x180: {  	(xrf1) =	vsort.dscd.msk.f32 @p1 $0xffff, v12, v13;
	_ =	sdelay $0xb  }
0x181: {  	v11 =	vmul.u32 @p1 $0xFFFFFFFF, v11;
	v12 =	vld @p1 [tilespmem:$0xC500]  }
0x182: {  	v13 =	vld @p1 [tilespmem:$0xC900]  }
0x183: {  	v11 =	vadd.s32 @p1 $0xF, v11;
	v14, v15, _ =	vpop @p1 (xrf1)  }
0x184: {  	v14 =	vperm.xlane @p1 v14, v11  }
0x185: {  	v11 =	vperm.xlane @p1 v15, v11  }
0x186: {  	vm0 =	vge.f32 @p1 v12, v14  }
0x187: {  	v12 =	vsel @p1 vm0, v12, v14;
	v11 =	vsel @p1 vm0, v13, v11  }
0x188: {  	(xrf1) =	vsort.dscd.msk.f32 @p1 $0xffff, v12, v11;
	_ =	sdelay $0x9  }
.Ltmp11:
0x189: {  	(pc) =	sbr.rel @p0 .LBB2_13-.Ltmp11, $2  }
0x18a: {  	_ =	sdelay $0x2  }
0x18b: {  	v11, v12, _ =	vpop @p1 (xrf1)  }
0x18c: {  	[tilespmem:$0xC900] =	vst @p1 v12  }
0x18d: {  	[tilespmem:$0xC500] =	vst @p1 v11  }
.LBB2_15:
0x18e: {  	_ =	sdelay $0x3  }
0x18f: {  	v11 =	vld.idx.msk [tilespmem:v6+s23+$0x0], $0xffff  }
0x190: {  	v12 =	vld [tilespmem:s11+$0x180]  }
0x191: {  	v13 =	vld [tilespmem:s12+$0x180]  }
0x192: {  	v14 =	vld [tilespmem:s13+$0x180]  }
0x193: {  	v15 =	vld [tilespmem:s21+$0x180]  }
0x194: {  	v16 =	vld [tilespmem:s14+$0x180]  }
0x195: {  	v17 =	vld [tilespmem:s22+$0x180]  }
0x196: {  	v56 =	vld [tilespmem:s15+$0x180];
	vm0 =	vgt.f32 v12, v11;
	vm1 =	vgt.f32 v13, v11  }
0x197: {  	v57 =	vld [tilespmem:s0+$0x180];
	vm4 =	vgt.f32 v14, v11;
	vm0 =	vmor vm0, vm1  }
0x198: {  	v58 =	vld [tilespmem:s7+$0x580];
	vm5 =	vgt.f32 v15, v11;
	vm0 =	vmor vm0, vm4  }
0x199: {  	v59 =	vld [tilespmem:s5+$0x180];
	vm6 =	vgt.f32 v16, v11;
	vm0 =	vmor vm0, vm5  }
0x19a: {  	v60 =	vld [tilespmem:s18+$0x180];
	vm7 =	vgt.f32 v17, v11;
	vm0 =	vmor vm0, vm6  }
0x19b: {  	v61 =	vld [tilespmem:s6+$0x180];
	vm8 =	vgt.f32 v56, v11;
	vm0 =	vmor vm0, vm7  }
0x19c: {  	v62 =	vld [tilespmem:s19+$0x180];
	vm9 =	vgt.f32 v57, v11;
	vm0 =	vmor vm0, vm8  }
0x19d: {  	v63 =	vld [tilespmem:s10+$0x180];
	vm10 =	vgt.f32 v58, v11;
	vm0 =	vmor vm0, vm9  }
0x19e: {  	vm11 =	vgt.f32 v59, v11;
	vm0 =	vmor vm0, vm10  }
0x19f: {  	vm12 =	vgt.f32 v60, v11;
	vm0 =	vmor vm0, vm11  }
0x1a0: {  	vm13 =	vgt.f32 v61, v11;
	vm0 =	vmor vm0, vm12  }
0x1a1: {  	vm14 =	vgt.f32 v62, v11;
	vm0 =	vmor vm0, vm13  }
0x1a2: {  	vm15 =	vgt.f32 v63, v11;
	vm0 =	vmor vm0, vm14  }
0x1a3: {  	vm0 =	vmor vm0, vm15  }
0x1a4: {  	v11 =	vsel vm0, $0x3F800000, v3  }
0x1a5: {  	(xrf0) =	vmax.scan.msk.f32 $0xffff, v11;
	_ =	sdelay $0x5  }
0x1a6: {  	v11, _, _ =	vpop (xrf0)  }
0x1a7: {  	(v2sf) =	vpush v11, $0xF;
	_ =	sdelay $0xe  }
0x1a8: {  	s1 =	spop (v2sf)  }
0x1a9: {  	p0 =	sgt.f32 s1, $0.0e+00  }
.Ltmp12:
0x1aa: {  	_ = 	snop;
	(pc) =	sbr.rel @!p0 .LBB2_19-.Ltmp12, $1  }
0x1ab: {  	_ =	sdelay $0x3  }
0x1ac: {  	_ =	sdelay $0x1  }
0x1ad: {  	s1 =	sadd.s32 $0x0, s28  }
0x1ae: {  	s4 =	sand.u32 $0x1FC00, s31;
	s1 =	sand.u32 $0x70, s1  }
0x1af: {  	v11 =	vld.idx.msk [tilespmem:v6+s23+$0x0], $0xffff;
	s1 =	sor.u32 s1, s4  }
0x1b0: {  	v12 =	vld [tilespmem:s1+$0x180];
	_ =	sdelay $0x4  }
0x1b1: {  	vm0 =	vgt.f32 v12, v11  }
0x1b2: {  	v11 =	vsel vm0, $0x3F800000, v3  }
0x1b3: {  	(xrf0) =	vmax.scan.msk.f32 $0xffff, v11;
	_ =	sdelay $0x5  }
0x1b4: {  	v11, _, _ =	vpop (xrf0)  }
0x1b5: {  	(v2sf) =	vpush v11, $0xF;
	_ =	sdelay $0xe  }
0x1b6: {  	s26 =	spop (v2sf)  }
0x1b7: {  	p1 =	sgt.f32 s26, $0.0e+00;
	_ =	sdelay $0x1  }
0x1b8: {  	s1 =	sadd.s32 @p1 $0x0, s3;
	v11 =	vlaneseq.u32 @p1  }
0x1b9: {  	v13 =	vor.u32 @p1 s1, v11  }
0x1ba: {  	(xrf1) =	vsort.dscd.msk.f32 @p1 $0xffff, v12, v13;
	_ =	sdelay $0xb  }
0x1bb: {  	v11 =	vmul.u32 @p1 $0xFFFFFFFF, v11;
	v12 =	vld @p1 [tilespmem:$0xC580]  }
0x1bc: {  	v13 =	vld @p1 [tilespmem:$0xC980]  }
0x1bd: {  	v11 =	vadd.s32 @p1 $0xF, v11;
	v14, v15, _ =	vpop @p1 (xrf1)  }
0x1be: {  	v14 =	vperm.xlane @p1 v14, v11  }
0x1bf: {  	v11 =	vperm.xlane @p1 v15, v11  }
0x1c0: {  	vm0 =	vge.f32 @p1 v12, v14  }
0x1c1: {  	v12 =	vsel @p1 vm0, v12, v14;
	v11 =	vsel @p1 vm0, v13, v11  }
0x1c2: {  	(xrf1) =	vsort.dscd.msk.f32 @p1 $0xffff, v12, v11;
	_ =	sdelay $0xd  }
0x1c3: {  	s20 =	simm.s32 $0x10;
	s24 =	smov.u32 s31;
	v11, v12, _ =	vpop @p1 (xrf1)  }
.LBB2_17:
0x1c4: {  	s1 =	sadd.s32 s20, s28  }
0x1c5: {  	[tilespmem:$0xC980] =	vst @p1 v12;
	s24 =	sadd.s32 $0x80, s24;
	s4 =	smov.u32 s20;
	s20 =	sadd.s32 $0x10, s20  }
0x1c6: {  	s1 =	sand.u32 $0x70, s1;
	s26 =	sand.u32 $0x1FC00, s24;
	p0 =	sne.s32 s20, $0xE0;
	[tilespmem:$0xC580] =	vst @p1 v11  }
0x1c7: {  	s1 =	sor.u32 s1, s26;
	v11 =	vld.idx.msk [tilespmem:v6+s23+$0x0], $0xffff  }
0x1c8: {  	v12 =	vld [tilespmem:s1+$0x180];
	_ =	sdelay $0x4  }
0x1c9: {  	vm0 =	vgt.f32 v12, v11  }
0x1ca: {  	v11 =	vsel vm0, $0x3F800000, v3  }
0x1cb: {  	(xrf0) =	vmax.scan.msk.f32 $0xffff, v11;
	_ =	sdelay $0x5  }
0x1cc: {  	v11, _, _ =	vpop (xrf0)  }
0x1cd: {  	(v2sf) =	vpush v11, $0xF;
	_ =	sdelay $0xe  }
0x1ce: {  	s1 =	spop (v2sf)  }
0x1cf: {  	p1 =	sgt.f32 s1, $0.0e+00;
	_ =	sdelay $0x1  }
0x1d0: {  	s1 =	sadd.s32 @p1 s4, s3;
	v11 =	vlaneseq.u32 @p1  }
0x1d1: {  	v13 =	vor.u32 @p1 s1, v11  }
0x1d2: {  	(xrf1) =	vsort.dscd.msk.f32 @p1 $0xffff, v12, v13;
	_ =	sdelay $0xb  }
0x1d3: {  	v11 =	vmul.u32 @p1 $0xFFFFFFFF, v11;
	v12 =	vld @p1 [tilespmem:$0xC580]  }
0x1d4: {  	v13 =	vld @p1 [tilespmem:$0xC980]  }
0x1d5: {  	v11 =	vadd.s32 @p1 $0xF, v11;
	v14, v15, _ =	vpop @p1 (xrf1)  }
0x1d6: {  	v14 =	vperm.xlane @p1 v14, v11  }
0x1d7: {  	v11 =	vperm.xlane @p1 v15, v11  }
0x1d8: {  	vm0 =	vge.f32 @p1 v12, v14  }
0x1d9: {  	v12 =	vsel @p1 vm0, v12, v14;
	v11 =	vsel @p1 vm0, v13, v11  }
0x1da: {  	(xrf1) =	vsort.dscd.msk.f32 @p1 $0xffff, v12, v11;
	_ =	sdelay $0x9  }
.Ltmp13:
0x1db: {  	(pc) =	sbr.rel @p0 .LBB2_17-.Ltmp13, $2  }
0x1dc: {  	_ =	sdelay $0x2  }
0x1dd: {  	v11, v12, _ =	vpop @p1 (xrf1)  }
0x1de: {  	[tilespmem:$0xC980] =	vst @p1 v12  }
0x1df: {  	[tilespmem:$0xC580] =	vst @p1 v11  }
.LBB2_19:
0x1e0: {  	_ =	sdelay $0x3  }
0x1e1: {  	v11 =	vld.idx.msk [tilespmem:v7+s23+$0x0], $0xffff  }
0x1e2: {  	v12 =	vld [tilespmem:s11+$0x200]  }
0x1e3: {  	v13 =	vld [tilespmem:s12+$0x200]  }
0x1e4: {  	v14 =	vld [tilespmem:s13+$0x200]  }
0x1e5: {  	v15 =	vld [tilespmem:s21+$0x200]  }
0x1e6: {  	v16 =	vld [tilespmem:s14+$0x200]  }
0x1e7: {  	v17 =	vld [tilespmem:s22+$0x200]  }
0x1e8: {  	v56 =	vld [tilespmem:s15+$0x200];
	vm0 =	vgt.f32 v12, v11;
	vm1 =	vgt.f32 v13, v11  }
0x1e9: {  	v57 =	vld [tilespmem:s0+$0x200];
	vm4 =	vgt.f32 v14, v11;
	vm0 =	vmor vm0, vm1  }
0x1ea: {  	v58 =	vld [tilespmem:s7+$0x600];
	vm5 =	vgt.f32 v15, v11;
	vm0 =	vmor vm0, vm4  }
0x1eb: {  	v59 =	vld [tilespmem:s5+$0x200];
	vm6 =	vgt.f32 v16, v11;
	vm0 =	vmor vm0, vm5  }
0x1ec: {  	v60 =	vld [tilespmem:s18+$0x200];
	vm7 =	vgt.f32 v17, v11;
	vm0 =	vmor vm0, vm6  }
0x1ed: {  	v61 =	vld [tilespmem:s6+$0x200];
	vm8 =	vgt.f32 v56, v11;
	vm0 =	vmor vm0, vm7  }
0x1ee: {  	v62 =	vld [tilespmem:s19+$0x200];
	vm9 =	vgt.f32 v57, v11;
	vm0 =	vmor vm0, vm8  }
0x1ef: {  	v63 =	vld [tilespmem:s10+$0x200];
	vm10 =	vgt.f32 v58, v11;
	vm0 =	vmor vm0, vm9  }
0x1f0: {  	vm11 =	vgt.f32 v59, v11;
	vm0 =	vmor vm0, vm10  }
0x1f1: {  	vm12 =	vgt.f32 v60, v11;
	vm0 =	vmor vm0, vm11  }
0x1f2: {  	vm13 =	vgt.f32 v61, v11;
	vm0 =	vmor vm0, vm12  }
0x1f3: {  	vm14 =	vgt.f32 v62, v11;
	vm0 =	vmor vm0, vm13  }
0x1f4: {  	vm15 =	vgt.f32 v63, v11;
	vm0 =	vmor vm0, vm14  }
0x1f5: {  	vm0 =	vmor vm0, vm15  }
0x1f6: {  	v11 =	vsel vm0, $0x3F800000, v3  }
0x1f7: {  	(xrf0) =	vmax.scan.msk.f32 $0xffff, v11;
	_ =	sdelay $0x5  }
0x1f8: {  	v11, _, _ =	vpop (xrf0)  }
0x1f9: {  	(v2sf) =	vpush v11, $0xF;
	_ =	sdelay $0xe  }
0x1fa: {  	s1 =	spop (v2sf)  }
0x1fb: {  	p0 =	sgt.f32 s1, $0.0e+00  }
.Ltmp14:
0x1fc: {  	_ = 	snop;
	(pc) =	sbr.rel @!p0 .LBB2_23-.Ltmp14, $1  }
0x1fd: {  	_ =	sdelay $0x3  }
0x1fe: {  	_ =	sdelay $0x1  }
0x1ff: {  	s1 =	sadd.s32 $0x0, s28  }
0x200: {  	s4 =	sand.u32 $0x1FC00, s31;
	s1 =	sand.u32 $0x70, s1  }
0x201: {  	v11 =	vld.idx.msk [tilespmem:v7+s23+$0x0], $0xffff;
	s1 =	sor.u32 s1, s4  }
0x202: {  	v12 =	vld [tilespmem:s1+$0x200];
	_ =	sdelay $0x4  }
0x203: {  	vm0 =	vgt.f32 v12, v11  }
0x204: {  	v11 =	vsel vm0, $0x3F800000, v3  }
0x205: {  	(xrf0) =	vmax.scan.msk.f32 $0xffff, v11;
	_ =	sdelay $0x5  }
0x206: {  	v11, _, _ =	vpop (xrf0)  }
0x207: {  	(v2sf) =	vpush v11, $0xF;
	_ =	sdelay $0xe  }
0x208: {  	s26 =	spop (v2sf)  }
0x209: {  	p1 =	sgt.f32 s26, $0.0e+00;
	_ =	sdelay $0x1  }
0x20a: {  	s1 =	sadd.s32 @p1 $0x0, s3;
	v11 =	vlaneseq.u32 @p1  }
0x20b: {  	v13 =	vor.u32 @p1 s1, v11  }
0x20c: {  	(xrf1) =	vsort.dscd.msk.f32 @p1 $0xffff, v12, v13;
	_ =	sdelay $0xb  }
0x20d: {  	v11 =	vmul.u32 @p1 $0xFFFFFFFF, v11;
	v12 =	vld @p1 [tilespmem:$0xC600]  }
0x20e: {  	v13 =	vld @p1 [tilespmem:$0xCA00]  }
0x20f: {  	v11 =	vadd.s32 @p1 $0xF, v11;
	v14, v15, _ =	vpop @p1 (xrf1)  }
0x210: {  	v14 =	vperm.xlane @p1 v14, v11  }
0x211: {  	v11 =	vperm.xlane @p1 v15, v11  }
0x212: {  	vm0 =	vge.f32 @p1 v12, v14  }
0x213: {  	v12 =	vsel @p1 vm0, v12, v14;
	v11 =	vsel @p1 vm0, v13, v11  }
0x214: {  	(xrf1) =	vsort.dscd.msk.f32 @p1 $0xffff, v12, v11;
	_ =	sdelay $0xd  }
0x215: {  	s20 =	simm.s32 $0x10;
	s24 =	smov.u32 s31;
	v11, v12, _ =	vpop @p1 (xrf1)  }
.LBB2_21:
0x216: {  	s1 =	sadd.s32 s20, s28  }
0x217: {  	[tilespmem:$0xCA00] =	vst @p1 v12;
	s24 =	sadd.s32 $0x80, s24;
	s4 =	smov.u32 s20;
	s20 =	sadd.s32 $0x10, s20  }
0x218: {  	s1 =	sand.u32 $0x70, s1;
	s26 =	sand.u32 $0x1FC00, s24;
	p0 =	sne.s32 s20, $0xE0;
	[tilespmem:$0xC600] =	vst @p1 v11  }
0x219: {  	s1 =	sor.u32 s1, s26;
	v11 =	vld.idx.msk [tilespmem:v7+s23+$0x0], $0xffff  }
0x21a: {  	v12 =	vld [tilespmem:s1+$0x200];
	_ =	sdelay $0x4  }
0x21b: {  	vm0 =	vgt.f32 v12, v11  }
0x21c: {  	v11 =	vsel vm0, $0x3F800000, v3  }
0x21d: {  	(xrf0) =	vmax.scan.msk.f32 $0xffff, v11;
	_ =	sdelay $0x5  }
0x21e: {  	v11, _, _ =	vpop (xrf0)  }
0x21f: {  	(v2sf) =	vpush v11, $0xF;
	_ =	sdelay $0xe  }
0x220: {  	s1 =	spop (v2sf)  }
0x221: {  	p1 =	sgt.f32 s1, $0.0e+00;
	_ =	sdelay $0x1  }
0x222: {  	s1 =	sadd.s32 @p1 s4, s3;
	v11 =	vlaneseq.u32 @p1  }
0x223: {  	v13 =	vor.u32 @p1 s1, v11  }
0x224: {  	(xrf1) =	vsort.dscd.msk.f32 @p1 $0xffff, v12, v13;
	_ =	sdelay $0xb  }
0x225: {  	v11 =	vmul.u32 @p1 $0xFFFFFFFF, v11;
	v12 =	vld @p1 [tilespmem:$0xC600]  }
0x226: {  	v13 =	vld @p1 [tilespmem:$0xCA00]  }
0x227: {  	v11 =	vadd.s32 @p1 $0xF, v11;
	v14, v15, _ =	vpop @p1 (xrf1)  }
0x228: {  	v14 =	vperm.xlane @p1 v14, v11  }
0x229: {  	v11 =	vperm.xlane @p1 v15, v11  }
0x22a: {  	vm0 =	vge.f32 @p1 v12, v14  }
0x22b: {  	v12 =	vsel @p1 vm0, v12, v14;
	v11 =	vsel @p1 vm0, v13, v11  }
0x22c: {  	(xrf1) =	vsort.dscd.msk.f32 @p1 $0xffff, v12, v11;
	_ =	sdelay $0x9  }
.Ltmp15:
0x22d: {  	(pc) =	sbr.rel @p0 .LBB2_21-.Ltmp15, $2  }
0x22e: {  	_ =	sdelay $0x2  }
0x22f: {  	v11, v12, _ =	vpop @p1 (xrf1)  }
0x230: {  	[tilespmem:$0xCA00] =	vst @p1 v12  }
0x231: {  	[tilespmem:$0xC600] =	vst @p1 v11  }
.LBB2_23:
0x232: {  	_ =	sdelay $0x3  }
0x233: {  	v11 =	vld.idx.msk [tilespmem:v8+s23+$0x0], $0xffff  }
0x234: {  	v12 =	vld [tilespmem:s11+$0x280]  }
0x235: {  	v13 =	vld [tilespmem:s12+$0x280]  }
0x236: {  	v14 =	vld [tilespmem:s13+$0x280]  }
0x237: {  	v15 =	vld [tilespmem:s21+$0x280]  }
0x238: {  	v16 =	vld [tilespmem:s14+$0x280]  }
0x239: {  	v17 =	vld [tilespmem:s22+$0x280]  }
0x23a: {  	v56 =	vld [tilespmem:s15+$0x280];
	vm0 =	vgt.f32 v12, v11;
	vm1 =	vgt.f32 v13, v11  }
0x23b: {  	v57 =	vld [tilespmem:s0+$0x280];
	vm4 =	vgt.f32 v14, v11;
	vm0 =	vmor vm0, vm1  }
0x23c: {  	v58 =	vld [tilespmem:s7+$0x680];
	vm5 =	vgt.f32 v15, v11;
	vm0 =	vmor vm0, vm4  }
0x23d: {  	v59 =	vld [tilespmem:s5+$0x280];
	vm6 =	vgt.f32 v16, v11;
	vm0 =	vmor vm0, vm5  }
0x23e: {  	v60 =	vld [tilespmem:s18+$0x280];
	vm7 =	vgt.f32 v17, v11;
	vm0 =	vmor vm0, vm6  }
0x23f: {  	v61 =	vld [tilespmem:s6+$0x280];
	vm8 =	vgt.f32 v56, v11;
	vm0 =	vmor vm0, vm7  }
0x240: {  	v62 =	vld [tilespmem:s19+$0x280];
	vm9 =	vgt.f32 v57, v11;
	vm0 =	vmor vm0, vm8  }
0x241: {  	v63 =	vld [tilespmem:s10+$0x280];
	vm10 =	vgt.f32 v58, v11;
	vm0 =	vmor vm0, vm9  }
0x242: {  	vm11 =	vgt.f32 v59, v11;
	vm0 =	vmor vm0, vm10  }
0x243: {  	vm12 =	vgt.f32 v60, v11;
	vm0 =	vmor vm0, vm11  }
0x244: {  	vm13 =	vgt.f32 v61, v11;
	vm0 =	vmor vm0, vm12  }
0x245: {  	vm14 =	vgt.f32 v62, v11;
	vm0 =	vmor vm0, vm13  }
0x246: {  	vm15 =	vgt.f32 v63, v11;
	vm0 =	vmor vm0, vm14  }
0x247: {  	vm0 =	vmor vm0, vm15  }
0x248: {  	v11 =	vsel vm0, $0x3F800000, v3  }
0x249: {  	(xrf0) =	vmax.scan.msk.f32 $0xffff, v11;
	_ =	sdelay $0x5  }
0x24a: {  	v11, _, _ =	vpop (xrf0)  }
0x24b: {  	(v2sf) =	vpush v11, $0xF;
	_ =	sdelay $0xe  }
0x24c: {  	s1 =	spop (v2sf)  }
0x24d: {  	p0 =	sgt.f32 s1, $0.0e+00  }
.Ltmp16:
0x24e: {  	_ = 	snop;
	(pc) =	sbr.rel @!p0 .LBB2_27-.Ltmp16, $1  }
0x24f: {  	_ =	sdelay $0x3  }
0x250: {  	_ =	sdelay $0x1  }
0x251: {  	s1 =	sadd.s32 $0x0, s28  }
0x252: {  	s4 =	sand.u32 $0x1FC00, s31;
	s1 =	sand.u32 $0x70, s1  }
0x253: {  	v11 =	vld.idx.msk [tilespmem:v8+s23+$0x0], $0xffff;
	s1 =	sor.u32 s1, s4  }
0x254: {  	v12 =	vld [tilespmem:s1+$0x280];
	_ =	sdelay $0x4  }
0x255: {  	vm0 =	vgt.f32 v12, v11  }
0x256: {  	v11 =	vsel vm0, $0x3F800000, v3  }
0x257: {  	(xrf0) =	vmax.scan.msk.f32 $0xffff, v11;
	_ =	sdelay $0x5  }
0x258: {  	v11, _, _ =	vpop (xrf0)  }
0x259: {  	(v2sf) =	vpush v11, $0xF;
	_ =	sdelay $0xe  }
0x25a: {  	s26 =	spop (v2sf)  }
0x25b: {  	p1 =	sgt.f32 s26, $0.0e+00;
	_ =	sdelay $0x1  }
0x25c: {  	s1 =	sadd.s32 @p1 $0x0, s3;
	v11 =	vlaneseq.u32 @p1  }
0x25d: {  	v13 =	vor.u32 @p1 s1, v11  }
0x25e: {  	(xrf1) =	vsort.dscd.msk.f32 @p1 $0xffff, v12, v13;
	_ =	sdelay $0xb  }
0x25f: {  	v11 =	vmul.u32 @p1 $0xFFFFFFFF, v11;
	v12 =	vld @p1 [tilespmem:$0xC680]  }
0x260: {  	v13 =	vld @p1 [tilespmem:$0xCA80]  }
0x261: {  	v11 =	vadd.s32 @p1 $0xF, v11;
	v14, v15, _ =	vpop @p1 (xrf1)  }
0x262: {  	v14 =	vperm.xlane @p1 v14, v11  }
0x263: {  	v11 =	vperm.xlane @p1 v15, v11  }
0x264: {  	vm0 =	vge.f32 @p1 v12, v14  }
0x265: {  	v12 =	vsel @p1 vm0, v12, v14;
	v11 =	vsel @p1 vm0, v13, v11  }
0x266: {  	(xrf1) =	vsort.dscd.msk.f32 @p1 $0xffff, v12, v11;
	_ =	sdelay $0xd  }
0x267: {  	s11 =	simm.s32 $0x10;
	s12 =	smov.u32 s31;
	v11, v12, _ =	vpop @p1 (xrf1)  }
.LBB2_25:
0x268: {  	s1 =	sadd.s32 s11, s28  }
0x269: {  	[tilespmem:$0xCA80] =	vst @p1 v12;
	s12 =	sadd.s32 $0x80, s12;
	s4 =	smov.u32 s11;
	s11 =	sadd.s32 $0x10, s11  }
0x26a: {  	s1 =	sand.u32 $0x70, s1;
	s13 =	sand.u32 $0x1FC00, s12;
	p0 =	sne.s32 s11, $0xE0;
	[tilespmem:$0xC680] =	vst @p1 v11  }
0x26b: {  	s1 =	sor.u32 s1, s13;
	v11 =	vld.idx.msk [tilespmem:v8+s23+$0x0], $0xffff  }
0x26c: {  	v12 =	vld [tilespmem:s1+$0x280];
	_ =	sdelay $0x4  }
0x26d: {  	vm0 =	vgt.f32 v12, v11  }
0x26e: {  	v11 =	vsel vm0, $0x3F800000, v3  }
0x26f: {  	(xrf0) =	vmax.scan.msk.f32 $0xffff, v11;
	_ =	sdelay $0x5  }
0x270: {  	v11, _, _ =	vpop (xrf0)  }
0x271: {  	(v2sf) =	vpush v11, $0xF;
	_ =	sdelay $0xe  }
0x272: {  	s1 =	spop (v2sf)  }
0x273: {  	p1 =	sgt.f32 s1, $0.0e+00;
	_ =	sdelay $0x1  }
0x274: {  	s1 =	sadd.s32 @p1 s4, s3;
	v11 =	vlaneseq.u32 @p1  }
0x275: {  	v13 =	vor.u32 @p1 s1, v11  }
0x276: {  	(xrf1) =	vsort.dscd.msk.f32 @p1 $0xffff, v12, v13;
	_ =	sdelay $0xb  }
0x277: {  	v11 =	vmul.u32 @p1 $0xFFFFFFFF, v11;
	v12 =	vld @p1 [tilespmem:$0xC680]  }
0x278: {  	v13 =	vld @p1 [tilespmem:$0xCA80]  }
0x279: {  	v11 =	vadd.s32 @p1 $0xF, v11;
	v14, v15, _ =	vpop @p1 (xrf1)  }
0x27a: {  	v14 =	vperm.xlane @p1 v14, v11  }
0x27b: {  	v11 =	vperm.xlane @p1 v15, v11  }
0x27c: {  	vm0 =	vge.f32 @p1 v12, v14  }
0x27d: {  	v12 =	vsel @p1 vm0, v12, v14;
	v11 =	vsel @p1 vm0, v13, v11  }
0x27e: {  	(xrf1) =	vsort.dscd.msk.f32 @p1 $0xffff, v12, v11;
	_ =	sdelay $0x9  }
.Ltmp17:
0x27f: {  	(pc) =	sbr.rel @p0 .LBB2_25-.Ltmp17, $2  }
0x280: {  	_ =	sdelay $0x2  }
0x281: {  	v11, v12, _ =	vpop @p1 (xrf1)  }
0x282: {  	[tilespmem:$0xCA80] =	vst @p1 v12  }
0x283: {  	[tilespmem:$0xC680] =	vst @p1 v11  }
.LBB2_27:
0x284: {  	s4 =	sld [smem:$0x7F3];
	_ =	sdelay $0x1  }
0x285: {  	s13 =	sld [smem:$0x7F5]  }
0x286: {  	s11 =	sor.u32 s16, s17;
	s12 =	sor.u32 s16, s4;
	s16 =	sld [smem:$0x7F4]  }
0x287: {  	v11 =	vld.idx.msk [tilespmem:v9+s23+$0x0], $0xffff;
	s18 =	sld [smem:$0x7F6]  }
0x288: {  	s19 =	sld [smem:$0x7F7];
	v15 =	vld [tilespmem:s21+$0x300];
	s1 =	sor.u32 $0x300, s11  }
0x289: {  	s20 =	sld [smem:$0x7F8];
	v12 =	vld [tilespmem:s1+$0x0];
	s15 =	sor.u32 $0x300, s12;
	s14 =	sor.u32 s13, s16  }
0x28a: {  	s21 =	sld [smem:$0x7F9];
	v13 =	vld [tilespmem:s15+$0x0];
	s17 =	sor.u32 $0x300, s14  }
0x28b: {  	s13 =	sor.u32 s19, s18;
	v14 =	vld [tilespmem:s17+$0x0]  }
0x28c: {  	s1 =	sor.u32 $0x300, s13  }
0x28d: {  	s4 =	sor.u32 s21, s20;
	v16 =	vld [tilespmem:s1+$0x0]  }
0x28e: {  	v17 =	vld [tilespmem:s22+$0x300];
	s1 =	sor.u32 $0x300, s4  }
0x28f: {  	vm0 =	vgt.f32 v12, v11;
	v56 =	vld [tilespmem:s1+$0x0];
	vm1 =	vgt.f32 v13, v11  }
0x290: {  	v57 =	vld [tilespmem:s0+$0x300];
	vm0 =	vmor vm0, vm1;
	vm4 =	vgt.f32 v14, v11  }
0x291: {  	v58 =	vld [tilespmem:s7+$0x700];
	vm5 =	vgt.f32 v15, v11;
	s1 =	sor.u32 s2, s30;
	vm0 =	vmor vm0, vm4  }
0x292: {  	v59 =	vld [tilespmem:s5+$0x300];
	s24 =	sor.u32 $0x300, s1;
	vm6 =	vgt.f32 v16, v11;
	vm0 =	vmor vm0, vm5  }
0x293: {  	s0 =	sor.u32 s9, s8;
	vm7 =	vgt.f32 v17, v11;
	v60 =	vld [tilespmem:s24+$0x0];
	vm0 =	vmor vm0, vm6  }
0x294: {  	v61 =	vld [tilespmem:s6+$0x300];
	s26 =	sor.u32 $0x300, s0;
	vm8 =	vgt.f32 v56, v11;
	vm0 =	vmor vm0, vm7  }
0x295: {  	v62 =	vld [tilespmem:s26+$0x0];
	vm9 =	vgt.f32 v57, v11;
	vm0 =	vmor vm0, vm8  }
0x296: {  	v63 =	vld [tilespmem:s10+$0x300];
	vm10 =	vgt.f32 v58, v11;
	vm0 =	vmor vm0, vm9  }
0x297: {  	vm11 =	vgt.f32 v59, v11;
	vm0 =	vmor vm0, vm10  }
0x298: {  	vm12 =	vgt.f32 v60, v11;
	vm0 =	vmor vm0, vm11  }
0x299: {  	vm13 =	vgt.f32 v61, v11;
	vm0 =	vmor vm0, vm12  }
0x29a: {  	vm14 =	vgt.f32 v62, v11;
	vm0 =	vmor vm0, vm13  }
0x29b: {  	vm15 =	vgt.f32 v63, v11;
	vm0 =	vmor vm0, vm14  }
0x29c: {  	vm0 =	vmor vm0, vm15  }
0x29d: {  	v11 =	vsel vm0, $0x3F800000, v3  }
0x29e: {  	(xrf0) =	vmax.scan.msk.f32 $0xffff, v11;
	_ =	sdelay $0x5  }
0x29f: {  	v11, _, _ =	vpop (xrf0)  }
0x2a0: {  	(v2sf) =	vpush v11, $0xF;
	_ =	sdelay $0xe  }
0x2a1: {  	s30 =	spop (v2sf)  }
0x2a2: {  	p0 =	sgt.f32 s30, $0.0e+00  }
.Ltmp18:
0x2a3: {  	_ = 	snop;
	(pc) =	sbr.rel @!p0 .LBB2_31-.Ltmp18, $1  }
0x2a4: {  	_ =	sdelay $0x3  }
0x2a5: {  	_ =	sdelay $0x1  }
0x2a6: {  	s2 =	sadd.s32 $0x0, s28  }
0x2a7: {  	s5 =	sand.u32 $0x1FC00, s31;
	s2 =	sand.u32 $0x70, s2  }
0x2a8: {  	v11 =	vld.idx.msk [tilespmem:v9+s23+$0x0], $0xffff;
	s2 =	sor.u32 s2, s5  }
0x2a9: {  	v12 =	vld [tilespmem:s2+$0x300];
	_ =	sdelay $0x4  }
0x2aa: {  	vm0 =	vgt.f32 v12, v11  }
0x2ab: {  	v11 =	vsel vm0, $0x3F800000, v3  }
0x2ac: {  	(xrf0) =	vmax.scan.msk.f32 $0xffff, v11;
	_ =	sdelay $0x5  }
0x2ad: {  	v11, _, _ =	vpop (xrf0)  }
0x2ae: {  	(v2sf) =	vpush v11, $0xF;
	_ =	sdelay $0xe  }
0x2af: {  	s30 =	spop (v2sf)  }
0x2b0: {  	p1 =	sgt.f32 s30, $0.0e+00;
	_ =	sdelay $0x1  }
0x2b1: {  	s2 =	sadd.s32 @p1 $0x0, s3;
	v11 =	vlaneseq.u32 @p1  }
0x2b2: {  	v13 =	vor.u32 @p1 s2, v11  }
0x2b3: {  	(xrf1) =	vsort.dscd.msk.f32 @p1 $0xffff, v12, v13;
	_ =	sdelay $0xb  }
0x2b4: {  	v11 =	vmul.u32 @p1 $0xFFFFFFFF, v11;
	v12 =	vld @p1 [tilespmem:$0xC700]  }
0x2b5: {  	v13 =	vld @p1 [tilespmem:$0xCB00]  }
0x2b6: {  	v11 =	vadd.s32 @p1 $0xF, v11;
	v14, v15, _ =	vpop @p1 (xrf1)  }
0x2b7: {  	v14 =	vperm.xlane @p1 v14, v11  }
0x2b8: {  	v11 =	vperm.xlane @p1 v15, v11  }
0x2b9: {  	vm0 =	vge.f32 @p1 v12, v14  }
0x2ba: {  	v12 =	vsel @p1 vm0, v12, v14;
	v11 =	vsel @p1 vm0, v13, v11  }
0x2bb: {  	(xrf1) =	vsort.dscd.msk.f32 @p1 $0xffff, v12, v11;
	_ =	sdelay $0xd  }
0x2bc: {  	s5 =	smov.u32 s31;
	s2 =	simm.s32 $0x10;
	v11, v12, _ =	vpop @p1 (xrf1)  }
.LBB2_29:
0x2bd: {  	s6 =	sadd.s32 s2, s28  }
0x2be: {  	[tilespmem:$0xCB00] =	vst @p1 v12;
	s5 =	sadd.s32 $0x80, s5;
	s8 =	smov.u32 s2;
	s2 =	sadd.s32 $0x10, s2  }
0x2bf: {  	s6 =	sand.u32 $0x70, s6;
	s9 =	sand.u32 $0x1FC00, s5;
	p0 =	sne.s32 s2, $0xE0;
	[tilespmem:$0xC700] =	vst @p1 v11  }
0x2c0: {  	s6 =	sor.u32 s6, s9;
	v11 =	vld.idx.msk [tilespmem:v9+s23+$0x0], $0xffff  }
0x2c1: {  	v12 =	vld [tilespmem:s6+$0x300];
	_ =	sdelay $0x4  }
0x2c2: {  	vm0 =	vgt.f32 v12, v11  }
0x2c3: {  	v11 =	vsel vm0, $0x3F800000, v3  }
0x2c4: {  	(xrf0) =	vmax.scan.msk.f32 $0xffff, v11;
	_ =	sdelay $0x5  }
0x2c5: {  	v11, _, _ =	vpop (xrf0)  }
0x2c6: {  	(v2sf) =	vpush v11, $0xF;
	_ =	sdelay $0xe  }
0x2c7: {  	s6 =	spop (v2sf)  }
0x2c8: {  	p1 =	sgt.f32 s6, $0.0e+00;
	_ =	sdelay $0x1  }
0x2c9: {  	s6 =	sadd.s32 @p1 s8, s3;
	v11 =	vlaneseq.u32 @p1  }
0x2ca: {  	v13 =	vor.u32 @p1 s6, v11  }
0x2cb: {  	(xrf1) =	vsort.dscd.msk.f32 @p1 $0xffff, v12, v13;
	_ =	sdelay $0xb  }
0x2cc: {  	v11 =	vmul.u32 @p1 $0xFFFFFFFF, v11;
	v12 =	vld @p1 [tilespmem:$0xC700]  }
0x2cd: {  	v13 =	vld @p1 [tilespmem:$0xCB00]  }
0x2ce: {  	v11 =	vadd.s32 @p1 $0xF, v11;
	v14, v15, _ =	vpop @p1 (xrf1)  }
0x2cf: {  	v14 =	vperm.xlane @p1 v14, v11  }
0x2d0: {  	v11 =	vperm.xlane @p1 v15, v11  }
0x2d1: {  	vm0 =	vge.f32 @p1 v12, v14  }
0x2d2: {  	v12 =	vsel @p1 vm0, v12, v14;
	v11 =	vsel @p1 vm0, v13, v11  }
0x2d3: {  	(xrf1) =	vsort.dscd.msk.f32 @p1 $0xffff, v12, v11;
	_ =	sdelay $0x9  }
.Ltmp19:
0x2d4: {  	(pc) =	sbr.rel @p0 .LBB2_29-.Ltmp19, $2  }
0x2d5: {  	_ =	sdelay $0x2  }
0x2d6: {  	v11, v12, _ =	vpop @p1 (xrf1)  }
0x2d7: {  	[tilespmem:$0xCB00] =	vst @p1 v12  }
0x2d8: {  	[tilespmem:$0xC700] =	vst @p1 v11  }
.LBB2_31:
0x2d9: {  	_ =	sdelay $0x1  }
0x2da: {  	s5 =	rddreg [dreg:$0x18]  }
0x2db: {  	s6 =	rddreg [dreg:$0x19]  }
0x2dc: {  	v11 =	vld.idx.msk [tilespmem:v10+s23+$0x0], $0xffff;
	s2 =	sor.u32 $0x380, s11;
	s10 =	rddreg [dreg:$0x1a]  }
0x2dd: {  	s26 =	sor.u32 $0x380, s12;
	s11 =	rddreg [dreg:$0x1b];
	v12 =	vld [tilespmem:s2+$0x0]  }
0x2de: {  	s30 =	sor.u32 $0x380, s14;
	s14 =	rddreg [dreg:$0x1d];
	v13 =	vld [tilespmem:s26+$0x0];
	s5 =	sor.u32 s5, s6  }
0x2df: {  	s15 =	rddreg [dreg:$0x1e];
	v14 =	vld [tilespmem:s30+$0x0];
	s8 =	sor.u32 $0x300, s5  }
0x2e0: {  	s9 =	sor.u32 $0x380, s13;
	s17 =	rddreg [dreg:$0x1c];
	s5 =	sor.u32 s10, s11;
	v15 =	vld [tilespmem:s8+$0x0]  }
0x2e1: {  	s18 =	rddreg [dreg:$0x1f];
	v16 =	vld [tilespmem:s9+$0x0];
	s12 =	sor.u32 $0x300, s5  }
0x2e2: {  	s13 =	sor.u32 $0x380, s4;
	s19 =	sld [smem:$0x7FA];
	s4 =	sor.u32 s14, s15;
	v17 =	vld [tilespmem:s12+$0x0]  }
0x2e3: {  	s20 =	sld [smem:$0x7FB];
	v56 =	vld [tilespmem:s13+$0x0];
	s16 =	sor.u32 $0x300, s4;
	vm0 =	vgt.f32 v12, v11;
	vm1 =	vgt.f32 v13, v11  }
0x2e4: {  	s22 =	sld [smem:$0x7FC];
	s2 =	sor.u32 s18, s17;
	v57 =	vld [tilespmem:s16+$0x0];
	vm4 =	vgt.f32 v14, v11;
	vm0 =	vmor vm0, vm1  }
0x2e5: {  	v58 =	vld [tilespmem:s7+$0x780];
	s24 =	sld [smem:$0x7FD];
	s2 =	sor.u32 $0x300, s2;
	vm0 =	vmor vm0, vm4;
	vm5 =	vgt.f32 v15, v11  }
0x2e6: {  	s1 =	sor.u32 $0x380, s1;
	v59 =	vld [tilespmem:s2+$0x0];
	s2 =	sor.u32 s19, s20;
	vm6 =	vgt.f32 v16, v11;
	vm0 =	vmor vm0, vm5  }
0x2e7: {  	v60 =	vld [tilespmem:s1+$0x0];
	s21 =	sor.u32 $0x300, s2;
	vm7 =	vgt.f32 v17, v11;
	vm0 =	vmor vm0, vm6  }
0x2e8: {  	s0 =	sor.u32 $0x380, s0;
	s1 =	sor.u32 s22, s24;
	v61 =	vld [tilespmem:s21+$0x0];
	vm8 =	vgt.f32 v56, v11;
	vm0 =	vmor vm0, vm7  }
0x2e9: {  	v62 =	vld [tilespmem:s0+$0x0];
	s26 =	sor.u32 $0x300, s1;
	vm9 =	vgt.f32 v57, v11;
	vm0 =	vmor vm0, vm8  }
0x2ea: {  	vm10 =	vgt.f32 v58, v11;
	v63 =	vld [tilespmem:s26+$0x0];
	vm0 =	vmor vm0, vm9  }
0x2eb: {  	vm11 =	vgt.f32 v59, v11;
	vm0 =	vmor vm0, vm10  }
0x2ec: {  	vm12 =	vgt.f32 v60, v11;
	vm0 =	vmor vm0, vm11  }
0x2ed: {  	vm13 =	vgt.f32 v61, v11;
	vm0 =	vmor vm0, vm12  }
0x2ee: {  	vm14 =	vgt.f32 v62, v11;
	vm0 =	vmor vm0, vm13  }
0x2ef: {  	vm15 =	vgt.f32 v63, v11;
	vm0 =	vmor vm0, vm14  }
0x2f0: {  	vm0 =	vmor vm0, vm15  }
0x2f1: {  	v11 =	vsel vm0, $0x3F800000, v3  }
0x2f2: {  	(xrf0) =	vmax.scan.msk.f32 $0xffff, v11;
	_ =	sdelay $0x5  }
0x2f3: {  	v11, _, _ =	vpop (xrf0)  }
0x2f4: {  	(v2sf) =	vpush v11, $0xF;
	_ =	sdelay $0xe  }
0x2f5: {  	s30 =	spop (v2sf)  }
0x2f6: {  	p0 =	sgt.f32 s30, $0.0e+00  }
.Ltmp20:
0x2f7: {  	_ = 	snop;
	(pc) =	sbr.rel @!p0 .LBB2_35-.Ltmp20, $1  }
0x2f8: {  	_ =	sdelay $0x3  }
0x2f9: {  	_ = 	snop  }
0x2fa: {  	s0 =	sand.u32 $0x7, s25  }
0x2fb: {  	s0 =	sshll.u32 s0, $0x4  }
0x2fc: {  	s0 =	sadd.s32 s0, s31  }
0x2fd: {  	v11 =	vld.idx.msk [tilespmem:v10+s23+$0x0], $0xffff;
	s0 =	sor.u32 $0x380, s0  }
0x2fe: {  	v12 =	vld [tilespmem:s0+$0x0];
	_ =	sdelay $0x4  }
0x2ff: {  	vm0 =	vgt.f32 v12, v11  }
0x300: {  	v11 =	vsel vm0, $0x3F800000, v3  }
0x301: {  	(xrf0) =	vmax.scan.msk.f32 $0xffff, v11;
	_ =	sdelay $0x5  }
0x302: {  	v11, _, _ =	vpop (xrf0)  }
0x303: {  	(v2sf) =	vpush v11, $0xF;
	_ =	sdelay $0xe  }
0x304: {  	s30 =	spop (v2sf)  }
0x305: {  	p1 =	sgt.f32 s30, $0.0e+00;
	_ =	sdelay $0x1  }
0x306: {  	s0 =	sadd.s32 @p1 $0x0, s3;
	v11 =	vlaneseq.u32 @p1  }
0x307: {  	v13 =	vor.u32 @p1 s0, v11  }
0x308: {  	(xrf1) =	vsort.dscd.msk.f32 @p1 $0xffff, v12, v13;
	_ =	sdelay $0xb  }
0x309: {  	v11 =	vmul.u32 @p1 $0xFFFFFFFF, v11;
	v12 =	vld @p1 [tilespmem:$0xC780]  }
0x30a: {  	v13 =	vld @p1 [tilespmem:$0xCB80]  }
0x30b: {  	v11 =	vadd.s32 @p1 $0xF, v11;
	v14, v15, _ =	vpop @p1 (xrf1)  }
0x30c: {  	v14 =	vperm.xlane @p1 v14, v11  }
0x30d: {  	v11 =	vperm.xlane @p1 v15, v11  }
0x30e: {  	vm0 =	vge.f32 @p1 v12, v14  }
0x30f: {  	v12 =	vsel @p1 vm0, v12, v14;
	v11 =	vsel @p1 vm0, v13, v11  }
0x310: {  	(xrf1) =	vsort.dscd.msk.f32 @p1 $0xffff, v12, v11;
	_ =	sdelay $0xc  }
0x311: {  	s1 =	sadd.s32 $0x1, s25;
	s2 =	smov.u32 s31;
	s0 =	simm.s32 $0x10  }
.LBB2_33:
0x312: {  	s4 =	sand.u32 $0x7, s1;
	v11, v12, _ =	vpop @p1 (xrf1);
	s5 =	smov.u32 s0;
	s0 =	sadd.s32 $0x10, s0  }
0x313: {  	s2 =	sadd.s32 $0x80, s2;
	s4 =	sshll.u32 s4, $0x4;
	p0 =	sne.s32 s0, $0xE0;
	[tilespmem:$0xCB80] =	vst @p1 v12  }
0x314: {  	s4 =	sadd.s32 s4, s2;
	[tilespmem:$0xC780] =	vst @p1 v11  }
0x315: {  	s4 =	sor.u32 $0x380, s4;
	v11 =	vld.idx.msk [tilespmem:v10+s23+$0x0], $0xffff  }
0x316: {  	v12 =	vld [tilespmem:s4+$0x0];
	_ =	sdelay $0x4  }
0x317: {  	vm0 =	vgt.f32 v12, v11  }
0x318: {  	v11 =	vsel vm0, $0x3F800000, v3  }
0x319: {  	(xrf0) =	vmax.scan.msk.f32 $0xffff, v11;
	_ =	sdelay $0x5  }
0x31a: {  	v11, _, _ =	vpop (xrf0)  }
0x31b: {  	(v2sf) =	vpush v11, $0xF;
	_ =	sdelay $0xe  }
0x31c: {  	s4 =	spop (v2sf)  }
0x31d: {  	p1 =	sgt.f32 s4, $0.0e+00;
	_ =	sdelay $0x1  }
0x31e: {  	s4 =	sadd.s32 @p1 s5, s3;
	v11 =	vlaneseq.u32 @p1  }
0x31f: {  	v13 =	vor.u32 @p1 s4, v11  }
0x320: {  	(xrf1) =	vsort.dscd.msk.f32 @p1 $0xffff, v12, v13;
	_ =	sdelay $0xb  }
0x321: {  	v11 =	vmul.u32 @p1 $0xFFFFFFFF, v11;
	v12 =	vld @p1 [tilespmem:$0xC780]  }
0x322: {  	v13 =	vld @p1 [tilespmem:$0xCB80]  }
0x323: {  	v11 =	vadd.s32 @p1 $0xF, v11;
	v14, v15, _ =	vpop @p1 (xrf1)  }
0x324: {  	v14 =	vperm.xlane @p1 v14, v11  }
0x325: {  	v11 =	vperm.xlane @p1 v15, v11  }
0x326: {  	vm0 =	vge.f32 @p1 v12, v14  }
0x327: {  	v12 =	vsel @p1 vm0, v12, v14;
	v11 =	vsel @p1 vm0, v13, v11  }
0x328: {  	(xrf1) =	vsort.dscd.msk.f32 @p1 $0xffff, v12, v11;
	_ =	sdelay $0x8  }
.Ltmp21:
0x329: {  	(pc) =	sbr.rel @p0 .LBB2_33-.Ltmp21, $2  }
0x32a: {  	_ =	sdelay $0x2  }
0x32b: {  	s1 =	sadd.s32 $0x1, s1  }
.Ltmp22:
0x32c: {  	_ = 	snop;
	(pc) =	sbr.rel .LBB2_34-.Ltmp22, $1  }
0x32d: {  	_ =	sdelay $0x3  }
.LBB2_38:
0x32e: {  	_ =	sfence.sel $0x180000  }
0x32f: {  	[bflag:$0x0] =	sbarrier.arrive $0xFFFF  }
0x330: {  	_ =	strace $0x90000047  }
0x331: {  	s0 =	stileid.u32;
	[bflag:$0x2] =	sbarrier.arrive $0xFFFF  }
0x332: {  	p0 =	sne.s32 s0, $0x0;
	s0 =	rddreg [dreg:$0x1]  }
0x333: {  	s0 =	sadd.s32 @!p0 $0x100000, s0  }
0x334: {  	[sflag:s0] =	ssyncadd.tile.s32 @!p0 $0x1;
	_ =	shalt  }
.Lfunc_end2:
_tile_overlayer_lowered:
.L_overlay_start_2:
0x335: {  	(tag) =	ssettag $0x2  }
0x336: {  	s0 =	rddreg [dreg:$0x0];
	s2 =	stileid.u32  }
0x337: {  	s1 =	rddreg [dreg:$0x1];
	p0 =	sne.s32 s2, $0x0  }
0x338: {  	s3 =	rddreg [dreg:$0x2];
	[bflag:$0x3] =	sbarrier.arrive $0xFFFF;
	s2 =	simm.s32 @!p0 $0x1C01  }
0x339: {  	[timem:s3], [sflag:s2] =	dma.local @!p0 [hbm:s0], s1  }
0x33a: {  	s0 =	simm.s32 @!p0 $0x1  }
0x33b: {  	_ =	swait.ge @!p0 [sflag:s0], s1  }
0x33c: {  	s1 =	ssub.s32 @!p0 $0x0, s1;
	[sflag:s0] =	ssyncset.done @!p0 $0x0  }
0x33d: {  	[sflag:s0] =	ssyncadd.s32 @!p0 s1  }
0x33e: {  	[bflag:$0x3] =	sbarrier.arrive $0xFFFF  }
0x33f: {  	_ =	shalt  }

// kernel: kernel.8.cloned.1.call-start
scs
__scs_entry_jumppad:
0x0: {  	(pc) =	sbr.rel $0x88, $3  }
0x1: {  	(tag) =	ssettag $0x0;
	lr =	simm.s32 $0x1  }
0x2: {  	[smem:$0x3F9F] =	sst lr;
	_ =	strace $0xD0000000  }
0x3: {  	_ = 	snop  }
0x4: {  	_ = 	snop  }
0x5: {  	_ = 	snop  }
0x6: {  	_ = 	snop  }
0x7: {  	_ = 	snop  }
__scs_overlays_trampoline_lowered:
0x8: {  	[smem:$0x3FAE] =	sst s0  }
0x9: {  	[smem:$0x3FAF] =	sst s1  }
0xa: {  	[smem:$0x3FB0] =	sst s2  }
0xb: {  	[smem:$0x3FB1] =	sst s3  }
0xc: {  	[smem:$0x3FB2] =	sst s4  }
0xd: {  	[smem:$0x3FB3] =	sst s5  }
0xe: {  	[smem:$0x3FB4] =	sst s6  }
0xf: {  	[smem:$0x3FB5] =	sst s7  }
0x10: {  	[smem:$0x3FB6] =	sst s8  }
0x11: {  	[smem:$0x3FB7] =	sst s9;
	s0 =	simm.s32 @!p0 $0x0  }
0x12: {  	s1 =	sld [smem:$0x3F9D];
	s0 =	simm.s32 @p0 $0x1  }
0x13: {  	[smem:$0x3FB8] =	sst s0;
	s0 =	simm.s32 @!p1 $0x0  }
0x14: {  	s2 =	sld [smem:$0x3F9C];
	s0 =	simm.s32 @p1 $0x1  }
0x15: {  	[smem:$0x3FB9] =	sst s0;
	s0 =	simm.s32 @!p2 $0x0  }
0x16: {  	s3 =	sld [smem:$0x3FDB];
	s0 =	simm.s32 @p2 $0x1  }
0x17: {  	s4 =	simm.s32 $0x1BF5;
	[smem:$0x3FBB] =	sst s0  }
0x18: {  	s0 =	sld [smem:$0x3F9E];
	_ =	swait.ge [sflag:s4], $0x0  }
0x19: {  	s7 =	sld [smem:$0x3F9F]  }
0x1a: {  	s8 =	sadd.s32 $0xFFFFE003, lr  }
0x1b: {  	s9 =	sadd.s32 $0xFFFFFEF7, lr;
	s5 =	simm.s32 $0xFFFFFFFF;
	p2 =	slt.u32 s8, $0xFFFFF086  }
0x1c: {  	p1 =	slt.u32 s9, $0xF7A;
	s5 =	simm.s32 @!p2 $0x0  }
0x1d: {  	s5 =	simm.s32 @p1 $0x1;
	p0 =	seq.s32 s7, s2  }
0x1e: {  	s7 =	smul.u32 @!p0 $0xF7A, s2;
	p2 =	seq.s32 @!p0 s5, $0x0  }
0x1f: {  	s9 =	smul.u32 $0xF7A, s1;
	s8 =	simm.s32 @!p0 $0x1BF5;
	p2 =	por !p2, p0  }
0x20: {  	[sflag:s8] =	ssyncset.s32 @!p0 $0xFFFFF086;
	s6 =	sadd.s32 @!p0 s3, s7;
	s7 =	simm.s32 @!p0 $0x108  }
0x21: {  	s3 =	sadd.s32 s3, s9;
	s6 =	sadd.s32 @!p0 $0x88, s6;
	s7 =	simm.s32 @p2 $0x1082  }
0x22: {  	[simem:s7], [sflag:s8] =	dma.local @!p0 [hbm:s6], $0xF7A  }
0x23: {  	s9 =	sor.u32 $0xD0000000, s2;
	s6 =	simm.s32 $0x108;
	_ =	swait.ge @!p0 [sflag:s8], $0x0  }
0x24: {  	s3 =	sadd.s32 $0x88, s3;
	s6 =	simm.s32 @!p1 $0x1082;
	[sflag:s4] =	ssyncset.s32 $0xFFFFF086  }
0x25: {  	[simem:s6], [sflag:s4] =	dma.local [hbm:s3], $0xF7A  }
0x26: {  	[smem:$0x3F9F] =	sst s1;
	(tag) =	ssettag s2;
	_ =	strace s9  }
0x27: {  	s1 =	sld [smem:$0x3FAF]  }
0x28: {  	s2 =	sld [smem:$0x3FB0]  }
0x29: {  	s4 =	sld [smem:$0x3FB2]  }
0x2a: {  	p0 =	seq.s32 s5, $0x0;
	s5 =	sld [smem:$0x3FB3]  }
0x2b: {  	s6 =	sld [smem:$0x3FB4]  }
0x2c: {  	s7 =	sld [smem:$0x3FB5]  }
0x2d: {  	s3 =	simm.s32 $0x108;
	s8 =	sld [smem:$0x3FB6]  }
0x2e: {  	s3 =	simm.s32 @!p0 $0x1082;
	s9 =	sld [smem:$0x3FB7]  }
0x2f: {  	lr =	sadd.s32 s0, s3;
	s0 =	sld [smem:$0x3FAE]  }
0x30: {  	s3 =	sld [smem:$0x3FB1]  }
0x31: {  	[smem:$0x3FBA] =	sst s10  }
0x32: {  	s10 =	sld [smem:$0x3FB8];
	_ =	sdelay $0x3  }
0x33: {  	p0 =	seq.s32 s10, $0x1;
	s10 =	sld [smem:$0x3FBA];
	_ =	sdelay $0x3  }
0x34: {  	[smem:$0x3FBA] =	sst s10  }
0x35: {  	s10 =	sld [smem:$0x3FB9];
	_ =	sdelay $0x3  }
0x36: {  	p1 =	seq.s32 s10, $0x1;
	s10 =	sld [smem:$0x3FBA];
	_ =	sdelay $0x3  }
0x37: {  	[smem:$0x3FBA] =	sst s10  }
0x38: {  	s10 =	sld [smem:$0x3FBB]  }
0x39: {  	_ = 	snop;
	(pc) =	sbr.ind lr, $3  }
0x3a: {  	_ = 	snop  }
0x3b: {  	_ = 	snop  }
0x3c: {  	p2 =	seq.s32 s10, $0x1;
	s10 =	sld [smem:$0x3FBA]  }
0x3d: {  	_ =	shalt  }
0x3e: {  	_ =	shalt  }
0x3f: {  	_ =	shalt  }
0x40: {  	_ =	shalt  }
0x41: {  	_ =	shalt  }
0x42: {  	_ =	shalt  }
0x43: {  	_ =	shalt  }
0x44: {  	_ =	shalt  }
0x45: {  	_ =	shalt  }
0x46: {  	_ =	shalt  }
0x47: {  	_ =	shalt  }
0x48: {  	_ =	shalt  }
0x49: {  	_ =	shalt  }
0x4a: {  	_ =	shalt  }
0x4b: {  	_ =	shalt  }
0x4c: {  	_ =	shalt  }
0x4d: {  	_ =	shalt  }
0x4e: {  	_ =	shalt  }
0x4f: {  	_ =	shalt  }
0x50: {  	_ =	shalt  }
0x51: {  	_ =	shalt  }
0x52: {  	_ =	shalt  }
0x53: {  	_ =	shalt  }
0x54: {  	_ =	shalt  }
0x55: {  	_ =	shalt  }
0x56: {  	_ =	shalt  }
0x57: {  	_ =	shalt  }
0x58: {  	_ =	shalt  }
0x59: {  	_ =	shalt  }
0x5a: {  	_ =	shalt  }
0x5b: {  	_ =	shalt  }
0x5c: {  	_ =	shalt  }
0x5d: {  	_ =	shalt  }
0x5e: {  	_ =	shalt  }
0x5f: {  	_ =	shalt  }
0x60: {  	_ =	shalt  }
0x61: {  	_ =	shalt  }
0x62: {  	_ =	shalt  }
0x63: {  	_ =	shalt  }
0x64: {  	_ =	shalt  }
0x65: {  	_ =	shalt  }
0x66: {  	_ =	shalt  }
0x67: {  	_ =	shalt  }
0x68: {  	_ =	shalt  }
0x69: {  	_ =	shalt  }
0x6a: {  	_ =	shalt  }
0x6b: {  	_ =	shalt  }
0x6c: {  	_ =	shalt  }
0x6d: {  	_ =	shalt  }
0x6e: {  	_ =	shalt  }
0x6f: {  	_ =	shalt  }
0x70: {  	_ =	shalt  }
0x71: {  	_ =	shalt  }
0x72: {  	_ =	shalt  }
0x73: {  	_ =	shalt  }
0x74: {  	_ =	shalt  }
0x75: {  	_ =	shalt  }
0x76: {  	_ =	shalt  }
0x77: {  	_ =	shalt  }
0x78: {  	_ =	shalt  }
0x79: {  	_ =	shalt  }
0x7a: {  	_ =	shalt  }
0x7b: {  	_ =	shalt  }
0x7c: {  	_ =	shalt  }
0x7d: {  	_ =	shalt  }
0x7e: {  	_ =	shalt  }
0x7f: {  	_ =	shalt  }
0x80: {  	_ =	shalt  }
0x81: {  	_ =	shalt  }
0x82: {  	_ =	shalt  }
0x83: {  	_ =	shalt  }
0x84: {  	_ =	shalt  }
0x85: {  	_ =	shalt  }
0x86: {  	_ =	shalt  }
0x87: {  	_ =	shalt  }
.Lfunc_end0:
.L_simem_size_0:
called_computation.1_lowered:
.L_overlay_start_0:
0x88: {  	s2 =	sld [smem:$0x3FD9]  }
0x89: {  	s3 =	sld [smem:$0x3FFE];
	_ =	sdelay $0x1  }
0x8a: {  	s1 =	srdreg.scid  }
0x8b: {  	s0 =	sand.u32 $0x1, s1  }
0x8c: {  	s14 =	sshll.u32 s0, $0xA;
	s2 =	sadd.s32 s3, s2  }
0x8d: {  	s2 =	sadd.s32 s2, s14  }
0x8e: {  	[smem:$0x3FC6] =	sst s2  }
0x8f: {  	_ = 	snop  }
0x90: {  	s2 =	sld [smem:$0x3FD0];
	_ =	sdelay $0x2  }
0x91: {  	s15 =	simm.s32 $0xA;
	s4 =	simm.s32 $0x10  }
0x92: {  	[smem:s4], [sflag:s15] =	dma.local [hbm:s2], $0x1  }
0x93: {  	_ =	swait.eq [sflag:s15], $0x1  }
0x94: {  	[sflag:s15] =	ssyncset.done $0x0  }
0x95: {  	[sflag:s15] =	ssyncadd.s32 $0xFFFFFFFF  }
0x96: {  	s16 =	sld [smem:$0x11];
	(tm) =	ssettm $0x1  }
0x97: {  	s17 =	sld [smem:$0x3FFB];
	_ =	sdelay $0x3  }
0x98: {  	_ =	strace s17  }
0x99: {  	s3 =	sld [smem:$0x3FFC];
	_ =	sdelay $0x3  }
0x9a: {  	_ =	strace s3  }
0x9b: {  	s3 =	sld [smem:$0x3FFD];
	_ =	sdelay $0x3  }
0x9c: {  	_ =	strace s3  }
0x9d: {  	_ =	strace $0x8FFFFFFF  }
0x9e: {  	s18 =	sld [smem:$0x3FDB];
	_ =	sdelay $0x1  }
0x9f: {  	s19 =	simm.s32 $_scs_section_size  }
0xa0: {  	s5 =	simm.s32 $_size__tile_overlayer_lowered;
	s6 =	simm.s32 $_tile_overlayer_lowered  }
0xa1: {  	s22 =	simm.s32 $0x1BFF;
	s21 =	sshll.u32 s6, $0x1;
	s3 =	sadd.s32 s19, s18  }
0xa2: {  	s7 =	simm.s32 $0x0;
	s20 =	sshll.u32 s5, $0x1;
	s5 =	sadd.s32 s21, s3  }
0xa3: {  	[timem:s7], [sflag:s22] =	dma.local [hbm:s5], s20  }
0xa4: {  	_ =	swait.ge [sflag:s22], s20  }
0xa5: {  	s4 =	ssub.s32 $0x0, s20;
	[sflag:s22] =	ssyncset.done $0x0  }
0xa6: {  	[sflag:s22] =	ssyncadd.s32 s4;
	_ =	sdelay $0x1  }
0xa7: {  	s23 =	simm.s32 $0x1B8B  }
0xa8: {  	_ =	swait.ge [sflag:s23], $0x1  }
0xa9: {  	[sflag:s23] =	ssyncset.done $0x0  }
0xaa: {  	s25 =	simm.s32 $0x1B8E;
	s24 =	sld [smem:$0x3FFE];
	[sflag:s23] =	ssyncadd.s32 $0xFFFFFFFF  }
0xab: {  	s26 =	simm.s32 $execute0_lowered;
	[smem:$0x3FD2] =	sst s25  }
0xac: {  	s5 =	sshll.u32 s26, $0x1;
	_ =	strace $0x80000049;
	[dreg:$0x1] =	wrdreg $0xFFFFFFFF  }
0xad: {  	s28 =	simm.s32 $_size_execute0_lowered;
	s3 =	sadd.s32 s3, s5;
	[dreg:$0x0] =	wrdreg $0x0  }
0xae: {  	s5 =	sshll.u32 s28, $0x1;
	[dreg:$0x2] =	wrdreg s3  }
0xaf: {  	[dreg:$0x3] =	wrdreg s5  }
0xb0: {  	[dreg:$0x4] =	wrdreg $0xC0  }
0xb1: {  	_ =	task [dreg:s7], $0x5FFFF  }
0xb2: {  	[dreg:$0x1] =	wrdreg $0xFFFFFFFF  }
0xb3: {  	[dreg:$0x0] =	wrdreg $0x60  }
0xb4: {  	[dreg:$0x2] =	wrdreg s24  }
0xb5: {  	[dreg:$0x3] =	wrdreg s16  }
0xb6: {  	[dreg:$0x4] =	wrdreg $0x9  }
0xb7: {  	_ =	task.clear_ibuf [dreg:s7], $0x5FFFF;
	_ =	strace $0x90000049  }
0xb8: {  	s29 =	simm.s32 $0x9;
	_ =	strace $0x8000004B  }
0xb9: {  	_ =	swait.ge [sflag:s29], $0x1  }
0xba: {  	[sflag:s29] =	ssyncadd.s32 $0xFFFFFFFF  }
0xbb: {  	_ =	strace $0x9000004B  }
0xbc: {  	_ =	sfence  }
0xbd: {  	s30 =	sld [smem:$0x0];
	_ =	sdelay $0x2  }
0xbe: {  	s31 =	sshll.u32 s1, $0xD;
	s1 =	sshrl.u32 s1, $0x2  }
0xbf: {  	s3 =	sand.u32 $0x4000, s31;
	s1 =	sadd.s32 s1, s30  }
0xc0: {  	s0 =	sor.u32 s3, s0;
	s1 =	sshll.u32 s1, $0x11  }
0xc1: {  	s0 =	sor.u32 s1, s0  }
0xc2: {  	s0 =	sadd.s32 $0x8F2B, s0  }
0xc3: {  	[sflag:s0] =	ssyncadd.remote.s32 $0x1  }
0xc4: {  	_ =	sfence.sel $0xFFFF  }
0xc5: {  	[dreg:$0x0] =	wrdreg $0xFFFFFFFF;
	(pc) =	sbr.abs _section_cstart, $3  }
0xc6: {  	[dreg:$0x1] =	wrdreg $0xFFFFFFFF  }
0xc7: {  	_ =	task.clear_ibuf [dreg:s7], $0x2FFFF;
	_ =	strace $0x9FFFFFFF  }
0xc8: {  	(tm) =	ssettm $0x7FFFFFFF  }
0xc9: {  	_ =	shalt  }
tec
execute0_lowered:
.L_overlay_start_1:
0x0: {  	(tag) =	ssettag $0x1  }
0x1: {  	s1 =	stileid.u32  }
0x2: {  	p0 =	sgt.u32 s1, $0x7  }
.Ltmp0:
0x3: {  	_ = 	snop;
	(pc) =	sbr.rel @p0 .LBB2_3-.Ltmp0, $4  }
0x4: {  	s5 =	rddreg [dreg:$0x0]  }
0x5: {  	s7 =	rddreg [dreg:$0x1];
	s2 =	simm.s32 $0x0  }
0x6: {  	[smem:$0x7FF] =	sst s2  }
0x7: {  	s0 =	rddreg [dreg:$0x2];
	_ =	strace $0x8000004A  }
0x8: {  	v15 =	vlaneseq.u32  }
0x9: {  	v19 =	vimm.s32 $0x0;
	v3 =	vor.u32 $0x20, v15;
	v4 =	vor.u32 $0x30, v15  }
0xa: {  	s3 =	srdreg.scid;
	v5 =	vor.u32 $0x40, v15;
	v6 =	vor.u32 $0x50, v15;
	v7 =	vor.u32 $0x60, v15  }
0xb: {  	s31 =	sshll.u32 s1, $0x1;
	s4 =	sand.u32 $0x1, s3;
	v8 =	vor.u32 $0x70, v15;
	v9 =	vor.u32 $0x400, v15;
	v10 =	vor.u32 $0x410, v15  }
0xc: {  	v11 =	vor.u32 $0x420, v15;
	v12 =	vor.u32 $0x430, v15;
	v13 =	vor.u32 $0x440, v15;
	s6 =	sor.u32 s4, s31  }
0xd: {  	v14 =	vor.u32 $0x450, v15;
	v17 =	vor.u32 $0x460, v15;
	v0 =	vmov s6  }
0xe: {  	v20 =	vmul.u32 $0xFFFFFFFF, v15;
	v1 =	vshll.u32 v0, $0x8;
	v0 =	vshll.u32 v0, $0x7  }
0xf: {  	v18 =	vor.u32 $0x470, v15;
	v1 =	vand.u32 $0x800, v1;
	v2 =	vand.u32 $0x380, v0  }
0x10: {  	v20 =	vadd.s32 $0xF, v20;
	v16 =	vor.u32 v2, v1;
	v2 =	vor.u32 $0x10, v15  }
0x11: {  	s12 =	simm.s32 $0x2000;
	s13 =	simm.s32 $0x2900;
	s14 =	simm.s32 $0x2980;
	v1 =	vor.u32 v15, v16;
	v2 =	vor.u32 v2, v16;
	v3 =	vor.u32 v3, v16  }
0x12: {  	s15 =	simm.s32 $0x2A00;
	s3 =	sadd.s32 $0x1EB800, s5;
	s9 =	ssub.s32 $0x2, s4;
	v4 =	vor.u32 v4, v16;
	v5 =	vor.u32 v5, v16;
	v6 =	vor.u32 v6, v16  }
0x13: {  	s4 =	sadd.s32 $0x1EBA00, s5;
	s8 =	sshll.u32 s6, $0x4;
	s11 =	sshrl.u32 s9, $0x1;
	v7 =	vor.u32 v7, v16;
	v8 =	vor.u32 v8, v16;
	v9 =	vor.u32 v9, v16  }
0x14: {  	s10 =	sadd.s32 s8, s5;
	s5 =	sadd.s32 $0x1EB600, s5;
	s9 =	ssub.s32 s9, s11;
	v10 =	vor.u32 v10, v16;
	v11 =	vor.u32 v11, v16;
	v12 =	vor.u32 v12, v16  }
0x15: {  	s7 =	sadd.s32 s7, s8;
	s11 =	simm.s32 $0x1000;
	s6 =	sadd.s32 $0x1600, s10;
	v13 =	vor.u32 v13, v16;
	v14 =	vor.u32 v14, v16;
	v15 =	vor.u32 v17, v16  }
0x16: {  	s8 =	sadd.s32 $0x1800, s10;
	s9 =	smax.u32 s9, $0x1;
	s10 =	simm.s32 $0x1;
	v16 =	vor.u32 v18, v16;
	v17 =	vor.u32 $0x1, v0;
	v18 =	vimm.f32 $-Inf  }
.LBB2_2:
0x17: {  	[tilespmem:s2], [sflag:$0x1] =	stream.linear.gather [hbm4b:s3+s2], $0x1000, $0x38;
	[tilespmem:$0x2A80] =	vst v63  }
0x18: {  	_ =	swait.ge [sflag:s10], $0x1000  }
0x19: {  	[sflag:s10] =	ssyncset.done $0x0  }
0x1a: {  	[sflag:s10] =	ssyncadd.s32 $0xFFFFF000  }
0x1b: {  	[tilespmem:s11], [sflag:$0x1] =	stream.linear.gather [hbm4b:s4+s2], $0x1000, $0x38;
	[tilespmem:$0x2A80] =	vst v63  }
0x1c: {  	_ =	swait.ge [sflag:s10], $0x1000  }
0x1d: {  	[sflag:s10] =	ssyncset.done $0x0  }
0x1e: {  	[sflag:s10] =	ssyncadd.s32 $0xFFFFF000  }
0x1f: {  	[tilespmem:s12], [sflag:$0x1] =	stream.linear.gather [hbm4b:s5+s2], $0x800, $0x38;
	[tilespmem:$0x2A80] =	vst v63  }
0x20: {  	_ =	swait.ge [sflag:s10], $0x800  }
0x21: {  	[sflag:s10] =	ssyncset.done $0x0  }
0x22: {  	[sflag:s10] =	ssyncadd.s32 $0xFFFFF800  }
0x23: {  	[tilespmem:$0x2800] =	vst v18  }
0x24: {  	[tilespmem:$0x2880] =	vst v19  }
0x25: {  	v21 =	vld.idx.msk [tilespmem:v1+s2+$0x0], $0xffff  }
0x26: {  	v22 =	vld.idx.msk [tilespmem:v1+s11+$0x0], $0xffff;
	_ =	sdelay $0x4  }
0x27: {  	(xrf1) =	vsort.dscd.msk.f32 $0xffff, v21, v22;
	_ =	sdelay $0xb  }
0x28: {  	v21 =	vld [tilespmem:$0x2800];
	_ =	sdelay $0x1  }
0x29: {  	v22, v23, _ =	vpop (xrf1)  }
0x2a: {  	v22 =	vperm.xlane v22, v20  }
0x2b: {  	v23 =	vperm.xlane v23, v20  }
0x2c: {  	vm0 =	vge.f32 v21, v22  }
0x2d: {  	v21 =	vsel vm0, v21, v22;
	v22 =	vsel vm0, $0x0, v23  }
0x2e: {  	(xrf1) =	vsort.dscd.msk.f32 $0xffff, v21, v22;
	_ =	sdelay $0xd  }
0x2f: {  	v21, v22, _ =	vpop (xrf1)  }
0x30: {  	[tilespmem:$0x2800] =	vst v21  }
0x31: {  	[tilespmem:$0x2880] =	vst v22  }
0x32: {  	v21 =	vld.idx.msk [tilespmem:v2+s2+$0x0], $0xffff  }
0x33: {  	v23 =	vld.idx.msk [tilespmem:v2+s11+$0x0], $0xffff;
	_ =	sdelay $0x4  }
0x34: {  	(xrf1) =	vsort.dscd.msk.f32 $0xffff, v21, v23;
	_ =	sdelay $0xb  }
0x35: {  	v21 =	vld [tilespmem:$0x2800];
	_ =	sdelay $0x1  }
0x36: {  	v23, v24, _ =	vpop (xrf1)  }
0x37: {  	v23 =	vperm.xlane v23, v20  }
0x38: {  	v24 =	vperm.xlane v24, v20  }
0x39: {  	vm13 =	vge.f32 v21, v23  }
0x3a: {  	v21 =	vsel vm13, v21, v23;
	v22 =	vsel vm13, v22, v24  }
0x3b: {  	(xrf1) =	vsort.dscd.msk.f32 $0xffff, v21, v22;
	_ =	sdelay $0xd  }
0x3c: {  	v21, v22, _ =	vpop (xrf1)  }
0x3d: {  	[tilespmem:$0x2800] =	vst v21  }
0x3e: {  	[tilespmem:$0x2880] =	vst v22  }
0x3f: {  	v21 =	vld.idx.msk [tilespmem:v3+s2+$0x0], $0xffff  }
0x40: {  	v23 =	vld.idx.msk [tilespmem:v3+s11+$0x0], $0xffff;
	_ =	sdelay $0x4  }
0x41: {  	(xrf1) =	vsort.dscd.msk.f32 $0xffff, v21, v23;
	_ =	sdelay $0xb  }
0x42: {  	v21 =	vld [tilespmem:$0x2800];
	_ =	sdelay $0x1  }
0x43: {  	v23, v49, _ =	vpop (xrf1)  }
0x44: {  	v23 =	vperm.xlane v23, v20  }
0x45: {  	v24 =	vperm.xlane v49, v20  }
0x46: {  	vm14 =	vge.f32 v21, v23  }
0x47: {  	v21 =	vsel vm14, v21, v23;
	v22 =	vsel vm14, v22, v24  }
0x48: {  	(xrf1) =	vsort.dscd.msk.f32 $0xffff, v21, v22;
	_ =	sdelay $0xd  }
0x49: {  	v21, v22, _ =	vpop (xrf1)  }
0x4a: {  	[tilespmem:$0x2800] =	vst v21  }
0x4b: {  	[tilespmem:$0x2880] =	vst v22  }
0x4c: {  	v21 =	vld.idx.msk [tilespmem:v4+s2+$0x0], $0xffff  }
0x4d: {  	v23 =	vld.idx.msk [tilespmem:v4+s11+$0x0], $0xffff;
	_ =	sdelay $0x4  }
0x4e: {  	(xrf1) =	vsort.dscd.msk.f32 $0xffff, v21, v23;
	_ =	sdelay $0xb  }
0x4f: {  	v21 =	vld [tilespmem:$0x2800];
	_ =	sdelay $0x1  }
0x50: {  	v23, v50, _ =	vpop (xrf1)  }
0x51: {  	v23 =	vperm.xlane v23, v20  }
0x52: {  	v24 =	vperm.xlane v50, v20  }
0x53: {  	vm15 =	vge.f32 v21, v23  }
0x54: {  	v21 =	vsel vm15, v21, v23;
	v22 =	vsel vm15, v22, v24  }
0x55: {  	(xrf1) =	vsort.dscd.msk.f32 $0xffff, v21, v22;
	_ =	sdelay $0xd  }
0x56: {  	v21, v22, _ =	vpop (xrf1)  }
0x57: {  	[tilespmem:$0x2800] =	vst v21  }
0x58: {  	[tilespmem:$0x2880] =	vst v22  }
0x59: {  	v21 =	vld.idx.msk [tilespmem:v5+s2+$0x0], $0xffff  }
0x5a: {  	v23 =	vld.idx.msk [tilespmem:v5+s11+$0x0], $0xffff;
	_ =	sdelay $0x4  }
0x5b: {  	(xrf1) =	vsort.dscd.msk.f32 $0xffff, v21, v23;
	_ =	sdelay $0xb  }
0x5c: {  	v21 =	vld [tilespmem:$0x2800];
	_ =	sdelay $0x1  }
0x5d: {  	v23, v51, _ =	vpop (xrf1)  }
0x5e: {  	v23 =	vperm.xlane v23, v20  }
0x5f: {  	v24 =	vperm.xlane v51, v20  }
0x60: {  	vm4 =	vge.f32 v21, v23  }
0x61: {  	v21 =	vsel vm4, v21, v23;
	v22 =	vsel vm4, v22, v24  }
0x62: {  	(xrf1) =	vsort.dscd.msk.f32 $0xffff, v21, v22;
	_ =	sdelay $0xd  }
0x63: {  	v21, v22, _ =	vpop (xrf1)  }
0x64: {  	[tilespmem:$0x2800] =	vst v21  }
0x65: {  	[tilespmem:$0x2880] =	vst v22  }
0x66: {  	v21 =	vld.idx.msk [tilespmem:v6+s2+$0x0], $0xffff  }
0x67: {  	v23 =	vld.idx.msk [tilespmem:v6+s11+$0x0], $0xffff;
	_ =	sdelay $0x4  }
0x68: {  	(xrf1) =	vsort.dscd.msk.f32 $0xffff, v21, v23;
	_ =	sdelay $0xb  }
0x69: {  	v21 =	vld [tilespmem:$0x2800];
	_ =	sdelay $0x1  }
0x6a: {  	v23, v52, _ =	vpop (xrf1)  }
0x6b: {  	v23 =	vperm.xlane v23, v20  }
0x6c: {  	v24 =	vperm.xlane v52, v20  }
0x6d: {  	vm5 =	vge.f32 v21, v23  }
0x6e: {  	v21 =	vsel vm5, v21, v23;
	v22 =	vsel vm5, v22, v24  }
0x6f: {  	(xrf1) =	vsort.dscd.msk.f32 $0xffff, v21, v22;
	_ =	sdelay $0xd  }
0x70: {  	v21, v22, _ =	vpop (xrf1)  }
0x71: {  	[tilespmem:$0x2800] =	vst v21  }
0x72: {  	[tilespmem:$0x2880] =	vst v22  }
0x73: {  	v21 =	vld.idx.msk [tilespmem:v7+s2+$0x0], $0xffff  }
0x74: {  	v23 =	vld.idx.msk [tilespmem:v7+s11+$0x0], $0xffff;
	_ =	sdelay $0x4  }
0x75: {  	(xrf1) =	vsort.dscd.msk.f32 $0xffff, v21, v23;
	_ =	sdelay $0xb  }
0x76: {  	v21 =	vld [tilespmem:$0x2800];
	_ =	sdelay $0x1  }
0x77: {  	v23, v53, _ =	vpop (xrf1)  }
0x78: {  	v23 =	vperm.xlane v23, v20  }
0x79: {  	v24 =	vperm.xlane v53, v20  }
0x7a: {  	vm6 =	vge.f32 v21, v23  }
0x7b: {  	v21 =	vsel vm6, v21, v23;
	v22 =	vsel vm6, v22, v24  }
0x7c: {  	(xrf1) =	vsort.dscd.msk.f32 $0xffff, v21, v22;
	_ =	sdelay $0xd  }
0x7d: {  	v21, v22, _ =	vpop (xrf1)  }
0x7e: {  	[tilespmem:$0x2800] =	vst v21  }
0x7f: {  	[tilespmem:$0x2880] =	vst v22  }
0x80: {  	v21 =	vld.idx.msk [tilespmem:v8+s2+$0x0], $0xffff  }
0x81: {  	v23 =	vld.idx.msk [tilespmem:v8+s11+$0x0], $0xffff;
	_ =	sdelay $0x4  }
0x82: {  	(xrf1) =	vsort.dscd.msk.f32 $0xffff, v21, v23;
	_ =	sdelay $0xb  }
0x83: {  	v21 =	vld [tilespmem:$0x2800];
	_ =	sdelay $0x1  }
0x84: {  	v23, v54, _ =	vpop (xrf1)  }
0x85: {  	v23 =	vperm.xlane v23, v20  }
0x86: {  	v24 =	vperm.xlane v54, v20  }
0x87: {  	vm7 =	vge.f32 v21, v23  }
0x88: {  	v21 =	vsel vm7, v21, v23;
	v22 =	vsel vm7, v22, v24  }
0x89: {  	(xrf1) =	vsort.dscd.msk.f32 $0xffff, v21, v22;
	_ =	sdelay $0xd  }
0x8a: {  	v21, v22, _ =	vpop (xrf1)  }
0x8b: {  	[tilespmem:$0x2800] =	vst v21  }
0x8c: {  	[tilespmem:$0x2880] =	vst v22  }
0x8d: {  	v21 =	vld.idx.msk [tilespmem:v9+s2+$0x0], $0xffff  }
0x8e: {  	v23 =	vld.idx.msk [tilespmem:v9+s11+$0x0], $0xffff;
	_ =	sdelay $0x4  }
0x8f: {  	(xrf1) =	vsort.dscd.msk.f32 $0xffff, v21, v23;
	_ =	sdelay $0xb  }
0x90: {  	v21 =	vld [tilespmem:$0x2800];
	_ =	sdelay $0x1  }
0x91: {  	v23, v55, _ =	vpop (xrf1)  }
0x92: {  	v23 =	vperm.xlane v23, v20  }
0x93: {  	v24 =	vperm.xlane v55, v20  }
0x94: {  	vm8 =	vge.f32 v21, v23  }
0x95: {  	v21 =	vsel vm8, v21, v23;
	v22 =	vsel vm8, v22, v24  }
0x96: {  	(xrf1) =	vsort.dscd.msk.f32 $0xffff, v21, v22;
	_ =	sdelay $0xd  }
0x97: {  	v21, v22, _ =	vpop (xrf1)  }
0x98: {  	[tilespmem:$0x2800] =	vst v21  }
0x99: {  	[tilespmem:$0x2880] =	vst v22  }
0x9a: {  	v21 =	vld.idx.msk [tilespmem:v10+s2+$0x0], $0xffff  }
0x9b: {  	v23 =	vld.idx.msk [tilespmem:v10+s11+$0x0], $0xffff;
	_ =	sdelay $0x4  }
0x9c: {  	(xrf1) =	vsort.dscd.msk.f32 $0xffff, v21, v23;
	_ =	sdelay $0xb  }
0x9d: {  	v21 =	vld [tilespmem:$0x2800];
	_ =	sdelay $0x1  }
0x9e: {  	v23, v56, _ =	vpop (xrf1)  }
0x9f: {  	v23 =	vperm.xlane v23, v20  }
0xa0: {  	v24 =	vperm.xlane v56, v20  }
0xa1: {  	vm9 =	vge.f32 v21, v23  }
0xa2: {  	v21 =	vsel vm9, v21, v23;
	v22 =	vsel vm9, v22, v24  }
0xa3: {  	(xrf1) =	vsort.dscd.msk.f32 $0xffff, v21, v22;
	_ =	sdelay $0xd  }
0xa4: {  	v21, v22, _ =	vpop (xrf1)  }
0xa5: {  	[tilespmem:$0x2800] =	vst v21  }
0xa6: {  	[tilespmem:$0x2880] =	vst v22  }
0xa7: {  	v21 =	vld.idx.msk [tilespmem:v11+s2+$0x0], $0xffff  }
0xa8: {  	v23 =	vld.idx.msk [tilespmem:v11+s11+$0x0], $0xffff;
	_ =	sdelay $0x4  }
0xa9: {  	(xrf1) =	vsort.dscd.msk.f32 $0xffff, v21, v23;
	_ =	sdelay $0xb  }
0xaa: {  	v21 =	vld [tilespmem:$0x2800];
	_ =	sdelay $0x1  }
0xab: {  	v23, v57, _ =	vpop (xrf1)  }
0xac: {  	v23 =	vperm.xlane v23, v20  }
0xad: {  	v24 =	vperm.xlane v57, v20  }
0xae: {  	vm10 =	vge.f32 v21, v23  }
0xaf: {  	v21 =	vsel vm10, v21, v23;
	v22 =	vsel vm10, v22, v24  }
0xb0: {  	(xrf1) =	vsort.dscd.msk.f32 $0xffff, v21, v22;
	_ =	sdelay $0xd  }
0xb1: {  	v21, v22, _ =	vpop (xrf1)  }
0xb2: {  	[tilespmem:$0x2800] =	vst v21  }
0xb3: {  	[tilespmem:$0x2880] =	vst v22  }
0xb4: {  	v21 =	vld.idx.msk [tilespmem:v12+s2+$0x0], $0xffff  }
0xb5: {  	v23 =	vld.idx.msk [tilespmem:v12+s11+$0x0], $0xffff;
	_ =	sdelay $0x4  }
0xb6: {  	(xrf1) =	vsort.dscd.msk.f32 $0xffff, v21, v23;
	_ =	sdelay $0xb  }
0xb7: {  	v21 =	vld [tilespmem:$0x2800];
	_ =	sdelay $0x1  }
0xb8: {  	v23, v58, _ =	vpop (xrf1)  }
0xb9: {  	v23 =	vperm.xlane v23, v20  }
0xba: {  	v24 =	vperm.xlane v58, v20  }
0xbb: {  	vm11 =	vge.f32 v21, v23  }
0xbc: {  	v21 =	vsel vm11, v21, v23;
	v22 =	vsel vm11, v22, v24  }
0xbd: {  	(xrf1) =	vsort.dscd.msk.f32 $0xffff, v21, v22;
	_ =	sdelay $0xd  }
0xbe: {  	v21, v22, _ =	vpop (xrf1)  }
0xbf: {  	[tilespmem:$0x2800] =	vst v21  }
0xc0: {  	[tilespmem:$0x2880] =	vst v22  }
0xc1: {  	v21 =	vld.idx.msk [tilespmem:v13+s2+$0x0], $0xffff  }
0xc2: {  	v23 =	vld.idx.msk [tilespmem:v13+s11+$0x0], $0xffff;
	_ =	sdelay $0x4  }
0xc3: {  	(xrf1) =	vsort.dscd.msk.f32 $0xffff, v21, v23;
	_ =	sdelay $0xb  }
0xc4: {  	v21 =	vld [tilespmem:$0x2800];
	_ =	sdelay $0x1  }
0xc5: {  	v23, v59, _ =	vpop (xrf1)  }
0xc6: {  	v23 =	vperm.xlane v23, v20  }
0xc7: {  	v24 =	vperm.xlane v59, v20  }
0xc8: {  	vm12 =	vge.f32 v21, v23  }
0xc9: {  	v21 =	vsel vm12, v21, v23;
	v22 =	vsel vm12, v22, v24  }
0xca: {  	(xrf1) =	vsort.dscd.msk.f32 $0xffff, v21, v22;
	_ =	sdelay $0xd  }
0xcb: {  	v21, v22, _ =	vpop (xrf1)  }
0xcc: {  	[tilespmem:$0x2800] =	vst v21  }
0xcd: {  	[tilespmem:$0x2880] =	vst v22  }
0xce: {  	v21 =	vld.idx.msk [tilespmem:v14+s2+$0x0], $0xffff  }
0xcf: {  	v23 =	vld.idx.msk [tilespmem:v14+s11+$0x0], $0xffff;
	_ =	sdelay $0x4  }
0xd0: {  	(xrf1) =	vsort.dscd.msk.f32 $0xffff, v21, v23;
	_ =	sdelay $0xb  }
0xd1: {  	v21 =	vld [tilespmem:$0x2800];
	_ =	sdelay $0x1  }
0xd2: {  	v23, v60, _ =	vpop (xrf1)  }
0xd3: {  	v23 =	vperm.xlane v23, v20  }
0xd4: {  	v24 =	vperm.xlane v60, v20  }
0xd5: {  	vm13 =	vge.f32 v21, v23  }
0xd6: {  	v21 =	vsel vm13, v21, v23;
	v22 =	vsel vm13, v22, v24  }
0xd7: {  	(xrf1) =	vsort.dscd.msk.f32 $0xffff, v21, v22;
	_ =	sdelay $0xd  }
0xd8: {  	v21, v22, _ =	vpop (xrf1)  }
0xd9: {  	[tilespmem:$0x2800] =	vst v21  }
0xda: {  	[tilespmem:$0x2880] =	vst v22  }
0xdb: {  	v21 =	vld.idx.msk [tilespmem:v15+s2+$0x0], $0xffff  }
0xdc: {  	v23 =	vld.idx.msk [tilespmem:v15+s11+$0x0], $0xffff;
	_ =	sdelay $0x4  }
0xdd: {  	(xrf1) =	vsort.dscd.msk.f32 $0xffff, v21, v23;
	_ =	sdelay $0xb  }
0xde: {  	v21 =	vld [tilespmem:$0x2800];
	_ =	sdelay $0x1  }
0xdf: {  	v23, v61, _ =	vpop (xrf1)  }
0xe0: {  	v23 =	vperm.xlane v23, v20  }
0xe1: {  	v24 =	vperm.xlane v61, v20  }
0xe2: {  	vm14 =	vge.f32 v21, v23  }
0xe3: {  	v21 =	vsel vm14, v21, v23;
	v22 =	vsel vm14, v22, v24  }
0xe4: {  	(xrf1) =	vsort.dscd.msk.f32 $0xffff, v21, v22;
	_ =	sdelay $0xd  }
0xe5: {  	v21, v22, _ =	vpop (xrf1)  }
0xe6: {  	[tilespmem:$0x2800] =	vst v21  }
0xe7: {  	[tilespmem:$0x2880] =	vst v22  }
0xe8: {  	v21 =	vld.idx.msk [tilespmem:v16+s2+$0x0], $0xffff  }
0xe9: {  	v23 =	vld.idx.msk [tilespmem:v16+s11+$0x0], $0xffff;
	_ =	sdelay $0x4  }
0xea: {  	(xrf1) =	vsort.dscd.msk.f32 $0xffff, v21, v23;
	_ =	sdelay $0xb  }
0xeb: {  	v21 =	vld [tilespmem:$0x2800];
	_ =	sdelay $0x1  }
0xec: {  	v23, v62, _ =	vpop (xrf1)  }
0xed: {  	v23 =	vperm.xlane v23, v20  }
0xee: {  	v24 =	vperm.xlane v62, v20  }
0xef: {  	vm15 =	vge.f32 v21, v23  }
0xf0: {  	v21 =	vsel vm15, v21, v23;
	v22 =	vsel vm15, v22, v24  }
0xf1: {  	(xrf1) =	vsort.dscd.msk.f32 $0xffff, v21, v22;
	_ =	sdelay $0xd  }
0xf2: {  	v21, v22, _ =	vpop (xrf1)  }
0xf3: {  	[tilespmem:$0x2800] =	vst v21  }
0xf4: {  	[tilespmem:$0x2880] =	vst v22  }
0xf5: {  	v21 =	vld.idx.msk [tilespmem:v17+s12+$0x0], $0xffff;
	_ =	sdelay $0x1  }
0xf6: {  	v22 =	vld [tilespmem:$0x2800];
	_ =	sdelay $0x1  }
0xf7: {  	v23 =	vld.idx.msk [tilespmem:v0+s12+$0x0], $0xffff  }
0xf8: {  	(erf) = vrcp.f32 v21;
	_ =	sdelay $0x1  }
0xf9: {  	v21 =	vadd.f32 v22, v22;
	_ =	sdelay $0x1  }
0xfa: {  	v21 =	vsub.f32 v23, v21;
	_ =	sdelay $0x1  }
0xfb: {  	v63 =	vld [tilespmem:$0x2880];
	v21 =	vsub.f32 v23, v21;
	_ =	sdelay $0x1  }
0xfc: {  	v21 =	vmul.f32 $5.000000000e-01, v21  }
0xfd: {  	v23 =	vpop (erf)  }
0xfe: {  	v21 =	vmul.f32 v21, v23  }
0xff: {  	[tilespmem:$0x2A00] =	vst v63;
	v22 =	vmul.f32 v23, v22  }
0x100: {  	[tilespmem:$0x2980] =	vst v21  }
0x101: {  	[tilespmem:$0x2900] =	vst v22  }
0x102: {  	[hbm4b:s6+s2] =	stream.linear.scatter [tilespmem:s13], [sflag:$0x1], $0x80, $0x38;
	[tilespmem:$0x2A80] =	vst v63  }
0x103: {  	_ =	swait.ge [sflag:s10], $0x80  }
0x104: {  	[sflag:s10] =	ssyncset.done $0x0  }
0x105: {  	[sflag:s10] =	ssyncadd.s32 $0xFFFFFF80  }
0x106: {  	[hbm4b:s7+s2] =	stream.linear.scatter [tilespmem:s14], [sflag:$0x1], $0x80, $0x38;
	[tilespmem:$0x2A80] =	vst v63  }
0x107: {  	_ =	swait.ge [sflag:s10], $0x80  }
0x108: {  	p0 =	sne.s32 s9, $0x1;
	[sflag:s10] =	ssyncset.done $0x0  }
.Ltmp1:
0x109: {  	[sflag:s10] =	ssyncadd.s32 $0xFFFFFF80;
	(pc) =	sbr.rel @p0 .LBB2_2-.Ltmp1, $4  }
0x10a: {  	[hbm4b:s8+s2] =	stream.linear.scatter [tilespmem:s15], [sflag:$0x1], $0x80, $0x38;
	[tilespmem:$0x2A80] =	vst v63  }
0x10b: {  	_ =	swait.ge [sflag:s10], $0x80  }
0x10c: {  	[sflag:s10] =	ssyncset.done $0x0  }
0x10d: {  	s9 =	sadd.s32 $0xFFFFFFFF, s9;
	[sflag:s10] =	ssyncadd.s32 $0xFFFFFF80  }
.LBB2_3:
0x10e: {  	_ =	sfence.sel $0x180000  }
0x10f: {  	[bflag:$0x0] =	sbarrier.arrive $0xFFFF  }
0x110: {  	p0 =	sne.s32 s1, $0x0;
	_ =	strace $0x9000004A  }
0x111: {  	s0 =	sadd.s32 @!p0 $0x100000, s0;
	[bflag:$0x2] =	sbarrier.arrive $0xFFFF  }
0x112: {  	[sflag:s0] =	ssyncadd.tile.s32 @!p0 $0x1;
	_ =	shalt  }
.Lfunc_end2:
_tile_overlayer_lowered:
.L_overlay_start_2:
0x113: {  	(tag) =	ssettag $0x2  }
0x114: {  	s0 =	rddreg [dreg:$0x0];
	s2 =	stileid.u32  }
0x115: {  	s1 =	rddreg [dreg:$0x1];
	p0 =	sne.s32 s2, $0x0  }
0x116: {  	s3 =	rddreg [dreg:$0x2];
	[bflag:$0x3] =	sbarrier.arrive $0xFFFF;
	s2 =	simm.s32 @!p0 $0x1C01  }
0x117: {  	[timem:s3], [sflag:s2] =	dma.local @!p0 [hbm:s0], s1  }
0x118: {  	s0 =	simm.s32 @!p0 $0x1  }
0x119: {  	_ =	swait.ge @!p0 [sflag:s0], s1  }
0x11a: {  	s1 =	ssub.s32 @!p0 $0x0, s1;
	[sflag:s0] =	ssyncset.done @!p0 $0x0  }
0x11b: {  	[sflag:s0] =	ssyncadd.s32 @!p0 s1  }
0x11c: {  	[bflag:$0x3] =	sbarrier.arrive $0xFFFF  }
0x11d: {  	_ =	shalt  }

</sc_bundles>
